<compile_context>
chip_gen: v7x
topology: tpu7x:2x2x1
jax: 0.10.2.dev20260603
libtpu: 0.0.44.dev20260713+nightly
codegen_flags: <defaults>
</compile_context>

<pallas_src>
import functools

import numpy as np

import jax
import jax.numpy as jnp
from jax import lax
from jax.experimental import pallas as pl
from jax.experimental.pallas import tpu as pltpu
from jax.experimental.pallas import tpu_sc as plsc

N = 10000
E = 320000
D = 128
H = 8
C1 = 8
NCLS = 40

NC = 2
NS = 16
NW = NC * NS
EPW = E // NW
CH = 80
NCHUNK = EPW // CH
RPT = N // NS
ZR = 125

ACC_W1 = 80
ACC_W2 = 64

_NEG_SLOPE = 0.2

_PERM = [32 * (p // 32) + 16 * (p % 2) + (p % 32) // 2 for p in range(64)]
_PINV1 = np.zeros((64, 64), np.float32)
for _p, _c in enumerate(_PERM):
    _PINV1[_p, _c] = 1.0
_PINV2 = np.zeros((64, 48), np.float32)
for _p, _c in enumerate(_PERM):
    if _c < 48:
        _PINV2[_p, _c] = 1.0


def _leaky(t):
    return jnp.where(t >= 0, t, _NEG_SLOPE * t)



def _tc1_body(x_ref, w1p_ref, asp_ref, adp_ref, tsh_ref, tsa_ref, td_ref):
    hperm = jnp.dot(x_ref[...], w1p_ref[...], preferred_element_type=jnp.float32)
    a_s = jnp.dot(hperm, asp_ref[...], preferred_element_type=jnp.float32)
    a_d = jnp.dot(hperm, adp_ref[...], preferred_element_type=jnp.float32)
    gmax = jnp.max(a_s, axis=0, keepdims=True)
    m = _leaky(a_d + gmax)
    tsh_ref[...] = hperm.astype(jnp.bfloat16)
    tsa_ref[...] = jnp.pad(a_s, ((0, 0), (0, 8)))
    td_ref[...] = jnp.pad(a_d, ((0, 0), (0, 8))) + jnp.pad(m, ((0, 0), (8, 0)))


def _tc2_body(acc_ref, tsh1_ref, tsa1_ref, td1_ref, b1_ref, w2p_ref, as2_ref,
              ad2_ref, r8_ref, pinv1_ref, tsh2_ref, tsa2_ref, td2_ref):
    acc = acc_ref[0] + acc_ref[1]
    h1 = jnp.dot(tsh1_ref[...].astype(jnp.float32), pinv1_ref[...],
                 preferred_element_type=jnp.float32)
    a_s1 = tsa1_ref[:, 0:8]
    a_d1 = td1_ref[:, 0:8]
    m1 = td1_ref[:, 8:16]
    ex = jnp.exp(_leaky(a_s1 + a_d1) - m1)
    s = acc[:, 64:72] + ex
    inv = 1.0 / (s + 1e-16)
    r8 = r8_ref[...]
    msg = acc[:, 0:64] + h1 * jnp.dot(ex, r8, preferred_element_type=jnp.float32)
    out1 = msg * jnp.dot(inv, r8, preferred_element_type=jnp.float32) + b1_ref[...]
    x2 = jnp.where(out1 > 0, out1, jnp.exp(jnp.minimum(out1, 0.0)) - 1.0)
    h2perm = jnp.dot(x2, w2p_ref[...], preferred_element_type=jnp.float32)
    a2s = jnp.sum(h2perm * as2_ref[...], axis=1, keepdims=True)
    a2d = jnp.sum(h2perm * ad2_ref[...], axis=1, keepdims=True)
    gmax2 = jnp.max(a2s)
    m2 = _leaky(a2d + gmax2)
    tsh2_ref[...] = h2perm.astype(jnp.bfloat16)
    col16 = lax.broadcasted_iota(jnp.int32, (N, 16), 1)
    tsa2_ref[...] = (jnp.where(col16 == 0, 1.0, 0.0)
                     + jnp.where(col16 == 1, a2s, 0.0))
    td2_ref[...] = (jnp.where(col16 == 0, a2d, 0.0)
                    + jnp.where(col16 == 1, m2, 0.0))


def _tc3_body(acc2_ref, tsh2_ref, tsa2_ref, td2_ref, b2_ref, pinv2_ref,
              out_ref):
    acc = acc2_ref[0] + acc2_ref[1]
    h2 = jnp.dot(tsh2_ref[...].astype(jnp.float32), pinv2_ref[...],
                 preferred_element_type=jnp.float32)
    col16 = lax.broadcasted_iota(jnp.int32, (N, 16), 1)
    tsa2 = tsa2_ref[...]
    td2 = td2_ref[...]
    a2s = jnp.sum(jnp.where(col16 == 1, tsa2, 0.0), axis=1, keepdims=True)
    a2d = jnp.sum(jnp.where(col16 == 0, td2, 0.0), axis=1, keepdims=True)
    m2 = jnp.sum(jnp.where(col16 == 1, td2, 0.0), axis=1, keepdims=True)
    ex = jnp.exp(_leaky(a2s + a2d) - m2)
    col64 = lax.broadcasted_iota(jnp.int32, (N, ACC_W2), 1)
    s2 = jnp.sum(jnp.where(col64 == 48, acc, 0.0), axis=1, keepdims=True) + ex
    msg = acc[:, 0:40] + h2[:, 0:40] * ex
    out2 = msg / (s2 + 1e-16) + b2_ref[...]
    mx = jnp.max(out2, axis=1, keepdims=True)
    z = out2 - mx
    out_ref[...] = z - jnp.log(jnp.sum(jnp.exp(z), axis=1, keepdims=True))



def _lane_iota():
    return lax.iota(jnp.int32, 16)


def _permute(v, idx):
    dn = lax.GatherDimensionNumbers(offset_dims=(), collapsed_slice_dims=(0,),
                                    start_index_map=(0,))
    return lax.gather(v, idx[:, None], dn, slice_sizes=(1,),
                      mode=lax.GatherScatterMode.PROMISE_IN_BOUNDS)


def _unpack2(hrows, e, off):
    u = hrows[e, pl.ds(off, 32)]
    return plsc.unpack(u, format=plsc.PackFormat.INTERLEAVED,
                       preferred_element_type=jnp.float32)


def _zero_acc(zbuf, acc_sh, width, row0):
    def zrow(i, carry):
        for k in range(width // 16):
            zbuf[i, pl.ds(16 * k, 16)] = jnp.zeros((16,), jnp.float32)
        return carry
    lax.fori_loop(0, ZR, zrow, 0)
    for j in range(RPT // ZR):
        pltpu.sync_copy(zbuf, acc_sh.at[pl.ds(row0 + j * ZR, ZR)])


def _writeback(acc_sh, out_hbm, cid, row0):
    for j in range(RPT // ZR):
        pltpu.sync_copy(acc_sh.at[pl.ds(row0 + j * ZR, ZR)],
                        out_hbm.at[cid, pl.ds(row0 + j * ZR, ZR)])


def _edge1(hrows, arows, drows, mbuf, e, consts):
    hi, hi8 = consts
    a = arows[e, pl.ds(0, 16)]
    vd = drows[e, pl.ds(0, 16)]
    vb = _permute(vd, hi8)
    ex = jnp.exp(_leaky(a + vd) - vb)
    u0a, u0b = _unpack2(hrows, e, 0)
    u1a, u1b = _unpack2(hrows, e, 32)
    for k, u in enumerate((u0a, u0b, u1a, u1b)):
        mbuf[e, pl.ds(16 * k, 16)] = u * _permute(ex, 2 * k + hi)
    mbuf[e, pl.ds(64, 16)] = ex


def _edge2(hrows, arows, drows, mbuf, e, consts):
    c0, c1 = consts
    va = arows[e, pl.ds(0, 16)]
    vd = drows[e, pl.ds(0, 16)]
    exb = jnp.exp(_leaky(_permute(va, c1) + _permute(vd, c0))
                  - _permute(vd, c1))
    u0a, u0b = _unpack2(hrows, e, 0)
    u1a, _ = _unpack2(hrows, e, 32)
    mbuf[e, pl.ds(0, 16)] = u0a * exb
    mbuf[e, pl.ds(16, 16)] = u0b * exb
    mbuf[e, pl.ds(32, 16)] = u1a * exb
    mbuf[e, pl.ds(48, 16)] = va * exb


def _consts1():
    lanes = _lane_iota()
    return jnp.where(lanes >= 8, 1, 0), (lanes % 8) + 8


def _consts2():
    lanes = _lane_iota()
    return lanes * 0, lanes * 0 + 1


def _make_sc_body(edge_fn, make_consts, acc_w):
    def body(tsh_hbm, tsa_hbm, td_hbm, src_hbm, dst_hbm, out_hbm,
             src_all, dst_all, hrows0, hrows1, hrows2, hrows3,
             arows0, arows1, arows2, arows3, drows0, drows1, drows2, drows3,
             mbuf0, mbuf1, mbuf2, mbuf3, zbuf, acc_sh,
             sh0, sh1, sh2, sh3, sa0, sa1, sa2, sa3, sd0, sd1, sd2, sd3,
             sm0, sm1, sm2, sm3):
        cid = lax.axis_index("c")
        sid = lax.axis_index("s")
        wid = sid * NC + cid
        row0 = sid * RPT
        _zero_acc(zbuf, acc_sh, acc_w, row0)
        pltpu.sync_copy(src_hbm.at[wid], src_all)
        pltpu.sync_copy(dst_hbm.at[wid], dst_all)
        plsc.subcore_barrier()

        consts = make_consts()
        hrows = [hrows0, hrows1, hrows2, hrows3]
        arows = [arows0, arows1, arows2, arows3]
        drows = [drows0, drows1, drows2, drows3]
        mbufs = [mbuf0, mbuf1, mbuf2, mbuf3]
        sems_h = [sh0, sh1, sh2, sh3]
        sems_a = [sa0, sa1, sa2, sa3]
        sems_d = [sd0, sd1, sd2, sd3]
        sems_m = [sm0, sm1, sm2, sm3]

        def fetch(c, b):
            pltpu.async_copy(tsh_hbm.at[src_all.at[c]], hrows[b], sems_h[b])
            pltpu.async_copy(tsa_hbm.at[src_all.at[c]], arows[b], sems_a[b])
            pltpu.async_copy(td_hbm.at[dst_all.at[c]], drows[b], sems_d[b])

        def wait(c, b):
            pltpu.make_async_copy(tsh_hbm.at[src_all.at[c]], hrows[b],
                                  sems_h[b]).wait()
            pltpu.make_async_copy(tsa_hbm.at[src_all.at[c]], arows[b],
                                  sems_a[b]).wait()
            pltpu.make_async_copy(td_hbm.at[dst_all.at[c]], drows[b],
                                  sems_d[b]).wait()

        def wait_scatter(c, b):
            pltpu.make_async_copy(mbufs[b], acc_sh.at[dst_all.at[c]],
                                  sems_m[b]).wait()

        for p in range(3):
            fetch(p, p)

        def loop(g, carry):
            for b in range(4):
                c = 4 * g + b

                @pl.when(c < NCHUNK)
                def _():
                    @pl.when(c + 3 < NCHUNK)
                    def _():
                        fetch(c + 3, (b + 3) % 4)
                    wait(c, b)

                    @pl.when(c >= 4)
                    def _():
                        wait_scatter(c, b)

                    @plsc.parallel_loop(0, CH, unroll=4)
                    def _(e):
                        edge_fn(hrows[b], arows[b], drows[b], mbufs[b], e,
                                consts)
                    pltpu.async_copy(mbufs[b], acc_sh.at[dst_all.at[c]],
                                     sems_m[b], add=True)
            return carry
        lax.fori_loop(0, (NCHUNK + 3) // 4, loop, 0)
        for p in range(4):
            c = NCHUNK - 1 - p
            wait_scatter(c, c % 4)
        plsc.subcore_barrier()
        _writeback(acc_sh, out_hbm, cid, row0)
    return body


_mesh = plsc.VectorSubcoreMesh(core_axis_name="c", subcore_axis_name="s")


def _make_sc(edge_fn, make_consts, acc_w):
    body = _make_sc_body(edge_fn, make_consts, acc_w)
    return functools.partial(
        pl.kernel,
        out_type=jax.ShapeDtypeStruct((NC, N, acc_w), jnp.float32),
        mesh=_mesh,
        scratch_types=[
            pltpu.VMEM((NCHUNK, CH), jnp.int32),
            pltpu.VMEM((NCHUNK, CH), jnp.int32),
        ] + [pltpu.VMEM((CH, 64), jnp.bfloat16)] * 4
          + [pltpu.VMEM((CH, 16), jnp.float32)] * 8
          + [pltpu.VMEM((CH, acc_w), jnp.float32)] * 4
          + [
            pltpu.VMEM((ZR, acc_w), jnp.float32),
            pltpu.VMEM_SHARED((N, acc_w), jnp.float32),
        ] + [pltpu.SemaphoreType.DMA] * 16,
        compiler_params=pltpu.CompilerParams(use_tc_tiling_on_sc=False,
                                             needs_layout_passes=False),
    )(body)


_sc1 = _make_sc(_edge1, _consts1, ACC_W1)
_sc2 = _make_sc(_edge2, _consts2, ACC_W2)



def kernel(x, edge_index, W1, att_src1, att_dst1, b1, W2, att_src2, att_dst2, b2):
    f32 = jnp.float32
    perm = jnp.array(_PERM, dtype=jnp.int32)
    eye_h = jnp.eye(H, dtype=f32)
    As = (att_src1[:, :, None] * eye_h[:, None, :]).reshape(H * C1, H)
    Ad = (att_dst1[:, :, None] * eye_h[:, None, :]).reshape(H * C1, H)
    W1p = W1[:, perm]
    Asp = As[perm, :]
    Adp = Ad[perm, :]
    R8 = jnp.kron(eye_h, jnp.ones((1, C1), dtype=f32))
    W2pad = jnp.pad(W2, ((0, 0), (0, 64 - NCLS)))
    W2p = W2pad[:, perm]
    as2 = jnp.pad(att_src2, ((0, 0), (0, 64 - NCLS)))[:, perm]
    ad2 = jnp.pad(att_dst2, ((0, 0), (0, 64 - NCLS)))[:, perm]
    pinv1 = jnp.asarray(_PINV1)
    pinv2 = jnp.asarray(_PINV2)
    b1r = b1.reshape(1, H * C1)
    b2r = b2.reshape(1, NCLS)
    src = edge_index[0].reshape(NW, NCHUNK, CH)
    dst = edge_index[1].reshape(NW, NCHUNK, CH)

    tsh1, tsa1, td1 = pl.pallas_call(
        _tc1_body,
        out_shape=[jax.ShapeDtypeStruct((N, 64), jnp.bfloat16),
                   jax.ShapeDtypeStruct((N, 16), f32),
                   jax.ShapeDtypeStruct((N, 16), f32)],
    )(x, W1p, Asp, Adp)

    acc1 = _sc1(tsh1, tsa1, td1, src, dst)

    tsh2, tsa2, td2 = pl.pallas_call(
        _tc2_body,
        out_shape=[jax.ShapeDtypeStruct((N, 64), jnp.bfloat16),
                   jax.ShapeDtypeStruct((N, 16), f32),
                   jax.ShapeDtypeStruct((N, 16), f32)],
    )(acc1, tsh1, tsa1, td1, b1r, W2p, as2, ad2, R8, pinv1)

    acc2 = _sc2(tsh2, tsa2, td2, src, dst)

    out = pl.pallas_call(
        _tc3_body,
        out_shape=jax.ShapeDtypeStruct((N, NCLS), f32),
    )(acc2, tsh2, tsa2, td2, b2r, pinv2)
    return out

# --- scband reference (transcript-rebuilt; emitter-appended) ---
"""Pipeline reference for scband-gat-63677185130715 (READ-ONLY COPY).

The authoritative reference and input builder live on the scoring server;
editing this copy changes nothing except your own understanding.
"""

import jax, jax.numpy as jnp
import numpy as np

N = 10000
E = 320000
D = 128
H = 8
C1 = 8
NUM_CLASSES = 40


def setup_inputs(seed: int = 0) -> dict:
    key = jax.random.key(seed)
    ks = jax.random.split(key, 10)
    x = jax.random.normal(ks[0], (N, D), dtype=jnp.float32)
    edge_index = jax.random.randint(ks[1], (2, E), 0, N, dtype=jnp.int32)
    W1 = jax.random.normal(ks[2], (D, H * C1), dtype=jnp.float32) / np.sqrt(D)
    att_src1 = jax.random.normal(ks[3], (H, C1), dtype=jnp.float32) * 0.1
    att_dst1 = jax.random.normal(ks[4], (H, C1), dtype=jnp.float32) * 0.1
    b1 = jnp.zeros((H * C1,), dtype=jnp.float32)
    W2 = jax.random.normal(ks[5], (H * C1, NUM_CLASSES), dtype=jnp.float32) / np.sqrt(H * C1)
    att_src2 = jax.random.normal(ks[6], (1, NUM_CLASSES), dtype=jnp.float32) * 0.1
    att_dst2 = jax.random.normal(ks[7], (1, NUM_CLASSES), dtype=jnp.float32) * 0.1
    b2 = jnp.zeros((NUM_CLASSES,), dtype=jnp.float32)
    return {"x": x, "edge_index": edge_index, "W1": W1, "att_src1": att_src1,
            "att_dst1": att_dst1, "b1": b1, "W2": W2, "att_src2": att_src2,
            "att_dst2": att_dst2, "b2": b2}


def _gat_conv(x, edge_index, W, att_src, att_dst, bias, heads, out_ch):
    n = x.shape[0]
    loops = jnp.arange(n, dtype=edge_index.dtype)
    ei = jnp.concatenate([edge_index, jnp.stack([loops, loops])], axis=1)
    src, dst = ei[0], ei[1]
    h = (x @ W).reshape(n, heads, out_ch)
    a_src = jnp.sum(h * att_src[None, :, :], axis=-1)  # [n, heads]
    a_dst = jnp.sum(h * att_dst[None, :, :], axis=-1)  # [n, heads]
    e = a_src[src] + a_dst[dst]                        # [E', heads]
    e = jax.nn.leaky_relu(e, negative_slope=0.2)
    # softmax over incoming edges of each dst node
    m = jax.ops.segment_max(e, dst, num_segments=n)
    m = jax.lax.stop_gradient(m)
    ex = jnp.exp(e - m[dst])
    s = jax.ops.segment_sum(ex, dst, num_segments=n)
    alpha = ex / (s[dst] + 1e-16)
    msg = h[src] * alpha[:, :, None]
    out = jax.ops.segment_sum(msg, dst, num_segments=n)
    out = out.reshape(n, heads * out_ch)
    return out + bias


def reference(x, edge_index, W1, att_src1, att_dst1, b1, W2, att_src2, att_dst2, b2):
    h = _gat_conv(x, edge_index, W1, att_src1, att_dst1, b1, H, C1)
    h = jax.nn.elu(h)
    # dropout p=0.6 is identity in eval mode
    h = _gat_conv(h, edge_index, W2, att_src2, att_dst2, b2, 1, NUM_CLASSES)
    return jax.nn.log_softmax(h, axis=1)

if __name__ == "__main__":
    import jax
    _d = setup_inputs()
    print(jax.jit(kernel)(*tuple(_d.values())))

</pallas_src>

<mosaic_0001>
#map = affine_map<(d0, d1) -> (0, 0)>
#map1 = affine_map<(d0, d1) -> (0, 0, 0)>
module attributes {stable_mosaic.version = 14 : i64} {
  func.func @body(%arg0: i32, %arg1: i32, %arg2: memref<10000x64xbf16, #tpu.memory_space<hbm>>, %arg3: memref<10000x16xf32, #tpu.memory_space<hbm>>, %arg4: memref<10000x16xf32, #tpu.memory_space<hbm>>, %arg5: memref<32x125x80xi32, #tpu.memory_space<hbm>>, %arg6: memref<32x125x80xi32, #tpu.memory_space<hbm>>, %arg7: memref<2x10000x80xf32, #tpu.memory_space<hbm>>, %arg8: memref<125x80xi32, #tpu.memory_space<vmem>>, %arg9: memref<125x80xi32, #tpu.memory_space<vmem>>, %arg10: memref<80x64xbf16, #tpu.memory_space<vmem>>, %arg11: memref<80x64xbf16, #tpu.memory_space<vmem>>, %arg12: memref<80x64xbf16, #tpu.memory_space<vmem>>, %arg13: memref<80x64xbf16, #tpu.memory_space<vmem>>, %arg14: memref<80x16xf32, #tpu.memory_space<vmem>>, %arg15: memref<80x16xf32, #tpu.memory_space<vmem>>, %arg16: memref<80x16xf32, #tpu.memory_space<vmem>>, %arg17: memref<80x16xf32, #tpu.memory_space<vmem>>, %arg18: memref<80x16xf32, #tpu.memory_space<vmem>>, %arg19: memref<80x16xf32, #tpu.memory_space<vmem>>, %arg20: memref<80x16xf32, #tpu.memory_space<vmem>>, %arg21: memref<80x16xf32, #tpu.memory_space<vmem>>, %arg22: memref<80x80xf32, #tpu.memory_space<vmem>>, %arg23: memref<80x80xf32, #tpu.memory_space<vmem>>, %arg24: memref<80x80xf32, #tpu.memory_space<vmem>>, %arg25: memref<80x80xf32, #tpu.memory_space<vmem>>, %arg26: memref<125x80xf32, #tpu.memory_space<vmem>>, %arg27: memref<10000x80xf32, #tpu.memory_space<vmem_shared>>, %arg28: memref<!tpu.dma_semaphore, #tpu.memory_space<semaphore_mem>>, %arg29: memref<!tpu.dma_semaphore, #tpu.memory_space<semaphore_mem>>, %arg30: memref<!tpu.dma_semaphore, #tpu.memory_space<semaphore_mem>>, %arg31: memref<!tpu.dma_semaphore, #tpu.memory_space<semaphore_mem>>, %arg32: memref<!tpu.dma_semaphore, #tpu.memory_space<semaphore_mem>>, %arg33: memref<!tpu.dma_semaphore, #tpu.memory_space<semaphore_mem>>, %arg34: memref<!tpu.dma_semaphore, #tpu.memory_space<semaphore_mem>>, %arg35: memref<!tpu.dma_semaphore, #tpu.memory_space<semaphore_mem>>, %arg36: memref<!tpu.dma_semaphore, #tpu.memory_space<semaphore_mem>>, %arg37: memref<!tpu.dma_semaphore, #tpu.memory_space<semaphore_mem>>, %arg38: memref<!tpu.dma_semaphore, #tpu.memory_space<semaphore_mem>>, %arg39: memref<!tpu.dma_semaphore, #tpu.memory_space<semaphore_mem>>, %arg40: memref<!tpu.dma_semaphore, #tpu.memory_space<semaphore_mem>>, %arg41: memref<!tpu.dma_semaphore, #tpu.memory_space<semaphore_mem>>, %arg42: memref<!tpu.dma_semaphore, #tpu.memory_space<semaphore_mem>>, %arg43: memref<!tpu.dma_semaphore, #tpu.memory_space<semaphore_mem>>) attributes {dimension_semantics = [#tpu.dimension_semantics<core_parallel>, #tpu.dimension_semantics<subcore_parallel>], iteration_bounds = array<i64: 2, 16>, scalar_prefetch = 0 : i64, scratch_operands = 36 : i64, tpu.core_type = #tpu.core_type<sc_vector_subcore>, window_params = [{transform_indices = #map}, {transform_indices = #map}, {transform_indices = #map}, {transform_indices = #map1}, {transform_indices = #map1}, {transform_indices = #map1}]} {
    %mul3A = arith.constant 2 : i32
    %mul3A_0 = arith.muli %arg1, %mul3A : i32
    %add3A = arith.addi %mul3A_0, %arg0 : i32
    %mul3A_1 = arith.constant 625 : i32
    %mul3A_2 = arith.muli %arg1, %mul3A_1 : i32
    %scan3A = arith.constant 0 : i32
    %scan3A_3 = arith.constant 0 : i32
    %scan3A_4 = arith.constant 125 : i32
    %scan3A_5 = arith.addi %scan3A_3, %scan3A_4 : i32
    %scan3A_6 = arith.constant 1 : i32
    scf.for %scan3A_158 = %scan3A_3 to %scan3A_5 step %scan3A_6  : i32 {
      %broadcast_in_dim3A_159 = arith.constant 0.000000e+00 : f32
      %broadcast_in_dim3A_160 = vector.broadcast %broadcast_in_dim3A_159 : f32 to vector<16xf32>
      %swap3A = arith.index_cast %scan3A_158 : i32 to index
      %swap3A_161 = arith.constant 0 : index
      %swap3A_162 = tpu.vector_load %arg26[%swap3A, %swap3A_161] {strides = array<i32>} : memref<125x80xf32, #tpu.memory_space<vmem>>, vector<16xf32>,
      tpu.vector_store %arg26[%swap3A, %swap3A_161], %broadcast_in_dim3A_160 {strides = array<i32>} : memref<125x80xf32, #tpu.memory_space<vmem>>, vector<16xf32>,
      %broadcast_in_dim3A_163 = arith.constant 0.000000e+00 : f32
      %broadcast_in_dim3A_164 = vector.broadcast %broadcast_in_dim3A_163 : f32 to vector<16xf32>
      %swap3A_165 = arith.index_cast %scan3A_158 : i32 to index
      %swap3A_166 = arith.constant 16 : index
      %swap3A_167 = tpu.vector_load %arg26[%swap3A_165, %swap3A_166] {strides = array<i32>} : memref<125x80xf32, #tpu.memory_space<vmem>>, vector<16xf32>,
      tpu.vector_store %arg26[%swap3A_165, %swap3A_166], %broadcast_in_dim3A_164 {strides = array<i32>} : memref<125x80xf32, #tpu.memory_space<vmem>>, vector<16xf32>,
      %broadcast_in_dim3A_168 = arith.constant 0.000000e+00 : f32
      %broadcast_in_dim3A_169 = vector.broadcast %broadcast_in_dim3A_168 : f32 to vector<16xf32>
      %swap3A_170 = arith.index_cast %scan3A_158 : i32 to index
      %swap3A_171 = arith.constant 32 : index
      %swap3A_172 = tpu.vector_load %arg26[%swap3A_170, %swap3A_171] {strides = array<i32>} : memref<125x80xf32, #tpu.memory_space<vmem>>, vector<16xf32>,
      tpu.vector_store %arg26[%swap3A_170, %swap3A_171], %broadcast_in_dim3A_169 {strides = array<i32>} : memref<125x80xf32, #tpu.memory_space<vmem>>, vector<16xf32>,
      %broadcast_in_dim3A_173 = arith.constant 0.000000e+00 : f32
      %broadcast_in_dim3A_174 = vector.broadcast %broadcast_in_dim3A_173 : f32 to vector<16xf32>
      %swap3A_175 = arith.index_cast %scan3A_158 : i32 to index
      %swap3A_176 = arith.constant 48 : index
      %swap3A_177 = tpu.vector_load %arg26[%swap3A_175, %swap3A_176] {strides = array<i32>} : memref<125x80xf32, #tpu.memory_space<vmem>>, vector<16xf32>,
      tpu.vector_store %arg26[%swap3A_175, %swap3A_176], %broadcast_in_dim3A_174 {strides = array<i32>} : memref<125x80xf32, #tpu.memory_space<vmem>>, vector<16xf32>,
      %broadcast_in_dim3A_178 = arith.constant 0.000000e+00 : f32
      %broadcast_in_dim3A_179 = vector.broadcast %broadcast_in_dim3A_178 : f32 to vector<16xf32>
      %swap3A_180 = arith.index_cast %scan3A_158 : i32 to index
      %swap3A_181 = arith.constant 64 : index
      %swap3A_182 = tpu.vector_load %arg26[%swap3A_180, %swap3A_181] {strides = array<i32>} : memref<125x80xf32, #tpu.memory_space<vmem>>, vector<16xf32>,
      tpu.vector_store %arg26[%swap3A_180, %swap3A_181], %broadcast_in_dim3A_179 {strides = array<i32>} : memref<125x80xf32, #tpu.memory_space<vmem>>, vector<16xf32>,
    }
    %scan3A_7 = arith.constant 125 : i32
    %add3A_8 = arith.constant 0 : i32
    %add3A_9 = arith.addi %mul3A_2, %add3A_8 : i32
    "tpu.region"() ({
      %run_scoped3A = tpu.sem_alloc : memref<!tpu.dma_semaphore, #tpu.memory_space<semaphore_mem>>
      %dma_start3A_158 = arith.constant 0 : i32
      %dma_start3A_159 = tpu.memref_slice %arg27[%add3A_9, %dma_start3A_158] : memref<10000x80xf32, #tpu.memory_space<vmem_shared>> -> memref<125x80xf32, #tpu.memory_space<vmem_shared>>
      %dma_start3A_160 = arith.constant 0 : i32
      %dma_start3A_161 = tpu.memref_slice %arg27[%add3A_9, %dma_start3A_160] : memref<10000x80xf32, #tpu.memory_space<vmem_shared>> -> memref<125x80xf32, #tpu.memory_space<vmem_shared>>
      tpu.enqueue_dma source(%arg26 : memref<125x80xf32, #tpu.memory_space<vmem>>) target(%dma_start3A_161 : memref<125x80xf32, #tpu.memory_space<vmem_shared>>) target_semaphore(%run_scoped3A : memref<!tpu.dma_semaphore, #tpu.memory_space<semaphore_mem>>)
      %dma_wait3A_162 = arith.constant 0 : i32
      %dma_wait3A_163 = tpu.memref_slice %arg27[%add3A_9, %dma_wait3A_162] : memref<10000x80xf32, #tpu.memory_space<vmem_shared>> -> memref<125x80xf32, #tpu.memory_space<vmem_shared>>
      %dma_wait3A_164 = arith.constant 0 : i32
      %dma_wait3A_165 = tpu.memref_slice %arg27[%add3A_9, %dma_wait3A_164] : memref<10000x80xf32, #tpu.memory_space<vmem_shared>> -> memref<125x80xf32, #tpu.memory_space<vmem_shared>>
      tpu.wait_dma2 semaphore(%run_scoped3A : memref<!tpu.dma_semaphore, #tpu.memory_space<semaphore_mem>>) src(%arg26 : memref<125x80xf32, #tpu.memory_space<vmem>>) dst(%dma_wait3A_165 : memref<125x80xf32, #tpu.memory_space<vmem_shared>>)
      tpu.yield
    }) : () -> ()
    %add3A_10 = arith.constant 125 : i32
    %add3A_11 = arith.addi %mul3A_2, %add3A_10 : i32
    "tpu.region"() ({
      %run_scoped3A = tpu.sem_alloc : memref<!tpu.dma_semaphore, #tpu.memory_space<semaphore_mem>>
      %dma_start3A_158 = arith.constant 0 : i32
      %dma_start3A_159 = tpu.memref_slice %arg27[%add3A_11, %dma_start3A_158] : memref<10000x80xf32, #tpu.memory_space<vmem_shared>> -> memref<125x80xf32, #tpu.memory_space<vmem_shared>>
      %dma_start3A_160 = arith.constant 0 : i32
      %dma_start3A_161 = tpu.memref_slice %arg27[%add3A_11, %dma_start3A_160] : memref<10000x80xf32, #tpu.memory_space<vmem_shared>> -> memref<125x80xf32, #tpu.memory_space<vmem_shared>>
      tpu.enqueue_dma source(%arg26 : memref<125x80xf32, #tpu.memory_space<vmem>>) target(%dma_start3A_161 : memref<125x80xf32, #tpu.memory_space<vmem_shared>>) target_semaphore(%run_scoped3A : memref<!tpu.dma_semaphore, #tpu.memory_space<semaphore_mem>>)
      %dma_wait3A_162 = arith.constant 0 : i32
      %dma_wait3A_163 = tpu.memref_slice %arg27[%add3A_11, %dma_wait3A_162] : memref<10000x80xf32, #tpu.memory_space<vmem_shared>> -> memref<125x80xf32, #tpu.memory_space<vmem_shared>>
      %dma_wait3A_164 = arith.constant 0 : i32
      %dma_wait3A_165 = tpu.memref_slice %arg27[%add3A_11, %dma_wait3A_164] : memref<10000x80xf32, #tpu.memory_space<vmem_shared>> -> memref<125x80xf32, #tpu.memory_space<vmem_shared>>
      tpu.wait_dma2 semaphore(%run_scoped3A : memref<!tpu.dma_semaphore, #tpu.memory_space<semaphore_mem>>) src(%arg26 : memref<125x80xf32, #tpu.memory_space<vmem>>) dst(%dma_wait3A_165 : memref<125x80xf32, #tpu.memory_space<vmem_shared>>)
      tpu.yield
    }) : () -> ()
    %add3A_12 = arith.constant 250 : i32
    %add3A_13 = arith.addi %mul3A_2, %add3A_12 : i32
    "tpu.region"() ({
      %run_scoped3A = tpu.sem_alloc : memref<!tpu.dma_semaphore, #tpu.memory_space<semaphore_mem>>
      %dma_start3A_158 = arith.constant 0 : i32
      %dma_start3A_159 = tpu.memref_slice %arg27[%add3A_13, %dma_start3A_158] : memref<10000x80xf32, #tpu.memory_space<vmem_shared>> -> memref<125x80xf32, #tpu.memory_space<vmem_shared>>
      %dma_start3A_160 = arith.constant 0 : i32
      %dma_start3A_161 = tpu.memref_slice %arg27[%add3A_13, %dma_start3A_160] : memref<10000x80xf32, #tpu.memory_space<vmem_shared>> -> memref<125x80xf32, #tpu.memory_space<vmem_shared>>
      tpu.enqueue_dma source(%arg26 : memref<125x80xf32, #tpu.memory_space<vmem>>) target(%dma_start3A_161 : memref<125x80xf32, #tpu.memory_space<vmem_shared>>) target_semaphore(%run_scoped3A : memref<!tpu.dma_semaphore, #tpu.memory_space<semaphore_mem>>)
      %dma_wait3A_162 = arith.constant 0 : i32
      %dma_wait3A_163 = tpu.memref_slice %arg27[%add3A_13, %dma_wait3A_162] : memref<10000x80xf32, #tpu.memory_space<vmem_shared>> -> memref<125x80xf32, #tpu.memory_space<vmem_shared>>
      %dma_wait3A_164 = arith.constant 0 : i32
      %dma_wait3A_165 = tpu.memref_slice %arg27[%add3A_13, %dma_wait3A_164] : memref<10000x80xf32, #tpu.memory_space<vmem_shared>> -> memref<125x80xf32, #tpu.memory_space<vmem_shared>>
      tpu.wait_dma2 semaphore(%run_scoped3A : memref<!tpu.dma_semaphore, #tpu.memory_space<semaphore_mem>>) src(%arg26 : memref<125x80xf32, #tpu.memory_space<vmem>>) dst(%dma_wait3A_165 : memref<125x80xf32, #tpu.memory_space<vmem_shared>>)
      tpu.yield
    }) : () -> ()
    %add3A_14 = arith.constant 375 : i32
    %add3A_15 = arith.addi %mul3A_2, %add3A_14 : i32
    "tpu.region"() ({
      %run_scoped3A = tpu.sem_alloc : memref<!tpu.dma_semaphore, #tpu.memory_space<semaphore_mem>>
      %dma_start3A_158 = arith.constant 0 : i32
      %dma_start3A_159 = tpu.memref_slice %arg27[%add3A_15, %dma_start3A_158] : memref<10000x80xf32, #tpu.memory_space<vmem_shared>> -> memref<125x80xf32, #tpu.memory_space<vmem_shared>>
      %dma_start3A_160 = arith.constant 0 : i32
      %dma_start3A_161 = tpu.memref_slice %arg27[%add3A_15, %dma_start3A_160] : memref<10000x80xf32, #tpu.memory_space<vmem_shared>> -> memref<125x80xf32, #tpu.memory_space<vmem_shared>>
      tpu.enqueue_dma source(%arg26 : memref<125x80xf32, #tpu.memory_space<vmem>>) target(%dma_start3A_161 : memref<125x80xf32, #tpu.memory_space<vmem_shared>>) target_semaphore(%run_scoped3A : memref<!tpu.dma_semaphore, #tpu.memory_space<semaphore_mem>>)
      %dma_wait3A_162 = arith.constant 0 : i32
      %dma_wait3A_163 = tpu.memref_slice %arg27[%add3A_15, %dma_wait3A_162] : memref<10000x80xf32, #tpu.memory_space<vmem_shared>> -> memref<125x80xf32, #tpu.memory_space<vmem_shared>>
      %dma_wait3A_164 = arith.constant 0 : i32
      %dma_wait3A_165 = tpu.memref_slice %arg27[%add3A_15, %dma_wait3A_164] : memref<10000x80xf32, #tpu.memory_space<vmem_shared>> -> memref<125x80xf32, #tpu.memory_space<vmem_shared>>
      tpu.wait_dma2 semaphore(%run_scoped3A : memref<!tpu.dma_semaphore, #tpu.memory_space<semaphore_mem>>) src(%arg26 : memref<125x80xf32, #tpu.memory_space<vmem>>) dst(%dma_wait3A_165 : memref<125x80xf32, #tpu.memory_space<vmem_shared>>)
      tpu.yield
    }) : () -> ()
    %add3A_16 = arith.constant 500 : i32
    %add3A_17 = arith.addi %mul3A_2, %add3A_16 : i32
    "tpu.region"() ({
      %run_scoped3A = tpu.sem_alloc : memref<!tpu.dma_semaphore, #tpu.memory_space<semaphore_mem>>
      %dma_start3A_158 = arith.constant 0 : i32
      %dma_start3A_159 = tpu.memref_slice %arg27[%add3A_17, %dma_start3A_158] : memref<10000x80xf32, #tpu.memory_space<vmem_shared>> -> memref<125x80xf32, #tpu.memory_space<vmem_shared>>
      %dma_start3A_160 = arith.constant 0 : i32
      %dma_start3A_161 = tpu.memref_slice %arg27[%add3A_17, %dma_start3A_160] : memref<10000x80xf32, #tpu.memory_space<vmem_shared>> -> memref<125x80xf32, #tpu.memory_space<vmem_shared>>
      tpu.enqueue_dma source(%arg26 : memref<125x80xf32, #tpu.memory_space<vmem>>) target(%dma_start3A_161 : memref<125x80xf32, #tpu.memory_space<vmem_shared>>) target_semaphore(%run_scoped3A : memref<!tpu.dma_semaphore, #tpu.memory_space<semaphore_mem>>)
      %dma_wait3A_162 = arith.constant 0 : i32
      %dma_wait3A_163 = tpu.memref_slice %arg27[%add3A_17, %dma_wait3A_162] : memref<10000x80xf32, #tpu.memory_space<vmem_shared>> -> memref<125x80xf32, #tpu.memory_space<vmem_shared>>
      %dma_wait3A_164 = arith.constant 0 : i32
      %dma_wait3A_165 = tpu.memref_slice %arg27[%add3A_17, %dma_wait3A_164] : memref<10000x80xf32, #tpu.memory_space<vmem_shared>> -> memref<125x80xf32, #tpu.memory_space<vmem_shared>>
      tpu.wait_dma2 semaphore(%run_scoped3A : memref<!tpu.dma_semaphore, #tpu.memory_space<semaphore_mem>>) src(%arg26 : memref<125x80xf32, #tpu.memory_space<vmem>>) dst(%dma_wait3A_165 : memref<125x80xf32, #tpu.memory_space<vmem_shared>>)
      tpu.yield
    }) : () -> ()
    "tpu.region"() ({
      %run_scoped3A = tpu.sem_alloc : memref<!tpu.dma_semaphore, #tpu.memory_space<semaphore_mem>>
      %dma_start3A_158 = arith.constant 0 : i32
      %dma_start3A_159 = arith.constant 0 : i32
      %dma_start3A_160 = tpu.memref_slice %arg5[%add3A, %dma_start3A_158, %dma_start3A_159] : memref<32x125x80xi32, #tpu.memory_space<hbm>> -> memref<1x125x80xi32, #tpu.memory_space<hbm>>
      %dma_start3A_161 = tpu.memref_squeeze %dma_start3A_160 : memref<1x125x80xi32, #tpu.memory_space<hbm>> -> memref<125x80xi32, #tpu.memory_space<hbm>>
      %dma_start3A_162 = arith.constant 0 : i32
      %dma_start3A_163 = arith.constant 0 : i32
      %dma_start3A_164 = tpu.memref_slice %arg5[%add3A, %dma_start3A_162, %dma_start3A_163] : memref<32x125x80xi32, #tpu.memory_space<hbm>> -> memref<1x125x80xi32, #tpu.memory_space<hbm>>
      %dma_start3A_165 = tpu.memref_squeeze %dma_start3A_164 : memref<1x125x80xi32, #tpu.memory_space<hbm>> -> memref<125x80xi32, #tpu.memory_space<hbm>>
      tpu.enqueue_dma source(%dma_start3A_165 : memref<125x80xi32, #tpu.memory_space<hbm>>) target(%arg8 : memref<125x80xi32, #tpu.memory_space<vmem>>) target_semaphore(%run_scoped3A : memref<!tpu.dma_semaphore, #tpu.memory_space<semaphore_mem>>)
      %dma_wait3A_166 = arith.constant 0 : i32
      %dma_wait3A_167 = arith.constant 0 : i32
      %dma_wait3A_168 = tpu.memref_slice %arg5[%add3A, %dma_wait3A_166, %dma_wait3A_167] : memref<32x125x80xi32, #tpu.memory_space<hbm>> -> memref<1x125x80xi32, #tpu.memory_space<hbm>>
      %dma_wait3A_169 = tpu.memref_squeeze %dma_wait3A_168 : memref<1x125x80xi32, #tpu.memory_space<hbm>> -> memref<125x80xi32, #tpu.memory_space<hbm>>
      %dma_wait3A_170 = arith.constant 0 : i32
      %dma_wait3A_171 = arith.constant 0 : i32
      %dma_wait3A_172 = tpu.memref_slice %arg5[%add3A, %dma_wait3A_170, %dma_wait3A_171] : memref<32x125x80xi32, #tpu.memory_space<hbm>> -> memref<1x125x80xi32, #tpu.memory_space<hbm>>
      %dma_wait3A_173 = tpu.memref_squeeze %dma_wait3A_172 : memref<1x125x80xi32, #tpu.memory_space<hbm>> -> memref<125x80xi32, #tpu.memory_space<hbm>>
      tpu.wait_dma2 semaphore(%run_scoped3A : memref<!tpu.dma_semaphore, #tpu.memory_space<semaphore_mem>>) src(%dma_wait3A_173 : memref<125x80xi32, #tpu.memory_space<hbm>>) dst(%arg8 : memref<125x80xi32, #tpu.memory_space<vmem>>)
      tpu.yield
    }) : () -> ()
    "tpu.region"() ({
      %run_scoped3A = tpu.sem_alloc : memref<!tpu.dma_semaphore, #tpu.memory_space<semaphore_mem>>
      %dma_start3A_158 = arith.constant 0 : i32
      %dma_start3A_159 = arith.constant 0 : i32
      %dma_start3A_160 = tpu.memref_slice %arg6[%add3A, %dma_start3A_158, %dma_start3A_159] : memref<32x125x80xi32, #tpu.memory_space<hbm>> -> memref<1x125x80xi32, #tpu.memory_space<hbm>>
      %dma_start3A_161 = tpu.memref_squeeze %dma_start3A_160 : memref<1x125x80xi32, #tpu.memory_space<hbm>> -> memref<125x80xi32, #tpu.memory_space<hbm>>
      %dma_start3A_162 = arith.constant 0 : i32
      %dma_start3A_163 = arith.constant 0 : i32
      %dma_start3A_164 = tpu.memref_slice %arg6[%add3A, %dma_start3A_162, %dma_start3A_163] : memref<32x125x80xi32, #tpu.memory_space<hbm>> -> memref<1x125x80xi32, #tpu.memory_space<hbm>>
      %dma_start3A_165 = tpu.memref_squeeze %dma_start3A_164 : memref<1x125x80xi32, #tpu.memory_space<hbm>> -> memref<125x80xi32, #tpu.memory_space<hbm>>
      tpu.enqueue_dma source(%dma_start3A_165 : memref<125x80xi32, #tpu.memory_space<hbm>>) target(%arg9 : memref<125x80xi32, #tpu.memory_space<vmem>>) target_semaphore(%run_scoped3A : memref<!tpu.dma_semaphore, #tpu.memory_space<semaphore_mem>>)
      %dma_wait3A_166 = arith.constant 0 : i32
      %dma_wait3A_167 = arith.constant 0 : i32
      %dma_wait3A_168 = tpu.memref_slice %arg6[%add3A, %dma_wait3A_166, %dma_wait3A_167] : memref<32x125x80xi32, #tpu.memory_space<hbm>> -> memref<1x125x80xi32, #tpu.memory_space<hbm>>
      %dma_wait3A_169 = tpu.memref_squeeze %dma_wait3A_168 : memref<1x125x80xi32, #tpu.memory_space<hbm>> -> memref<125x80xi32, #tpu.memory_space<hbm>>
      %dma_wait3A_170 = arith.constant 0 : i32
      %dma_wait3A_171 = arith.constant 0 : i32
      %dma_wait3A_172 = tpu.memref_slice %arg6[%add3A, %dma_wait3A_170, %dma_wait3A_171] : memref<32x125x80xi32, #tpu.memory_space<hbm>> -> memref<1x125x80xi32, #tpu.memory_space<hbm>>
      %dma_wait3A_173 = tpu.memref_squeeze %dma_wait3A_172 : memref<1x125x80xi32, #tpu.memory_space<hbm>> -> memref<125x80xi32, #tpu.memory_space<hbm>>
      tpu.wait_dma2 semaphore(%run_scoped3A : memref<!tpu.dma_semaphore, #tpu.memory_space<semaphore_mem>>) src(%dma_wait3A_173 : memref<125x80xi32, #tpu.memory_space<hbm>>) dst(%arg9 : memref<125x80xi32, #tpu.memory_space<vmem>>)
      tpu.yield
    }) : () -> ()
    %barrier3A = arith.constant 0 : index
    tpu.barrier barrier_id(%barrier3A)
    %iota3A = tpu.iota {dimensions = array<i32: 0>} : vector<16xi32>
    %ge3A = arith.constant 8 : i32
    %ge3A_18 = vector.broadcast %ge3A : i32 to vector<16xi32>
    %ge3A_19 = arith.cmpi sge, %iota3A, %ge3A_18 : vector<16xi32>
    %jit3A = arith.constant 1 : i32
    %jit3A_20 = arith.constant 0 : i32
    %broadcast_in_dim3A = vector.broadcast %jit3A : i32 to vector<16xi32>
    %broadcast_in_dim3A_21 = vector.broadcast %jit3A_20 : i32 to vector<16xi32>
    %select_n3A = arith.select %ge3A_19, %broadcast_in_dim3A, %broadcast_in_dim3A_21 : vector<16xi1>, vector<16xi32>
    %jit3A_22 = arith.constant 8 : i32
    %eq3A = arith.constant 0 : i32
    %eq3A_23 = arith.cmpi eq, %jit3A_22, %eq3A : i32
    %jit3A_24 = arith.constant 1 : i32
    %select_n3A_25 = arith.select %eq3A_23, %jit3A_24, %jit3A_22 : i32
    %rem3A = vector.broadcast %select_n3A_25 : i32 to vector<16xi32>
    %rem3A_26 = arith.remsi %iota3A, %rem3A : vector<16xi32>
    %ne3A = arith.constant 0 : i32
    %ne3A_27 = vector.broadcast %ne3A : i32 to vector<16xi32>
    %ne3A_28 = arith.cmpi ne, %rem3A_26, %ne3A_27 : vector<16xi32>
    %lt3A = arith.constant 0 : i32
    %lt3A_29 = vector.broadcast %lt3A : i32 to vector<16xi32>
    %lt3A_30 = arith.cmpi slt, %rem3A_26, %lt3A_29 : vector<16xi32>
    %lt3A_31 = arith.constant 0 : i32
    %lt3A_32 = arith.cmpi slt, %select_n3A_25, %lt3A_31 : i32
    %ne3A_33 = vector.broadcast %lt3A_32 : i1 to vector<16xi1>
    %ne3A_34 = vector.broadcast %ne3A_33 : vector<16xi1> to vector<16xi1>
    %ne3A_35 = arith.xori %lt3A_30, %ne3A_34 : vector<16xi1>
    %and3A = arith.andi %ne3A_35, %ne3A_28 : vector<16xi1>
    %add3A_36 = vector.broadcast %select_n3A_25 : i32 to vector<16xi32>
    %add3A_37 = arith.addi %rem3A_26, %add3A_36 : vector<16xi32>
    %select_n3A_38 = arith.select %and3A, %add3A_37, %rem3A_26 : vector<16xi1>, vector<16xi32>
    %add3A_39 = arith.constant 8 : i32
    %add3A_40 = vector.broadcast %add3A_39 : i32 to vector<16xi32>
    %add3A_41 = arith.addi %select_n3A_38, %add3A_40 : vector<16xi32>
    %dma_start3A = arith.constant 0 : i32
    %dma_start3A_42 = arith.constant 0 : i32
    %dma_start3A_43 = tpu.memref_slice %arg8[%dma_start3A, %dma_start3A_42] : memref<125x80xi32, #tpu.memory_space<vmem>> -> memref<1x80xi32, #tpu.memory_space<vmem>>
    %dma_start3A_44 = tpu.memref_squeeze %dma_start3A_43 : memref<1x80xi32, #tpu.memory_space<vmem>> -> memref<80xi32, #tpu.memory_space<vmem>>
    %dma_start3A_45 = arith.constant 0 : i32
    %dma_start3A_46 = arith.constant 0 : i32
    %dma_start3A_47 = tpu.memref_slice %arg2[%dma_start3A_45, %dma_start3A_46] : memref<10000x64xbf16, #tpu.memory_space<hbm>> -> memref<10000x64xbf16, #tpu.memory_space<hbm>>
    tpu.enqueue_indirect_dma source(%dma_start3A_47 : memref<10000x64xbf16, #tpu.memory_space<hbm>>) target(%arg10 : memref<80x64xbf16, #tpu.memory_space<vmem>>) offsets(%dma_start3A_44 : memref<80xi32, #tpu.memory_space<vmem>>) semaphore(%arg28 : memref<!tpu.dma_semaphore, #tpu.memory_space<semaphore_mem>>)
    %dma_start3A_48 = arith.constant 0 : i32
    %dma_start3A_49 = arith.constant 0 : i32
    %dma_start3A_50 = tpu.memref_slice %arg8[%dma_start3A_48, %dma_start3A_49] : memref<125x80xi32, #tpu.memory_space<vmem>> -> memref<1x80xi32, #tpu.memory_space<vmem>>
    %dma_start3A_51 = tpu.memref_squeeze %dma_start3A_50 : memref<1x80xi32, #tpu.memory_space<vmem>> -> memref<80xi32, #tpu.memory_space<vmem>>
    %dma_start3A_52 = arith.constant 0 : i32
    %dma_start3A_53 = arith.constant 0 : i32
    %dma_start3A_54 = tpu.memref_slice %arg3[%dma_start3A_52, %dma_start3A_53] : memref<10000x16xf32, #tpu.memory_space<hbm>> -> memref<10000x16xf32, #tpu.memory_space<hbm>>
    tpu.enqueue_indirect_dma source(%dma_start3A_54 : memref<10000x16xf32, #tpu.memory_space<hbm>>) target(%arg14 : memref<80x16xf32, #tpu.memory_space<vmem>>) offsets(%dma_start3A_51 : memref<80xi32, #tpu.memory_space<vmem>>) semaphore(%arg32 : memref<!tpu.dma_semaphore, #tpu.memory_space<semaphore_mem>>)
    %dma_start3A_55 = arith.constant 0 : i32
    %dma_start3A_56 = arith.constant 0 : i32
    %dma_start3A_57 = tpu.memref_slice %arg9[%dma_start3A_55, %dma_start3A_56] : memref<125x80xi32, #tpu.memory_space<vmem>> -> memref<1x80xi32, #tpu.memory_space<vmem>>
    %dma_start3A_58 = tpu.memref_squeeze %dma_start3A_57 : memref<1x80xi32, #tpu.memory_space<vmem>> -> memref<80xi32, #tpu.memory_space<vmem>>
    %dma_start3A_59 = arith.constant 0 : i32
    %dma_start3A_60 = arith.constant 0 : i32
    %dma_start3A_61 = tpu.memref_slice %arg4[%dma_start3A_59, %dma_start3A_60] : memref<10000x16xf32, #tpu.memory_space<hbm>> -> memref<10000x16xf32, #tpu.memory_space<hbm>>
    tpu.enqueue_indirect_dma source(%dma_start3A_61 : memref<10000x16xf32, #tpu.memory_space<hbm>>) target(%arg18 : memref<80x16xf32, #tpu.memory_space<vmem>>) offsets(%dma_start3A_58 : memref<80xi32, #tpu.memory_space<vmem>>) semaphore(%arg36 : memref<!tpu.dma_semaphore, #tpu.memory_space<semaphore_mem>>)
    %dma_start3A_62 = arith.constant 1 : i32
    %dma_start3A_63 = arith.constant 0 : i32
    %dma_start3A_64 = tpu.memref_slice %arg8[%dma_start3A_62, %dma_start3A_63] : memref<125x80xi32, #tpu.memory_space<vmem>> -> memref<1x80xi32, #tpu.memory_space<vmem>>
    %dma_start3A_65 = tpu.memref_squeeze %dma_start3A_64 : memref<1x80xi32, #tpu.memory_space<vmem>> -> memref<80xi32, #tpu.memory_space<vmem>>
    %dma_start3A_66 = arith.constant 0 : i32
    %dma_start3A_67 = arith.constant 0 : i32
    %dma_start3A_68 = tpu.memref_slice %arg2[%dma_start3A_66, %dma_start3A_67] : memref<10000x64xbf16, #tpu.memory_space<hbm>> -> memref<10000x64xbf16, #tpu.memory_space<hbm>>
    tpu.enqueue_indirect_dma source(%dma_start3A_68 : memref<10000x64xbf16, #tpu.memory_space<hbm>>) target(%arg11 : memref<80x64xbf16, #tpu.memory_space<vmem>>) offsets(%dma_start3A_65 : memref<80xi32, #tpu.memory_space<vmem>>) semaphore(%arg29 : memref<!tpu.dma_semaphore, #tpu.memory_space<semaphore_mem>>)
    %dma_start3A_69 = arith.constant 1 : i32
    %dma_start3A_70 = arith.constant 0 : i32
    %dma_start3A_71 = tpu.memref_slice %arg8[%dma_start3A_69, %dma_start3A_70] : memref<125x80xi32, #tpu.memory_space<vmem>> -> memref<1x80xi32, #tpu.memory_space<vmem>>
    %dma_start3A_72 = tpu.memref_squeeze %dma_start3A_71 : memref<1x80xi32, #tpu.memory_space<vmem>> -> memref<80xi32, #tpu.memory_space<vmem>>
    %dma_start3A_73 = arith.constant 0 : i32
    %dma_start3A_74 = arith.constant 0 : i32
    %dma_start3A_75 = tpu.memref_slice %arg3[%dma_start3A_73, %dma_start3A_74] : memref<10000x16xf32, #tpu.memory_space<hbm>> -> memref<10000x16xf32, #tpu.memory_space<hbm>>
    tpu.enqueue_indirect_dma source(%dma_start3A_75 : memref<10000x16xf32, #tpu.memory_space<hbm>>) target(%arg15 : memref<80x16xf32, #tpu.memory_space<vmem>>) offsets(%dma_start3A_72 : memref<80xi32, #tpu.memory_space<vmem>>) semaphore(%arg33 : memref<!tpu.dma_semaphore, #tpu.memory_space<semaphore_mem>>)
    %dma_start3A_76 = arith.constant 1 : i32
    %dma_start3A_77 = arith.constant 0 : i32
    %dma_start3A_78 = tpu.memref_slice %arg9[%dma_start3A_76, %dma_start3A_77] : memref<125x80xi32, #tpu.memory_space<vmem>> -> memref<1x80xi32, #tpu.memory_space<vmem>>
    %dma_start3A_79 = tpu.memref_squeeze %dma_start3A_78 : memref<1x80xi32, #tpu.memory_space<vmem>> -> memref<80xi32, #tpu.memory_space<vmem>>
    %dma_start3A_80 = arith.constant 0 : i32
    %dma_start3A_81 = arith.constant 0 : i32
    %dma_start3A_82 = tpu.memref_slice %arg4[%dma_start3A_80, %dma_start3A_81] : memref<10000x16xf32, #tpu.memory_space<hbm>> -> memref<10000x16xf32, #tpu.memory_space<hbm>>
    tpu.enqueue_indirect_dma source(%dma_start3A_82 : memref<10000x16xf32, #tpu.memory_space<hbm>>) target(%arg19 : memref<80x16xf32, #tpu.memory_space<vmem>>) offsets(%dma_start3A_79 : memref<80xi32, #tpu.memory_space<vmem>>) semaphore(%arg37 : memref<!tpu.dma_semaphore, #tpu.memory_space<semaphore_mem>>)
    %dma_start3A_83 = arith.constant 2 : i32
    %dma_start3A_84 = arith.constant 0 : i32
    %dma_start3A_85 = tpu.memref_slice %arg8[%dma_start3A_83, %dma_start3A_84] : memref<125x80xi32, #tpu.memory_space<vmem>> -> memref<1x80xi32, #tpu.memory_space<vmem>>
    %dma_start3A_86 = tpu.memref_squeeze %dma_start3A_85 : memref<1x80xi32, #tpu.memory_space<vmem>> -> memref<80xi32, #tpu.memory_space<vmem>>
    %dma_start3A_87 = arith.constant 0 : i32
    %dma_start3A_88 = arith.constant 0 : i32
    %dma_start3A_89 = tpu.memref_slice %arg2[%dma_start3A_87, %dma_start3A_88] : memref<10000x64xbf16, #tpu.memory_space<hbm>> -> memref<10000x64xbf16, #tpu.memory_space<hbm>>
    tpu.enqueue_indirect_dma source(%dma_start3A_89 : memref<10000x64xbf16, #tpu.memory_space<hbm>>) target(%arg12 : memref<80x64xbf16, #tpu.memory_space<vmem>>) offsets(%dma_start3A_86 : memref<80xi32, #tpu.memory_space<vmem>>) semaphore(%arg30 : memref<!tpu.dma_semaphore, #tpu.memory_space<semaphore_mem>>)
    %dma_start3A_90 = arith.constant 2 : i32
    %dma_start3A_91 = arith.constant 0 : i32
    %dma_start3A_92 = tpu.memref_slice %arg8[%dma_start3A_90, %dma_start3A_91] : memref<125x80xi32, #tpu.memory_space<vmem>> -> memref<1x80xi32, #tpu.memory_space<vmem>>
    %dma_start3A_93 = tpu.memref_squeeze %dma_start3A_92 : memref<1x80xi32, #tpu.memory_space<vmem>> -> memref<80xi32, #tpu.memory_space<vmem>>
    %dma_start3A_94 = arith.constant 0 : i32
    %dma_start3A_95 = arith.constant 0 : i32
    %dma_start3A_96 = tpu.memref_slice %arg3[%dma_start3A_94, %dma_start3A_95] : memref<10000x16xf32, #tpu.memory_space<hbm>> -> memref<10000x16xf32, #tpu.memory_space<hbm>>
    tpu.enqueue_indirect_dma source(%dma_start3A_96 : memref<10000x16xf32, #tpu.memory_space<hbm>>) target(%arg16 : memref<80x16xf32, #tpu.memory_space<vmem>>) offsets(%dma_start3A_93 : memref<80xi32, #tpu.memory_space<vmem>>) semaphore(%arg34 : memref<!tpu.dma_semaphore, #tpu.memory_space<semaphore_mem>>)
    %dma_start3A_97 = arith.constant 2 : i32
    %dma_start3A_98 = arith.constant 0 : i32
    %dma_start3A_99 = tpu.memref_slice %arg9[%dma_start3A_97, %dma_start3A_98] : memref<125x80xi32, #tpu.memory_space<vmem>> -> memref<1x80xi32, #tpu.memory_space<vmem>>
    %dma_start3A_100 = tpu.memref_squeeze %dma_start3A_99 : memref<1x80xi32, #tpu.memory_space<vmem>> -> memref<80xi32, #tpu.memory_space<vmem>>
    %dma_start3A_101 = arith.constant 0 : i32
    %dma_start3A_102 = arith.constant 0 : i32
    %dma_start3A_103 = tpu.memref_slice %arg4[%dma_start3A_101, %dma_start3A_102] : memref<10000x16xf32, #tpu.memory_space<hbm>> -> memref<10000x16xf32, #tpu.memory_space<hbm>>
    tpu.enqueue_indirect_dma source(%dma_start3A_103 : memref<10000x16xf32, #tpu.memory_space<hbm>>) target(%arg20 : memref<80x16xf32, #tpu.memory_space<vmem>>) offsets(%dma_start3A_100 : memref<80xi32, #tpu.memory_space<vmem>>) semaphore(%arg38 : memref<!tpu.dma_semaphore, #tpu.memory_space<semaphore_mem>>)
    %scan3A_104 = arith.constant 0 : i32
    %scan3A_105 = arith.constant 0 : i32
    %scan3A_106 = arith.constant 32 : i32
    %scan3A_107 = arith.addi %scan3A_105, %scan3A_106 : i32
    %scan3A_108 = arith.constant 1 : i32
    scf.for %scan3A_158 = %scan3A_105 to %scan3A_107 step %scan3A_108  : i32 {
      %mul3A_159 = arith.constant 4 : i32
      %mul3A_160 = arith.muli %mul3A_159, %scan3A_158 : i32
      %add3A_161 = arith.constant 0 : i32
      %add3A_162 = arith.addi %mul3A_160, %add3A_161 : i32
      %lt3A_163 = arith.constant 125 : i32
      %lt3A_164 = arith.cmpi slt, %add3A_162, %lt3A_163 : i32
      %convert_element_type3A = arith.extui %lt3A_164 : i1 to i32
      %cond3A = arith.constant 0 : i32
      %cond3A_165 = arith.cmpi ne, %convert_element_type3A, %cond3A : i32
      scf.if %cond3A_165 {
        %add3A_193 = arith.constant 3 : i32
        %add3A_194 = arith.addi %add3A_162, %add3A_193 : i32
        %lt3A_195 = arith.constant 125 : i32
        %lt3A_196 = arith.cmpi slt, %add3A_194, %lt3A_195 : i32
        %convert_element_type3A_197 = arith.extui %lt3A_196 : i1 to i32
        %cond3A_198 = arith.constant 0 : i32
        %cond3A_199 = arith.cmpi ne, %convert_element_type3A_197, %cond3A_198 : i32
        scf.if %cond3A_199 {
          %add3A_231 = arith.constant 3 : i32
          %add3A_232 = arith.addi %add3A_162, %add3A_231 : i32
          %dma_start3A_233 = arith.constant 0 : i32
          %dma_start3A_234 = tpu.memref_slice %arg8[%add3A_232, %dma_start3A_233] : memref<125x80xi32, #tpu.memory_space<vmem>> -> memref<1x80xi32, #tpu.memory_space<vmem>>
          %dma_start3A_235 = tpu.memref_squeeze %dma_start3A_234 : memref<1x80xi32, #tpu.memory_space<vmem>> -> memref<80xi32, #tpu.memory_space<vmem>>
          %dma_start3A_236 = arith.constant 0 : i32
          %dma_start3A_237 = arith.constant 0 : i32
          %dma_start3A_238 = tpu.memref_slice %arg2[%dma_start3A_236, %dma_start3A_237] : memref<10000x64xbf16, #tpu.memory_space<hbm>> -> memref<10000x64xbf16, #tpu.memory_space<hbm>>
          tpu.enqueue_indirect_dma source(%dma_start3A_238 : memref<10000x64xbf16, #tpu.memory_space<hbm>>) target(%arg13 : memref<80x64xbf16, #tpu.memory_space<vmem>>) offsets(%dma_start3A_235 : memref<80xi32, #tpu.memory_space<vmem>>) semaphore(%arg31 : memref<!tpu.dma_semaphore, #tpu.memory_space<semaphore_mem>>)
          %dma_start3A_239 = arith.constant 0 : i32
          %dma_start3A_240 = tpu.memref_slice %arg8[%add3A_232, %dma_start3A_239] : memref<125x80xi32, #tpu.memory_space<vmem>> -> memref<1x80xi32, #tpu.memory_space<vmem>>
          %dma_start3A_241 = tpu.memref_squeeze %dma_start3A_240 : memref<1x80xi32, #tpu.memory_space<vmem>> -> memref<80xi32, #tpu.memory_space<vmem>>
          %dma_start3A_242 = arith.constant 0 : i32
          %dma_start3A_243 = arith.constant 0 : i32
          %dma_start3A_244 = tpu.memref_slice %arg3[%dma_start3A_242, %dma_start3A_243] : memref<10000x16xf32, #tpu.memory_space<hbm>> -> memref<10000x16xf32, #tpu.memory_space<hbm>>
          tpu.enqueue_indirect_dma source(%dma_start3A_244 : memref<10000x16xf32, #tpu.memory_space<hbm>>) target(%arg17 : memref<80x16xf32, #tpu.memory_space<vmem>>) offsets(%dma_start3A_241 : memref<80xi32, #tpu.memory_space<vmem>>) semaphore(%arg35 : memref<!tpu.dma_semaphore, #tpu.memory_space<semaphore_mem>>)
          %dma_start3A_245 = arith.constant 0 : i32
          %dma_start3A_246 = tpu.memref_slice %arg9[%add3A_232, %dma_start3A_245] : memref<125x80xi32, #tpu.memory_space<vmem>> -> memref<1x80xi32, #tpu.memory_space<vmem>>
          %dma_start3A_247 = tpu.memref_squeeze %dma_start3A_246 : memref<1x80xi32, #tpu.memory_space<vmem>> -> memref<80xi32, #tpu.memory_space<vmem>>
          %dma_start3A_248 = arith.constant 0 : i32
          %dma_start3A_249 = arith.constant 0 : i32
          %dma_start3A_250 = tpu.memref_slice %arg4[%dma_start3A_248, %dma_start3A_249] : memref<10000x16xf32, #tpu.memory_space<hbm>> -> memref<10000x16xf32, #tpu.memory_space<hbm>>
          tpu.enqueue_indirect_dma source(%dma_start3A_250 : memref<10000x16xf32, #tpu.memory_space<hbm>>) target(%arg21 : memref<80x16xf32, #tpu.memory_space<vmem>>) offsets(%dma_start3A_247 : memref<80xi32, #tpu.memory_space<vmem>>) semaphore(%arg39 : memref<!tpu.dma_semaphore, #tpu.memory_space<semaphore_mem>>)
        } else {
        }
        %dma_wait3A_200 = arith.constant 0 : i32
        %dma_wait3A_201 = tpu.memref_slice %arg8[%add3A_162, %dma_wait3A_200] : memref<125x80xi32, #tpu.memory_space<vmem>> -> memref<1x80xi32, #tpu.memory_space<vmem>>
        %dma_wait3A_202 = tpu.memref_squeeze %dma_wait3A_201 : memref<1x80xi32, #tpu.memory_space<vmem>> -> memref<80xi32, #tpu.memory_space<vmem>>
        %dma_wait3A_203 = arith.constant 0 : i32
        %dma_wait3A_204 = arith.constant 0 : i32
        %dma_wait3A_205 = tpu.memref_slice %arg2[%dma_wait3A_203, %dma_wait3A_204] : memref<10000x64xbf16, #tpu.memory_space<hbm>> -> memref<10000x64xbf16, #tpu.memory_space<hbm>>
        tpu.wait_indirect_dma semaphore(%arg28 : memref<!tpu.dma_semaphore, #tpu.memory_space<semaphore_mem>>) src(%dma_wait3A_205 : memref<10000x64xbf16, #tpu.memory_space<hbm>>) dst(%arg10 : memref<80x64xbf16, #tpu.memory_space<vmem>>)
        %dma_wait3A_206 = arith.constant 0 : i32
        %dma_wait3A_207 = tpu.memref_slice %arg8[%add3A_162, %dma_wait3A_206] : memref<125x80xi32, #tpu.memory_space<vmem>> -> memref<1x80xi32, #tpu.memory_space<vmem>>
        %dma_wait3A_208 = tpu.memref_squeeze %dma_wait3A_207 : memref<1x80xi32, #tpu.memory_space<vmem>> -> memref<80xi32, #tpu.memory_space<vmem>>
        %dma_wait3A_209 = arith.constant 0 : i32
        %dma_wait3A_210 = arith.constant 0 : i32
        %dma_wait3A_211 = tpu.memref_slice %arg3[%dma_wait3A_209, %dma_wait3A_210] : memref<10000x16xf32, #tpu.memory_space<hbm>> -> memref<10000x16xf32, #tpu.memory_space<hbm>>
        tpu.wait_indirect_dma semaphore(%arg32 : memref<!tpu.dma_semaphore, #tpu.memory_space<semaphore_mem>>) src(%dma_wait3A_211 : memref<10000x16xf32, #tpu.memory_space<hbm>>) dst(%arg14 : memref<80x16xf32, #tpu.memory_space<vmem>>)
        %dma_wait3A_212 = arith.constant 0 : i32
        %dma_wait3A_213 = tpu.memref_slice %arg9[%add3A_162, %dma_wait3A_212] : memref<125x80xi32, #tpu.memory_space<vmem>> -> memref<1x80xi32, #tpu.memory_space<vmem>>
        %dma_wait3A_214 = tpu.memref_squeeze %dma_wait3A_213 : memref<1x80xi32, #tpu.memory_space<vmem>> -> memref<80xi32, #tpu.memory_space<vmem>>
        %dma_wait3A_215 = arith.constant 0 : i32
        %dma_wait3A_216 = arith.constant 0 : i32
        %dma_wait3A_217 = tpu.memref_slice %arg4[%dma_wait3A_215, %dma_wait3A_216] : memref<10000x16xf32, #tpu.memory_space<hbm>> -> memref<10000x16xf32, #tpu.memory_space<hbm>>
        tpu.wait_indirect_dma semaphore(%arg36 : memref<!tpu.dma_semaphore, #tpu.memory_space<semaphore_mem>>) src(%dma_wait3A_217 : memref<10000x16xf32, #tpu.memory_space<hbm>>) dst(%arg18 : memref<80x16xf32, #tpu.memory_space<vmem>>)
        %ge3A_218 = arith.constant 4 : i32
        %ge3A_219 = arith.cmpi sge, %add3A_162, %ge3A_218 : i32
        %convert_element_type3A_220 = arith.extui %ge3A_219 : i1 to i32
        %cond3A_221 = arith.constant 0 : i32
        %cond3A_222 = arith.cmpi ne, %convert_element_type3A_220, %cond3A_221 : i32
        scf.if %cond3A_222 {
          %dma_wait3A_231 = arith.constant 0 : i32
          %dma_wait3A_232 = tpu.memref_slice %arg9[%add3A_162, %dma_wait3A_231] : memref<125x80xi32, #tpu.memory_space<vmem>> -> memref<1x80xi32, #tpu.memory_space<vmem>>
          %dma_wait3A_233 = tpu.memref_squeeze %dma_wait3A_232 : memref<1x80xi32, #tpu.memory_space<vmem>> -> memref<80xi32, #tpu.memory_space<vmem>>
          %dma_wait3A_234 = arith.constant 0 : i32
          %dma_wait3A_235 = arith.constant 0 : i32
          %dma_wait3A_236 = tpu.memref_slice %arg27[%dma_wait3A_234, %dma_wait3A_235] : memref<10000x80xf32, #tpu.memory_space<vmem_shared>> -> memref<10000x80xf32, #tpu.memory_space<vmem_shared>>
          tpu.wait_indirect_dma semaphore(%arg40 : memref<!tpu.dma_semaphore, #tpu.memory_space<semaphore_mem>>) src(%arg22 : memref<80x80xf32, #tpu.memory_space<vmem>>) dst(%dma_wait3A_236 : memref<10000x80xf32, #tpu.memory_space<vmem_shared>>)
        } else {
        }
        %parallel_loop3A = arith.constant 0 : i32
        %parallel_loop3A_223 = arith.constant 80 : i32
        %parallel_loop3A_224 = arith.constant 1 : i32
        scf.for %parallel_loop3A_231 = %parallel_loop3A to %parallel_loop3A_223 step %parallel_loop3A_224  : i32 {
          %parallel_loop3A_232 = arith.index_cast %parallel_loop3A_231 : i32 to index
          %parallel_loop3A_233 = arith.constant 0 : index
          %parallel_loop3A_234 = tpu.vector_load %arg14[%parallel_loop3A_232, %parallel_loop3A_233] {strides = array<i32>} : memref<80x16xf32, #tpu.memory_space<vmem>>, vector<16xf32>,
          %parallel_loop3A_235 = arith.index_cast %parallel_loop3A_231 : i32 to index
          %parallel_loop3A_236 = arith.constant 0 : index
          %parallel_loop3A_237 = tpu.vector_load %arg18[%parallel_loop3A_235, %parallel_loop3A_236] {strides = array<i32>} : memref<80x16xf32, #tpu.memory_space<vmem>>, vector<16xf32>,
          %parallel_loop3A_238 = vector.shape_cast %add3A_41 : vector<16xi32> to vector<16x1xi32>
          %parallel_loop3A_239 = vector.shape_cast %parallel_loop3A_238 : vector<16x1xi32> to vector<16xi32>
          %parallel_loop3A_240 = tpu.dynamic_gather %parallel_loop3A_237[%parallel_loop3A_239] in [0] : vector<16xf32>, vector<16xi32> -> vector<16xf32>
          %parallel_loop3A_241 = arith.addf %parallel_loop3A_234, %parallel_loop3A_237 : vector<16xf32>
          %parallel_loop3A_242 = arith.constant 0.000000e+00 : f32
          %parallel_loop3A_243 = vector.broadcast %parallel_loop3A_242 : f32 to vector<16xf32>
          %parallel_loop3A_244 = arith.cmpf oge, %parallel_loop3A_241, %parallel_loop3A_243 : vector<16xf32>
          %parallel_loop3A_245 = arith.constant 2.000000e-01 : f32
          %parallel_loop3A_246 = vector.broadcast %parallel_loop3A_245 : f32 to vector<16xf32>
          %parallel_loop3A_247 = arith.mulf %parallel_loop3A_246, %parallel_loop3A_241 : vector<16xf32>
          %parallel_loop3A_248 = arith.select %parallel_loop3A_244, %parallel_loop3A_241, %parallel_loop3A_247 : vector<16xi1>, vector<16xf32>
          %parallel_loop3A_249 = arith.subf %parallel_loop3A_248, %parallel_loop3A_240 : vector<16xf32>
          %parallel_loop3A_250 = math.exp %parallel_loop3A_249 : vector<16xf32>
          %parallel_loop3A_251 = arith.index_cast %parallel_loop3A_231 : i32 to index
          %parallel_loop3A_252 = arith.constant 0 : index
          %parallel_loop3A_253 = tpu.vector_load %arg10[%parallel_loop3A_251, %parallel_loop3A_252] {strides = array<i32>} : memref<80x64xbf16, #tpu.memory_space<vmem>>, vector<32xbf16>,
          %parallel_loop3A_254 = tpu.unpack_subelements %parallel_loop3A_253, 0 {pack_format = #tpu.pack_format<interleaved>} : vector<32xbf16> -> vector<16xf32>
          %parallel_loop3A_255 = tpu.unpack_subelements %parallel_loop3A_253, 1 {pack_format = #tpu.pack_format<interleaved>} : vector<32xbf16> -> vector<16xf32>
          %parallel_loop3A_256 = arith.index_cast %parallel_loop3A_231 : i32 to index
          %parallel_loop3A_257 = arith.constant 32 : index
          %parallel_loop3A_258 = tpu.vector_load %arg10[%parallel_loop3A_256, %parallel_loop3A_257] {strides = array<i32>} : memref<80x64xbf16, #tpu.memory_space<vmem>>, vector<32xbf16>,
          %parallel_loop3A_259 = tpu.unpack_subelements %parallel_loop3A_258, 0 {pack_format = #tpu.pack_format<interleaved>} : vector<32xbf16> -> vector<16xf32>
          %parallel_loop3A_260 = tpu.unpack_subelements %parallel_loop3A_258, 1 {pack_format = #tpu.pack_format<interleaved>} : vector<32xbf16> -> vector<16xf32>
          %parallel_loop3A_261 = arith.constant 0 : i32
          %parallel_loop3A_262 = vector.broadcast %parallel_loop3A_261 : i32 to vector<16xi32>
          %parallel_loop3A_263 = arith.addi %parallel_loop3A_262, %select_n3A : vector<16xi32>
          %parallel_loop3A_264 = vector.shape_cast %parallel_loop3A_263 : vector<16xi32> to vector<16x1xi32>
          %parallel_loop3A_265 = vector.shape_cast %parallel_loop3A_264 : vector<16x1xi32> to vector<16xi32>
          %parallel_loop3A_266 = tpu.dynamic_gather %parallel_loop3A_250[%parallel_loop3A_265] in [0] : vector<16xf32>, vector<16xi32> -> vector<16xf32>
          %parallel_loop3A_267 = arith.mulf %parallel_loop3A_254, %parallel_loop3A_266 : vector<16xf32>
          %parallel_loop3A_268 = arith.index_cast %parallel_loop3A_231 : i32 to index
          %parallel_loop3A_269 = arith.constant 0 : index
          %parallel_loop3A_270 = tpu.vector_load %arg22[%parallel_loop3A_268, %parallel_loop3A_269] {strides = array<i32>} : memref<80x80xf32, #tpu.memory_space<vmem>>, vector<16xf32>,
          tpu.vector_store %arg22[%parallel_loop3A_268, %parallel_loop3A_269], %parallel_loop3A_267 {strides = array<i32>} : memref<80x80xf32, #tpu.memory_space<vmem>>, vector<16xf32>,
          %parallel_loop3A_271 = arith.constant 2 : i32
          %parallel_loop3A_272 = vector.broadcast %parallel_loop3A_271 : i32 to vector<16xi32>
          %parallel_loop3A_273 = arith.addi %parallel_loop3A_272, %select_n3A : vector<16xi32>
          %parallel_loop3A_274 = vector.shape_cast %parallel_loop3A_273 : vector<16xi32> to vector<16x1xi32>
          %parallel_loop3A_275 = vector.shape_cast %parallel_loop3A_274 : vector<16x1xi32> to vector<16xi32>
          %parallel_loop3A_276 = tpu.dynamic_gather %parallel_loop3A_250[%parallel_loop3A_275] in [0] : vector<16xf32>, vector<16xi32> -> vector<16xf32>
          %parallel_loop3A_277 = arith.mulf %parallel_loop3A_255, %parallel_loop3A_276 : vector<16xf32>
          %parallel_loop3A_278 = arith.index_cast %parallel_loop3A_231 : i32 to index
          %parallel_loop3A_279 = arith.constant 16 : index
          %parallel_loop3A_280 = tpu.vector_load %arg22[%parallel_loop3A_278, %parallel_loop3A_279] {strides = array<i32>} : memref<80x80xf32, #tpu.memory_space<vmem>>, vector<16xf32>,
          tpu.vector_store %arg22[%parallel_loop3A_278, %parallel_loop3A_279], %parallel_loop3A_277 {strides = array<i32>} : memref<80x80xf32, #tpu.memory_space<vmem>>, vector<16xf32>,
          %parallel_loop3A_281 = arith.constant 4 : i32
          %parallel_loop3A_282 = vector.broadcast %parallel_loop3A_281 : i32 to vector<16xi32>
          %parallel_loop3A_283 = arith.addi %parallel_loop3A_282, %select_n3A : vector<16xi32>
          %parallel_loop3A_284 = vector.shape_cast %parallel_loop3A_283 : vector<16xi32> to vector<16x1xi32>
          %parallel_loop3A_285 = vector.shape_cast %parallel_loop3A_284 : vector<16x1xi32> to vector<16xi32>
          %parallel_loop3A_286 = tpu.dynamic_gather %parallel_loop3A_250[%parallel_loop3A_285] in [0] : vector<16xf32>, vector<16xi32> -> vector<16xf32>
          %parallel_loop3A_287 = arith.mulf %parallel_loop3A_259, %parallel_loop3A_286 : vector<16xf32>
          %parallel_loop3A_288 = arith.index_cast %parallel_loop3A_231 : i32 to index
          %parallel_loop3A_289 = arith.constant 32 : index
          %parallel_loop3A_290 = tpu.vector_load %arg22[%parallel_loop3A_288, %parallel_loop3A_289] {strides = array<i32>} : memref<80x80xf32, #tpu.memory_space<vmem>>, vector<16xf32>,
          tpu.vector_store %arg22[%parallel_loop3A_288, %parallel_loop3A_289], %parallel_loop3A_287 {strides = array<i32>} : memref<80x80xf32, #tpu.memory_space<vmem>>, vector<16xf32>,
          %parallel_loop3A_291 = arith.constant 6 : i32
          %parallel_loop3A_292 = vector.broadcast %parallel_loop3A_291 : i32 to vector<16xi32>
          %parallel_loop3A_293 = arith.addi %parallel_loop3A_292, %select_n3A : vector<16xi32>
          %parallel_loop3A_294 = vector.shape_cast %parallel_loop3A_293 : vector<16xi32> to vector<16x1xi32>
          %parallel_loop3A_295 = vector.shape_cast %parallel_loop3A_294 : vector<16x1xi32> to vector<16xi32>
          %parallel_loop3A_296 = tpu.dynamic_gather %parallel_loop3A_250[%parallel_loop3A_295] in [0] : vector<16xf32>, vector<16xi32> -> vector<16xf32>
          %parallel_loop3A_297 = arith.mulf %parallel_loop3A_260, %parallel_loop3A_296 : vector<16xf32>
          %parallel_loop3A_298 = arith.index_cast %parallel_loop3A_231 : i32 to index
          %parallel_loop3A_299 = arith.constant 48 : index
          %parallel_loop3A_300 = tpu.vector_load %arg22[%parallel_loop3A_298, %parallel_loop3A_299] {strides = array<i32>} : memref<80x80xf32, #tpu.memory_space<vmem>>, vector<16xf32>,
          tpu.vector_store %arg22[%parallel_loop3A_298, %parallel_loop3A_299], %parallel_loop3A_297 {strides = array<i32>} : memref<80x80xf32, #tpu.memory_space<vmem>>, vector<16xf32>,
          %parallel_loop3A_301 = arith.index_cast %parallel_loop3A_231 : i32 to index
          %parallel_loop3A_302 = arith.constant 64 : index
          %parallel_loop3A_303 = tpu.vector_load %arg22[%parallel_loop3A_301, %parallel_loop3A_302] {strides = array<i32>} : memref<80x80xf32, #tpu.memory_space<vmem>>, vector<16xf32>,
          tpu.vector_store %arg22[%parallel_loop3A_301, %parallel_loop3A_302], %parallel_loop3A_250 {strides = array<i32>} : memref<80x80xf32, #tpu.memory_space<vmem>>, vector<16xf32>,
        } {sc.loop_unroll_factor = 4 : i64, sc.parallel_access}
        %dma_start3A_225 = arith.constant 0 : i32
        %dma_start3A_226 = tpu.memref_slice %arg9[%add3A_162, %dma_start3A_225] : memref<125x80xi32, #tpu.memory_space<vmem>> -> memref<1x80xi32, #tpu.memory_space<vmem>>
        %dma_start3A_227 = tpu.memref_squeeze %dma_start3A_226 : memref<1x80xi32, #tpu.memory_space<vmem>> -> memref<80xi32, #tpu.memory_space<vmem>>
        %dma_start3A_228 = arith.constant 0 : i32
        %dma_start3A_229 = arith.constant 0 : i32
        %dma_start3A_230 = tpu.memref_slice %arg27[%dma_start3A_228, %dma_start3A_229] : memref<10000x80xf32, #tpu.memory_space<vmem_shared>> -> memref<10000x80xf32, #tpu.memory_space<vmem_shared>>
        tpu.enqueue_indirect_dma source(%arg22 : memref<80x80xf32, #tpu.memory_space<vmem>>) target(%dma_start3A_230 : memref<10000x80xf32, #tpu.memory_space<vmem_shared>>) offsets(%dma_start3A_227 : memref<80xi32, #tpu.memory_space<vmem>>) semaphore(%arg40 : memref<!tpu.dma_semaphore, #tpu.memory_space<semaphore_mem>>) {add = true}
      } else {
      }
      %mul3A_166 = arith.constant 4 : i32
      %mul3A_167 = arith.muli %mul3A_166, %scan3A_158 : i32
      %add3A_168 = arith.constant 1 : i32
      %add3A_169 = arith.addi %mul3A_167, %add3A_168 : i32
      %lt3A_170 = arith.constant 125 : i32
      %lt3A_171 = arith.cmpi slt, %add3A_169, %lt3A_170 : i32
      %convert_element_type3A_172 = arith.extui %lt3A_171 : i1 to i32
      %cond3A_173 = arith.constant 0 : i32
      %cond3A_174 = arith.cmpi ne, %convert_element_type3A_172, %cond3A_173 : i32
      scf.if %cond3A_174 {
        %add3A_193 = arith.constant 3 : i32
        %add3A_194 = arith.addi %add3A_169, %add3A_193 : i32
        %lt3A_195 = arith.constant 125 : i32
        %lt3A_196 = arith.cmpi slt, %add3A_194, %lt3A_195 : i32
        %convert_element_type3A_197 = arith.extui %lt3A_196 : i1 to i32
        %cond3A_198 = arith.constant 0 : i32
        %cond3A_199 = arith.cmpi ne, %convert_element_type3A_197, %cond3A_198 : i32
        scf.if %cond3A_199 {
          %add3A_231 = arith.constant 3 : i32
          %add3A_232 = arith.addi %add3A_169, %add3A_231 : i32
          %dma_start3A_233 = arith.constant 0 : i32
          %dma_start3A_234 = tpu.memref_slice %arg8[%add3A_232, %dma_start3A_233] : memref<125x80xi32, #tpu.memory_space<vmem>> -> memref<1x80xi32, #tpu.memory_space<vmem>>
          %dma_start3A_235 = tpu.memref_squeeze %dma_start3A_234 : memref<1x80xi32, #tpu.memory_space<vmem>> -> memref<80xi32, #tpu.memory_space<vmem>>
          %dma_start3A_236 = arith.constant 0 : i32
          %dma_start3A_237 = arith.constant 0 : i32
          %dma_start3A_238 = tpu.memref_slice %arg2[%dma_start3A_236, %dma_start3A_237] : memref<10000x64xbf16, #tpu.memory_space<hbm>> -> memref<10000x64xbf16, #tpu.memory_space<hbm>>
          tpu.enqueue_indirect_dma source(%dma_start3A_238 : memref<10000x64xbf16, #tpu.memory_space<hbm>>) target(%arg10 : memref<80x64xbf16, #tpu.memory_space<vmem>>) offsets(%dma_start3A_235 : memref<80xi32, #tpu.memory_space<vmem>>) semaphore(%arg28 : memref<!tpu.dma_semaphore, #tpu.memory_space<semaphore_mem>>)
          %dma_start3A_239 = arith.constant 0 : i32
          %dma_start3A_240 = tpu.memref_slice %arg8[%add3A_232, %dma_start3A_239] : memref<125x80xi32, #tpu.memory_space<vmem>> -> memref<1x80xi32, #tpu.memory_space<vmem>>
          %dma_start3A_241 = tpu.memref_squeeze %dma_start3A_240 : memref<1x80xi32, #tpu.memory_space<vmem>> -> memref<80xi32, #tpu.memory_space<vmem>>
          %dma_start3A_242 = arith.constant 0 : i32
          %dma_start3A_243 = arith.constant 0 : i32
          %dma_start3A_244 = tpu.memref_slice %arg3[%dma_start3A_242, %dma_start3A_243] : memref<10000x16xf32, #tpu.memory_space<hbm>> -> memref<10000x16xf32, #tpu.memory_space<hbm>>
          tpu.enqueue_indirect_dma source(%dma_start3A_244 : memref<10000x16xf32, #tpu.memory_space<hbm>>) target(%arg14 : memref<80x16xf32, #tpu.memory_space<vmem>>) offsets(%dma_start3A_241 : memref<80xi32, #tpu.memory_space<vmem>>) semaphore(%arg32 : memref<!tpu.dma_semaphore, #tpu.memory_space<semaphore_mem>>)
          %dma_start3A_245 = arith.constant 0 : i32
          %dma_start3A_246 = tpu.memref_slice %arg9[%add3A_232, %dma_start3A_245] : memref<125x80xi32, #tpu.memory_space<vmem>> -> memref<1x80xi32, #tpu.memory_space<vmem>>
          %dma_start3A_247 = tpu.memref_squeeze %dma_start3A_246 : memref<1x80xi32, #tpu.memory_space<vmem>> -> memref<80xi32, #tpu.memory_space<vmem>>
          %dma_start3A_248 = arith.constant 0 : i32
          %dma_start3A_249 = arith.constant 0 : i32
          %dma_start3A_250 = tpu.memref_slice %arg4[%dma_start3A_248, %dma_start3A_249] : memref<10000x16xf32, #tpu.memory_space<hbm>> -> memref<10000x16xf32, #tpu.memory_space<hbm>>
          tpu.enqueue_indirect_dma source(%dma_start3A_250 : memref<10000x16xf32, #tpu.memory_space<hbm>>) target(%arg18 : memref<80x16xf32, #tpu.memory_space<vmem>>) offsets(%dma_start3A_247 : memref<80xi32, #tpu.memory_space<vmem>>) semaphore(%arg36 : memref<!tpu.dma_semaphore, #tpu.memory_space<semaphore_mem>>)
        } else {
        }
        %dma_wait3A_200 = arith.constant 0 : i32
        %dma_wait3A_201 = tpu.memref_slice %arg8[%add3A_169, %dma_wait3A_200] : memref<125x80xi32, #tpu.memory_space<vmem>> -> memref<1x80xi32, #tpu.memory_space<vmem>>
        %dma_wait3A_202 = tpu.memref_squeeze %dma_wait3A_201 : memref<1x80xi32, #tpu.memory_space<vmem>> -> memref<80xi32, #tpu.memory_space<vmem>>
        %dma_wait3A_203 = arith.constant 0 : i32
        %dma_wait3A_204 = arith.constant 0 : i32
        %dma_wait3A_205 = tpu.memref_slice %arg2[%dma_wait3A_203, %dma_wait3A_204] : memref<10000x64xbf16, #tpu.memory_space<hbm>> -> memref<10000x64xbf16, #tpu.memory_space<hbm>>
        tpu.wait_indirect_dma semaphore(%arg29 : memref<!tpu.dma_semaphore, #tpu.memory_space<semaphore_mem>>) src(%dma_wait3A_205 : memref<10000x64xbf16, #tpu.memory_space<hbm>>) dst(%arg11 : memref<80x64xbf16, #tpu.memory_space<vmem>>)
        %dma_wait3A_206 = arith.constant 0 : i32
        %dma_wait3A_207 = tpu.memref_slice %arg8[%add3A_169, %dma_wait3A_206] : memref<125x80xi32, #tpu.memory_space<vmem>> -> memref<1x80xi32, #tpu.memory_space<vmem>>
        %dma_wait3A_208 = tpu.memref_squeeze %dma_wait3A_207 : memref<1x80xi32, #tpu.memory_space<vmem>> -> memref<80xi32, #tpu.memory_space<vmem>>
        %dma_wait3A_209 = arith.constant 0 : i32
        %dma_wait3A_210 = arith.constant 0 : i32
        %dma_wait3A_211 = tpu.memref_slice %arg3[%dma_wait3A_209, %dma_wait3A_210] : memref<10000x16xf32, #tpu.memory_space<hbm>> -> memref<10000x16xf32, #tpu.memory_space<hbm>>
        tpu.wait_indirect_dma semaphore(%arg33 : memref<!tpu.dma_semaphore, #tpu.memory_space<semaphore_mem>>) src(%dma_wait3A_211 : memref<10000x16xf32, #tpu.memory_space<hbm>>) dst(%arg15 : memref<80x16xf32, #tpu.memory_space<vmem>>)
        %dma_wait3A_212 = arith.constant 0 : i32
        %dma_wait3A_213 = tpu.memref_slice %arg9[%add3A_169, %dma_wait3A_212] : memref<125x80xi32, #tpu.memory_space<vmem>> -> memref<1x80xi32, #tpu.memory_space<vmem>>
        %dma_wait3A_214 = tpu.memref_squeeze %dma_wait3A_213 : memref<1x80xi32, #tpu.memory_space<vmem>> -> memref<80xi32, #tpu.memory_space<vmem>>
        %dma_wait3A_215 = arith.constant 0 : i32
        %dma_wait3A_216 = arith.constant 0 : i32
        %dma_wait3A_217 = tpu.memref_slice %arg4[%dma_wait3A_215, %dma_wait3A_216] : memref<10000x16xf32, #tpu.memory_space<hbm>> -> memref<10000x16xf32, #tpu.memory_space<hbm>>
        tpu.wait_indirect_dma semaphore(%arg37 : memref<!tpu.dma_semaphore, #tpu.memory_space<semaphore_mem>>) src(%dma_wait3A_217 : memref<10000x16xf32, #tpu.memory_space<hbm>>) dst(%arg19 : memref<80x16xf32, #tpu.memory_space<vmem>>)
        %ge3A_218 = arith.constant 4 : i32
        %ge3A_219 = arith.cmpi sge, %add3A_169, %ge3A_218 : i32
        %convert_element_type3A_220 = arith.extui %ge3A_219 : i1 to i32
        %cond3A_221 = arith.constant 0 : i32
        %cond3A_222 = arith.cmpi ne, %convert_element_type3A_220, %cond3A_221 : i32
        scf.if %cond3A_222 {
          %dma_wait3A_231 = arith.constant 0 : i32
          %dma_wait3A_232 = tpu.memref_slice %arg9[%add3A_169, %dma_wait3A_231] : memref<125x80xi32, #tpu.memory_space<vmem>> -> memref<1x80xi32, #tpu.memory_space<vmem>>
          %dma_wait3A_233 = tpu.memref_squeeze %dma_wait3A_232 : memref<1x80xi32, #tpu.memory_space<vmem>> -> memref<80xi32, #tpu.memory_space<vmem>>
          %dma_wait3A_234 = arith.constant 0 : i32
          %dma_wait3A_235 = arith.constant 0 : i32
          %dma_wait3A_236 = tpu.memref_slice %arg27[%dma_wait3A_234, %dma_wait3A_235] : memref<10000x80xf32, #tpu.memory_space<vmem_shared>> -> memref<10000x80xf32, #tpu.memory_space<vmem_shared>>
          tpu.wait_indirect_dma semaphore(%arg41 : memref<!tpu.dma_semaphore, #tpu.memory_space<semaphore_mem>>) src(%arg23 : memref<80x80xf32, #tpu.memory_space<vmem>>) dst(%dma_wait3A_236 : memref<10000x80xf32, #tpu.memory_space<vmem_shared>>)
        } else {
        }
        %parallel_loop3A = arith.constant 0 : i32
        %parallel_loop3A_223 = arith.constant 80 : i32
        %parallel_loop3A_224 = arith.constant 1 : i32
        scf.for %parallel_loop3A_231 = %parallel_loop3A to %parallel_loop3A_223 step %parallel_loop3A_224  : i32 {
          %parallel_loop3A_232 = arith.index_cast %parallel_loop3A_231 : i32 to index
          %parallel_loop3A_233 = arith.constant 0 : index
          %parallel_loop3A_234 = tpu.vector_load %arg15[%parallel_loop3A_232, %parallel_loop3A_233] {strides = array<i32>} : memref<80x16xf32, #tpu.memory_space<vmem>>, vector<16xf32>,
          %parallel_loop3A_235 = arith.index_cast %parallel_loop3A_231 : i32 to index
          %parallel_loop3A_236 = arith.constant 0 : index
          %parallel_loop3A_237 = tpu.vector_load %arg19[%parallel_loop3A_235, %parallel_loop3A_236] {strides = array<i32>} : memref<80x16xf32, #tpu.memory_space<vmem>>, vector<16xf32>,
          %parallel_loop3A_238 = vector.shape_cast %add3A_41 : vector<16xi32> to vector<16x1xi32>
          %parallel_loop3A_239 = vector.shape_cast %parallel_loop3A_238 : vector<16x1xi32> to vector<16xi32>
          %parallel_loop3A_240 = tpu.dynamic_gather %parallel_loop3A_237[%parallel_loop3A_239] in [0] : vector<16xf32>, vector<16xi32> -> vector<16xf32>
          %parallel_loop3A_241 = arith.addf %parallel_loop3A_234, %parallel_loop3A_237 : vector<16xf32>
          %parallel_loop3A_242 = arith.constant 0.000000e+00 : f32
          %parallel_loop3A_243 = vector.broadcast %parallel_loop3A_242 : f32 to vector<16xf32>
          %parallel_loop3A_244 = arith.cmpf oge, %parallel_loop3A_241, %parallel_loop3A_243 : vector<16xf32>
          %parallel_loop3A_245 = arith.constant 2.000000e-01 : f32
          %parallel_loop3A_246 = vector.broadcast %parallel_loop3A_245 : f32 to vector<16xf32>
          %parallel_loop3A_247 = arith.mulf %parallel_loop3A_246, %parallel_loop3A_241 : vector<16xf32>
          %parallel_loop3A_248 = arith.select %parallel_loop3A_244, %parallel_loop3A_241, %parallel_loop3A_247 : vector<16xi1>, vector<16xf32>
          %parallel_loop3A_249 = arith.subf %parallel_loop3A_248, %parallel_loop3A_240 : vector<16xf32>
          %parallel_loop3A_250 = math.exp %parallel_loop3A_249 : vector<16xf32>
          %parallel_loop3A_251 = arith.index_cast %parallel_loop3A_231 : i32 to index
          %parallel_loop3A_252 = arith.constant 0 : index
          %parallel_loop3A_253 = tpu.vector_load %arg11[%parallel_loop3A_251, %parallel_loop3A_252] {strides = array<i32>} : memref<80x64xbf16, #tpu.memory_space<vmem>>, vector<32xbf16>,
          %parallel_loop3A_254 = tpu.unpack_subelements %parallel_loop3A_253, 0 {pack_format = #tpu.pack_format<interleaved>} : vector<32xbf16> -> vector<16xf32>
          %parallel_loop3A_255 = tpu.unpack_subelements %parallel_loop3A_253, 1 {pack_format = #tpu.pack_format<interleaved>} : vector<32xbf16> -> vector<16xf32>
          %parallel_loop3A_256 = arith.index_cast %parallel_loop3A_231 : i32 to index
          %parallel_loop3A_257 = arith.constant 32 : index
          %parallel_loop3A_258 = tpu.vector_load %arg11[%parallel_loop3A_256, %parallel_loop3A_257] {strides = array<i32>} : memref<80x64xbf16, #tpu.memory_space<vmem>>, vector<32xbf16>,
          %parallel_loop3A_259 = tpu.unpack_subelements %parallel_loop3A_258, 0 {pack_format = #tpu.pack_format<interleaved>} : vector<32xbf16> -> vector<16xf32>
          %parallel_loop3A_260 = tpu.unpack_subelements %parallel_loop3A_258, 1 {pack_format = #tpu.pack_format<interleaved>} : vector<32xbf16> -> vector<16xf32>
          %parallel_loop3A_261 = arith.constant 0 : i32
          %parallel_loop3A_262 = vector.broadcast %parallel_loop3A_261 : i32 to vector<16xi32>
          %parallel_loop3A_263 = arith.addi %parallel_loop3A_262, %select_n3A : vector<16xi32>
          %parallel_loop3A_264 = vector.shape_cast %parallel_loop3A_263 : vector<16xi32> to vector<16x1xi32>
          %parallel_loop3A_265 = vector.shape_cast %parallel_loop3A_264 : vector<16x1xi32> to vector<16xi32>
          %parallel_loop3A_266 = tpu.dynamic_gather %parallel_loop3A_250[%parallel_loop3A_265] in [0] : vector<16xf32>, vector<16xi32> -> vector<16xf32>
          %parallel_loop3A_267 = arith.mulf %parallel_loop3A_254, %parallel_loop3A_266 : vector<16xf32>
          %parallel_loop3A_268 = arith.index_cast %parallel_loop3A_231 : i32 to index
          %parallel_loop3A_269 = arith.constant 0 : index
          %parallel_loop3A_270 = tpu.vector_load %arg23[%parallel_loop3A_268, %parallel_loop3A_269] {strides = array<i32>} : memref<80x80xf32, #tpu.memory_space<vmem>>, vector<16xf32>,
          tpu.vector_store %arg23[%parallel_loop3A_268, %parallel_loop3A_269], %parallel_loop3A_267 {strides = array<i32>} : memref<80x80xf32, #tpu.memory_space<vmem>>, vector<16xf32>,
          %parallel_loop3A_271 = arith.constant 2 : i32
          %parallel_loop3A_272 = vector.broadcast %parallel_loop3A_271 : i32 to vector<16xi32>
          %parallel_loop3A_273 = arith.addi %parallel_loop3A_272, %select_n3A : vector<16xi32>
          %parallel_loop3A_274 = vector.shape_cast %parallel_loop3A_273 : vector<16xi32> to vector<16x1xi32>
          %parallel_loop3A_275 = vector.shape_cast %parallel_loop3A_274 : vector<16x1xi32> to vector<16xi32>
          %parallel_loop3A_276 = tpu.dynamic_gather %parallel_loop3A_250[%parallel_loop3A_275] in [0] : vector<16xf32>, vector<16xi32> -> vector<16xf32>
          %parallel_loop3A_277 = arith.mulf %parallel_loop3A_255, %parallel_loop3A_276 : vector<16xf32>
          %parallel_loop3A_278 = arith.index_cast %parallel_loop3A_231 : i32 to index
          %parallel_loop3A_279 = arith.constant 16 : index
          %parallel_loop3A_280 = tpu.vector_load %arg23[%parallel_loop3A_278, %parallel_loop3A_279] {strides = array<i32>} : memref<80x80xf32, #tpu.memory_space<vmem>>, vector<16xf32>,
          tpu.vector_store %arg23[%parallel_loop3A_278, %parallel_loop3A_279], %parallel_loop3A_277 {strides = array<i32>} : memref<80x80xf32, #tpu.memory_space<vmem>>, vector<16xf32>,
          %parallel_loop3A_281 = arith.constant 4 : i32
          %parallel_loop3A_282 = vector.broadcast %parallel_loop3A_281 : i32 to vector<16xi32>
          %parallel_loop3A_283 = arith.addi %parallel_loop3A_282, %select_n3A : vector<16xi32>
          %parallel_loop3A_284 = vector.shape_cast %parallel_loop3A_283 : vector<16xi32> to vector<16x1xi32>
          %parallel_loop3A_285 = vector.shape_cast %parallel_loop3A_284 : vector<16x1xi32> to vector<16xi32>
          %parallel_loop3A_286 = tpu.dynamic_gather %parallel_loop3A_250[%parallel_loop3A_285] in [0] : vector<16xf32>, vector<16xi32> -> vector<16xf32>
          %parallel_loop3A_287 = arith.mulf %parallel_loop3A_259, %parallel_loop3A_286 : vector<16xf32>
          %parallel_loop3A_288 = arith.index_cast %parallel_loop3A_231 : i32 to index
          %parallel_loop3A_289 = arith.constant 32 : index
          %parallel_loop3A_290 = tpu.vector_load %arg23[%parallel_loop3A_288, %parallel_loop3A_289] {strides = array<i32>} : memref<80x80xf32, #tpu.memory_space<vmem>>, vector<16xf32>,
          tpu.vector_store %arg23[%parallel_loop3A_288, %parallel_loop3A_289], %parallel_loop3A_287 {strides = array<i32>} : memref<80x80xf32, #tpu.memory_space<vmem>>, vector<16xf32>,
          %parallel_loop3A_291 = arith.constant 6 : i32
          %parallel_loop3A_292 = vector.broadcast %parallel_loop3A_291 : i32 to vector<16xi32>
          %parallel_loop3A_293 = arith.addi %parallel_loop3A_292, %select_n3A : vector<16xi32>
          %parallel_loop3A_294 = vector.shape_cast %parallel_loop3A_293 : vector<16xi32> to vector<16x1xi32>
          %parallel_loop3A_295 = vector.shape_cast %parallel_loop3A_294 : vector<16x1xi32> to vector<16xi32>
          %parallel_loop3A_296 = tpu.dynamic_gather %parallel_loop3A_250[%parallel_loop3A_295] in [0] : vector<16xf32>, vector<16xi32> -> vector<16xf32>
          %parallel_loop3A_297 = arith.mulf %parallel_loop3A_260, %parallel_loop3A_296 : vector<16xf32>
          %parallel_loop3A_298 = arith.index_cast %parallel_loop3A_231 : i32 to index
          %parallel_loop3A_299 = arith.constant 48 : index
          %parallel_loop3A_300 = tpu.vector_load %arg23[%parallel_loop3A_298, %parallel_loop3A_299] {strides = array<i32>} : memref<80x80xf32, #tpu.memory_space<vmem>>, vector<16xf32>,
          tpu.vector_store %arg23[%parallel_loop3A_298, %parallel_loop3A_299], %parallel_loop3A_297 {strides = array<i32>} : memref<80x80xf32, #tpu.memory_space<vmem>>, vector<16xf32>,
          %parallel_loop3A_301 = arith.index_cast %parallel_loop3A_231 : i32 to index
          %parallel_loop3A_302 = arith.constant 64 : index
          %parallel_loop3A_303 = tpu.vector_load %arg23[%parallel_loop3A_301, %parallel_loop3A_302] {strides = array<i32>} : memref<80x80xf32, #tpu.memory_space<vmem>>, vector<16xf32>,
          tpu.vector_store %arg23[%parallel_loop3A_301, %parallel_loop3A_302], %parallel_loop3A_250 {strides = array<i32>} : memref<80x80xf32, #tpu.memory_space<vmem>>, vector<16xf32>,
        } {sc.loop_unroll_factor = 4 : i64, sc.parallel_access}
        %dma_start3A_225 = arith.constant 0 : i32
        %dma_start3A_226 = tpu.memref_slice %arg9[%add3A_169, %dma_start3A_225] : memref<125x80xi32, #tpu.memory_space<vmem>> -> memref<1x80xi32, #tpu.memory_space<vmem>>
        %dma_start3A_227 = tpu.memref_squeeze %dma_start3A_226 : memref<1x80xi32, #tpu.memory_space<vmem>> -> memref<80xi32, #tpu.memory_space<vmem>>
        %dma_start3A_228 = arith.constant 0 : i32
        %dma_start3A_229 = arith.constant 0 : i32
        %dma_start3A_230 = tpu.memref_slice %arg27[%dma_start3A_228, %dma_start3A_229] : memref<10000x80xf32, #tpu.memory_space<vmem_shared>> -> memref<10000x80xf32, #tpu.memory_space<vmem_shared>>
        tpu.enqueue_indirect_dma source(%arg23 : memref<80x80xf32, #tpu.memory_space<vmem>>) target(%dma_start3A_230 : memref<10000x80xf32, #tpu.memory_space<vmem_shared>>) offsets(%dma_start3A_227 : memref<80xi32, #tpu.memory_space<vmem>>) semaphore(%arg41 : memref<!tpu.dma_semaphore, #tpu.memory_space<semaphore_mem>>) {add = true}
      } else {
      }
      %mul3A_175 = arith.constant 4 : i32
      %mul3A_176 = arith.muli %mul3A_175, %scan3A_158 : i32
      %add3A_177 = arith.constant 2 : i32
      %add3A_178 = arith.addi %mul3A_176, %add3A_177 : i32
      %lt3A_179 = arith.constant 125 : i32
      %lt3A_180 = arith.cmpi slt, %add3A_178, %lt3A_179 : i32
      %convert_element_type3A_181 = arith.extui %lt3A_180 : i1 to i32
      %cond3A_182 = arith.constant 0 : i32
      %cond3A_183 = arith.cmpi ne, %convert_element_type3A_181, %cond3A_182 : i32
      scf.if %cond3A_183 {
        %add3A_193 = arith.constant 3 : i32
        %add3A_194 = arith.addi %add3A_178, %add3A_193 : i32
        %lt3A_195 = arith.constant 125 : i32
        %lt3A_196 = arith.cmpi slt, %add3A_194, %lt3A_195 : i32
        %convert_element_type3A_197 = arith.extui %lt3A_196 : i1 to i32
        %cond3A_198 = arith.constant 0 : i32
        %cond3A_199 = arith.cmpi ne, %convert_element_type3A_197, %cond3A_198 : i32
        scf.if %cond3A_199 {
          %add3A_231 = arith.constant 3 : i32
          %add3A_232 = arith.addi %add3A_178, %add3A_231 : i32
          %dma_start3A_233 = arith.constant 0 : i32
          %dma_start3A_234 = tpu.memref_slice %arg8[%add3A_232, %dma_start3A_233] : memref<125x80xi32, #tpu.memory_space<vmem>> -> memref<1x80xi32, #tpu.memory_space<vmem>>
          %dma_start3A_235 = tpu.memref_squeeze %dma_start3A_234 : memref<1x80xi32, #tpu.memory_space<vmem>> -> memref<80xi32, #tpu.memory_space<vmem>>
          %dma_start3A_236 = arith.constant 0 : i32
          %dma_start3A_237 = arith.constant 0 : i32
          %dma_start3A_238 = tpu.memref_slice %arg2[%dma_start3A_236, %dma_start3A_237] : memref<10000x64xbf16, #tpu.memory_space<hbm>> -> memref<10000x64xbf16, #tpu.memory_space<hbm>>
          tpu.enqueue_indirect_dma source(%dma_start3A_238 : memref<10000x64xbf16, #tpu.memory_space<hbm>>) target(%arg11 : memref<80x64xbf16, #tpu.memory_space<vmem>>) offsets(%dma_start3A_235 : memref<80xi32, #tpu.memory_space<vmem>>) semaphore(%arg29 : memref<!tpu.dma_semaphore, #tpu.memory_space<semaphore_mem>>)
          %dma_start3A_239 = arith.constant 0 : i32
          %dma_start3A_240 = tpu.memref_slice %arg8[%add3A_232, %dma_start3A_239] : memref<125x80xi32, #tpu.memory_space<vmem>> -> memref<1x80xi32, #tpu.memory_space<vmem>>
          %dma_start3A_241 = tpu.memref_squeeze %dma_start3A_240 : memref<1x80xi32, #tpu.memory_space<vmem>> -> memref<80xi32, #tpu.memory_space<vmem>>
          %dma_start3A_242 = arith.constant 0 : i32
          %dma_start3A_243 = arith.constant 0 : i32
          %dma_start3A_244 = tpu.memref_slice %arg3[%dma_start3A_242, %dma_start3A_243] : memref<10000x16xf32, #tpu.memory_space<hbm>> -> memref<10000x16xf32, #tpu.memory_space<hbm>>
          tpu.enqueue_indirect_dma source(%dma_start3A_244 : memref<10000x16xf32, #tpu.memory_space<hbm>>) target(%arg15 : memref<80x16xf32, #tpu.memory_space<vmem>>) offsets(%dma_start3A_241 : memref<80xi32, #tpu.memory_space<vmem>>) semaphore(%arg33 : memref<!tpu.dma_semaphore, #tpu.memory_space<semaphore_mem>>)
          %dma_start3A_245 = arith.constant 0 : i32
          %dma_start3A_246 = tpu.memref_slice %arg9[%add3A_232, %dma_start3A_245] : memref<125x80xi32, #tpu.memory_space<vmem>> -> memref<1x80xi32, #tpu.memory_space<vmem>>
          %dma_start3A_247 = tpu.memref_squeeze %dma_start3A_246 : memref<1x80xi32, #tpu.memory_space<vmem>> -> memref<80xi32, #tpu.memory_space<vmem>>
          %dma_start3A_248 = arith.constant 0 : i32
          %dma_start3A_249 = arith.constant 0 : i32
          %dma_start3A_250 = tpu.memref_slice %arg4[%dma_start3A_248, %dma_start3A_249] : memref<10000x16xf32, #tpu.memory_space<hbm>> -> memref<10000x16xf32, #tpu.memory_space<hbm>>
          tpu.enqueue_indirect_dma source(%dma_start3A_250 : memref<10000x16xf32, #tpu.memory_space<hbm>>) target(%arg19 : memref<80x16xf32, #tpu.memory_space<vmem>>) offsets(%dma_start3A_247 : memref<80xi32, #tpu.memory_space<vmem>>) semaphore(%arg37 : memref<!tpu.dma_semaphore, #tpu.memory_space<semaphore_mem>>)
        } else {
        }
        %dma_wait3A_200 = arith.constant 0 : i32
        %dma_wait3A_201 = tpu.memref_slice %arg8[%add3A_178, %dma_wait3A_200] : memref<125x80xi32, #tpu.memory_space<vmem>> -> memref<1x80xi32, #tpu.memory_space<vmem>>
        %dma_wait3A_202 = tpu.memref_squeeze %dma_wait3A_201 : memref<1x80xi32, #tpu.memory_space<vmem>> -> memref<80xi32, #tpu.memory_space<vmem>>
        %dma_wait3A_203 = arith.constant 0 : i32
        %dma_wait3A_204 = arith.constant 0 : i32
        %dma_wait3A_205 = tpu.memref_slice %arg2[%dma_wait3A_203, %dma_wait3A_204] : memref<10000x64xbf16, #tpu.memory_space<hbm>> -> memref<10000x64xbf16, #tpu.memory_space<hbm>>
        tpu.wait_indirect_dma semaphore(%arg30 : memref<!tpu.dma_semaphore, #tpu.memory_space<semaphore_mem>>) src(%dma_wait3A_205 : memref<10000x64xbf16, #tpu.memory_space<hbm>>) dst(%arg12 : memref<80x64xbf16, #tpu.memory_space<vmem>>)
        %dma_wait3A_206 = arith.constant 0 : i32
        %dma_wait3A_207 = tpu.memref_slice %arg8[%add3A_178, %dma_wait3A_206] : memref<125x80xi32, #tpu.memory_space<vmem>> -> memref<1x80xi32, #tpu.memory_space<vmem>>
        %dma_wait3A_208 = tpu.memref_squeeze %dma_wait3A_207 : memref<1x80xi32, #tpu.memory_space<vmem>> -> memref<80xi32, #tpu.memory_space<vmem>>
        %dma_wait3A_209 = arith.constant 0 : i32
        %dma_wait3A_210 = arith.constant 0 : i32
        %dma_wait3A_211 = tpu.memref_slice %arg3[%dma_wait3A_209, %dma_wait3A_210] : memref<10000x16xf32, #tpu.memory_space<hbm>> -> memref<10000x16xf32, #tpu.memory_space<hbm>>
        tpu.wait_indirect_dma semaphore(%arg34 : memref<!tpu.dma_semaphore, #tpu.memory_space<semaphore_mem>>) src(%dma_wait3A_211 : memref<10000x16xf32, #tpu.memory_space<hbm>>) dst(%arg16 : memref<80x16xf32, #tpu.memory_space<vmem>>)
        %dma_wait3A_212 = arith.constant 0 : i32
        %dma_wait3A_213 = tpu.memref_slice %arg9[%add3A_178, %dma_wait3A_212] : memref<125x80xi32, #tpu.memory_space<vmem>> -> memref<1x80xi32, #tpu.memory_space<vmem>>
        %dma_wait3A_214 = tpu.memref_squeeze %dma_wait3A_213 : memref<1x80xi32, #tpu.memory_space<vmem>> -> memref<80xi32, #tpu.memory_space<vmem>>
        %dma_wait3A_215 = arith.constant 0 : i32
        %dma_wait3A_216 = arith.constant 0 : i32
        %dma_wait3A_217 = tpu.memref_slice %arg4[%dma_wait3A_215, %dma_wait3A_216] : memref<10000x16xf32, #tpu.memory_space<hbm>> -> memref<10000x16xf32, #tpu.memory_space<hbm>>
        tpu.wait_indirect_dma semaphore(%arg38 : memref<!tpu.dma_semaphore, #tpu.memory_space<semaphore_mem>>) src(%dma_wait3A_217 : memref<10000x16xf32, #tpu.memory_space<hbm>>) dst(%arg20 : memref<80x16xf32, #tpu.memory_space<vmem>>)
        %ge3A_218 = arith.constant 4 : i32
        %ge3A_219 = arith.cmpi sge, %add3A_178, %ge3A_218 : i32
        %convert_element_type3A_220 = arith.extui %ge3A_219 : i1 to i32
        %cond3A_221 = arith.constant 0 : i32
        %cond3A_222 = arith.cmpi ne, %convert_element_type3A_220, %cond3A_221 : i32
        scf.if %cond3A_222 {
          %dma_wait3A_231 = arith.constant 0 : i32
          %dma_wait3A_232 = tpu.memref_slice %arg9[%add3A_178, %dma_wait3A_231] : memref<125x80xi32, #tpu.memory_space<vmem>> -> memref<1x80xi32, #tpu.memory_space<vmem>>
          %dma_wait3A_233 = tpu.memref_squeeze %dma_wait3A_232 : memref<1x80xi32, #tpu.memory_space<vmem>> -> memref<80xi32, #tpu.memory_space<vmem>>
          %dma_wait3A_234 = arith.constant 0 : i32
          %dma_wait3A_235 = arith.constant 0 : i32
          %dma_wait3A_236 = tpu.memref_slice %arg27[%dma_wait3A_234, %dma_wait3A_235] : memref<10000x80xf32, #tpu.memory_space<vmem_shared>> -> memref<10000x80xf32, #tpu.memory_space<vmem_shared>>
          tpu.wait_indirect_dma semaphore(%arg42 : memref<!tpu.dma_semaphore, #tpu.memory_space<semaphore_mem>>) src(%arg24 : memref<80x80xf32, #tpu.memory_space<vmem>>) dst(%dma_wait3A_236 : memref<10000x80xf32, #tpu.memory_space<vmem_shared>>)
        } else {
        }
        %parallel_loop3A = arith.constant 0 : i32
        %parallel_loop3A_223 = arith.constant 80 : i32
        %parallel_loop3A_224 = arith.constant 1 : i32
        scf.for %parallel_loop3A_231 = %parallel_loop3A to %parallel_loop3A_223 step %parallel_loop3A_224  : i32 {
          %parallel_loop3A_232 = arith.index_cast %parallel_loop3A_231 : i32 to index
          %parallel_loop3A_233 = arith.constant 0 : index
          %parallel_loop3A_234 = tpu.vector_load %arg16[%parallel_loop3A_232, %parallel_loop3A_233] {strides = array<i32>} : memref<80x16xf32, #tpu.memory_space<vmem>>, vector<16xf32>,
          %parallel_loop3A_235 = arith.index_cast %parallel_loop3A_231 : i32 to index
          %parallel_loop3A_236 = arith.constant 0 : index
          %parallel_loop3A_237 = tpu.vector_load %arg20[%parallel_loop3A_235, %parallel_loop3A_236] {strides = array<i32>} : memref<80x16xf32, #tpu.memory_space<vmem>>, vector<16xf32>,
          %parallel_loop3A_238 = vector.shape_cast %add3A_41 : vector<16xi32> to vector<16x1xi32>
          %parallel_loop3A_239 = vector.shape_cast %parallel_loop3A_238 : vector<16x1xi32> to vector<16xi32>
          %parallel_loop3A_240 = tpu.dynamic_gather %parallel_loop3A_237[%parallel_loop3A_239] in [0] : vector<16xf32>, vector<16xi32> -> vector<16xf32>
          %parallel_loop3A_241 = arith.addf %parallel_loop3A_234, %parallel_loop3A_237 : vector<16xf32>
          %parallel_loop3A_242 = arith.constant 0.000000e+00 : f32
          %parallel_loop3A_243 = vector.broadcast %parallel_loop3A_242 : f32 to vector<16xf32>
          %parallel_loop3A_244 = arith.cmpf oge, %parallel_loop3A_241, %parallel_loop3A_243 : vector<16xf32>
          %parallel_loop3A_245 = arith.constant 2.000000e-01 : f32
          %parallel_loop3A_246 = vector.broadcast %parallel_loop3A_245 : f32 to vector<16xf32>
          %parallel_loop3A_247 = arith.mulf %parallel_loop3A_246, %parallel_loop3A_241 : vector<16xf32>
          %parallel_loop3A_248 = arith.select %parallel_loop3A_244, %parallel_loop3A_241, %parallel_loop3A_247 : vector<16xi1>, vector<16xf32>
          %parallel_loop3A_249 = arith.subf %parallel_loop3A_248, %parallel_loop3A_240 : vector<16xf32>
          %parallel_loop3A_250 = math.exp %parallel_loop3A_249 : vector<16xf32>
          %parallel_loop3A_251 = arith.index_cast %parallel_loop3A_231 : i32 to index
          %parallel_loop3A_252 = arith.constant 0 : index
          %parallel_loop3A_253 = tpu.vector_load %arg12[%parallel_loop3A_251, %parallel_loop3A_252] {strides = array<i32>} : memref<80x64xbf16, #tpu.memory_space<vmem>>, vector<32xbf16>,
          %parallel_loop3A_254 = tpu.unpack_subelements %parallel_loop3A_253, 0 {pack_format = #tpu.pack_format<interleaved>} : vector<32xbf16> -> vector<16xf32>
          %parallel_loop3A_255 = tpu.unpack_subelements %parallel_loop3A_253, 1 {pack_format = #tpu.pack_format<interleaved>} : vector<32xbf16> -> vector<16xf32>
          %parallel_loop3A_256 = arith.index_cast %parallel_loop3A_231 : i32 to index
          %parallel_loop3A_257 = arith.constant 32 : index
          %parallel_loop3A_258 = tpu.vector_load %arg12[%parallel_loop3A_256, %parallel_loop3A_257] {strides = array<i32>} : memref<80x64xbf16, #tpu.memory_space<vmem>>, vector<32xbf16>,
          %parallel_loop3A_259 = tpu.unpack_subelements %parallel_loop3A_258, 0 {pack_format = #tpu.pack_format<interleaved>} : vector<32xbf16> -> vector<16xf32>
          %parallel_loop3A_260 = tpu.unpack_subelements %parallel_loop3A_258, 1 {pack_format = #tpu.pack_format<interleaved>} : vector<32xbf16> -> vector<16xf32>
          %parallel_loop3A_261 = arith.constant 0 : i32
          %parallel_loop3A_262 = vector.broadcast %parallel_loop3A_261 : i32 to vector<16xi32>
          %parallel_loop3A_263 = arith.addi %parallel_loop3A_262, %select_n3A : vector<16xi32>
          %parallel_loop3A_264 = vector.shape_cast %parallel_loop3A_263 : vector<16xi32> to vector<16x1xi32>
          %parallel_loop3A_265 = vector.shape_cast %parallel_loop3A_264 : vector<16x1xi32> to vector<16xi32>
          %parallel_loop3A_266 = tpu.dynamic_gather %parallel_loop3A_250[%parallel_loop3A_265] in [0] : vector<16xf32>, vector<16xi32> -> vector<16xf32>
          %parallel_loop3A_267 = arith.mulf %parallel_loop3A_254, %parallel_loop3A_266 : vector<16xf32>
          %parallel_loop3A_268 = arith.index_cast %parallel_loop3A_231 : i32 to index
          %parallel_loop3A_269 = arith.constant 0 : index
          %parallel_loop3A_270 = tpu.vector_load %arg24[%parallel_loop3A_268, %parallel_loop3A_269] {strides = array<i32>} : memref<80x80xf32, #tpu.memory_space<vmem>>, vector<16xf32>,
          tpu.vector_store %arg24[%parallel_loop3A_268, %parallel_loop3A_269], %parallel_loop3A_267 {strides = array<i32>} : memref<80x80xf32, #tpu.memory_space<vmem>>, vector<16xf32>,
          %parallel_loop3A_271 = arith.constant 2 : i32
          %parallel_loop3A_272 = vector.broadcast %parallel_loop3A_271 : i32 to vector<16xi32>
          %parallel_loop3A_273 = arith.addi %parallel_loop3A_272, %select_n3A : vector<16xi32>
          %parallel_loop3A_274 = vector.shape_cast %parallel_loop3A_273 : vector<16xi32> to vector<16x1xi32>
          %parallel_loop3A_275 = vector.shape_cast %parallel_loop3A_274 : vector<16x1xi32> to vector<16xi32>
          %parallel_loop3A_276 = tpu.dynamic_gather %parallel_loop3A_250[%parallel_loop3A_275] in [0] : vector<16xf32>, vector<16xi32> -> vector<16xf32>
          %parallel_loop3A_277 = arith.mulf %parallel_loop3A_255, %parallel_loop3A_276 : vector<16xf32>
          %parallel_loop3A_278 = arith.index_cast %parallel_loop3A_231 : i32 to index
          %parallel_loop3A_279 = arith.constant 16 : index
          %parallel_loop3A_280 = tpu.vector_load %arg24[%parallel_loop3A_278, %parallel_loop3A_279] {strides = array<i32>} : memref<80x80xf32, #tpu.memory_space<vmem>>, vector<16xf32>,
          tpu.vector_store %arg24[%parallel_loop3A_278, %parallel_loop3A_279], %parallel_loop3A_277 {strides = array<i32>} : memref<80x80xf32, #tpu.memory_space<vmem>>, vector<16xf32>,
          %parallel_loop3A_281 = arith.constant 4 : i32
          %parallel_loop3A_282 = vector.broadcast %parallel_loop3A_281 : i32 to vector<16xi32>
          %parallel_loop3A_283 = arith.addi %parallel_loop3A_282, %select_n3A : vector<16xi32>
          %parallel_loop3A_284 = vector.shape_cast %parallel_loop3A_283 : vector<16xi32> to vector<16x1xi32>
          %parallel_loop3A_285 = vector.shape_cast %parallel_loop3A_284 : vector<16x1xi32> to vector<16xi32>
          %parallel_loop3A_286 = tpu.dynamic_gather %parallel_loop3A_250[%parallel_loop3A_285] in [0] : vector<16xf32>, vector<16xi32> -> vector<16xf32>
          %parallel_loop3A_287 = arith.mulf %parallel_loop3A_259, %parallel_loop3A_286 : vector<16xf32>
          %parallel_loop3A_288 = arith.index_cast %parallel_loop3A_231 : i32 to index
          %parallel_loop3A_289 = arith.constant 32 : index
          %parallel_loop3A_290 = tpu.vector_load %arg24[%parallel_loop3A_288, %parallel_loop3A_289] {strides = array<i32>} : memref<80x80xf32, #tpu.memory_space<vmem>>, vector<16xf32>,
          tpu.vector_store %arg24[%parallel_loop3A_288, %parallel_loop3A_289], %parallel_loop3A_287 {strides = array<i32>} : memref<80x80xf32, #tpu.memory_space<vmem>>, vector<16xf32>,
          %parallel_loop3A_291 = arith.constant 6 : i32
          %parallel_loop3A_292 = vector.broadcast %parallel_loop3A_291 : i32 to vector<16xi32>
          %parallel_loop3A_293 = arith.addi %parallel_loop3A_292, %select_n3A : vector<16xi32>
          %parallel_loop3A_294 = vector.shape_cast %parallel_loop3A_293 : vector<16xi32> to vector<16x1xi32>
          %parallel_loop3A_295 = vector.shape_cast %parallel_loop3A_294 : vector<16x1xi32> to vector<16xi32>
          %parallel_loop3A_296 = tpu.dynamic_gather %parallel_loop3A_250[%parallel_loop3A_295] in [0] : vector<16xf32>, vector<16xi32> -> vector<16xf32>
          %parallel_loop3A_297 = arith.mulf %parallel_loop3A_260, %parallel_loop3A_296 : vector<16xf32>
          %parallel_loop3A_298 = arith.index_cast %parallel_loop3A_231 : i32 to index
          %parallel_loop3A_299 = arith.constant 48 : index
          %parallel_loop3A_300 = tpu.vector_load %arg24[%parallel_loop3A_298, %parallel_loop3A_299] {strides = array<i32>} : memref<80x80xf32, #tpu.memory_space<vmem>>, vector<16xf32>,
          tpu.vector_store %arg24[%parallel_loop3A_298, %parallel_loop3A_299], %parallel_loop3A_297 {strides = array<i32>} : memref<80x80xf32, #tpu.memory_space<vmem>>, vector<16xf32>,
          %parallel_loop3A_301 = arith.index_cast %parallel_loop3A_231 : i32 to index
          %parallel_loop3A_302 = arith.constant 64 : index
          %parallel_loop3A_303 = tpu.vector_load %arg24[%parallel_loop3A_301, %parallel_loop3A_302] {strides = array<i32>} : memref<80x80xf32, #tpu.memory_space<vmem>>, vector<16xf32>,
          tpu.vector_store %arg24[%parallel_loop3A_301, %parallel_loop3A_302], %parallel_loop3A_250 {strides = array<i32>} : memref<80x80xf32, #tpu.memory_space<vmem>>, vector<16xf32>,
        } {sc.loop_unroll_factor = 4 : i64, sc.parallel_access}
        %dma_start3A_225 = arith.constant 0 : i32
        %dma_start3A_226 = tpu.memref_slice %arg9[%add3A_178, %dma_start3A_225] : memref<125x80xi32, #tpu.memory_space<vmem>> -> memref<1x80xi32, #tpu.memory_space<vmem>>
        %dma_start3A_227 = tpu.memref_squeeze %dma_start3A_226 : memref<1x80xi32, #tpu.memory_space<vmem>> -> memref<80xi32, #tpu.memory_space<vmem>>
        %dma_start3A_228 = arith.constant 0 : i32
        %dma_start3A_229 = arith.constant 0 : i32
        %dma_start3A_230 = tpu.memref_slice %arg27[%dma_start3A_228, %dma_start3A_229] : memref<10000x80xf32, #tpu.memory_space<vmem_shared>> -> memref<10000x80xf32, #tpu.memory_space<vmem_shared>>
        tpu.enqueue_indirect_dma source(%arg24 : memref<80x80xf32, #tpu.memory_space<vmem>>) target(%dma_start3A_230 : memref<10000x80xf32, #tpu.memory_space<vmem_shared>>) offsets(%dma_start3A_227 : memref<80xi32, #tpu.memory_space<vmem>>) semaphore(%arg42 : memref<!tpu.dma_semaphore, #tpu.memory_space<semaphore_mem>>) {add = true}
      } else {
      }
      %mul3A_184 = arith.constant 4 : i32
      %mul3A_185 = arith.muli %mul3A_184, %scan3A_158 : i32
      %add3A_186 = arith.constant 3 : i32
      %add3A_187 = arith.addi %mul3A_185, %add3A_186 : i32
      %lt3A_188 = arith.constant 125 : i32
      %lt3A_189 = arith.cmpi slt, %add3A_187, %lt3A_188 : i32
      %convert_element_type3A_190 = arith.extui %lt3A_189 : i1 to i32
      %cond3A_191 = arith.constant 0 : i32
      %cond3A_192 = arith.cmpi ne, %convert_element_type3A_190, %cond3A_191 : i32
      scf.if %cond3A_192 {
        %add3A_193 = arith.constant 3 : i32
        %add3A_194 = arith.addi %add3A_187, %add3A_193 : i32
        %lt3A_195 = arith.constant 125 : i32
        %lt3A_196 = arith.cmpi slt, %add3A_194, %lt3A_195 : i32
        %convert_element_type3A_197 = arith.extui %lt3A_196 : i1 to i32
        %cond3A_198 = arith.constant 0 : i32
        %cond3A_199 = arith.cmpi ne, %convert_element_type3A_197, %cond3A_198 : i32
        scf.if %cond3A_199 {
          %add3A_231 = arith.constant 3 : i32
          %add3A_232 = arith.addi %add3A_187, %add3A_231 : i32
          %dma_start3A_233 = arith.constant 0 : i32
          %dma_start3A_234 = tpu.memref_slice %arg8[%add3A_232, %dma_start3A_233] : memref<125x80xi32, #tpu.memory_space<vmem>> -> memref<1x80xi32, #tpu.memory_space<vmem>>
          %dma_start3A_235 = tpu.memref_squeeze %dma_start3A_234 : memref<1x80xi32, #tpu.memory_space<vmem>> -> memref<80xi32, #tpu.memory_space<vmem>>
          %dma_start3A_236 = arith.constant 0 : i32
          %dma_start3A_237 = arith.constant 0 : i32
          %dma_start3A_238 = tpu.memref_slice %arg2[%dma_start3A_236, %dma_start3A_237] : memref<10000x64xbf16, #tpu.memory_space<hbm>> -> memref<10000x64xbf16, #tpu.memory_space<hbm>>
          tpu.enqueue_indirect_dma source(%dma_start3A_238 : memref<10000x64xbf16, #tpu.memory_space<hbm>>) target(%arg12 : memref<80x64xbf16, #tpu.memory_space<vmem>>) offsets(%dma_start3A_235 : memref<80xi32, #tpu.memory_space<vmem>>) semaphore(%arg30 : memref<!tpu.dma_semaphore, #tpu.memory_space<semaphore_mem>>)
          %dma_start3A_239 = arith.constant 0 : i32
          %dma_start3A_240 = tpu.memref_slice %arg8[%add3A_232, %dma_start3A_239] : memref<125x80xi32, #tpu.memory_space<vmem>> -> memref<1x80xi32, #tpu.memory_space<vmem>>
          %dma_start3A_241 = tpu.memref_squeeze %dma_start3A_240 : memref<1x80xi32, #tpu.memory_space<vmem>> -> memref<80xi32, #tpu.memory_space<vmem>>
          %dma_start3A_242 = arith.constant 0 : i32
          %dma_start3A_243 = arith.constant 0 : i32
          %dma_start3A_244 = tpu.memref_slice %arg3[%dma_start3A_242, %dma_start3A_243] : memref<10000x16xf32, #tpu.memory_space<hbm>> -> memref<10000x16xf32, #tpu.memory_space<hbm>>
          tpu.enqueue_indirect_dma source(%dma_start3A_244 : memref<10000x16xf32, #tpu.memory_space<hbm>>) target(%arg16 : memref<80x16xf32, #tpu.memory_space<vmem>>) offsets(%dma_start3A_241 : memref<80xi32, #tpu.memory_space<vmem>>) semaphore(%arg34 : memref<!tpu.dma_semaphore, #tpu.memory_space<semaphore_mem>>)
          %dma_start3A_245 = arith.constant 0 : i32
          %dma_start3A_246 = tpu.memref_slice %arg9[%add3A_232, %dma_start3A_245] : memref<125x80xi32, #tpu.memory_space<vmem>> -> memref<1x80xi32, #tpu.memory_space<vmem>>
          %dma_start3A_247 = tpu.memref_squeeze %dma_start3A_246 : memref<1x80xi32, #tpu.memory_space<vmem>> -> memref<80xi32, #tpu.memory_space<vmem>>
          %dma_start3A_248 = arith.constant 0 : i32
          %dma_start3A_249 = arith.constant 0 : i32
          %dma_start3A_250 = tpu.memref_slice %arg4[%dma_start3A_248, %dma_start3A_249] : memref<10000x16xf32, #tpu.memory_space<hbm>> -> memref<10000x16xf32, #tpu.memory_space<hbm>>
          tpu.enqueue_indirect_dma source(%dma_start3A_250 : memref<10000x16xf32, #tpu.memory_space<hbm>>) target(%arg20 : memref<80x16xf32, #tpu.memory_space<vmem>>) offsets(%dma_start3A_247 : memref<80xi32, #tpu.memory_space<vmem>>) semaphore(%arg38 : memref<!tpu.dma_semaphore, #tpu.memory_space<semaphore_mem>>)
        } else {
        }
        %dma_wait3A_200 = arith.constant 0 : i32
        %dma_wait3A_201 = tpu.memref_slice %arg8[%add3A_187, %dma_wait3A_200] : memref<125x80xi32, #tpu.memory_space<vmem>> -> memref<1x80xi32, #tpu.memory_space<vmem>>
        %dma_wait3A_202 = tpu.memref_squeeze %dma_wait3A_201 : memref<1x80xi32, #tpu.memory_space<vmem>> -> memref<80xi32, #tpu.memory_space<vmem>>
        %dma_wait3A_203 = arith.constant 0 : i32
        %dma_wait3A_204 = arith.constant 0 : i32
        %dma_wait3A_205 = tpu.memref_slice %arg2[%dma_wait3A_203, %dma_wait3A_204] : memref<10000x64xbf16, #tpu.memory_space<hbm>> -> memref<10000x64xbf16, #tpu.memory_space<hbm>>
        tpu.wait_indirect_dma semaphore(%arg31 : memref<!tpu.dma_semaphore, #tpu.memory_space<semaphore_mem>>) src(%dma_wait3A_205 : memref<10000x64xbf16, #tpu.memory_space<hbm>>) dst(%arg13 : memref<80x64xbf16, #tpu.memory_space<vmem>>)
        %dma_wait3A_206 = arith.constant 0 : i32
        %dma_wait3A_207 = tpu.memref_slice %arg8[%add3A_187, %dma_wait3A_206] : memref<125x80xi32, #tpu.memory_space<vmem>> -> memref<1x80xi32, #tpu.memory_space<vmem>>
        %dma_wait3A_208 = tpu.memref_squeeze %dma_wait3A_207 : memref<1x80xi32, #tpu.memory_space<vmem>> -> memref<80xi32, #tpu.memory_space<vmem>>
        %dma_wait3A_209 = arith.constant 0 : i32
        %dma_wait3A_210 = arith.constant 0 : i32
        %dma_wait3A_211 = tpu.memref_slice %arg3[%dma_wait3A_209, %dma_wait3A_210] : memref<10000x16xf32, #tpu.memory_space<hbm>> -> memref<10000x16xf32, #tpu.memory_space<hbm>>
        tpu.wait_indirect_dma semaphore(%arg35 : memref<!tpu.dma_semaphore, #tpu.memory_space<semaphore_mem>>) src(%dma_wait3A_211 : memref<10000x16xf32, #tpu.memory_space<hbm>>) dst(%arg17 : memref<80x16xf32, #tpu.memory_space<vmem>>)
        %dma_wait3A_212 = arith.constant 0 : i32
        %dma_wait3A_213 = tpu.memref_slice %arg9[%add3A_187, %dma_wait3A_212] : memref<125x80xi32, #tpu.memory_space<vmem>> -> memref<1x80xi32, #tpu.memory_space<vmem>>
        %dma_wait3A_214 = tpu.memref_squeeze %dma_wait3A_213 : memref<1x80xi32, #tpu.memory_space<vmem>> -> memref<80xi32, #tpu.memory_space<vmem>>
        %dma_wait3A_215 = arith.constant 0 : i32
        %dma_wait3A_216 = arith.constant 0 : i32
        %dma_wait3A_217 = tpu.memref_slice %arg4[%dma_wait3A_215, %dma_wait3A_216] : memref<10000x16xf32, #tpu.memory_space<hbm>> -> memref<10000x16xf32, #tpu.memory_space<hbm>>
        tpu.wait_indirect_dma semaphore(%arg39 : memref<!tpu.dma_semaphore, #tpu.memory_space<semaphore_mem>>) src(%dma_wait3A_217 : memref<10000x16xf32, #tpu.memory_space<hbm>>) dst(%arg21 : memref<80x16xf32, #tpu.memory_space<vmem>>)
        %ge3A_218 = arith.constant 4 : i32
        %ge3A_219 = arith.cmpi sge, %add3A_187, %ge3A_218 : i32
        %convert_element_type3A_220 = arith.extui %ge3A_219 : i1 to i32
        %cond3A_221 = arith.constant 0 : i32
        %cond3A_222 = arith.cmpi ne, %convert_element_type3A_220, %cond3A_221 : i32
        scf.if %cond3A_222 {
          %dma_wait3A_231 = arith.constant 0 : i32
          %dma_wait3A_232 = tpu.memref_slice %arg9[%add3A_187, %dma_wait3A_231] : memref<125x80xi32, #tpu.memory_space<vmem>> -> memref<1x80xi32, #tpu.memory_space<vmem>>
          %dma_wait3A_233 = tpu.memref_squeeze %dma_wait3A_232 : memref<1x80xi32, #tpu.memory_space<vmem>> -> memref<80xi32, #tpu.memory_space<vmem>>
          %dma_wait3A_234 = arith.constant 0 : i32
          %dma_wait3A_235 = arith.constant 0 : i32
          %dma_wait3A_236 = tpu.memref_slice %arg27[%dma_wait3A_234, %dma_wait3A_235] : memref<10000x80xf32, #tpu.memory_space<vmem_shared>> -> memref<10000x80xf32, #tpu.memory_space<vmem_shared>>
          tpu.wait_indirect_dma semaphore(%arg43 : memref<!tpu.dma_semaphore, #tpu.memory_space<semaphore_mem>>) src(%arg25 : memref<80x80xf32, #tpu.memory_space<vmem>>) dst(%dma_wait3A_236 : memref<10000x80xf32, #tpu.memory_space<vmem_shared>>)
        } else {
        }
        %parallel_loop3A = arith.constant 0 : i32
        %parallel_loop3A_223 = arith.constant 80 : i32
        %parallel_loop3A_224 = arith.constant 1 : i32
        scf.for %parallel_loop3A_231 = %parallel_loop3A to %parallel_loop3A_223 step %parallel_loop3A_224  : i32 {
          %parallel_loop3A_232 = arith.index_cast %parallel_loop3A_231 : i32 to index
          %parallel_loop3A_233 = arith.constant 0 : index
          %parallel_loop3A_234 = tpu.vector_load %arg17[%parallel_loop3A_232, %parallel_loop3A_233] {strides = array<i32>} : memref<80x16xf32, #tpu.memory_space<vmem>>, vector<16xf32>,
          %parallel_loop3A_235 = arith.index_cast %parallel_loop3A_231 : i32 to index
          %parallel_loop3A_236 = arith.constant 0 : index
          %parallel_loop3A_237 = tpu.vector_load %arg21[%parallel_loop3A_235, %parallel_loop3A_236] {strides = array<i32>} : memref<80x16xf32, #tpu.memory_space<vmem>>, vector<16xf32>,
          %parallel_loop3A_238 = vector.shape_cast %add3A_41 : vector<16xi32> to vector<16x1xi32>
          %parallel_loop3A_239 = vector.shape_cast %parallel_loop3A_238 : vector<16x1xi32> to vector<16xi32>
          %parallel_loop3A_240 = tpu.dynamic_gather %parallel_loop3A_237[%parallel_loop3A_239] in [0] : vector<16xf32>, vector<16xi32> -> vector<16xf32>
          %parallel_loop3A_241 = arith.addf %parallel_loop3A_234, %parallel_loop3A_237 : vector<16xf32>
          %parallel_loop3A_242 = arith.constant 0.000000e+00 : f32
          %parallel_loop3A_243 = vector.broadcast %parallel_loop3A_242 : f32 to vector<16xf32>
          %parallel_loop3A_244 = arith.cmpf oge, %parallel_loop3A_241, %parallel_loop3A_243 : vector<16xf32>
          %parallel_loop3A_245 = arith.constant 2.000000e-01 : f32
          %parallel_loop3A_246 = vector.broadcast %parallel_loop3A_245 : f32 to vector<16xf32>
          %parallel_loop3A_247 = arith.mulf %parallel_loop3A_246, %parallel_loop3A_241 : vector<16xf32>
          %parallel_loop3A_248 = arith.select %parallel_loop3A_244, %parallel_loop3A_241, %parallel_loop3A_247 : vector<16xi1>, vector<16xf32>
          %parallel_loop3A_249 = arith.subf %parallel_loop3A_248, %parallel_loop3A_240 : vector<16xf32>
          %parallel_loop3A_250 = math.exp %parallel_loop3A_249 : vector<16xf32>
          %parallel_loop3A_251 = arith.index_cast %parallel_loop3A_231 : i32 to index
          %parallel_loop3A_252 = arith.constant 0 : index
          %parallel_loop3A_253 = tpu.vector_load %arg13[%parallel_loop3A_251, %parallel_loop3A_252] {strides = array<i32>} : memref<80x64xbf16, #tpu.memory_space<vmem>>, vector<32xbf16>,
          %parallel_loop3A_254 = tpu.unpack_subelements %parallel_loop3A_253, 0 {pack_format = #tpu.pack_format<interleaved>} : vector<32xbf16> -> vector<16xf32>
          %parallel_loop3A_255 = tpu.unpack_subelements %parallel_loop3A_253, 1 {pack_format = #tpu.pack_format<interleaved>} : vector<32xbf16> -> vector<16xf32>
          %parallel_loop3A_256 = arith.index_cast %parallel_loop3A_231 : i32 to index
          %parallel_loop3A_257 = arith.constant 32 : index
          %parallel_loop3A_258 = tpu.vector_load %arg13[%parallel_loop3A_256, %parallel_loop3A_257] {strides = array<i32>} : memref<80x64xbf16, #tpu.memory_space<vmem>>, vector<32xbf16>,
          %parallel_loop3A_259 = tpu.unpack_subelements %parallel_loop3A_258, 0 {pack_format = #tpu.pack_format<interleaved>} : vector<32xbf16> -> vector<16xf32>
          %parallel_loop3A_260 = tpu.unpack_subelements %parallel_loop3A_258, 1 {pack_format = #tpu.pack_format<interleaved>} : vector<32xbf16> -> vector<16xf32>
          %parallel_loop3A_261 = arith.constant 0 : i32
          %parallel_loop3A_262 = vector.broadcast %parallel_loop3A_261 : i32 to vector<16xi32>
          %parallel_loop3A_263 = arith.addi %parallel_loop3A_262, %select_n3A : vector<16xi32>
          %parallel_loop3A_264 = vector.shape_cast %parallel_loop3A_263 : vector<16xi32> to vector<16x1xi32>
          %parallel_loop3A_265 = vector.shape_cast %parallel_loop3A_264 : vector<16x1xi32> to vector<16xi32>
          %parallel_loop3A_266 = tpu.dynamic_gather %parallel_loop3A_250[%parallel_loop3A_265] in [0] : vector<16xf32>, vector<16xi32> -> vector<16xf32>
          %parallel_loop3A_267 = arith.mulf %parallel_loop3A_254, %parallel_loop3A_266 : vector<16xf32>
          %parallel_loop3A_268 = arith.index_cast %parallel_loop3A_231 : i32 to index
          %parallel_loop3A_269 = arith.constant 0 : index
          %parallel_loop3A_270 = tpu.vector_load %arg25[%parallel_loop3A_268, %parallel_loop3A_269] {strides = array<i32>} : memref<80x80xf32, #tpu.memory_space<vmem>>, vector<16xf32>,
          tpu.vector_store %arg25[%parallel_loop3A_268, %parallel_loop3A_269], %parallel_loop3A_267 {strides = array<i32>} : memref<80x80xf32, #tpu.memory_space<vmem>>, vector<16xf32>,
          %parallel_loop3A_271 = arith.constant 2 : i32
          %parallel_loop3A_272 = vector.broadcast %parallel_loop3A_271 : i32 to vector<16xi32>
          %parallel_loop3A_273 = arith.addi %parallel_loop3A_272, %select_n3A : vector<16xi32>
          %parallel_loop3A_274 = vector.shape_cast %parallel_loop3A_273 : vector<16xi32> to vector<16x1xi32>
          %parallel_loop3A_275 = vector.shape_cast %parallel_loop3A_274 : vector<16x1xi32> to vector<16xi32>
          %parallel_loop3A_276 = tpu.dynamic_gather %parallel_loop3A_250[%parallel_loop3A_275] in [0] : vector<16xf32>, vector<16xi32> -> vector<16xf32>
          %parallel_loop3A_277 = arith.mulf %parallel_loop3A_255, %parallel_loop3A_276 : vector<16xf32>
          %parallel_loop3A_278 = arith.index_cast %parallel_loop3A_231 : i32 to index
          %parallel_loop3A_279 = arith.constant 16 : index
          %parallel_loop3A_280 = tpu.vector_load %arg25[%parallel_loop3A_278, %parallel_loop3A_279] {strides = array<i32>} : memref<80x80xf32, #tpu.memory_space<vmem>>, vector<16xf32>,
          tpu.vector_store %arg25[%parallel_loop3A_278, %parallel_loop3A_279], %parallel_loop3A_277 {strides = array<i32>} : memref<80x80xf32, #tpu.memory_space<vmem>>, vector<16xf32>,
          %parallel_loop3A_281 = arith.constant 4 : i32
          %parallel_loop3A_282 = vector.broadcast %parallel_loop3A_281 : i32 to vector<16xi32>
          %parallel_loop3A_283 = arith.addi %parallel_loop3A_282, %select_n3A : vector<16xi32>
          %parallel_loop3A_284 = vector.shape_cast %parallel_loop3A_283 : vector<16xi32> to vector<16x1xi32>
          %parallel_loop3A_285 = vector.shape_cast %parallel_loop3A_284 : vector<16x1xi32> to vector<16xi32>
          %parallel_loop3A_286 = tpu.dynamic_gather %parallel_loop3A_250[%parallel_loop3A_285] in [0] : vector<16xf32>, vector<16xi32> -> vector<16xf32>
          %parallel_loop3A_287 = arith.mulf %parallel_loop3A_259, %parallel_loop3A_286 : vector<16xf32>
          %parallel_loop3A_288 = arith.index_cast %parallel_loop3A_231 : i32 to index
          %parallel_loop3A_289 = arith.constant 32 : index
          %parallel_loop3A_290 = tpu.vector_load %arg25[%parallel_loop3A_288, %parallel_loop3A_289] {strides = array<i32>} : memref<80x80xf32, #tpu.memory_space<vmem>>, vector<16xf32>,
          tpu.vector_store %arg25[%parallel_loop3A_288, %parallel_loop3A_289], %parallel_loop3A_287 {strides = array<i32>} : memref<80x80xf32, #tpu.memory_space<vmem>>, vector<16xf32>,
          %parallel_loop3A_291 = arith.constant 6 : i32
          %parallel_loop3A_292 = vector.broadcast %parallel_loop3A_291 : i32 to vector<16xi32>
          %parallel_loop3A_293 = arith.addi %parallel_loop3A_292, %select_n3A : vector<16xi32>
          %parallel_loop3A_294 = vector.shape_cast %parallel_loop3A_293 : vector<16xi32> to vector<16x1xi32>
          %parallel_loop3A_295 = vector.shape_cast %parallel_loop3A_294 : vector<16x1xi32> to vector<16xi32>
          %parallel_loop3A_296 = tpu.dynamic_gather %parallel_loop3A_250[%parallel_loop3A_295] in [0] : vector<16xf32>, vector<16xi32> -> vector<16xf32>
          %parallel_loop3A_297 = arith.mulf %parallel_loop3A_260, %parallel_loop3A_296 : vector<16xf32>
          %parallel_loop3A_298 = arith.index_cast %parallel_loop3A_231 : i32 to index
          %parallel_loop3A_299 = arith.constant 48 : index
          %parallel_loop3A_300 = tpu.vector_load %arg25[%parallel_loop3A_298, %parallel_loop3A_299] {strides = array<i32>} : memref<80x80xf32, #tpu.memory_space<vmem>>, vector<16xf32>,
          tpu.vector_store %arg25[%parallel_loop3A_298, %parallel_loop3A_299], %parallel_loop3A_297 {strides = array<i32>} : memref<80x80xf32, #tpu.memory_space<vmem>>, vector<16xf32>,
          %parallel_loop3A_301 = arith.index_cast %parallel_loop3A_231 : i32 to index
          %parallel_loop3A_302 = arith.constant 64 : index
          %parallel_loop3A_303 = tpu.vector_load %arg25[%parallel_loop3A_301, %parallel_loop3A_302] {strides = array<i32>} : memref<80x80xf32, #tpu.memory_space<vmem>>, vector<16xf32>,
          tpu.vector_store %arg25[%parallel_loop3A_301, %parallel_loop3A_302], %parallel_loop3A_250 {strides = array<i32>} : memref<80x80xf32, #tpu.memory_space<vmem>>, vector<16xf32>,
        } {sc.loop_unroll_factor = 4 : i64, sc.parallel_access}
        %dma_start3A_225 = arith.constant 0 : i32
        %dma_start3A_226 = tpu.memref_slice %arg9[%add3A_187, %dma_start3A_225] : memref<125x80xi32, #tpu.memory_space<vmem>> -> memref<1x80xi32, #tpu.memory_space<vmem>>
        %dma_start3A_227 = tpu.memref_squeeze %dma_start3A_226 : memref<1x80xi32, #tpu.memory_space<vmem>> -> memref<80xi32, #tpu.memory_space<vmem>>
        %dma_start3A_228 = arith.constant 0 : i32
        %dma_start3A_229 = arith.constant 0 : i32
        %dma_start3A_230 = tpu.memref_slice %arg27[%dma_start3A_228, %dma_start3A_229] : memref<10000x80xf32, #tpu.memory_space<vmem_shared>> -> memref<10000x80xf32, #tpu.memory_space<vmem_shared>>
        tpu.enqueue_indirect_dma source(%arg25 : memref<80x80xf32, #tpu.memory_space<vmem>>) target(%dma_start3A_230 : memref<10000x80xf32, #tpu.memory_space<vmem_shared>>) offsets(%dma_start3A_227 : memref<80xi32, #tpu.memory_space<vmem>>) semaphore(%arg43 : memref<!tpu.dma_semaphore, #tpu.memory_space<semaphore_mem>>) {add = true}
      } else {
      }
    }
    %scan3A_109 = arith.constant 32 : i32
    %dma_wait3A = arith.constant 124 : i32
    %dma_wait3A_110 = arith.constant 0 : i32
    %dma_wait3A_111 = tpu.memref_slice %arg9[%dma_wait3A, %dma_wait3A_110] : memref<125x80xi32, #tpu.memory_space<vmem>> -> memref<1x80xi32, #tpu.memory_space<vmem>>
    %dma_wait3A_112 = tpu.memref_squeeze %dma_wait3A_111 : memref<1x80xi32, #tpu.memory_space<vmem>> -> memref<80xi32, #tpu.memory_space<vmem>>
    %dma_wait3A_113 = arith.constant 0 : i32
    %dma_wait3A_114 = arith.constant 0 : i32
    %dma_wait3A_115 = tpu.memref_slice %arg27[%dma_wait3A_113, %dma_wait3A_114] : memref<10000x80xf32, #tpu.memory_space<vmem_shared>> -> memref<10000x80xf32, #tpu.memory_space<vmem_shared>>
    tpu.wait_indirect_dma semaphore(%arg40 : memref<!tpu.dma_semaphore, #tpu.memory_space<semaphore_mem>>) src(%arg22 : memref<80x80xf32, #tpu.memory_space<vmem>>) dst(%dma_wait3A_115 : memref<10000x80xf32, #tpu.memory_space<vmem_shared>>)
    %dma_wait3A_116 = arith.constant 123 : i32
    %dma_wait3A_117 = arith.constant 0 : i32
    %dma_wait3A_118 = tpu.memref_slice %arg9[%dma_wait3A_116, %dma_wait3A_117] : memref<125x80xi32, #tpu.memory_space<vmem>> -> memref<1x80xi32, #tpu.memory_space<vmem>>
    %dma_wait3A_119 = tpu.memref_squeeze %dma_wait3A_118 : memref<1x80xi32, #tpu.memory_space<vmem>> -> memref<80xi32, #tpu.memory_space<vmem>>
    %dma_wait3A_120 = arith.constant 0 : i32
    %dma_wait3A_121 = arith.constant 0 : i32
    %dma_wait3A_122 = tpu.memref_slice %arg27[%dma_wait3A_120, %dma_wait3A_121] : memref<10000x80xf32, #tpu.memory_space<vmem_shared>> -> memref<10000x80xf32, #tpu.memory_space<vmem_shared>>
    tpu.wait_indirect_dma semaphore(%arg43 : memref<!tpu.dma_semaphore, #tpu.memory_space<semaphore_mem>>) src(%arg25 : memref<80x80xf32, #tpu.memory_space<vmem>>) dst(%dma_wait3A_122 : memref<10000x80xf32, #tpu.memory_space<vmem_shared>>)
    %dma_wait3A_123 = arith.constant 122 : i32
    %dma_wait3A_124 = arith.constant 0 : i32
    %dma_wait3A_125 = tpu.memref_slice %arg9[%dma_wait3A_123, %dma_wait3A_124] : memref<125x80xi32, #tpu.memory_space<vmem>> -> memref<1x80xi32, #tpu.memory_space<vmem>>
    %dma_wait3A_126 = tpu.memref_squeeze %dma_wait3A_125 : memref<1x80xi32, #tpu.memory_space<vmem>> -> memref<80xi32, #tpu.memory_space<vmem>>
    %dma_wait3A_127 = arith.constant 0 : i32
    %dma_wait3A_128 = arith.constant 0 : i32
    %dma_wait3A_129 = tpu.memref_slice %arg27[%dma_wait3A_127, %dma_wait3A_128] : memref<10000x80xf32, #tpu.memory_space<vmem_shared>> -> memref<10000x80xf32, #tpu.memory_space<vmem_shared>>
    tpu.wait_indirect_dma semaphore(%arg42 : memref<!tpu.dma_semaphore, #tpu.memory_space<semaphore_mem>>) src(%arg24 : memref<80x80xf32, #tpu.memory_space<vmem>>) dst(%dma_wait3A_129 : memref<10000x80xf32, #tpu.memory_space<vmem_shared>>)
    %dma_wait3A_130 = arith.constant 121 : i32
    %dma_wait3A_131 = arith.constant 0 : i32
    %dma_wait3A_132 = tpu.memref_slice %arg9[%dma_wait3A_130, %dma_wait3A_131] : memref<125x80xi32, #tpu.memory_space<vmem>> -> memref<1x80xi32, #tpu.memory_space<vmem>>
    %dma_wait3A_133 = tpu.memref_squeeze %dma_wait3A_132 : memref<1x80xi32, #tpu.memory_space<vmem>> -> memref<80xi32, #tpu.memory_space<vmem>>
    %dma_wait3A_134 = arith.constant 0 : i32
    %dma_wait3A_135 = arith.constant 0 : i32
    %dma_wait3A_136 = tpu.memref_slice %arg27[%dma_wait3A_134, %dma_wait3A_135] : memref<10000x80xf32, #tpu.memory_space<vmem_shared>> -> memref<10000x80xf32, #tpu.memory_space<vmem_shared>>
    tpu.wait_indirect_dma semaphore(%arg41 : memref<!tpu.dma_semaphore, #tpu.memory_space<semaphore_mem>>) src(%arg23 : memref<80x80xf32, #tpu.memory_space<vmem>>) dst(%dma_wait3A_136 : memref<10000x80xf32, #tpu.memory_space<vmem_shared>>)
    %barrier3A_137 = arith.constant 0 : index
    tpu.barrier barrier_id(%barrier3A_137)
    %add3A_138 = arith.constant 0 : i32
    %add3A_139 = arith.addi %mul3A_2, %add3A_138 : i32
    %add3A_140 = arith.constant 0 : i32
    %add3A_141 = arith.addi %mul3A_2, %add3A_140 : i32
    "tpu.region"() ({
      %run_scoped3A = tpu.sem_alloc : memref<!tpu.dma_semaphore, #tpu.memory_space<semaphore_mem>>
      %dma_start3A_158 = arith.constant 0 : i32
      %dma_start3A_159 = tpu.memref_slice %arg7[%arg0, %add3A_141, %dma_start3A_158] : memref<2x10000x80xf32, #tpu.memory_space<hbm>> -> memref<1x125x80xf32, #tpu.memory_space<hbm>>
      %dma_start3A_160 = tpu.memref_squeeze %dma_start3A_159 : memref<1x125x80xf32, #tpu.memory_space<hbm>> -> memref<125x80xf32, #tpu.memory_space<hbm>>
      %dma_start3A_161 = arith.constant 0 : i32
      %dma_start3A_162 = tpu.memref_slice %arg27[%add3A_139, %dma_start3A_161] : memref<10000x80xf32, #tpu.memory_space<vmem_shared>> -> memref<125x80xf32, #tpu.memory_space<vmem_shared>>
      tpu.enqueue_dma source(%dma_start3A_162 : memref<125x80xf32, #tpu.memory_space<vmem_shared>>) target(%dma_start3A_160 : memref<125x80xf32, #tpu.memory_space<hbm>>) target_semaphore(%run_scoped3A : memref<!tpu.dma_semaphore, #tpu.memory_space<semaphore_mem>>)
      %dma_wait3A_163 = arith.constant 0 : i32
      %dma_wait3A_164 = tpu.memref_slice %arg7[%arg0, %add3A_141, %dma_wait3A_163] : memref<2x10000x80xf32, #tpu.memory_space<hbm>> -> memref<1x125x80xf32, #tpu.memory_space<hbm>>
      %dma_wait3A_165 = tpu.memref_squeeze %dma_wait3A_164 : memref<1x125x80xf32, #tpu.memory_space<hbm>> -> memref<125x80xf32, #tpu.memory_space<hbm>>
      %dma_wait3A_166 = arith.constant 0 : i32
      %dma_wait3A_167 = tpu.memref_slice %arg27[%add3A_139, %dma_wait3A_166] : memref<10000x80xf32, #tpu.memory_space<vmem_shared>> -> memref<125x80xf32, #tpu.memory_space<vmem_shared>>
      tpu.wait_dma2 semaphore(%run_scoped3A : memref<!tpu.dma_semaphore, #tpu.memory_space<semaphore_mem>>) src(%dma_wait3A_167 : memref<125x80xf32, #tpu.memory_space<vmem_shared>>) dst(%dma_wait3A_165 : memref<125x80xf32, #tpu.memory_space<hbm>>)
      tpu.yield
    }) : () -> ()
    %add3A_142 = arith.constant 125 : i32
    %add3A_143 = arith.addi %mul3A_2, %add3A_142 : i32
    %add3A_144 = arith.constant 125 : i32
    %add3A_145 = arith.addi %mul3A_2, %add3A_144 : i32
    "tpu.region"() ({
      %run_scoped3A = tpu.sem_alloc : memref<!tpu.dma_semaphore, #tpu.memory_space<semaphore_mem>>
      %dma_start3A_158 = arith.constant 0 : i32
      %dma_start3A_159 = tpu.memref_slice %arg7[%arg0, %add3A_145, %dma_start3A_158] : memref<2x10000x80xf32, #tpu.memory_space<hbm>> -> memref<1x125x80xf32, #tpu.memory_space<hbm>>
      %dma_start3A_160 = tpu.memref_squeeze %dma_start3A_159 : memref<1x125x80xf32, #tpu.memory_space<hbm>> -> memref<125x80xf32, #tpu.memory_space<hbm>>
      %dma_start3A_161 = arith.constant 0 : i32
      %dma_start3A_162 = tpu.memref_slice %arg27[%add3A_143, %dma_start3A_161] : memref<10000x80xf32, #tpu.memory_space<vmem_shared>> -> memref<125x80xf32, #tpu.memory_space<vmem_shared>>
      tpu.enqueue_dma source(%dma_start3A_162 : memref<125x80xf32, #tpu.memory_space<vmem_shared>>) target(%dma_start3A_160 : memref<125x80xf32, #tpu.memory_space<hbm>>) target_semaphore(%run_scoped3A : memref<!tpu.dma_semaphore, #tpu.memory_space<semaphore_mem>>)
      %dma_wait3A_163 = arith.constant 0 : i32
      %dma_wait3A_164 = tpu.memref_slice %arg7[%arg0, %add3A_145, %dma_wait3A_163] : memref<2x10000x80xf32, #tpu.memory_space<hbm>> -> memref<1x125x80xf32, #tpu.memory_space<hbm>>
      %dma_wait3A_165 = tpu.memref_squeeze %dma_wait3A_164 : memref<1x125x80xf32, #tpu.memory_space<hbm>> -> memref<125x80xf32, #tpu.memory_space<hbm>>
      %dma_wait3A_166 = arith.constant 0 : i32
      %dma_wait3A_167 = tpu.memref_slice %arg27[%add3A_143, %dma_wait3A_166] : memref<10000x80xf32, #tpu.memory_space<vmem_shared>> -> memref<125x80xf32, #tpu.memory_space<vmem_shared>>
      tpu.wait_dma2 semaphore(%run_scoped3A : memref<!tpu.dma_semaphore, #tpu.memory_space<semaphore_mem>>) src(%dma_wait3A_167 : memref<125x80xf32, #tpu.memory_space<vmem_shared>>) dst(%dma_wait3A_165 : memref<125x80xf32, #tpu.memory_space<hbm>>)
      tpu.yield
    }) : () -> ()
    %add3A_146 = arith.constant 250 : i32
    %add3A_147 = arith.addi %mul3A_2, %add3A_146 : i32
    %add3A_148 = arith.constant 250 : i32
    %add3A_149 = arith.addi %mul3A_2, %add3A_148 : i32
    "tpu.region"() ({
      %run_scoped3A = tpu.sem_alloc : memref<!tpu.dma_semaphore, #tpu.memory_space<semaphore_mem>>
      %dma_start3A_158 = arith.constant 0 : i32
      %dma_start3A_159 = tpu.memref_slice %arg7[%arg0, %add3A_149, %dma_start3A_158] : memref<2x10000x80xf32, #tpu.memory_space<hbm>> -> memref<1x125x80xf32, #tpu.memory_space<hbm>>
      %dma_start3A_160 = tpu.memref_squeeze %dma_start3A_159 : memref<1x125x80xf32, #tpu.memory_space<hbm>> -> memref<125x80xf32, #tpu.memory_space<hbm>>
      %dma_start3A_161 = arith.constant 0 : i32
      %dma_start3A_162 = tpu.memref_slice %arg27[%add3A_147, %dma_start3A_161] : memref<10000x80xf32, #tpu.memory_space<vmem_shared>> -> memref<125x80xf32, #tpu.memory_space<vmem_shared>>
      tpu.enqueue_dma source(%dma_start3A_162 : memref<125x80xf32, #tpu.memory_space<vmem_shared>>) target(%dma_start3A_160 : memref<125x80xf32, #tpu.memory_space<hbm>>) target_semaphore(%run_scoped3A : memref<!tpu.dma_semaphore, #tpu.memory_space<semaphore_mem>>)
      %dma_wait3A_163 = arith.constant 0 : i32
      %dma_wait3A_164 = tpu.memref_slice %arg7[%arg0, %add3A_149, %dma_wait3A_163] : memref<2x10000x80xf32, #tpu.memory_space<hbm>> -> memref<1x125x80xf32, #tpu.memory_space<hbm>>
      %dma_wait3A_165 = tpu.memref_squeeze %dma_wait3A_164 : memref<1x125x80xf32, #tpu.memory_space<hbm>> -> memref<125x80xf32, #tpu.memory_space<hbm>>
      %dma_wait3A_166 = arith.constant 0 : i32
      %dma_wait3A_167 = tpu.memref_slice %arg27[%add3A_147, %dma_wait3A_166] : memref<10000x80xf32, #tpu.memory_space<vmem_shared>> -> memref<125x80xf32, #tpu.memory_space<vmem_shared>>
      tpu.wait_dma2 semaphore(%run_scoped3A : memref<!tpu.dma_semaphore, #tpu.memory_space<semaphore_mem>>) src(%dma_wait3A_167 : memref<125x80xf32, #tpu.memory_space<vmem_shared>>) dst(%dma_wait3A_165 : memref<125x80xf32, #tpu.memory_space<hbm>>)
      tpu.yield
    }) : () -> ()
    %add3A_150 = arith.constant 375 : i32
    %add3A_151 = arith.addi %mul3A_2, %add3A_150 : i32
    %add3A_152 = arith.constant 375 : i32
    %add3A_153 = arith.addi %mul3A_2, %add3A_152 : i32
    "tpu.region"() ({
      %run_scoped3A = tpu.sem_alloc : memref<!tpu.dma_semaphore, #tpu.memory_space<semaphore_mem>>
      %dma_start3A_158 = arith.constant 0 : i32
      %dma_start3A_159 = tpu.memref_slice %arg7[%arg0, %add3A_153, %dma_start3A_158] : memref<2x10000x80xf32, #tpu.memory_space<hbm>> -> memref<1x125x80xf32, #tpu.memory_space<hbm>>
      %dma_start3A_160 = tpu.memref_squeeze %dma_start3A_159 : memref<1x125x80xf32, #tpu.memory_space<hbm>> -> memref<125x80xf32, #tpu.memory_space<hbm>>
      %dma_start3A_161 = arith.constant 0 : i32
      %dma_start3A_162 = tpu.memref_slice %arg27[%add3A_151, %dma_start3A_161] : memref<10000x80xf32, #tpu.memory_space<vmem_shared>> -> memref<125x80xf32, #tpu.memory_space<vmem_shared>>
      tpu.enqueue_dma source(%dma_start3A_162 : memref<125x80xf32, #tpu.memory_space<vmem_shared>>) target(%dma_start3A_160 : memref<125x80xf32, #tpu.memory_space<hbm>>) target_semaphore(%run_scoped3A : memref<!tpu.dma_semaphore, #tpu.memory_space<semaphore_mem>>)
      %dma_wait3A_163 = arith.constant 0 : i32
      %dma_wait3A_164 = tpu.memref_slice %arg7[%arg0, %add3A_153, %dma_wait3A_163] : memref<2x10000x80xf32, #tpu.memory_space<hbm>> -> memref<1x125x80xf32, #tpu.memory_space<hbm>>
      %dma_wait3A_165 = tpu.memref_squeeze %dma_wait3A_164 : memref<1x125x80xf32, #tpu.memory_space<hbm>> -> memref<125x80xf32, #tpu.memory_space<hbm>>
      %dma_wait3A_166 = arith.constant 0 : i32
      %dma_wait3A_167 = tpu.memref_slice %arg27[%add3A_151, %dma_wait3A_166] : memref<10000x80xf32, #tpu.memory_space<vmem_shared>> -> memref<125x80xf32, #tpu.memory_space<vmem_shared>>
      tpu.wait_dma2 semaphore(%run_scoped3A : memref<!tpu.dma_semaphore, #tpu.memory_space<semaphore_mem>>) src(%dma_wait3A_167 : memref<125x80xf32, #tpu.memory_space<vmem_shared>>) dst(%dma_wait3A_165 : memref<125x80xf32, #tpu.memory_space<hbm>>)
      tpu.yield
    }) : () -> ()
    %add3A_154 = arith.constant 500 : i32
    %add3A_155 = arith.addi %mul3A_2, %add3A_154 : i32
    %add3A_156 = arith.constant 500 : i32
    %add3A_157 = arith.addi %mul3A_2, %add3A_156 : i32
    "tpu.region"() ({
      %run_scoped3A = tpu.sem_alloc : memref<!tpu.dma_semaphore, #tpu.memory_space<semaphore_mem>>
      %dma_start3A_158 = arith.constant 0 : i32
      %dma_start3A_159 = tpu.memref_slice %arg7[%arg0, %add3A_157, %dma_start3A_158] : memref<2x10000x80xf32, #tpu.memory_space<hbm>> -> memref<1x125x80xf32, #tpu.memory_space<hbm>>
      %dma_start3A_160 = tpu.memref_squeeze %dma_start3A_159 : memref<1x125x80xf32, #tpu.memory_space<hbm>> -> memref<125x80xf32, #tpu.memory_space<hbm>>
      %dma_start3A_161 = arith.constant 0 : i32
      %dma_start3A_162 = tpu.memref_slice %arg27[%add3A_155, %dma_start3A_161] : memref<10000x80xf32, #tpu.memory_space<vmem_shared>> -> memref<125x80xf32, #tpu.memory_space<vmem_shared>>
      tpu.enqueue_dma source(%dma_start3A_162 : memref<125x80xf32, #tpu.memory_space<vmem_shared>>) target(%dma_start3A_160 : memref<125x80xf32, #tpu.memory_space<hbm>>) target_semaphore(%run_scoped3A : memref<!tpu.dma_semaphore, #tpu.memory_space<semaphore_mem>>)
      %dma_wait3A_163 = arith.constant 0 : i32
      %dma_wait3A_164 = tpu.memref_slice %arg7[%arg0, %add3A_157, %dma_wait3A_163] : memref<2x10000x80xf32, #tpu.memory_space<hbm>> -> memref<1x125x80xf32, #tpu.memory_space<hbm>>
      %dma_wait3A_165 = tpu.memref_squeeze %dma_wait3A_164 : memref<1x125x80xf32, #tpu.memory_space<hbm>> -> memref<125x80xf32, #tpu.memory_space<hbm>>
      %dma_wait3A_166 = arith.constant 0 : i32
      %dma_wait3A_167 = tpu.memref_slice %arg27[%add3A_155, %dma_wait3A_166] : memref<10000x80xf32, #tpu.memory_space<vmem_shared>> -> memref<125x80xf32, #tpu.memory_space<vmem_shared>>
      tpu.wait_dma2 semaphore(%run_scoped3A : memref<!tpu.dma_semaphore, #tpu.memory_space<semaphore_mem>>) src(%dma_wait3A_167 : memref<125x80xf32, #tpu.memory_space<vmem_shared>>) dst(%dma_wait3A_165 : memref<125x80xf32, #tpu.memory_space<hbm>>)
      tpu.yield
    }) : () -> ()
    return
  }
}

#map = affine_map<(d0, d1) -> (0, 0)>
#map1 = affine_map<(d0, d1) -> (0, 0, 0)>
module attributes {stable_mosaic.version = 14 : i64} {
  func.func @body(%arg0: i32, %arg1: i32, %arg2: memref<10000x64xbf16, #tpu.memory_space<hbm>>, %arg3: memref<10000x16xf32, #tpu.memory_space<hbm>>, %arg4: memref<10000x16xf32, #tpu.memory_space<hbm>>, %arg5: memref<32x125x80xi32, #tpu.memory_space<hbm>>, %arg6: memref<32x125x80xi32, #tpu.memory_space<hbm>>, %arg7: memref<2x10000x64xf32, #tpu.memory_space<hbm>>, %arg8: memref<125x80xi32, #tpu.memory_space<vmem>>, %arg9: memref<125x80xi32, #tpu.memory_space<vmem>>, %arg10: memref<80x64xbf16, #tpu.memory_space<vmem>>, %arg11: memref<80x64xbf16, #tpu.memory_space<vmem>>, %arg12: memref<80x64xbf16, #tpu.memory_space<vmem>>, %arg13: memref<80x64xbf16, #tpu.memory_space<vmem>>, %arg14: memref<80x16xf32, #tpu.memory_space<vmem>>, %arg15: memref<80x16xf32, #tpu.memory_space<vmem>>, %arg16: memref<80x16xf32, #tpu.memory_space<vmem>>, %arg17: memref<80x16xf32, #tpu.memory_space<vmem>>, %arg18: memref<80x16xf32, #tpu.memory_space<vmem>>, %arg19: memref<80x16xf32, #tpu.memory_space<vmem>>, %arg20: memref<80x16xf32, #tpu.memory_space<vmem>>, %arg21: memref<80x16xf32, #tpu.memory_space<vmem>>, %arg22: memref<80x64xf32, #tpu.memory_space<vmem>>, %arg23: memref<80x64xf32, #tpu.memory_space<vmem>>, %arg24: memref<80x64xf32, #tpu.memory_space<vmem>>, %arg25: memref<80x64xf32, #tpu.memory_space<vmem>>, %arg26: memref<125x64xf32, #tpu.memory_space<vmem>>, %arg27: memref<10000x64xf32, #tpu.memory_space<vmem_shared>>, %arg28: memref<!tpu.dma_semaphore, #tpu.memory_space<semaphore_mem>>, %arg29: memref<!tpu.dma_semaphore, #tpu.memory_space<semaphore_mem>>, %arg30: memref<!tpu.dma_semaphore, #tpu.memory_space<semaphore_mem>>, %arg31: memref<!tpu.dma_semaphore, #tpu.memory_space<semaphore_mem>>, %arg32: memref<!tpu.dma_semaphore, #tpu.memory_space<semaphore_mem>>, %arg33: memref<!tpu.dma_semaphore, #tpu.memory_space<semaphore_mem>>, %arg34: memref<!tpu.dma_semaphore, #tpu.memory_space<semaphore_mem>>, %arg35: memref<!tpu.dma_semaphore, #tpu.memory_space<semaphore_mem>>, %arg36: memref<!tpu.dma_semaphore, #tpu.memory_space<semaphore_mem>>, %arg37: memref<!tpu.dma_semaphore, #tpu.memory_space<semaphore_mem>>, %arg38: memref<!tpu.dma_semaphore, #tpu.memory_space<semaphore_mem>>, %arg39: memref<!tpu.dma_semaphore, #tpu.memory_space<semaphore_mem>>, %arg40: memref<!tpu.dma_semaphore, #tpu.memory_space<semaphore_mem>>, %arg41: memref<!tpu.dma_semaphore, #tpu.memory_space<semaphore_mem>>, %arg42: memref<!tpu.dma_semaphore, #tpu.memory_space<semaphore_mem>>, %arg43: memref<!tpu.dma_semaphore, #tpu.memory_space<semaphore_mem>>) attributes {dimension_semantics = [#tpu.dimension_semantics<core_parallel>, #tpu.dimension_semantics<subcore_parallel>], iteration_bounds = array<i64: 2, 16>, scalar_prefetch = 0 : i64, scratch_operands = 36 : i64, tpu.core_type = #tpu.core_type<sc_vector_subcore>, window_params = [{transform_indices = #map}, {transform_indices = #map}, {transform_indices = #map}, {transform_indices = #map1}, {transform_indices = #map1}, {transform_indices = #map1}]} {
    %mul3A = arith.constant 2 : i32
    %mul3A_0 = arith.muli %arg1, %mul3A : i32
    %add3A = arith.addi %mul3A_0, %arg0 : i32
    %mul3A_1 = arith.constant 625 : i32
    %mul3A_2 = arith.muli %arg1, %mul3A_1 : i32
    %scan3A = arith.constant 0 : i32
    %scan3A_3 = arith.constant 0 : i32
    %scan3A_4 = arith.constant 125 : i32
    %scan3A_5 = arith.addi %scan3A_3, %scan3A_4 : i32
    %scan3A_6 = arith.constant 1 : i32
    scf.for %scan3A_143 = %scan3A_3 to %scan3A_5 step %scan3A_6  : i32 {
      %broadcast_in_dim3A = arith.constant 0.000000e+00 : f32
      %broadcast_in_dim3A_144 = vector.broadcast %broadcast_in_dim3A : f32 to vector<16xf32>
      %swap3A = arith.index_cast %scan3A_143 : i32 to index
      %swap3A_145 = arith.constant 0 : index
      %swap3A_146 = tpu.vector_load %arg26[%swap3A, %swap3A_145] {strides = array<i32>} : memref<125x64xf32, #tpu.memory_space<vmem>>, vector<16xf32>,
      tpu.vector_store %arg26[%swap3A, %swap3A_145], %broadcast_in_dim3A_144 {strides = array<i32>} : memref<125x64xf32, #tpu.memory_space<vmem>>, vector<16xf32>,
      %broadcast_in_dim3A_147 = arith.constant 0.000000e+00 : f32
      %broadcast_in_dim3A_148 = vector.broadcast %broadcast_in_dim3A_147 : f32 to vector<16xf32>
      %swap3A_149 = arith.index_cast %scan3A_143 : i32 to index
      %swap3A_150 = arith.constant 16 : index
      %swap3A_151 = tpu.vector_load %arg26[%swap3A_149, %swap3A_150] {strides = array<i32>} : memref<125x64xf32, #tpu.memory_space<vmem>>, vector<16xf32>,
      tpu.vector_store %arg26[%swap3A_149, %swap3A_150], %broadcast_in_dim3A_148 {strides = array<i32>} : memref<125x64xf32, #tpu.memory_space<vmem>>, vector<16xf32>,
      %broadcast_in_dim3A_152 = arith.constant 0.000000e+00 : f32
      %broadcast_in_dim3A_153 = vector.broadcast %broadcast_in_dim3A_152 : f32 to vector<16xf32>
      %swap3A_154 = arith.index_cast %scan3A_143 : i32 to index
      %swap3A_155 = arith.constant 32 : index
      %swap3A_156 = tpu.vector_load %arg26[%swap3A_154, %swap3A_155] {strides = array<i32>} : memref<125x64xf32, #tpu.memory_space<vmem>>, vector<16xf32>,
      tpu.vector_store %arg26[%swap3A_154, %swap3A_155], %broadcast_in_dim3A_153 {strides = array<i32>} : memref<125x64xf32, #tpu.memory_space<vmem>>, vector<16xf32>,
      %broadcast_in_dim3A_157 = arith.constant 0.000000e+00 : f32
      %broadcast_in_dim3A_158 = vector.broadcast %broadcast_in_dim3A_157 : f32 to vector<16xf32>
      %swap3A_159 = arith.index_cast %scan3A_143 : i32 to index
      %swap3A_160 = arith.constant 48 : index
      %swap3A_161 = tpu.vector_load %arg26[%swap3A_159, %swap3A_160] {strides = array<i32>} : memref<125x64xf32, #tpu.memory_space<vmem>>, vector<16xf32>,
      tpu.vector_store %arg26[%swap3A_159, %swap3A_160], %broadcast_in_dim3A_158 {strides = array<i32>} : memref<125x64xf32, #tpu.memory_space<vmem>>, vector<16xf32>,
    }
    %scan3A_7 = arith.constant 125 : i32
    %add3A_8 = arith.constant 0 : i32
    %add3A_9 = arith.addi %mul3A_2, %add3A_8 : i32
    "tpu.region"() ({
      %run_scoped3A = tpu.sem_alloc : memref<!tpu.dma_semaphore, #tpu.memory_space<semaphore_mem>>
      %dma_start3A_143 = arith.constant 0 : i32
      %dma_start3A_144 = tpu.memref_slice %arg27[%add3A_9, %dma_start3A_143] : memref<10000x64xf32, #tpu.memory_space<vmem_shared>> -> memref<125x64xf32, #tpu.memory_space<vmem_shared>>
      %dma_start3A_145 = arith.constant 0 : i32
      %dma_start3A_146 = tpu.memref_slice %arg27[%add3A_9, %dma_start3A_145] : memref<10000x64xf32, #tpu.memory_space<vmem_shared>> -> memref<125x64xf32, #tpu.memory_space<vmem_shared>>
      tpu.enqueue_dma source(%arg26 : memref<125x64xf32, #tpu.memory_space<vmem>>) target(%dma_start3A_146 : memref<125x64xf32, #tpu.memory_space<vmem_shared>>) target_semaphore(%run_scoped3A : memref<!tpu.dma_semaphore, #tpu.memory_space<semaphore_mem>>)
      %dma_wait3A_147 = arith.constant 0 : i32
      %dma_wait3A_148 = tpu.memref_slice %arg27[%add3A_9, %dma_wait3A_147] : memref<10000x64xf32, #tpu.memory_space<vmem_shared>> -> memref<125x64xf32, #tpu.memory_space<vmem_shared>>
      %dma_wait3A_149 = arith.constant 0 : i32
      %dma_wait3A_150 = tpu.memref_slice %arg27[%add3A_9, %dma_wait3A_149] : memref<10000x64xf32, #tpu.memory_space<vmem_shared>> -> memref<125x64xf32, #tpu.memory_space<vmem_shared>>
      tpu.wait_dma2 semaphore(%run_scoped3A : memref<!tpu.dma_semaphore, #tpu.memory_space<semaphore_mem>>) src(%arg26 : memref<125x64xf32, #tpu.memory_space<vmem>>) dst(%dma_wait3A_150 : memref<125x64xf32, #tpu.memory_space<vmem_shared>>)
      tpu.yield
    }) : () -> ()
    %add3A_10 = arith.constant 125 : i32
    %add3A_11 = arith.addi %mul3A_2, %add3A_10 : i32
    "tpu.region"() ({
      %run_scoped3A = tpu.sem_alloc : memref<!tpu.dma_semaphore, #tpu.memory_space<semaphore_mem>>
      %dma_start3A_143 = arith.constant 0 : i32
      %dma_start3A_144 = tpu.memref_slice %arg27[%add3A_11, %dma_start3A_143] : memref<10000x64xf32, #tpu.memory_space<vmem_shared>> -> memref<125x64xf32, #tpu.memory_space<vmem_shared>>
      %dma_start3A_145 = arith.constant 0 : i32
      %dma_start3A_146 = tpu.memref_slice %arg27[%add3A_11, %dma_start3A_145] : memref<10000x64xf32, #tpu.memory_space<vmem_shared>> -> memref<125x64xf32, #tpu.memory_space<vmem_shared>>
      tpu.enqueue_dma source(%arg26 : memref<125x64xf32, #tpu.memory_space<vmem>>) target(%dma_start3A_146 : memref<125x64xf32, #tpu.memory_space<vmem_shared>>) target_semaphore(%run_scoped3A : memref<!tpu.dma_semaphore, #tpu.memory_space<semaphore_mem>>)
      %dma_wait3A_147 = arith.constant 0 : i32
      %dma_wait3A_148 = tpu.memref_slice %arg27[%add3A_11, %dma_wait3A_147] : memref<10000x64xf32, #tpu.memory_space<vmem_shared>> -> memref<125x64xf32, #tpu.memory_space<vmem_shared>>
      %dma_wait3A_149 = arith.constant 0 : i32
      %dma_wait3A_150 = tpu.memref_slice %arg27[%add3A_11, %dma_wait3A_149] : memref<10000x64xf32, #tpu.memory_space<vmem_shared>> -> memref<125x64xf32, #tpu.memory_space<vmem_shared>>
      tpu.wait_dma2 semaphore(%run_scoped3A : memref<!tpu.dma_semaphore, #tpu.memory_space<semaphore_mem>>) src(%arg26 : memref<125x64xf32, #tpu.memory_space<vmem>>) dst(%dma_wait3A_150 : memref<125x64xf32, #tpu.memory_space<vmem_shared>>)
      tpu.yield
    }) : () -> ()
    %add3A_12 = arith.constant 250 : i32
    %add3A_13 = arith.addi %mul3A_2, %add3A_12 : i32
    "tpu.region"() ({
      %run_scoped3A = tpu.sem_alloc : memref<!tpu.dma_semaphore, #tpu.memory_space<semaphore_mem>>
      %dma_start3A_143 = arith.constant 0 : i32
      %dma_start3A_144 = tpu.memref_slice %arg27[%add3A_13, %dma_start3A_143] : memref<10000x64xf32, #tpu.memory_space<vmem_shared>> -> memref<125x64xf32, #tpu.memory_space<vmem_shared>>
      %dma_start3A_145 = arith.constant 0 : i32
      %dma_start3A_146 = tpu.memref_slice %arg27[%add3A_13, %dma_start3A_145] : memref<10000x64xf32, #tpu.memory_space<vmem_shared>> -> memref<125x64xf32, #tpu.memory_space<vmem_shared>>
      tpu.enqueue_dma source(%arg26 : memref<125x64xf32, #tpu.memory_space<vmem>>) target(%dma_start3A_146 : memref<125x64xf32, #tpu.memory_space<vmem_shared>>) target_semaphore(%run_scoped3A : memref<!tpu.dma_semaphore, #tpu.memory_space<semaphore_mem>>)
      %dma_wait3A_147 = arith.constant 0 : i32
      %dma_wait3A_148 = tpu.memref_slice %arg27[%add3A_13, %dma_wait3A_147] : memref<10000x64xf32, #tpu.memory_space<vmem_shared>> -> memref<125x64xf32, #tpu.memory_space<vmem_shared>>
      %dma_wait3A_149 = arith.constant 0 : i32
      %dma_wait3A_150 = tpu.memref_slice %arg27[%add3A_13, %dma_wait3A_149] : memref<10000x64xf32, #tpu.memory_space<vmem_shared>> -> memref<125x64xf32, #tpu.memory_space<vmem_shared>>
      tpu.wait_dma2 semaphore(%run_scoped3A : memref<!tpu.dma_semaphore, #tpu.memory_space<semaphore_mem>>) src(%arg26 : memref<125x64xf32, #tpu.memory_space<vmem>>) dst(%dma_wait3A_150 : memref<125x64xf32, #tpu.memory_space<vmem_shared>>)
      tpu.yield
    }) : () -> ()
    %add3A_14 = arith.constant 375 : i32
    %add3A_15 = arith.addi %mul3A_2, %add3A_14 : i32
    "tpu.region"() ({
      %run_scoped3A = tpu.sem_alloc : memref<!tpu.dma_semaphore, #tpu.memory_space<semaphore_mem>>
      %dma_start3A_143 = arith.constant 0 : i32
      %dma_start3A_144 = tpu.memref_slice %arg27[%add3A_15, %dma_start3A_143] : memref<10000x64xf32, #tpu.memory_space<vmem_shared>> -> memref<125x64xf32, #tpu.memory_space<vmem_shared>>
      %dma_start3A_145 = arith.constant 0 : i32
      %dma_start3A_146 = tpu.memref_slice %arg27[%add3A_15, %dma_start3A_145] : memref<10000x64xf32, #tpu.memory_space<vmem_shared>> -> memref<125x64xf32, #tpu.memory_space<vmem_shared>>
      tpu.enqueue_dma source(%arg26 : memref<125x64xf32, #tpu.memory_space<vmem>>) target(%dma_start3A_146 : memref<125x64xf32, #tpu.memory_space<vmem_shared>>) target_semaphore(%run_scoped3A : memref<!tpu.dma_semaphore, #tpu.memory_space<semaphore_mem>>)
      %dma_wait3A_147 = arith.constant 0 : i32
      %dma_wait3A_148 = tpu.memref_slice %arg27[%add3A_15, %dma_wait3A_147] : memref<10000x64xf32, #tpu.memory_space<vmem_shared>> -> memref<125x64xf32, #tpu.memory_space<vmem_shared>>
      %dma_wait3A_149 = arith.constant 0 : i32
      %dma_wait3A_150 = tpu.memref_slice %arg27[%add3A_15, %dma_wait3A_149] : memref<10000x64xf32, #tpu.memory_space<vmem_shared>> -> memref<125x64xf32, #tpu.memory_space<vmem_shared>>
      tpu.wait_dma2 semaphore(%run_scoped3A : memref<!tpu.dma_semaphore, #tpu.memory_space<semaphore_mem>>) src(%arg26 : memref<125x64xf32, #tpu.memory_space<vmem>>) dst(%dma_wait3A_150 : memref<125x64xf32, #tpu.memory_space<vmem_shared>>)
      tpu.yield
    }) : () -> ()
    %add3A_16 = arith.constant 500 : i32
    %add3A_17 = arith.addi %mul3A_2, %add3A_16 : i32
    "tpu.region"() ({
      %run_scoped3A = tpu.sem_alloc : memref<!tpu.dma_semaphore, #tpu.memory_space<semaphore_mem>>
      %dma_start3A_143 = arith.constant 0 : i32
      %dma_start3A_144 = tpu.memref_slice %arg27[%add3A_17, %dma_start3A_143] : memref<10000x64xf32, #tpu.memory_space<vmem_shared>> -> memref<125x64xf32, #tpu.memory_space<vmem_shared>>
      %dma_start3A_145 = arith.constant 0 : i32
      %dma_start3A_146 = tpu.memref_slice %arg27[%add3A_17, %dma_start3A_145] : memref<10000x64xf32, #tpu.memory_space<vmem_shared>> -> memref<125x64xf32, #tpu.memory_space<vmem_shared>>
      tpu.enqueue_dma source(%arg26 : memref<125x64xf32, #tpu.memory_space<vmem>>) target(%dma_start3A_146 : memref<125x64xf32, #tpu.memory_space<vmem_shared>>) target_semaphore(%run_scoped3A : memref<!tpu.dma_semaphore, #tpu.memory_space<semaphore_mem>>)
      %dma_wait3A_147 = arith.constant 0 : i32
      %dma_wait3A_148 = tpu.memref_slice %arg27[%add3A_17, %dma_wait3A_147] : memref<10000x64xf32, #tpu.memory_space<vmem_shared>> -> memref<125x64xf32, #tpu.memory_space<vmem_shared>>
      %dma_wait3A_149 = arith.constant 0 : i32
      %dma_wait3A_150 = tpu.memref_slice %arg27[%add3A_17, %dma_wait3A_149] : memref<10000x64xf32, #tpu.memory_space<vmem_shared>> -> memref<125x64xf32, #tpu.memory_space<vmem_shared>>
      tpu.wait_dma2 semaphore(%run_scoped3A : memref<!tpu.dma_semaphore, #tpu.memory_space<semaphore_mem>>) src(%arg26 : memref<125x64xf32, #tpu.memory_space<vmem>>) dst(%dma_wait3A_150 : memref<125x64xf32, #tpu.memory_space<vmem_shared>>)
      tpu.yield
    }) : () -> ()
    "tpu.region"() ({
      %run_scoped3A = tpu.sem_alloc : memref<!tpu.dma_semaphore, #tpu.memory_space<semaphore_mem>>
      %dma_start3A_143 = arith.constant 0 : i32
      %dma_start3A_144 = arith.constant 0 : i32
      %dma_start3A_145 = tpu.memref_slice %arg5[%add3A, %dma_start3A_143, %dma_start3A_144] : memref<32x125x80xi32, #tpu.memory_space<hbm>> -> memref<1x125x80xi32, #tpu.memory_space<hbm>>
      %dma_start3A_146 = tpu.memref_squeeze %dma_start3A_145 : memref<1x125x80xi32, #tpu.memory_space<hbm>> -> memref<125x80xi32, #tpu.memory_space<hbm>>
      %dma_start3A_147 = arith.constant 0 : i32
      %dma_start3A_148 = arith.constant 0 : i32
      %dma_start3A_149 = tpu.memref_slice %arg5[%add3A, %dma_start3A_147, %dma_start3A_148] : memref<32x125x80xi32, #tpu.memory_space<hbm>> -> memref<1x125x80xi32, #tpu.memory_space<hbm>>
      %dma_start3A_150 = tpu.memref_squeeze %dma_start3A_149 : memref<1x125x80xi32, #tpu.memory_space<hbm>> -> memref<125x80xi32, #tpu.memory_space<hbm>>
      tpu.enqueue_dma source(%dma_start3A_150 : memref<125x80xi32, #tpu.memory_space<hbm>>) target(%arg8 : memref<125x80xi32, #tpu.memory_space<vmem>>) target_semaphore(%run_scoped3A : memref<!tpu.dma_semaphore, #tpu.memory_space<semaphore_mem>>)
      %dma_wait3A_151 = arith.constant 0 : i32
      %dma_wait3A_152 = arith.constant 0 : i32
      %dma_wait3A_153 = tpu.memref_slice %arg5[%add3A, %dma_wait3A_151, %dma_wait3A_152] : memref<32x125x80xi32, #tpu.memory_space<hbm>> -> memref<1x125x80xi32, #tpu.memory_space<hbm>>
      %dma_wait3A_154 = tpu.memref_squeeze %dma_wait3A_153 : memref<1x125x80xi32, #tpu.memory_space<hbm>> -> memref<125x80xi32, #tpu.memory_space<hbm>>
      %dma_wait3A_155 = arith.constant 0 : i32
      %dma_wait3A_156 = arith.constant 0 : i32
      %dma_wait3A_157 = tpu.memref_slice %arg5[%add3A, %dma_wait3A_155, %dma_wait3A_156] : memref<32x125x80xi32, #tpu.memory_space<hbm>> -> memref<1x125x80xi32, #tpu.memory_space<hbm>>
      %dma_wait3A_158 = tpu.memref_squeeze %dma_wait3A_157 : memref<1x125x80xi32, #tpu.memory_space<hbm>> -> memref<125x80xi32, #tpu.memory_space<hbm>>
      tpu.wait_dma2 semaphore(%run_scoped3A : memref<!tpu.dma_semaphore, #tpu.memory_space<semaphore_mem>>) src(%dma_wait3A_158 : memref<125x80xi32, #tpu.memory_space<hbm>>) dst(%arg8 : memref<125x80xi32, #tpu.memory_space<vmem>>)
      tpu.yield
    }) : () -> ()
    "tpu.region"() ({
      %run_scoped3A = tpu.sem_alloc : memref<!tpu.dma_semaphore, #tpu.memory_space<semaphore_mem>>
      %dma_start3A_143 = arith.constant 0 : i32
      %dma_start3A_144 = arith.constant 0 : i32
      %dma_start3A_145 = tpu.memref_slice %arg6[%add3A, %dma_start3A_143, %dma_start3A_144] : memref<32x125x80xi32, #tpu.memory_space<hbm>> -> memref<1x125x80xi32, #tpu.memory_space<hbm>>
      %dma_start3A_146 = tpu.memref_squeeze %dma_start3A_145 : memref<1x125x80xi32, #tpu.memory_space<hbm>> -> memref<125x80xi32, #tpu.memory_space<hbm>>
      %dma_start3A_147 = arith.constant 0 : i32
      %dma_start3A_148 = arith.constant 0 : i32
      %dma_start3A_149 = tpu.memref_slice %arg6[%add3A, %dma_start3A_147, %dma_start3A_148] : memref<32x125x80xi32, #tpu.memory_space<hbm>> -> memref<1x125x80xi32, #tpu.memory_space<hbm>>
      %dma_start3A_150 = tpu.memref_squeeze %dma_start3A_149 : memref<1x125x80xi32, #tpu.memory_space<hbm>> -> memref<125x80xi32, #tpu.memory_space<hbm>>
      tpu.enqueue_dma source(%dma_start3A_150 : memref<125x80xi32, #tpu.memory_space<hbm>>) target(%arg9 : memref<125x80xi32, #tpu.memory_space<vmem>>) target_semaphore(%run_scoped3A : memref<!tpu.dma_semaphore, #tpu.memory_space<semaphore_mem>>)
      %dma_wait3A_151 = arith.constant 0 : i32
      %dma_wait3A_152 = arith.constant 0 : i32
      %dma_wait3A_153 = tpu.memref_slice %arg6[%add3A, %dma_wait3A_151, %dma_wait3A_152] : memref<32x125x80xi32, #tpu.memory_space<hbm>> -> memref<1x125x80xi32, #tpu.memory_space<hbm>>
      %dma_wait3A_154 = tpu.memref_squeeze %dma_wait3A_153 : memref<1x125x80xi32, #tpu.memory_space<hbm>> -> memref<125x80xi32, #tpu.memory_space<hbm>>
      %dma_wait3A_155 = arith.constant 0 : i32
      %dma_wait3A_156 = arith.constant 0 : i32
      %dma_wait3A_157 = tpu.memref_slice %arg6[%add3A, %dma_wait3A_155, %dma_wait3A_156] : memref<32x125x80xi32, #tpu.memory_space<hbm>> -> memref<1x125x80xi32, #tpu.memory_space<hbm>>
      %dma_wait3A_158 = tpu.memref_squeeze %dma_wait3A_157 : memref<1x125x80xi32, #tpu.memory_space<hbm>> -> memref<125x80xi32, #tpu.memory_space<hbm>>
      tpu.wait_dma2 semaphore(%run_scoped3A : memref<!tpu.dma_semaphore, #tpu.memory_space<semaphore_mem>>) src(%dma_wait3A_158 : memref<125x80xi32, #tpu.memory_space<hbm>>) dst(%arg9 : memref<125x80xi32, #tpu.memory_space<vmem>>)
      tpu.yield
    }) : () -> ()
    %barrier3A = arith.constant 0 : index
    tpu.barrier barrier_id(%barrier3A)
    %iota3A = tpu.iota {dimensions = array<i32: 0>} : vector<16xi32>
    %mul3A_18 = arith.constant 0 : i32
    %mul3A_19 = vector.broadcast %mul3A_18 : i32 to vector<16xi32>
    %mul3A_20 = arith.muli %iota3A, %mul3A_19 : vector<16xi32>
    %mul3A_21 = arith.constant 0 : i32
    %mul3A_22 = vector.broadcast %mul3A_21 : i32 to vector<16xi32>
    %mul3A_23 = arith.muli %iota3A, %mul3A_22 : vector<16xi32>
    %add3A_24 = arith.constant 1 : i32
    %add3A_25 = vector.broadcast %add3A_24 : i32 to vector<16xi32>
    %add3A_26 = arith.addi %mul3A_23, %add3A_25 : vector<16xi32>
    %dma_start3A = arith.constant 0 : i32
    %dma_start3A_27 = arith.constant 0 : i32
    %dma_start3A_28 = tpu.memref_slice %arg8[%dma_start3A, %dma_start3A_27] : memref<125x80xi32, #tpu.memory_space<vmem>> -> memref<1x80xi32, #tpu.memory_space<vmem>>
    %dma_start3A_29 = tpu.memref_squeeze %dma_start3A_28 : memref<1x80xi32, #tpu.memory_space<vmem>> -> memref<80xi32, #tpu.memory_space<vmem>>
    %dma_start3A_30 = arith.constant 0 : i32
    %dma_start3A_31 = arith.constant 0 : i32
    %dma_start3A_32 = tpu.memref_slice %arg2[%dma_start3A_30, %dma_start3A_31] : memref<10000x64xbf16, #tpu.memory_space<hbm>> -> memref<10000x64xbf16, #tpu.memory_space<hbm>>
    tpu.enqueue_indirect_dma source(%dma_start3A_32 : memref<10000x64xbf16, #tpu.memory_space<hbm>>) target(%arg10 : memref<80x64xbf16, #tpu.memory_space<vmem>>) offsets(%dma_start3A_29 : memref<80xi32, #tpu.memory_space<vmem>>) semaphore(%arg28 : memref<!tpu.dma_semaphore, #tpu.memory_space<semaphore_mem>>)
    %dma_start3A_33 = arith.constant 0 : i32
    %dma_start3A_34 = arith.constant 0 : i32
    %dma_start3A_35 = tpu.memref_slice %arg8[%dma_start3A_33, %dma_start3A_34] : memref<125x80xi32, #tpu.memory_space<vmem>> -> memref<1x80xi32, #tpu.memory_space<vmem>>
    %dma_start3A_36 = tpu.memref_squeeze %dma_start3A_35 : memref<1x80xi32, #tpu.memory_space<vmem>> -> memref<80xi32, #tpu.memory_space<vmem>>
    %dma_start3A_37 = arith.constant 0 : i32
    %dma_start3A_38 = arith.constant 0 : i32
    %dma_start3A_39 = tpu.memref_slice %arg3[%dma_start3A_37, %dma_start3A_38] : memref<10000x16xf32, #tpu.memory_space<hbm>> -> memref<10000x16xf32, #tpu.memory_space<hbm>>
    tpu.enqueue_indirect_dma source(%dma_start3A_39 : memref<10000x16xf32, #tpu.memory_space<hbm>>) target(%arg14 : memref<80x16xf32, #tpu.memory_space<vmem>>) offsets(%dma_start3A_36 : memref<80xi32, #tpu.memory_space<vmem>>) semaphore(%arg32 : memref<!tpu.dma_semaphore, #tpu.memory_space<semaphore_mem>>)
    %dma_start3A_40 = arith.constant 0 : i32
    %dma_start3A_41 = arith.constant 0 : i32
    %dma_start3A_42 = tpu.memref_slice %arg9[%dma_start3A_40, %dma_start3A_41] : memref<125x80xi32, #tpu.memory_space<vmem>> -> memref<1x80xi32, #tpu.memory_space<vmem>>
    %dma_start3A_43 = tpu.memref_squeeze %dma_start3A_42 : memref<1x80xi32, #tpu.memory_space<vmem>> -> memref<80xi32, #tpu.memory_space<vmem>>
    %dma_start3A_44 = arith.constant 0 : i32
    %dma_start3A_45 = arith.constant 0 : i32
    %dma_start3A_46 = tpu.memref_slice %arg4[%dma_start3A_44, %dma_start3A_45] : memref<10000x16xf32, #tpu.memory_space<hbm>> -> memref<10000x16xf32, #tpu.memory_space<hbm>>
    tpu.enqueue_indirect_dma source(%dma_start3A_46 : memref<10000x16xf32, #tpu.memory_space<hbm>>) target(%arg18 : memref<80x16xf32, #tpu.memory_space<vmem>>) offsets(%dma_start3A_43 : memref<80xi32, #tpu.memory_space<vmem>>) semaphore(%arg36 : memref<!tpu.dma_semaphore, #tpu.memory_space<semaphore_mem>>)
    %dma_start3A_47 = arith.constant 1 : i32
    %dma_start3A_48 = arith.constant 0 : i32
    %dma_start3A_49 = tpu.memref_slice %arg8[%dma_start3A_47, %dma_start3A_48] : memref<125x80xi32, #tpu.memory_space<vmem>> -> memref<1x80xi32, #tpu.memory_space<vmem>>
    %dma_start3A_50 = tpu.memref_squeeze %dma_start3A_49 : memref<1x80xi32, #tpu.memory_space<vmem>> -> memref<80xi32, #tpu.memory_space<vmem>>
    %dma_start3A_51 = arith.constant 0 : i32
    %dma_start3A_52 = arith.constant 0 : i32
    %dma_start3A_53 = tpu.memref_slice %arg2[%dma_start3A_51, %dma_start3A_52] : memref<10000x64xbf16, #tpu.memory_space<hbm>> -> memref<10000x64xbf16, #tpu.memory_space<hbm>>
    tpu.enqueue_indirect_dma source(%dma_start3A_53 : memref<10000x64xbf16, #tpu.memory_space<hbm>>) target(%arg11 : memref<80x64xbf16, #tpu.memory_space<vmem>>) offsets(%dma_start3A_50 : memref<80xi32, #tpu.memory_space<vmem>>) semaphore(%arg29 : memref<!tpu.dma_semaphore, #tpu.memory_space<semaphore_mem>>)
    %dma_start3A_54 = arith.constant 1 : i32
    %dma_start3A_55 = arith.constant 0 : i32
    %dma_start3A_56 = tpu.memref_slice %arg8[%dma_start3A_54, %dma_start3A_55] : memref<125x80xi32, #tpu.memory_space<vmem>> -> memref<1x80xi32, #tpu.memory_space<vmem>>
    %dma_start3A_57 = tpu.memref_squeeze %dma_start3A_56 : memref<1x80xi32, #tpu.memory_space<vmem>> -> memref<80xi32, #tpu.memory_space<vmem>>
    %dma_start3A_58 = arith.constant 0 : i32
    %dma_start3A_59 = arith.constant 0 : i32
    %dma_start3A_60 = tpu.memref_slice %arg3[%dma_start3A_58, %dma_start3A_59] : memref<10000x16xf32, #tpu.memory_space<hbm>> -> memref<10000x16xf32, #tpu.memory_space<hbm>>
    tpu.enqueue_indirect_dma source(%dma_start3A_60 : memref<10000x16xf32, #tpu.memory_space<hbm>>) target(%arg15 : memref<80x16xf32, #tpu.memory_space<vmem>>) offsets(%dma_start3A_57 : memref<80xi32, #tpu.memory_space<vmem>>) semaphore(%arg33 : memref<!tpu.dma_semaphore, #tpu.memory_space<semaphore_mem>>)
    %dma_start3A_61 = arith.constant 1 : i32
    %dma_start3A_62 = arith.constant 0 : i32
    %dma_start3A_63 = tpu.memref_slice %arg9[%dma_start3A_61, %dma_start3A_62] : memref<125x80xi32, #tpu.memory_space<vmem>> -> memref<1x80xi32, #tpu.memory_space<vmem>>
    %dma_start3A_64 = tpu.memref_squeeze %dma_start3A_63 : memref<1x80xi32, #tpu.memory_space<vmem>> -> memref<80xi32, #tpu.memory_space<vmem>>
    %dma_start3A_65 = arith.constant 0 : i32
    %dma_start3A_66 = arith.constant 0 : i32
    %dma_start3A_67 = tpu.memref_slice %arg4[%dma_start3A_65, %dma_start3A_66] : memref<10000x16xf32, #tpu.memory_space<hbm>> -> memref<10000x16xf32, #tpu.memory_space<hbm>>
    tpu.enqueue_indirect_dma source(%dma_start3A_67 : memref<10000x16xf32, #tpu.memory_space<hbm>>) target(%arg19 : memref<80x16xf32, #tpu.memory_space<vmem>>) offsets(%dma_start3A_64 : memref<80xi32, #tpu.memory_space<vmem>>) semaphore(%arg37 : memref<!tpu.dma_semaphore, #tpu.memory_space<semaphore_mem>>)
    %dma_start3A_68 = arith.constant 2 : i32
    %dma_start3A_69 = arith.constant 0 : i32
    %dma_start3A_70 = tpu.memref_slice %arg8[%dma_start3A_68, %dma_start3A_69] : memref<125x80xi32, #tpu.memory_space<vmem>> -> memref<1x80xi32, #tpu.memory_space<vmem>>
    %dma_start3A_71 = tpu.memref_squeeze %dma_start3A_70 : memref<1x80xi32, #tpu.memory_space<vmem>> -> memref<80xi32, #tpu.memory_space<vmem>>
    %dma_start3A_72 = arith.constant 0 : i32
    %dma_start3A_73 = arith.constant 0 : i32
    %dma_start3A_74 = tpu.memref_slice %arg2[%dma_start3A_72, %dma_start3A_73] : memref<10000x64xbf16, #tpu.memory_space<hbm>> -> memref<10000x64xbf16, #tpu.memory_space<hbm>>
    tpu.enqueue_indirect_dma source(%dma_start3A_74 : memref<10000x64xbf16, #tpu.memory_space<hbm>>) target(%arg12 : memref<80x64xbf16, #tpu.memory_space<vmem>>) offsets(%dma_start3A_71 : memref<80xi32, #tpu.memory_space<vmem>>) semaphore(%arg30 : memref<!tpu.dma_semaphore, #tpu.memory_space<semaphore_mem>>)
    %dma_start3A_75 = arith.constant 2 : i32
    %dma_start3A_76 = arith.constant 0 : i32
    %dma_start3A_77 = tpu.memref_slice %arg8[%dma_start3A_75, %dma_start3A_76] : memref<125x80xi32, #tpu.memory_space<vmem>> -> memref<1x80xi32, #tpu.memory_space<vmem>>
    %dma_start3A_78 = tpu.memref_squeeze %dma_start3A_77 : memref<1x80xi32, #tpu.memory_space<vmem>> -> memref<80xi32, #tpu.memory_space<vmem>>
    %dma_start3A_79 = arith.constant 0 : i32
    %dma_start3A_80 = arith.constant 0 : i32
    %dma_start3A_81 = tpu.memref_slice %arg3[%dma_start3A_79, %dma_start3A_80] : memref<10000x16xf32, #tpu.memory_space<hbm>> -> memref<10000x16xf32, #tpu.memory_space<hbm>>
    tpu.enqueue_indirect_dma source(%dma_start3A_81 : memref<10000x16xf32, #tpu.memory_space<hbm>>) target(%arg16 : memref<80x16xf32, #tpu.memory_space<vmem>>) offsets(%dma_start3A_78 : memref<80xi32, #tpu.memory_space<vmem>>) semaphore(%arg34 : memref<!tpu.dma_semaphore, #tpu.memory_space<semaphore_mem>>)
    %dma_start3A_82 = arith.constant 2 : i32
    %dma_start3A_83 = arith.constant 0 : i32
    %dma_start3A_84 = tpu.memref_slice %arg9[%dma_start3A_82, %dma_start3A_83] : memref<125x80xi32, #tpu.memory_space<vmem>> -> memref<1x80xi32, #tpu.memory_space<vmem>>
    %dma_start3A_85 = tpu.memref_squeeze %dma_start3A_84 : memref<1x80xi32, #tpu.memory_space<vmem>> -> memref<80xi32, #tpu.memory_space<vmem>>
    %dma_start3A_86 = arith.constant 0 : i32
    %dma_start3A_87 = arith.constant 0 : i32
    %dma_start3A_88 = tpu.memref_slice %arg4[%dma_start3A_86, %dma_start3A_87] : memref<10000x16xf32, #tpu.memory_space<hbm>> -> memref<10000x16xf32, #tpu.memory_space<hbm>>
    tpu.enqueue_indirect_dma source(%dma_start3A_88 : memref<10000x16xf32, #tpu.memory_space<hbm>>) target(%arg20 : memref<80x16xf32, #tpu.memory_space<vmem>>) offsets(%dma_start3A_85 : memref<80xi32, #tpu.memory_space<vmem>>) semaphore(%arg38 : memref<!tpu.dma_semaphore, #tpu.memory_space<semaphore_mem>>)
    %scan3A_89 = arith.constant 0 : i32
    %scan3A_90 = arith.constant 0 : i32
    %scan3A_91 = arith.constant 32 : i32
    %scan3A_92 = arith.addi %scan3A_90, %scan3A_91 : i32
    %scan3A_93 = arith.constant 1 : i32
    scf.for %scan3A_143 = %scan3A_90 to %scan3A_92 step %scan3A_93  : i32 {
      %mul3A_144 = arith.constant 4 : i32
      %mul3A_145 = arith.muli %mul3A_144, %scan3A_143 : i32
      %add3A_146 = arith.constant 0 : i32
      %add3A_147 = arith.addi %mul3A_145, %add3A_146 : i32
      %lt3A = arith.constant 125 : i32
      %lt3A_148 = arith.cmpi slt, %add3A_147, %lt3A : i32
      %convert_element_type3A = arith.extui %lt3A_148 : i1 to i32
      %cond3A = arith.constant 0 : i32
      %cond3A_149 = arith.cmpi ne, %convert_element_type3A, %cond3A : i32
      scf.if %cond3A_149 {
        %add3A_177 = arith.constant 3 : i32
        %add3A_178 = arith.addi %add3A_147, %add3A_177 : i32
        %lt3A_179 = arith.constant 125 : i32
        %lt3A_180 = arith.cmpi slt, %add3A_178, %lt3A_179 : i32
        %convert_element_type3A_181 = arith.extui %lt3A_180 : i1 to i32
        %cond3A_182 = arith.constant 0 : i32
        %cond3A_183 = arith.cmpi ne, %convert_element_type3A_181, %cond3A_182 : i32
        scf.if %cond3A_183 {
          %add3A_214 = arith.constant 3 : i32
          %add3A_215 = arith.addi %add3A_147, %add3A_214 : i32
          %dma_start3A_216 = arith.constant 0 : i32
          %dma_start3A_217 = tpu.memref_slice %arg8[%add3A_215, %dma_start3A_216] : memref<125x80xi32, #tpu.memory_space<vmem>> -> memref<1x80xi32, #tpu.memory_space<vmem>>
          %dma_start3A_218 = tpu.memref_squeeze %dma_start3A_217 : memref<1x80xi32, #tpu.memory_space<vmem>> -> memref<80xi32, #tpu.memory_space<vmem>>
          %dma_start3A_219 = arith.constant 0 : i32
          %dma_start3A_220 = arith.constant 0 : i32
          %dma_start3A_221 = tpu.memref_slice %arg2[%dma_start3A_219, %dma_start3A_220] : memref<10000x64xbf16, #tpu.memory_space<hbm>> -> memref<10000x64xbf16, #tpu.memory_space<hbm>>
          tpu.enqueue_indirect_dma source(%dma_start3A_221 : memref<10000x64xbf16, #tpu.memory_space<hbm>>) target(%arg13 : memref<80x64xbf16, #tpu.memory_space<vmem>>) offsets(%dma_start3A_218 : memref<80xi32, #tpu.memory_space<vmem>>) semaphore(%arg31 : memref<!tpu.dma_semaphore, #tpu.memory_space<semaphore_mem>>)
          %dma_start3A_222 = arith.constant 0 : i32
          %dma_start3A_223 = tpu.memref_slice %arg8[%add3A_215, %dma_start3A_222] : memref<125x80xi32, #tpu.memory_space<vmem>> -> memref<1x80xi32, #tpu.memory_space<vmem>>
          %dma_start3A_224 = tpu.memref_squeeze %dma_start3A_223 : memref<1x80xi32, #tpu.memory_space<vmem>> -> memref<80xi32, #tpu.memory_space<vmem>>
          %dma_start3A_225 = arith.constant 0 : i32
          %dma_start3A_226 = arith.constant 0 : i32
          %dma_start3A_227 = tpu.memref_slice %arg3[%dma_start3A_225, %dma_start3A_226] : memref<10000x16xf32, #tpu.memory_space<hbm>> -> memref<10000x16xf32, #tpu.memory_space<hbm>>
          tpu.enqueue_indirect_dma source(%dma_start3A_227 : memref<10000x16xf32, #tpu.memory_space<hbm>>) target(%arg17 : memref<80x16xf32, #tpu.memory_space<vmem>>) offsets(%dma_start3A_224 : memref<80xi32, #tpu.memory_space<vmem>>) semaphore(%arg35 : memref<!tpu.dma_semaphore, #tpu.memory_space<semaphore_mem>>)
          %dma_start3A_228 = arith.constant 0 : i32
          %dma_start3A_229 = tpu.memref_slice %arg9[%add3A_215, %dma_start3A_228] : memref<125x80xi32, #tpu.memory_space<vmem>> -> memref<1x80xi32, #tpu.memory_space<vmem>>
          %dma_start3A_230 = tpu.memref_squeeze %dma_start3A_229 : memref<1x80xi32, #tpu.memory_space<vmem>> -> memref<80xi32, #tpu.memory_space<vmem>>
          %dma_start3A_231 = arith.constant 0 : i32
          %dma_start3A_232 = arith.constant 0 : i32
          %dma_start3A_233 = tpu.memref_slice %arg4[%dma_start3A_231, %dma_start3A_232] : memref<10000x16xf32, #tpu.memory_space<hbm>> -> memref<10000x16xf32, #tpu.memory_space<hbm>>
          tpu.enqueue_indirect_dma source(%dma_start3A_233 : memref<10000x16xf32, #tpu.memory_space<hbm>>) target(%arg21 : memref<80x16xf32, #tpu.memory_space<vmem>>) offsets(%dma_start3A_230 : memref<80xi32, #tpu.memory_space<vmem>>) semaphore(%arg39 : memref<!tpu.dma_semaphore, #tpu.memory_space<semaphore_mem>>)
        } else {
        }
        %dma_wait3A_184 = arith.constant 0 : i32
        %dma_wait3A_185 = tpu.memref_slice %arg8[%add3A_147, %dma_wait3A_184] : memref<125x80xi32, #tpu.memory_space<vmem>> -> memref<1x80xi32, #tpu.memory_space<vmem>>
        %dma_wait3A_186 = tpu.memref_squeeze %dma_wait3A_185 : memref<1x80xi32, #tpu.memory_space<vmem>> -> memref<80xi32, #tpu.memory_space<vmem>>
        %dma_wait3A_187 = arith.constant 0 : i32
        %dma_wait3A_188 = arith.constant 0 : i32
        %dma_wait3A_189 = tpu.memref_slice %arg2[%dma_wait3A_187, %dma_wait3A_188] : memref<10000x64xbf16, #tpu.memory_space<hbm>> -> memref<10000x64xbf16, #tpu.memory_space<hbm>>
        tpu.wait_indirect_dma semaphore(%arg28 : memref<!tpu.dma_semaphore, #tpu.memory_space<semaphore_mem>>) src(%dma_wait3A_189 : memref<10000x64xbf16, #tpu.memory_space<hbm>>) dst(%arg10 : memref<80x64xbf16, #tpu.memory_space<vmem>>)
        %dma_wait3A_190 = arith.constant 0 : i32
        %dma_wait3A_191 = tpu.memref_slice %arg8[%add3A_147, %dma_wait3A_190] : memref<125x80xi32, #tpu.memory_space<vmem>> -> memref<1x80xi32, #tpu.memory_space<vmem>>
        %dma_wait3A_192 = tpu.memref_squeeze %dma_wait3A_191 : memref<1x80xi32, #tpu.memory_space<vmem>> -> memref<80xi32, #tpu.memory_space<vmem>>
        %dma_wait3A_193 = arith.constant 0 : i32
        %dma_wait3A_194 = arith.constant 0 : i32
        %dma_wait3A_195 = tpu.memref_slice %arg3[%dma_wait3A_193, %dma_wait3A_194] : memref<10000x16xf32, #tpu.memory_space<hbm>> -> memref<10000x16xf32, #tpu.memory_space<hbm>>
        tpu.wait_indirect_dma semaphore(%arg32 : memref<!tpu.dma_semaphore, #tpu.memory_space<semaphore_mem>>) src(%dma_wait3A_195 : memref<10000x16xf32, #tpu.memory_space<hbm>>) dst(%arg14 : memref<80x16xf32, #tpu.memory_space<vmem>>)
        %dma_wait3A_196 = arith.constant 0 : i32
        %dma_wait3A_197 = tpu.memref_slice %arg9[%add3A_147, %dma_wait3A_196] : memref<125x80xi32, #tpu.memory_space<vmem>> -> memref<1x80xi32, #tpu.memory_space<vmem>>
        %dma_wait3A_198 = tpu.memref_squeeze %dma_wait3A_197 : memref<1x80xi32, #tpu.memory_space<vmem>> -> memref<80xi32, #tpu.memory_space<vmem>>
        %dma_wait3A_199 = arith.constant 0 : i32
        %dma_wait3A_200 = arith.constant 0 : i32
        %dma_wait3A_201 = tpu.memref_slice %arg4[%dma_wait3A_199, %dma_wait3A_200] : memref<10000x16xf32, #tpu.memory_space<hbm>> -> memref<10000x16xf32, #tpu.memory_space<hbm>>
        tpu.wait_indirect_dma semaphore(%arg36 : memref<!tpu.dma_semaphore, #tpu.memory_space<semaphore_mem>>) src(%dma_wait3A_201 : memref<10000x16xf32, #tpu.memory_space<hbm>>) dst(%arg18 : memref<80x16xf32, #tpu.memory_space<vmem>>)
        %ge3A = arith.constant 4 : i32
        %ge3A_202 = arith.cmpi sge, %add3A_147, %ge3A : i32
        %convert_element_type3A_203 = arith.extui %ge3A_202 : i1 to i32
        %cond3A_204 = arith.constant 0 : i32
        %cond3A_205 = arith.cmpi ne, %convert_element_type3A_203, %cond3A_204 : i32
        scf.if %cond3A_205 {
          %dma_wait3A_214 = arith.constant 0 : i32
          %dma_wait3A_215 = tpu.memref_slice %arg9[%add3A_147, %dma_wait3A_214] : memref<125x80xi32, #tpu.memory_space<vmem>> -> memref<1x80xi32, #tpu.memory_space<vmem>>
          %dma_wait3A_216 = tpu.memref_squeeze %dma_wait3A_215 : memref<1x80xi32, #tpu.memory_space<vmem>> -> memref<80xi32, #tpu.memory_space<vmem>>
          %dma_wait3A_217 = arith.constant 0 : i32
          %dma_wait3A_218 = arith.constant 0 : i32
          %dma_wait3A_219 = tpu.memref_slice %arg27[%dma_wait3A_217, %dma_wait3A_218] : memref<10000x64xf32, #tpu.memory_space<vmem_shared>> -> memref<10000x64xf32, #tpu.memory_space<vmem_shared>>
          tpu.wait_indirect_dma semaphore(%arg40 : memref<!tpu.dma_semaphore, #tpu.memory_space<semaphore_mem>>) src(%arg22 : memref<80x64xf32, #tpu.memory_space<vmem>>) dst(%dma_wait3A_219 : memref<10000x64xf32, #tpu.memory_space<vmem_shared>>)
        } else {
        }
        %parallel_loop3A = arith.constant 0 : i32
        %parallel_loop3A_206 = arith.constant 80 : i32
        %parallel_loop3A_207 = arith.constant 1 : i32
        scf.for %parallel_loop3A_214 = %parallel_loop3A to %parallel_loop3A_206 step %parallel_loop3A_207  : i32 {
          %parallel_loop3A_215 = arith.index_cast %parallel_loop3A_214 : i32 to index
          %parallel_loop3A_216 = arith.constant 0 : index
          %parallel_loop3A_217 = tpu.vector_load %arg14[%parallel_loop3A_215, %parallel_loop3A_216] {strides = array<i32>} : memref<80x16xf32, #tpu.memory_space<vmem>>, vector<16xf32>,
          %parallel_loop3A_218 = arith.index_cast %parallel_loop3A_214 : i32 to index
          %parallel_loop3A_219 = arith.constant 0 : index
          %parallel_loop3A_220 = tpu.vector_load %arg18[%parallel_loop3A_218, %parallel_loop3A_219] {strides = array<i32>} : memref<80x16xf32, #tpu.memory_space<vmem>>, vector<16xf32>,
          %parallel_loop3A_221 = vector.shape_cast %add3A_26 : vector<16xi32> to vector<16x1xi32>
          %parallel_loop3A_222 = vector.shape_cast %parallel_loop3A_221 : vector<16x1xi32> to vector<16xi32>
          %parallel_loop3A_223 = tpu.dynamic_gather %parallel_loop3A_217[%parallel_loop3A_222] in [0] : vector<16xf32>, vector<16xi32> -> vector<16xf32>
          %parallel_loop3A_224 = vector.shape_cast %mul3A_20 : vector<16xi32> to vector<16x1xi32>
          %parallel_loop3A_225 = vector.shape_cast %parallel_loop3A_224 : vector<16x1xi32> to vector<16xi32>
          %parallel_loop3A_226 = tpu.dynamic_gather %parallel_loop3A_220[%parallel_loop3A_225] in [0] : vector<16xf32>, vector<16xi32> -> vector<16xf32>
          %parallel_loop3A_227 = arith.addf %parallel_loop3A_223, %parallel_loop3A_226 : vector<16xf32>
          %parallel_loop3A_228 = arith.constant 0.000000e+00 : f32
          %parallel_loop3A_229 = vector.broadcast %parallel_loop3A_228 : f32 to vector<16xf32>
          %parallel_loop3A_230 = arith.cmpf oge, %parallel_loop3A_227, %parallel_loop3A_229 : vector<16xf32>
          %parallel_loop3A_231 = arith.constant 2.000000e-01 : f32
          %parallel_loop3A_232 = vector.broadcast %parallel_loop3A_231 : f32 to vector<16xf32>
          %parallel_loop3A_233 = arith.mulf %parallel_loop3A_232, %parallel_loop3A_227 : vector<16xf32>
          %parallel_loop3A_234 = arith.select %parallel_loop3A_230, %parallel_loop3A_227, %parallel_loop3A_233 : vector<16xi1>, vector<16xf32>
          %parallel_loop3A_235 = vector.shape_cast %add3A_26 : vector<16xi32> to vector<16x1xi32>
          %parallel_loop3A_236 = vector.shape_cast %parallel_loop3A_235 : vector<16x1xi32> to vector<16xi32>
          %parallel_loop3A_237 = tpu.dynamic_gather %parallel_loop3A_220[%parallel_loop3A_236] in [0] : vector<16xf32>, vector<16xi32> -> vector<16xf32>
          %parallel_loop3A_238 = arith.subf %parallel_loop3A_234, %parallel_loop3A_237 : vector<16xf32>
          %parallel_loop3A_239 = math.exp %parallel_loop3A_238 : vector<16xf32>
          %parallel_loop3A_240 = arith.index_cast %parallel_loop3A_214 : i32 to index
          %parallel_loop3A_241 = arith.constant 0 : index
          %parallel_loop3A_242 = tpu.vector_load %arg10[%parallel_loop3A_240, %parallel_loop3A_241] {strides = array<i32>} : memref<80x64xbf16, #tpu.memory_space<vmem>>, vector<32xbf16>,
          %parallel_loop3A_243 = tpu.unpack_subelements %parallel_loop3A_242, 0 {pack_format = #tpu.pack_format<interleaved>} : vector<32xbf16> -> vector<16xf32>
          %parallel_loop3A_244 = tpu.unpack_subelements %parallel_loop3A_242, 1 {pack_format = #tpu.pack_format<interleaved>} : vector<32xbf16> -> vector<16xf32>
          %parallel_loop3A_245 = arith.index_cast %parallel_loop3A_214 : i32 to index
          %parallel_loop3A_246 = arith.constant 32 : index
          %parallel_loop3A_247 = tpu.vector_load %arg10[%parallel_loop3A_245, %parallel_loop3A_246] {strides = array<i32>} : memref<80x64xbf16, #tpu.memory_space<vmem>>, vector<32xbf16>,
          %parallel_loop3A_248 = tpu.unpack_subelements %parallel_loop3A_247, 0 {pack_format = #tpu.pack_format<interleaved>} : vector<32xbf16> -> vector<16xf32>
          %parallel_loop3A_249 = tpu.unpack_subelements %parallel_loop3A_247, 1 {pack_format = #tpu.pack_format<interleaved>} : vector<32xbf16> -> vector<16xf32>
          %parallel_loop3A_250 = arith.mulf %parallel_loop3A_243, %parallel_loop3A_239 : vector<16xf32>
          %parallel_loop3A_251 = arith.index_cast %parallel_loop3A_214 : i32 to index
          %parallel_loop3A_252 = arith.constant 0 : index
          %parallel_loop3A_253 = tpu.vector_load %arg22[%parallel_loop3A_251, %parallel_loop3A_252] {strides = array<i32>} : memref<80x64xf32, #tpu.memory_space<vmem>>, vector<16xf32>,
          tpu.vector_store %arg22[%parallel_loop3A_251, %parallel_loop3A_252], %parallel_loop3A_250 {strides = array<i32>} : memref<80x64xf32, #tpu.memory_space<vmem>>, vector<16xf32>,
          %parallel_loop3A_254 = arith.mulf %parallel_loop3A_244, %parallel_loop3A_239 : vector<16xf32>
          %parallel_loop3A_255 = arith.index_cast %parallel_loop3A_214 : i32 to index
          %parallel_loop3A_256 = arith.constant 16 : index
          %parallel_loop3A_257 = tpu.vector_load %arg22[%parallel_loop3A_255, %parallel_loop3A_256] {strides = array<i32>} : memref<80x64xf32, #tpu.memory_space<vmem>>, vector<16xf32>,
          tpu.vector_store %arg22[%parallel_loop3A_255, %parallel_loop3A_256], %parallel_loop3A_254 {strides = array<i32>} : memref<80x64xf32, #tpu.memory_space<vmem>>, vector<16xf32>,
          %parallel_loop3A_258 = arith.mulf %parallel_loop3A_248, %parallel_loop3A_239 : vector<16xf32>
          %parallel_loop3A_259 = arith.index_cast %parallel_loop3A_214 : i32 to index
          %parallel_loop3A_260 = arith.constant 32 : index
          %parallel_loop3A_261 = tpu.vector_load %arg22[%parallel_loop3A_259, %parallel_loop3A_260] {strides = array<i32>} : memref<80x64xf32, #tpu.memory_space<vmem>>, vector<16xf32>,
          tpu.vector_store %arg22[%parallel_loop3A_259, %parallel_loop3A_260], %parallel_loop3A_258 {strides = array<i32>} : memref<80x64xf32, #tpu.memory_space<vmem>>, vector<16xf32>,
          %parallel_loop3A_262 = arith.mulf %parallel_loop3A_217, %parallel_loop3A_239 : vector<16xf32>
          %parallel_loop3A_263 = arith.index_cast %parallel_loop3A_214 : i32 to index
          %parallel_loop3A_264 = arith.constant 48 : index
          %parallel_loop3A_265 = tpu.vector_load %arg22[%parallel_loop3A_263, %parallel_loop3A_264] {strides = array<i32>} : memref<80x64xf32, #tpu.memory_space<vmem>>, vector<16xf32>,
          tpu.vector_store %arg22[%parallel_loop3A_263, %parallel_loop3A_264], %parallel_loop3A_262 {strides = array<i32>} : memref<80x64xf32, #tpu.memory_space<vmem>>, vector<16xf32>,
        } {sc.loop_unroll_factor = 4 : i64, sc.parallel_access}
        %dma_start3A_208 = arith.constant 0 : i32
        %dma_start3A_209 = tpu.memref_slice %arg9[%add3A_147, %dma_start3A_208] : memref<125x80xi32, #tpu.memory_space<vmem>> -> memref<1x80xi32, #tpu.memory_space<vmem>>
        %dma_start3A_210 = tpu.memref_squeeze %dma_start3A_209 : memref<1x80xi32, #tpu.memory_space<vmem>> -> memref<80xi32, #tpu.memory_space<vmem>>
        %dma_start3A_211 = arith.constant 0 : i32
        %dma_start3A_212 = arith.constant 0 : i32
        %dma_start3A_213 = tpu.memref_slice %arg27[%dma_start3A_211, %dma_start3A_212] : memref<10000x64xf32, #tpu.memory_space<vmem_shared>> -> memref<10000x64xf32, #tpu.memory_space<vmem_shared>>
        tpu.enqueue_indirect_dma source(%arg22 : memref<80x64xf32, #tpu.memory_space<vmem>>) target(%dma_start3A_213 : memref<10000x64xf32, #tpu.memory_space<vmem_shared>>) offsets(%dma_start3A_210 : memref<80xi32, #tpu.memory_space<vmem>>) semaphore(%arg40 : memref<!tpu.dma_semaphore, #tpu.memory_space<semaphore_mem>>) {add = true}
      } else {
      }
      %mul3A_150 = arith.constant 4 : i32
      %mul3A_151 = arith.muli %mul3A_150, %scan3A_143 : i32
      %add3A_152 = arith.constant 1 : i32
      %add3A_153 = arith.addi %mul3A_151, %add3A_152 : i32
      %lt3A_154 = arith.constant 125 : i32
      %lt3A_155 = arith.cmpi slt, %add3A_153, %lt3A_154 : i32
      %convert_element_type3A_156 = arith.extui %lt3A_155 : i1 to i32
      %cond3A_157 = arith.constant 0 : i32
      %cond3A_158 = arith.cmpi ne, %convert_element_type3A_156, %cond3A_157 : i32
      scf.if %cond3A_158 {
        %add3A_177 = arith.constant 3 : i32
        %add3A_178 = arith.addi %add3A_153, %add3A_177 : i32
        %lt3A_179 = arith.constant 125 : i32
        %lt3A_180 = arith.cmpi slt, %add3A_178, %lt3A_179 : i32
        %convert_element_type3A_181 = arith.extui %lt3A_180 : i1 to i32
        %cond3A_182 = arith.constant 0 : i32
        %cond3A_183 = arith.cmpi ne, %convert_element_type3A_181, %cond3A_182 : i32
        scf.if %cond3A_183 {
          %add3A_214 = arith.constant 3 : i32
          %add3A_215 = arith.addi %add3A_153, %add3A_214 : i32
          %dma_start3A_216 = arith.constant 0 : i32
          %dma_start3A_217 = tpu.memref_slice %arg8[%add3A_215, %dma_start3A_216] : memref<125x80xi32, #tpu.memory_space<vmem>> -> memref<1x80xi32, #tpu.memory_space<vmem>>
          %dma_start3A_218 = tpu.memref_squeeze %dma_start3A_217 : memref<1x80xi32, #tpu.memory_space<vmem>> -> memref<80xi32, #tpu.memory_space<vmem>>
          %dma_start3A_219 = arith.constant 0 : i32
          %dma_start3A_220 = arith.constant 0 : i32
          %dma_start3A_221 = tpu.memref_slice %arg2[%dma_start3A_219, %dma_start3A_220] : memref<10000x64xbf16, #tpu.memory_space<hbm>> -> memref<10000x64xbf16, #tpu.memory_space<hbm>>
          tpu.enqueue_indirect_dma source(%dma_start3A_221 : memref<10000x64xbf16, #tpu.memory_space<hbm>>) target(%arg10 : memref<80x64xbf16, #tpu.memory_space<vmem>>) offsets(%dma_start3A_218 : memref<80xi32, #tpu.memory_space<vmem>>) semaphore(%arg28 : memref<!tpu.dma_semaphore, #tpu.memory_space<semaphore_mem>>)
          %dma_start3A_222 = arith.constant 0 : i32
          %dma_start3A_223 = tpu.memref_slice %arg8[%add3A_215, %dma_start3A_222] : memref<125x80xi32, #tpu.memory_space<vmem>> -> memref<1x80xi32, #tpu.memory_space<vmem>>
          %dma_start3A_224 = tpu.memref_squeeze %dma_start3A_223 : memref<1x80xi32, #tpu.memory_space<vmem>> -> memref<80xi32, #tpu.memory_space<vmem>>
          %dma_start3A_225 = arith.constant 0 : i32
          %dma_start3A_226 = arith.constant 0 : i32
          %dma_start3A_227 = tpu.memref_slice %arg3[%dma_start3A_225, %dma_start3A_226] : memref<10000x16xf32, #tpu.memory_space<hbm>> -> memref<10000x16xf32, #tpu.memory_space<hbm>>
          tpu.enqueue_indirect_dma source(%dma_start3A_227 : memref<10000x16xf32, #tpu.memory_space<hbm>>) target(%arg14 : memref<80x16xf32, #tpu.memory_space<vmem>>) offsets(%dma_start3A_224 : memref<80xi32, #tpu.memory_space<vmem>>) semaphore(%arg32 : memref<!tpu.dma_semaphore, #tpu.memory_space<semaphore_mem>>)
          %dma_start3A_228 = arith.constant 0 : i32
          %dma_start3A_229 = tpu.memref_slice %arg9[%add3A_215, %dma_start3A_228] : memref<125x80xi32, #tpu.memory_space<vmem>> -> memref<1x80xi32, #tpu.memory_space<vmem>>
          %dma_start3A_230 = tpu.memref_squeeze %dma_start3A_229 : memref<1x80xi32, #tpu.memory_space<vmem>> -> memref<80xi32, #tpu.memory_space<vmem>>
          %dma_start3A_231 = arith.constant 0 : i32
          %dma_start3A_232 = arith.constant 0 : i32
          %dma_start3A_233 = tpu.memref_slice %arg4[%dma_start3A_231, %dma_start3A_232] : memref<10000x16xf32, #tpu.memory_space<hbm>> -> memref<10000x16xf32, #tpu.memory_space<hbm>>
          tpu.enqueue_indirect_dma source(%dma_start3A_233 : memref<10000x16xf32, #tpu.memory_space<hbm>>) target(%arg18 : memref<80x16xf32, #tpu.memory_space<vmem>>) offsets(%dma_start3A_230 : memref<80xi32, #tpu.memory_space<vmem>>) semaphore(%arg36 : memref<!tpu.dma_semaphore, #tpu.memory_space<semaphore_mem>>)
        } else {
        }
        %dma_wait3A_184 = arith.constant 0 : i32
        %dma_wait3A_185 = tpu.memref_slice %arg8[%add3A_153, %dma_wait3A_184] : memref<125x80xi32, #tpu.memory_space<vmem>> -> memref<1x80xi32, #tpu.memory_space<vmem>>
        %dma_wait3A_186 = tpu.memref_squeeze %dma_wait3A_185 : memref<1x80xi32, #tpu.memory_space<vmem>> -> memref<80xi32, #tpu.memory_space<vmem>>
        %dma_wait3A_187 = arith.constant 0 : i32
        %dma_wait3A_188 = arith.constant 0 : i32
        %dma_wait3A_189 = tpu.memref_slice %arg2[%dma_wait3A_187, %dma_wait3A_188] : memref<10000x64xbf16, #tpu.memory_space<hbm>> -> memref<10000x64xbf16, #tpu.memory_space<hbm>>
        tpu.wait_indirect_dma semaphore(%arg29 : memref<!tpu.dma_semaphore, #tpu.memory_space<semaphore_mem>>) src(%dma_wait3A_189 : memref<10000x64xbf16, #tpu.memory_space<hbm>>) dst(%arg11 : memref<80x64xbf16, #tpu.memory_space<vmem>>)
        %dma_wait3A_190 = arith.constant 0 : i32
        %dma_wait3A_191 = tpu.memref_slice %arg8[%add3A_153, %dma_wait3A_190] : memref<125x80xi32, #tpu.memory_space<vmem>> -> memref<1x80xi32, #tpu.memory_space<vmem>>
        %dma_wait3A_192 = tpu.memref_squeeze %dma_wait3A_191 : memref<1x80xi32, #tpu.memory_space<vmem>> -> memref<80xi32, #tpu.memory_space<vmem>>
        %dma_wait3A_193 = arith.constant 0 : i32
        %dma_wait3A_194 = arith.constant 0 : i32
        %dma_wait3A_195 = tpu.memref_slice %arg3[%dma_wait3A_193, %dma_wait3A_194] : memref<10000x16xf32, #tpu.memory_space<hbm>> -> memref<10000x16xf32, #tpu.memory_space<hbm>>
        tpu.wait_indirect_dma semaphore(%arg33 : memref<!tpu.dma_semaphore, #tpu.memory_space<semaphore_mem>>) src(%dma_wait3A_195 : memref<10000x16xf32, #tpu.memory_space<hbm>>) dst(%arg15 : memref<80x16xf32, #tpu.memory_space<vmem>>)
        %dma_wait3A_196 = arith.constant 0 : i32
        %dma_wait3A_197 = tpu.memref_slice %arg9[%add3A_153, %dma_wait3A_196] : memref<125x80xi32, #tpu.memory_space<vmem>> -> memref<1x80xi32, #tpu.memory_space<vmem>>
        %dma_wait3A_198 = tpu.memref_squeeze %dma_wait3A_197 : memref<1x80xi32, #tpu.memory_space<vmem>> -> memref<80xi32, #tpu.memory_space<vmem>>
        %dma_wait3A_199 = arith.constant 0 : i32
        %dma_wait3A_200 = arith.constant 0 : i32
        %dma_wait3A_201 = tpu.memref_slice %arg4[%dma_wait3A_199, %dma_wait3A_200] : memref<10000x16xf32, #tpu.memory_space<hbm>> -> memref<10000x16xf32, #tpu.memory_space<hbm>>
        tpu.wait_indirect_dma semaphore(%arg37 : memref<!tpu.dma_semaphore, #tpu.memory_space<semaphore_mem>>) src(%dma_wait3A_201 : memref<10000x16xf32, #tpu.memory_space<hbm>>) dst(%arg19 : memref<80x16xf32, #tpu.memory_space<vmem>>)
        %ge3A = arith.constant 4 : i32
        %ge3A_202 = arith.cmpi sge, %add3A_153, %ge3A : i32
        %convert_element_type3A_203 = arith.extui %ge3A_202 : i1 to i32
        %cond3A_204 = arith.constant 0 : i32
        %cond3A_205 = arith.cmpi ne, %convert_element_type3A_203, %cond3A_204 : i32
        scf.if %cond3A_205 {
          %dma_wait3A_214 = arith.constant 0 : i32
          %dma_wait3A_215 = tpu.memref_slice %arg9[%add3A_153, %dma_wait3A_214] : memref<125x80xi32, #tpu.memory_space<vmem>> -> memref<1x80xi32, #tpu.memory_space<vmem>>
          %dma_wait3A_216 = tpu.memref_squeeze %dma_wait3A_215 : memref<1x80xi32, #tpu.memory_space<vmem>> -> memref<80xi32, #tpu.memory_space<vmem>>
          %dma_wait3A_217 = arith.constant 0 : i32
          %dma_wait3A_218 = arith.constant 0 : i32
          %dma_wait3A_219 = tpu.memref_slice %arg27[%dma_wait3A_217, %dma_wait3A_218] : memref<10000x64xf32, #tpu.memory_space<vmem_shared>> -> memref<10000x64xf32, #tpu.memory_space<vmem_shared>>
          tpu.wait_indirect_dma semaphore(%arg41 : memref<!tpu.dma_semaphore, #tpu.memory_space<semaphore_mem>>) src(%arg23 : memref<80x64xf32, #tpu.memory_space<vmem>>) dst(%dma_wait3A_219 : memref<10000x64xf32, #tpu.memory_space<vmem_shared>>)
        } else {
        }
        %parallel_loop3A = arith.constant 0 : i32
        %parallel_loop3A_206 = arith.constant 80 : i32
        %parallel_loop3A_207 = arith.constant 1 : i32
        scf.for %parallel_loop3A_214 = %parallel_loop3A to %parallel_loop3A_206 step %parallel_loop3A_207  : i32 {
          %parallel_loop3A_215 = arith.index_cast %parallel_loop3A_214 : i32 to index
          %parallel_loop3A_216 = arith.constant 0 : index
          %parallel_loop3A_217 = tpu.vector_load %arg15[%parallel_loop3A_215, %parallel_loop3A_216] {strides = array<i32>} : memref<80x16xf32, #tpu.memory_space<vmem>>, vector<16xf32>,
          %parallel_loop3A_218 = arith.index_cast %parallel_loop3A_214 : i32 to index
          %parallel_loop3A_219 = arith.constant 0 : index
          %parallel_loop3A_220 = tpu.vector_load %arg19[%parallel_loop3A_218, %parallel_loop3A_219] {strides = array<i32>} : memref<80x16xf32, #tpu.memory_space<vmem>>, vector<16xf32>,
          %parallel_loop3A_221 = vector.shape_cast %add3A_26 : vector<16xi32> to vector<16x1xi32>
          %parallel_loop3A_222 = vector.shape_cast %parallel_loop3A_221 : vector<16x1xi32> to vector<16xi32>
          %parallel_loop3A_223 = tpu.dynamic_gather %parallel_loop3A_217[%parallel_loop3A_222] in [0] : vector<16xf32>, vector<16xi32> -> vector<16xf32>
          %parallel_loop3A_224 = vector.shape_cast %mul3A_20 : vector<16xi32> to vector<16x1xi32>
          %parallel_loop3A_225 = vector.shape_cast %parallel_loop3A_224 : vector<16x1xi32> to vector<16xi32>
          %parallel_loop3A_226 = tpu.dynamic_gather %parallel_loop3A_220[%parallel_loop3A_225] in [0] : vector<16xf32>, vector<16xi32> -> vector<16xf32>
          %parallel_loop3A_227 = arith.addf %parallel_loop3A_223, %parallel_loop3A_226 : vector<16xf32>
          %parallel_loop3A_228 = arith.constant 0.000000e+00 : f32
          %parallel_loop3A_229 = vector.broadcast %parallel_loop3A_228 : f32 to vector<16xf32>
          %parallel_loop3A_230 = arith.cmpf oge, %parallel_loop3A_227, %parallel_loop3A_229 : vector<16xf32>
          %parallel_loop3A_231 = arith.constant 2.000000e-01 : f32
          %parallel_loop3A_232 = vector.broadcast %parallel_loop3A_231 : f32 to vector<16xf32>
          %parallel_loop3A_233 = arith.mulf %parallel_loop3A_232, %parallel_loop3A_227 : vector<16xf32>
          %parallel_loop3A_234 = arith.select %parallel_loop3A_230, %parallel_loop3A_227, %parallel_loop3A_233 : vector<16xi1>, vector<16xf32>
          %parallel_loop3A_235 = vector.shape_cast %add3A_26 : vector<16xi32> to vector<16x1xi32>
          %parallel_loop3A_236 = vector.shape_cast %parallel_loop3A_235 : vector<16x1xi32> to vector<16xi32>
          %parallel_loop3A_237 = tpu.dynamic_gather %parallel_loop3A_220[%parallel_loop3A_236] in [0] : vector<16xf32>, vector<16xi32> -> vector<16xf32>
          %parallel_loop3A_238 = arith.subf %parallel_loop3A_234, %parallel_loop3A_237 : vector<16xf32>
          %parallel_loop3A_239 = math.exp %parallel_loop3A_238 : vector<16xf32>
          %parallel_loop3A_240 = arith.index_cast %parallel_loop3A_214 : i32 to index
          %parallel_loop3A_241 = arith.constant 0 : index
          %parallel_loop3A_242 = tpu.vector_load %arg11[%parallel_loop3A_240, %parallel_loop3A_241] {strides = array<i32>} : memref<80x64xbf16, #tpu.memory_space<vmem>>, vector<32xbf16>,
          %parallel_loop3A_243 = tpu.unpack_subelements %parallel_loop3A_242, 0 {pack_format = #tpu.pack_format<interleaved>} : vector<32xbf16> -> vector<16xf32>
          %parallel_loop3A_244 = tpu.unpack_subelements %parallel_loop3A_242, 1 {pack_format = #tpu.pack_format<interleaved>} : vector<32xbf16> -> vector<16xf32>
          %parallel_loop3A_245 = arith.index_cast %parallel_loop3A_214 : i32 to index
          %parallel_loop3A_246 = arith.constant 32 : index
          %parallel_loop3A_247 = tpu.vector_load %arg11[%parallel_loop3A_245, %parallel_loop3A_246] {strides = array<i32>} : memref<80x64xbf16, #tpu.memory_space<vmem>>, vector<32xbf16>,
          %parallel_loop3A_248 = tpu.unpack_subelements %parallel_loop3A_247, 0 {pack_format = #tpu.pack_format<interleaved>} : vector<32xbf16> -> vector<16xf32>
          %parallel_loop3A_249 = tpu.unpack_subelements %parallel_loop3A_247, 1 {pack_format = #tpu.pack_format<interleaved>} : vector<32xbf16> -> vector<16xf32>
          %parallel_loop3A_250 = arith.mulf %parallel_loop3A_243, %parallel_loop3A_239 : vector<16xf32>
          %parallel_loop3A_251 = arith.index_cast %parallel_loop3A_214 : i32 to index
          %parallel_loop3A_252 = arith.constant 0 : index
          %parallel_loop3A_253 = tpu.vector_load %arg23[%parallel_loop3A_251, %parallel_loop3A_252] {strides = array<i32>} : memref<80x64xf32, #tpu.memory_space<vmem>>, vector<16xf32>,
          tpu.vector_store %arg23[%parallel_loop3A_251, %parallel_loop3A_252], %parallel_loop3A_250 {strides = array<i32>} : memref<80x64xf32, #tpu.memory_space<vmem>>, vector<16xf32>,
          %parallel_loop3A_254 = arith.mulf %parallel_loop3A_244, %parallel_loop3A_239 : vector<16xf32>
          %parallel_loop3A_255 = arith.index_cast %parallel_loop3A_214 : i32 to index
          %parallel_loop3A_256 = arith.constant 16 : index
          %parallel_loop3A_257 = tpu.vector_load %arg23[%parallel_loop3A_255, %parallel_loop3A_256] {strides = array<i32>} : memref<80x64xf32, #tpu.memory_space<vmem>>, vector<16xf32>,
          tpu.vector_store %arg23[%parallel_loop3A_255, %parallel_loop3A_256], %parallel_loop3A_254 {strides = array<i32>} : memref<80x64xf32, #tpu.memory_space<vmem>>, vector<16xf32>,
          %parallel_loop3A_258 = arith.mulf %parallel_loop3A_248, %parallel_loop3A_239 : vector<16xf32>
          %parallel_loop3A_259 = arith.index_cast %parallel_loop3A_214 : i32 to index
          %parallel_loop3A_260 = arith.constant 32 : index
          %parallel_loop3A_261 = tpu.vector_load %arg23[%parallel_loop3A_259, %parallel_loop3A_260] {strides = array<i32>} : memref<80x64xf32, #tpu.memory_space<vmem>>, vector<16xf32>,
          tpu.vector_store %arg23[%parallel_loop3A_259, %parallel_loop3A_260], %parallel_loop3A_258 {strides = array<i32>} : memref<80x64xf32, #tpu.memory_space<vmem>>, vector<16xf32>,
          %parallel_loop3A_262 = arith.mulf %parallel_loop3A_217, %parallel_loop3A_239 : vector<16xf32>
          %parallel_loop3A_263 = arith.index_cast %parallel_loop3A_214 : i32 to index
          %parallel_loop3A_264 = arith.constant 48 : index
          %parallel_loop3A_265 = tpu.vector_load %arg23[%parallel_loop3A_263, %parallel_loop3A_264] {strides = array<i32>} : memref<80x64xf32, #tpu.memory_space<vmem>>, vector<16xf32>,
          tpu.vector_store %arg23[%parallel_loop3A_263, %parallel_loop3A_264], %parallel_loop3A_262 {strides = array<i32>} : memref<80x64xf32, #tpu.memory_space<vmem>>, vector<16xf32>,
        } {sc.loop_unroll_factor = 4 : i64, sc.parallel_access}
        %dma_start3A_208 = arith.constant 0 : i32
        %dma_start3A_209 = tpu.memref_slice %arg9[%add3A_153, %dma_start3A_208] : memref<125x80xi32, #tpu.memory_space<vmem>> -> memref<1x80xi32, #tpu.memory_space<vmem>>
        %dma_start3A_210 = tpu.memref_squeeze %dma_start3A_209 : memref<1x80xi32, #tpu.memory_space<vmem>> -> memref<80xi32, #tpu.memory_space<vmem>>
        %dma_start3A_211 = arith.constant 0 : i32
        %dma_start3A_212 = arith.constant 0 : i32
        %dma_start3A_213 = tpu.memref_slice %arg27[%dma_start3A_211, %dma_start3A_212] : memref<10000x64xf32, #tpu.memory_space<vmem_shared>> -> memref<10000x64xf32, #tpu.memory_space<vmem_shared>>
        tpu.enqueue_indirect_dma source(%arg23 : memref<80x64xf32, #tpu.memory_space<vmem>>) target(%dma_start3A_213 : memref<10000x64xf32, #tpu.memory_space<vmem_shared>>) offsets(%dma_start3A_210 : memref<80xi32, #tpu.memory_space<vmem>>) semaphore(%arg41 : memref<!tpu.dma_semaphore, #tpu.memory_space<semaphore_mem>>) {add = true}
      } else {
      }
      %mul3A_159 = arith.constant 4 : i32
      %mul3A_160 = arith.muli %mul3A_159, %scan3A_143 : i32
      %add3A_161 = arith.constant 2 : i32
      %add3A_162 = arith.addi %mul3A_160, %add3A_161 : i32
      %lt3A_163 = arith.constant 125 : i32
      %lt3A_164 = arith.cmpi slt, %add3A_162, %lt3A_163 : i32
      %convert_element_type3A_165 = arith.extui %lt3A_164 : i1 to i32
      %cond3A_166 = arith.constant 0 : i32
      %cond3A_167 = arith.cmpi ne, %convert_element_type3A_165, %cond3A_166 : i32
      scf.if %cond3A_167 {
        %add3A_177 = arith.constant 3 : i32
        %add3A_178 = arith.addi %add3A_162, %add3A_177 : i32
        %lt3A_179 = arith.constant 125 : i32
        %lt3A_180 = arith.cmpi slt, %add3A_178, %lt3A_179 : i32
        %convert_element_type3A_181 = arith.extui %lt3A_180 : i1 to i32
        %cond3A_182 = arith.constant 0 : i32
        %cond3A_183 = arith.cmpi ne, %convert_element_type3A_181, %cond3A_182 : i32
        scf.if %cond3A_183 {
          %add3A_214 = arith.constant 3 : i32
          %add3A_215 = arith.addi %add3A_162, %add3A_214 : i32
          %dma_start3A_216 = arith.constant 0 : i32
          %dma_start3A_217 = tpu.memref_slice %arg8[%add3A_215, %dma_start3A_216] : memref<125x80xi32, #tpu.memory_space<vmem>> -> memref<1x80xi32, #tpu.memory_space<vmem>>
          %dma_start3A_218 = tpu.memref_squeeze %dma_start3A_217 : memref<1x80xi32, #tpu.memory_space<vmem>> -> memref<80xi32, #tpu.memory_space<vmem>>
          %dma_start3A_219 = arith.constant 0 : i32
          %dma_start3A_220 = arith.constant 0 : i32
          %dma_start3A_221 = tpu.memref_slice %arg2[%dma_start3A_219, %dma_start3A_220] : memref<10000x64xbf16, #tpu.memory_space<hbm>> -> memref<10000x64xbf16, #tpu.memory_space<hbm>>
          tpu.enqueue_indirect_dma source(%dma_start3A_221 : memref<10000x64xbf16, #tpu.memory_space<hbm>>) target(%arg11 : memref<80x64xbf16, #tpu.memory_space<vmem>>) offsets(%dma_start3A_218 : memref<80xi32, #tpu.memory_space<vmem>>) semaphore(%arg29 : memref<!tpu.dma_semaphore, #tpu.memory_space<semaphore_mem>>)
          %dma_start3A_222 = arith.constant 0 : i32
          %dma_start3A_223 = tpu.memref_slice %arg8[%add3A_215, %dma_start3A_222] : memref<125x80xi32, #tpu.memory_space<vmem>> -> memref<1x80xi32, #tpu.memory_space<vmem>>
          %dma_start3A_224 = tpu.memref_squeeze %dma_start3A_223 : memref<1x80xi32, #tpu.memory_space<vmem>> -> memref<80xi32, #tpu.memory_space<vmem>>
          %dma_start3A_225 = arith.constant 0 : i32
          %dma_start3A_226 = arith.constant 0 : i32
          %dma_start3A_227 = tpu.memref_slice %arg3[%dma_start3A_225, %dma_start3A_226] : memref<10000x16xf32, #tpu.memory_space<hbm>> -> memref<10000x16xf32, #tpu.memory_space<hbm>>
          tpu.enqueue_indirect_dma source(%dma_start3A_227 : memref<10000x16xf32, #tpu.memory_space<hbm>>) target(%arg15 : memref<80x16xf32, #tpu.memory_space<vmem>>) offsets(%dma_start3A_224 : memref<80xi32, #tpu.memory_space<vmem>>) semaphore(%arg33 : memref<!tpu.dma_semaphore, #tpu.memory_space<semaphore_mem>>)
          %dma_start3A_228 = arith.constant 0 : i32
          %dma_start3A_229 = tpu.memref_slice %arg9[%add3A_215, %dma_start3A_228] : memref<125x80xi32, #tpu.memory_space<vmem>> -> memref<1x80xi32, #tpu.memory_space<vmem>>
          %dma_start3A_230 = tpu.memref_squeeze %dma_start3A_229 : memref<1x80xi32, #tpu.memory_space<vmem>> -> memref<80xi32, #tpu.memory_space<vmem>>
          %dma_start3A_231 = arith.constant 0 : i32
          %dma_start3A_232 = arith.constant 0 : i32
          %dma_start3A_233 = tpu.memref_slice %arg4[%dma_start3A_231, %dma_start3A_232] : memref<10000x16xf32, #tpu.memory_space<hbm>> -> memref<10000x16xf32, #tpu.memory_space<hbm>>
          tpu.enqueue_indirect_dma source(%dma_start3A_233 : memref<10000x16xf32, #tpu.memory_space<hbm>>) target(%arg19 : memref<80x16xf32, #tpu.memory_space<vmem>>) offsets(%dma_start3A_230 : memref<80xi32, #tpu.memory_space<vmem>>) semaphore(%arg37 : memref<!tpu.dma_semaphore, #tpu.memory_space<semaphore_mem>>)
        } else {
        }
        %dma_wait3A_184 = arith.constant 0 : i32
        %dma_wait3A_185 = tpu.memref_slice %arg8[%add3A_162, %dma_wait3A_184] : memref<125x80xi32, #tpu.memory_space<vmem>> -> memref<1x80xi32, #tpu.memory_space<vmem>>
        %dma_wait3A_186 = tpu.memref_squeeze %dma_wait3A_185 : memref<1x80xi32, #tpu.memory_space<vmem>> -> memref<80xi32, #tpu.memory_space<vmem>>
        %dma_wait3A_187 = arith.constant 0 : i32
        %dma_wait3A_188 = arith.constant 0 : i32
        %dma_wait3A_189 = tpu.memref_slice %arg2[%dma_wait3A_187, %dma_wait3A_188] : memref<10000x64xbf16, #tpu.memory_space<hbm>> -> memref<10000x64xbf16, #tpu.memory_space<hbm>>
        tpu.wait_indirect_dma semaphore(%arg30 : memref<!tpu.dma_semaphore, #tpu.memory_space<semaphore_mem>>) src(%dma_wait3A_189 : memref<10000x64xbf16, #tpu.memory_space<hbm>>) dst(%arg12 : memref<80x64xbf16, #tpu.memory_space<vmem>>)
        %dma_wait3A_190 = arith.constant 0 : i32
        %dma_wait3A_191 = tpu.memref_slice %arg8[%add3A_162, %dma_wait3A_190] : memref<125x80xi32, #tpu.memory_space<vmem>> -> memref<1x80xi32, #tpu.memory_space<vmem>>
        %dma_wait3A_192 = tpu.memref_squeeze %dma_wait3A_191 : memref<1x80xi32, #tpu.memory_space<vmem>> -> memref<80xi32, #tpu.memory_space<vmem>>
        %dma_wait3A_193 = arith.constant 0 : i32
        %dma_wait3A_194 = arith.constant 0 : i32
        %dma_wait3A_195 = tpu.memref_slice %arg3[%dma_wait3A_193, %dma_wait3A_194] : memref<10000x16xf32, #tpu.memory_space<hbm>> -> memref<10000x16xf32, #tpu.memory_space<hbm>>
        tpu.wait_indirect_dma semaphore(%arg34 : memref<!tpu.dma_semaphore, #tpu.memory_space<semaphore_mem>>) src(%dma_wait3A_195 : memref<10000x16xf32, #tpu.memory_space<hbm>>) dst(%arg16 : memref<80x16xf32, #tpu.memory_space<vmem>>)
        %dma_wait3A_196 = arith.constant 0 : i32
        %dma_wait3A_197 = tpu.memref_slice %arg9[%add3A_162, %dma_wait3A_196] : memref<125x80xi32, #tpu.memory_space<vmem>> -> memref<1x80xi32, #tpu.memory_space<vmem>>
        %dma_wait3A_198 = tpu.memref_squeeze %dma_wait3A_197 : memref<1x80xi32, #tpu.memory_space<vmem>> -> memref<80xi32, #tpu.memory_space<vmem>>
        %dma_wait3A_199 = arith.constant 0 : i32
        %dma_wait3A_200 = arith.constant 0 : i32
        %dma_wait3A_201 = tpu.memref_slice %arg4[%dma_wait3A_199, %dma_wait3A_200] : memref<10000x16xf32, #tpu.memory_space<hbm>> -> memref<10000x16xf32, #tpu.memory_space<hbm>>
        tpu.wait_indirect_dma semaphore(%arg38 : memref<!tpu.dma_semaphore, #tpu.memory_space<semaphore_mem>>) src(%dma_wait3A_201 : memref<10000x16xf32, #tpu.memory_space<hbm>>) dst(%arg20 : memref<80x16xf32, #tpu.memory_space<vmem>>)
        %ge3A = arith.constant 4 : i32
        %ge3A_202 = arith.cmpi sge, %add3A_162, %ge3A : i32
        %convert_element_type3A_203 = arith.extui %ge3A_202 : i1 to i32
        %cond3A_204 = arith.constant 0 : i32
        %cond3A_205 = arith.cmpi ne, %convert_element_type3A_203, %cond3A_204 : i32
        scf.if %cond3A_205 {
          %dma_wait3A_214 = arith.constant 0 : i32
          %dma_wait3A_215 = tpu.memref_slice %arg9[%add3A_162, %dma_wait3A_214] : memref<125x80xi32, #tpu.memory_space<vmem>> -> memref<1x80xi32, #tpu.memory_space<vmem>>
          %dma_wait3A_216 = tpu.memref_squeeze %dma_wait3A_215 : memref<1x80xi32, #tpu.memory_space<vmem>> -> memref<80xi32, #tpu.memory_space<vmem>>
          %dma_wait3A_217 = arith.constant 0 : i32
          %dma_wait3A_218 = arith.constant 0 : i32
          %dma_wait3A_219 = tpu.memref_slice %arg27[%dma_wait3A_217, %dma_wait3A_218] : memref<10000x64xf32, #tpu.memory_space<vmem_shared>> -> memref<10000x64xf32, #tpu.memory_space<vmem_shared>>
          tpu.wait_indirect_dma semaphore(%arg42 : memref<!tpu.dma_semaphore, #tpu.memory_space<semaphore_mem>>) src(%arg24 : memref<80x64xf32, #tpu.memory_space<vmem>>) dst(%dma_wait3A_219 : memref<10000x64xf32, #tpu.memory_space<vmem_shared>>)
        } else {
        }
        %parallel_loop3A = arith.constant 0 : i32
        %parallel_loop3A_206 = arith.constant 80 : i32
        %parallel_loop3A_207 = arith.constant 1 : i32
        scf.for %parallel_loop3A_214 = %parallel_loop3A to %parallel_loop3A_206 step %parallel_loop3A_207  : i32 {
          %parallel_loop3A_215 = arith.index_cast %parallel_loop3A_214 : i32 to index
          %parallel_loop3A_216 = arith.constant 0 : index
          %parallel_loop3A_217 = tpu.vector_load %arg16[%parallel_loop3A_215, %parallel_loop3A_216] {strides = array<i32>} : memref<80x16xf32, #tpu.memory_space<vmem>>, vector<16xf32>,
          %parallel_loop3A_218 = arith.index_cast %parallel_loop3A_214 : i32 to index
          %parallel_loop3A_219 = arith.constant 0 : index
          %parallel_loop3A_220 = tpu.vector_load %arg20[%parallel_loop3A_218, %parallel_loop3A_219] {strides = array<i32>} : memref<80x16xf32, #tpu.memory_space<vmem>>, vector<16xf32>,
          %parallel_loop3A_221 = vector.shape_cast %add3A_26 : vector<16xi32> to vector<16x1xi32>
          %parallel_loop3A_222 = vector.shape_cast %parallel_loop3A_221 : vector<16x1xi32> to vector<16xi32>
          %parallel_loop3A_223 = tpu.dynamic_gather %parallel_loop3A_217[%parallel_loop3A_222] in [0] : vector<16xf32>, vector<16xi32> -> vector<16xf32>
          %parallel_loop3A_224 = vector.shape_cast %mul3A_20 : vector<16xi32> to vector<16x1xi32>
          %parallel_loop3A_225 = vector.shape_cast %parallel_loop3A_224 : vector<16x1xi32> to vector<16xi32>
          %parallel_loop3A_226 = tpu.dynamic_gather %parallel_loop3A_220[%parallel_loop3A_225] in [0] : vector<16xf32>, vector<16xi32> -> vector<16xf32>
          %parallel_loop3A_227 = arith.addf %parallel_loop3A_223, %parallel_loop3A_226 : vector<16xf32>
          %parallel_loop3A_228 = arith.constant 0.000000e+00 : f32
          %parallel_loop3A_229 = vector.broadcast %parallel_loop3A_228 : f32 to vector<16xf32>
          %parallel_loop3A_230 = arith.cmpf oge, %parallel_loop3A_227, %parallel_loop3A_229 : vector<16xf32>
          %parallel_loop3A_231 = arith.constant 2.000000e-01 : f32
          %parallel_loop3A_232 = vector.broadcast %parallel_loop3A_231 : f32 to vector<16xf32>
          %parallel_loop3A_233 = arith.mulf %parallel_loop3A_232, %parallel_loop3A_227 : vector<16xf32>
          %parallel_loop3A_234 = arith.select %parallel_loop3A_230, %parallel_loop3A_227, %parallel_loop3A_233 : vector<16xi1>, vector<16xf32>
          %parallel_loop3A_235 = vector.shape_cast %add3A_26 : vector<16xi32> to vector<16x1xi32>
          %parallel_loop3A_236 = vector.shape_cast %parallel_loop3A_235 : vector<16x1xi32> to vector<16xi32>
          %parallel_loop3A_237 = tpu.dynamic_gather %parallel_loop3A_220[%parallel_loop3A_236] in [0] : vector<16xf32>, vector<16xi32> -> vector<16xf32>
          %parallel_loop3A_238 = arith.subf %parallel_loop3A_234, %parallel_loop3A_237 : vector<16xf32>
          %parallel_loop3A_239 = math.exp %parallel_loop3A_238 : vector<16xf32>
          %parallel_loop3A_240 = arith.index_cast %parallel_loop3A_214 : i32 to index
          %parallel_loop3A_241 = arith.constant 0 : index
          %parallel_loop3A_242 = tpu.vector_load %arg12[%parallel_loop3A_240, %parallel_loop3A_241] {strides = array<i32>} : memref<80x64xbf16, #tpu.memory_space<vmem>>, vector<32xbf16>,
          %parallel_loop3A_243 = tpu.unpack_subelements %parallel_loop3A_242, 0 {pack_format = #tpu.pack_format<interleaved>} : vector<32xbf16> -> vector<16xf32>
          %parallel_loop3A_244 = tpu.unpack_subelements %parallel_loop3A_242, 1 {pack_format = #tpu.pack_format<interleaved>} : vector<32xbf16> -> vector<16xf32>
          %parallel_loop3A_245 = arith.index_cast %parallel_loop3A_214 : i32 to index
          %parallel_loop3A_246 = arith.constant 32 : index
          %parallel_loop3A_247 = tpu.vector_load %arg12[%parallel_loop3A_245, %parallel_loop3A_246] {strides = array<i32>} : memref<80x64xbf16, #tpu.memory_space<vmem>>, vector<32xbf16>,
          %parallel_loop3A_248 = tpu.unpack_subelements %parallel_loop3A_247, 0 {pack_format = #tpu.pack_format<interleaved>} : vector<32xbf16> -> vector<16xf32>
          %parallel_loop3A_249 = tpu.unpack_subelements %parallel_loop3A_247, 1 {pack_format = #tpu.pack_format<interleaved>} : vector<32xbf16> -> vector<16xf32>
          %parallel_loop3A_250 = arith.mulf %parallel_loop3A_243, %parallel_loop3A_239 : vector<16xf32>
          %parallel_loop3A_251 = arith.index_cast %parallel_loop3A_214 : i32 to index
          %parallel_loop3A_252 = arith.constant 0 : index
          %parallel_loop3A_253 = tpu.vector_load %arg24[%parallel_loop3A_251, %parallel_loop3A_252] {strides = array<i32>} : memref<80x64xf32, #tpu.memory_space<vmem>>, vector<16xf32>,
          tpu.vector_store %arg24[%parallel_loop3A_251, %parallel_loop3A_252], %parallel_loop3A_250 {strides = array<i32>} : memref<80x64xf32, #tpu.memory_space<vmem>>, vector<16xf32>,
          %parallel_loop3A_254 = arith.mulf %parallel_loop3A_244, %parallel_loop3A_239 : vector<16xf32>
          %parallel_loop3A_255 = arith.index_cast %parallel_loop3A_214 : i32 to index
          %parallel_loop3A_256 = arith.constant 16 : index
          %parallel_loop3A_257 = tpu.vector_load %arg24[%parallel_loop3A_255, %parallel_loop3A_256] {strides = array<i32>} : memref<80x64xf32, #tpu.memory_space<vmem>>, vector<16xf32>,
          tpu.vector_store %arg24[%parallel_loop3A_255, %parallel_loop3A_256], %parallel_loop3A_254 {strides = array<i32>} : memref<80x64xf32, #tpu.memory_space<vmem>>, vector<16xf32>,
          %parallel_loop3A_258 = arith.mulf %parallel_loop3A_248, %parallel_loop3A_239 : vector<16xf32>
          %parallel_loop3A_259 = arith.index_cast %parallel_loop3A_214 : i32 to index
          %parallel_loop3A_260 = arith.constant 32 : index
          %parallel_loop3A_261 = tpu.vector_load %arg24[%parallel_loop3A_259, %parallel_loop3A_260] {strides = array<i32>} : memref<80x64xf32, #tpu.memory_space<vmem>>, vector<16xf32>,
          tpu.vector_store %arg24[%parallel_loop3A_259, %parallel_loop3A_260], %parallel_loop3A_258 {strides = array<i32>} : memref<80x64xf32, #tpu.memory_space<vmem>>, vector<16xf32>,
          %parallel_loop3A_262 = arith.mulf %parallel_loop3A_217, %parallel_loop3A_239 : vector<16xf32>
          %parallel_loop3A_263 = arith.index_cast %parallel_loop3A_214 : i32 to index
          %parallel_loop3A_264 = arith.constant 48 : index
          %parallel_loop3A_265 = tpu.vector_load %arg24[%parallel_loop3A_263, %parallel_loop3A_264] {strides = array<i32>} : memref<80x64xf32, #tpu.memory_space<vmem>>, vector<16xf32>,
          tpu.vector_store %arg24[%parallel_loop3A_263, %parallel_loop3A_264], %parallel_loop3A_262 {strides = array<i32>} : memref<80x64xf32, #tpu.memory_space<vmem>>, vector<16xf32>,
        } {sc.loop_unroll_factor = 4 : i64, sc.parallel_access}
        %dma_start3A_208 = arith.constant 0 : i32
        %dma_start3A_209 = tpu.memref_slice %arg9[%add3A_162, %dma_start3A_208] : memref<125x80xi32, #tpu.memory_space<vmem>> -> memref<1x80xi32, #tpu.memory_space<vmem>>
        %dma_start3A_210 = tpu.memref_squeeze %dma_start3A_209 : memref<1x80xi32, #tpu.memory_space<vmem>> -> memref<80xi32, #tpu.memory_space<vmem>>
        %dma_start3A_211 = arith.constant 0 : i32
        %dma_start3A_212 = arith.constant 0 : i32
        %dma_start3A_213 = tpu.memref_slice %arg27[%dma_start3A_211, %dma_start3A_212] : memref<10000x64xf32, #tpu.memory_space<vmem_shared>> -> memref<10000x64xf32, #tpu.memory_space<vmem_shared>>
        tpu.enqueue_indirect_dma source(%arg24 : memref<80x64xf32, #tpu.memory_space<vmem>>) target(%dma_start3A_213 : memref<10000x64xf32, #tpu.memory_space<vmem_shared>>) offsets(%dma_start3A_210 : memref<80xi32, #tpu.memory_space<vmem>>) semaphore(%arg42 : memref<!tpu.dma_semaphore, #tpu.memory_space<semaphore_mem>>) {add = true}
      } else {
      }
      %mul3A_168 = arith.constant 4 : i32
      %mul3A_169 = arith.muli %mul3A_168, %scan3A_143 : i32
      %add3A_170 = arith.constant 3 : i32
      %add3A_171 = arith.addi %mul3A_169, %add3A_170 : i32
      %lt3A_172 = arith.constant 125 : i32
      %lt3A_173 = arith.cmpi slt, %add3A_171, %lt3A_172 : i32
      %convert_element_type3A_174 = arith.extui %lt3A_173 : i1 to i32
      %cond3A_175 = arith.constant 0 : i32
      %cond3A_176 = arith.cmpi ne, %convert_element_type3A_174, %cond3A_175 : i32
      scf.if %cond3A_176 {
        %add3A_177 = arith.constant 3 : i32
        %add3A_178 = arith.addi %add3A_171, %add3A_177 : i32
        %lt3A_179 = arith.constant 125 : i32
        %lt3A_180 = arith.cmpi slt, %add3A_178, %lt3A_179 : i32
        %convert_element_type3A_181 = arith.extui %lt3A_180 : i1 to i32
        %cond3A_182 = arith.constant 0 : i32
        %cond3A_183 = arith.cmpi ne, %convert_element_type3A_181, %cond3A_182 : i32
        scf.if %cond3A_183 {
          %add3A_214 = arith.constant 3 : i32
          %add3A_215 = arith.addi %add3A_171, %add3A_214 : i32
          %dma_start3A_216 = arith.constant 0 : i32
          %dma_start3A_217 = tpu.memref_slice %arg8[%add3A_215, %dma_start3A_216] : memref<125x80xi32, #tpu.memory_space<vmem>> -> memref<1x80xi32, #tpu.memory_space<vmem>>
          %dma_start3A_218 = tpu.memref_squeeze %dma_start3A_217 : memref<1x80xi32, #tpu.memory_space<vmem>> -> memref<80xi32, #tpu.memory_space<vmem>>
          %dma_start3A_219 = arith.constant 0 : i32
          %dma_start3A_220 = arith.constant 0 : i32
          %dma_start3A_221 = tpu.memref_slice %arg2[%dma_start3A_219, %dma_start3A_220] : memref<10000x64xbf16, #tpu.memory_space<hbm>> -> memref<10000x64xbf16, #tpu.memory_space<hbm>>
          tpu.enqueue_indirect_dma source(%dma_start3A_221 : memref<10000x64xbf16, #tpu.memory_space<hbm>>) target(%arg12 : memref<80x64xbf16, #tpu.memory_space<vmem>>) offsets(%dma_start3A_218 : memref<80xi32, #tpu.memory_space<vmem>>) semaphore(%arg30 : memref<!tpu.dma_semaphore, #tpu.memory_space<semaphore_mem>>)
          %dma_start3A_222 = arith.constant 0 : i32
          %dma_start3A_223 = tpu.memref_slice %arg8[%add3A_215, %dma_start3A_222] : memref<125x80xi32, #tpu.memory_space<vmem>> -> memref<1x80xi32, #tpu.memory_space<vmem>>
          %dma_start3A_224 = tpu.memref_squeeze %dma_start3A_223 : memref<1x80xi32, #tpu.memory_space<vmem>> -> memref<80xi32, #tpu.memory_space<vmem>>
          %dma_start3A_225 = arith.constant 0 : i32
          %dma_start3A_226 = arith.constant 0 : i32
          %dma_start3A_227 = tpu.memref_slice %arg3[%dma_start3A_225, %dma_start3A_226] : memref<10000x16xf32, #tpu.memory_space<hbm>> -> memref<10000x16xf32, #tpu.memory_space<hbm>>
          tpu.enqueue_indirect_dma source(%dma_start3A_227 : memref<10000x16xf32, #tpu.memory_space<hbm>>) target(%arg16 : memref<80x16xf32, #tpu.memory_space<vmem>>) offsets(%dma_start3A_224 : memref<80xi32, #tpu.memory_space<vmem>>) semaphore(%arg34 : memref<!tpu.dma_semaphore, #tpu.memory_space<semaphore_mem>>)
          %dma_start3A_228 = arith.constant 0 : i32
          %dma_start3A_229 = tpu.memref_slice %arg9[%add3A_215, %dma_start3A_228] : memref<125x80xi32, #tpu.memory_space<vmem>> -> memref<1x80xi32, #tpu.memory_space<vmem>>
          %dma_start3A_230 = tpu.memref_squeeze %dma_start3A_229 : memref<1x80xi32, #tpu.memory_space<vmem>> -> memref<80xi32, #tpu.memory_space<vmem>>
          %dma_start3A_231 = arith.constant 0 : i32
          %dma_start3A_232 = arith.constant 0 : i32
          %dma_start3A_233 = tpu.memref_slice %arg4[%dma_start3A_231, %dma_start3A_232] : memref<10000x16xf32, #tpu.memory_space<hbm>> -> memref<10000x16xf32, #tpu.memory_space<hbm>>
          tpu.enqueue_indirect_dma source(%dma_start3A_233 : memref<10000x16xf32, #tpu.memory_space<hbm>>) target(%arg20 : memref<80x16xf32, #tpu.memory_space<vmem>>) offsets(%dma_start3A_230 : memref<80xi32, #tpu.memory_space<vmem>>) semaphore(%arg38 : memref<!tpu.dma_semaphore, #tpu.memory_space<semaphore_mem>>)
        } else {
        }
        %dma_wait3A_184 = arith.constant 0 : i32
        %dma_wait3A_185 = tpu.memref_slice %arg8[%add3A_171, %dma_wait3A_184] : memref<125x80xi32, #tpu.memory_space<vmem>> -> memref<1x80xi32, #tpu.memory_space<vmem>>
        %dma_wait3A_186 = tpu.memref_squeeze %dma_wait3A_185 : memref<1x80xi32, #tpu.memory_space<vmem>> -> memref<80xi32, #tpu.memory_space<vmem>>
        %dma_wait3A_187 = arith.constant 0 : i32
        %dma_wait3A_188 = arith.constant 0 : i32
        %dma_wait3A_189 = tpu.memref_slice %arg2[%dma_wait3A_187, %dma_wait3A_188] : memref<10000x64xbf16, #tpu.memory_space<hbm>> -> memref<10000x64xbf16, #tpu.memory_space<hbm>>
        tpu.wait_indirect_dma semaphore(%arg31 : memref<!tpu.dma_semaphore, #tpu.memory_space<semaphore_mem>>) src(%dma_wait3A_189 : memref<10000x64xbf16, #tpu.memory_space<hbm>>) dst(%arg13 : memref<80x64xbf16, #tpu.memory_space<vmem>>)
        %dma_wait3A_190 = arith.constant 0 : i32
        %dma_wait3A_191 = tpu.memref_slice %arg8[%add3A_171, %dma_wait3A_190] : memref<125x80xi32, #tpu.memory_space<vmem>> -> memref<1x80xi32, #tpu.memory_space<vmem>>
        %dma_wait3A_192 = tpu.memref_squeeze %dma_wait3A_191 : memref<1x80xi32, #tpu.memory_space<vmem>> -> memref<80xi32, #tpu.memory_space<vmem>>
        %dma_wait3A_193 = arith.constant 0 : i32
        %dma_wait3A_194 = arith.constant 0 : i32
        %dma_wait3A_195 = tpu.memref_slice %arg3[%dma_wait3A_193, %dma_wait3A_194] : memref<10000x16xf32, #tpu.memory_space<hbm>> -> memref<10000x16xf32, #tpu.memory_space<hbm>>
        tpu.wait_indirect_dma semaphore(%arg35 : memref<!tpu.dma_semaphore, #tpu.memory_space<semaphore_mem>>) src(%dma_wait3A_195 : memref<10000x16xf32, #tpu.memory_space<hbm>>) dst(%arg17 : memref<80x16xf32, #tpu.memory_space<vmem>>)
        %dma_wait3A_196 = arith.constant 0 : i32
        %dma_wait3A_197 = tpu.memref_slice %arg9[%add3A_171, %dma_wait3A_196] : memref<125x80xi32, #tpu.memory_space<vmem>> -> memref<1x80xi32, #tpu.memory_space<vmem>>
        %dma_wait3A_198 = tpu.memref_squeeze %dma_wait3A_197 : memref<1x80xi32, #tpu.memory_space<vmem>> -> memref<80xi32, #tpu.memory_space<vmem>>
        %dma_wait3A_199 = arith.constant 0 : i32
        %dma_wait3A_200 = arith.constant 0 : i32
        %dma_wait3A_201 = tpu.memref_slice %arg4[%dma_wait3A_199, %dma_wait3A_200] : memref<10000x16xf32, #tpu.memory_space<hbm>> -> memref<10000x16xf32, #tpu.memory_space<hbm>>
        tpu.wait_indirect_dma semaphore(%arg39 : memref<!tpu.dma_semaphore, #tpu.memory_space<semaphore_mem>>) src(%dma_wait3A_201 : memref<10000x16xf32, #tpu.memory_space<hbm>>) dst(%arg21 : memref<80x16xf32, #tpu.memory_space<vmem>>)
        %ge3A = arith.constant 4 : i32
        %ge3A_202 = arith.cmpi sge, %add3A_171, %ge3A : i32
        %convert_element_type3A_203 = arith.extui %ge3A_202 : i1 to i32
        %cond3A_204 = arith.constant 0 : i32
        %cond3A_205 = arith.cmpi ne, %convert_element_type3A_203, %cond3A_204 : i32
        scf.if %cond3A_205 {
          %dma_wait3A_214 = arith.constant 0 : i32
          %dma_wait3A_215 = tpu.memref_slice %arg9[%add3A_171, %dma_wait3A_214] : memref<125x80xi32, #tpu.memory_space<vmem>> -> memref<1x80xi32, #tpu.memory_space<vmem>>
          %dma_wait3A_216 = tpu.memref_squeeze %dma_wait3A_215 : memref<1x80xi32, #tpu.memory_space<vmem>> -> memref<80xi32, #tpu.memory_space<vmem>>
          %dma_wait3A_217 = arith.constant 0 : i32
          %dma_wait3A_218 = arith.constant 0 : i32
          %dma_wait3A_219 = tpu.memref_slice %arg27[%dma_wait3A_217, %dma_wait3A_218] : memref<10000x64xf32, #tpu.memory_space<vmem_shared>> -> memref<10000x64xf32, #tpu.memory_space<vmem_shared>>
          tpu.wait_indirect_dma semaphore(%arg43 : memref<!tpu.dma_semaphore, #tpu.memory_space<semaphore_mem>>) src(%arg25 : memref<80x64xf32, #tpu.memory_space<vmem>>) dst(%dma_wait3A_219 : memref<10000x64xf32, #tpu.memory_space<vmem_shared>>)
        } else {
        }
        %parallel_loop3A = arith.constant 0 : i32
        %parallel_loop3A_206 = arith.constant 80 : i32
        %parallel_loop3A_207 = arith.constant 1 : i32
        scf.for %parallel_loop3A_214 = %parallel_loop3A to %parallel_loop3A_206 step %parallel_loop3A_207  : i32 {
          %parallel_loop3A_215 = arith.index_cast %parallel_loop3A_214 : i32 to index
          %parallel_loop3A_216 = arith.constant 0 : index
          %parallel_loop3A_217 = tpu.vector_load %arg17[%parallel_loop3A_215, %parallel_loop3A_216] {strides = array<i32>} : memref<80x16xf32, #tpu.memory_space<vmem>>, vector<16xf32>,
          %parallel_loop3A_218 = arith.index_cast %parallel_loop3A_214 : i32 to index
          %parallel_loop3A_219 = arith.constant 0 : index
          %parallel_loop3A_220 = tpu.vector_load %arg21[%parallel_loop3A_218, %parallel_loop3A_219] {strides = array<i32>} : memref<80x16xf32, #tpu.memory_space<vmem>>, vector<16xf32>,
          %parallel_loop3A_221 = vector.shape_cast %add3A_26 : vector<16xi32> to vector<16x1xi32>
          %parallel_loop3A_222 = vector.shape_cast %parallel_loop3A_221 : vector<16x1xi32> to vector<16xi32>
          %parallel_loop3A_223 = tpu.dynamic_gather %parallel_loop3A_217[%parallel_loop3A_222] in [0] : vector<16xf32>, vector<16xi32> -> vector<16xf32>
          %parallel_loop3A_224 = vector.shape_cast %mul3A_20 : vector<16xi32> to vector<16x1xi32>
          %parallel_loop3A_225 = vector.shape_cast %parallel_loop3A_224 : vector<16x1xi32> to vector<16xi32>
          %parallel_loop3A_226 = tpu.dynamic_gather %parallel_loop3A_220[%parallel_loop3A_225] in [0] : vector<16xf32>, vector<16xi32> -> vector<16xf32>
          %parallel_loop3A_227 = arith.addf %parallel_loop3A_223, %parallel_loop3A_226 : vector<16xf32>
          %parallel_loop3A_228 = arith.constant 0.000000e+00 : f32
          %parallel_loop3A_229 = vector.broadcast %parallel_loop3A_228 : f32 to vector<16xf32>
          %parallel_loop3A_230 = arith.cmpf oge, %parallel_loop3A_227, %parallel_loop3A_229 : vector<16xf32>
          %parallel_loop3A_231 = arith.constant 2.000000e-01 : f32
          %parallel_loop3A_232 = vector.broadcast %parallel_loop3A_231 : f32 to vector<16xf32>
          %parallel_loop3A_233 = arith.mulf %parallel_loop3A_232, %parallel_loop3A_227 : vector<16xf32>
          %parallel_loop3A_234 = arith.select %parallel_loop3A_230, %parallel_loop3A_227, %parallel_loop3A_233 : vector<16xi1>, vector<16xf32>
          %parallel_loop3A_235 = vector.shape_cast %add3A_26 : vector<16xi32> to vector<16x1xi32>
          %parallel_loop3A_236 = vector.shape_cast %parallel_loop3A_235 : vector<16x1xi32> to vector<16xi32>
          %parallel_loop3A_237 = tpu.dynamic_gather %parallel_loop3A_220[%parallel_loop3A_236] in [0] : vector<16xf32>, vector<16xi32> -> vector<16xf32>
          %parallel_loop3A_238 = arith.subf %parallel_loop3A_234, %parallel_loop3A_237 : vector<16xf32>
          %parallel_loop3A_239 = math.exp %parallel_loop3A_238 : vector<16xf32>
          %parallel_loop3A_240 = arith.index_cast %parallel_loop3A_214 : i32 to index
          %parallel_loop3A_241 = arith.constant 0 : index
          %parallel_loop3A_242 = tpu.vector_load %arg13[%parallel_loop3A_240, %parallel_loop3A_241] {strides = array<i32>} : memref<80x64xbf16, #tpu.memory_space<vmem>>, vector<32xbf16>,
          %parallel_loop3A_243 = tpu.unpack_subelements %parallel_loop3A_242, 0 {pack_format = #tpu.pack_format<interleaved>} : vector<32xbf16> -> vector<16xf32>
          %parallel_loop3A_244 = tpu.unpack_subelements %parallel_loop3A_242, 1 {pack_format = #tpu.pack_format<interleaved>} : vector<32xbf16> -> vector<16xf32>
          %parallel_loop3A_245 = arith.index_cast %parallel_loop3A_214 : i32 to index
          %parallel_loop3A_246 = arith.constant 32 : index
          %parallel_loop3A_247 = tpu.vector_load %arg13[%parallel_loop3A_245, %parallel_loop3A_246] {strides = array<i32>} : memref<80x64xbf16, #tpu.memory_space<vmem>>, vector<32xbf16>,
          %parallel_loop3A_248 = tpu.unpack_subelements %parallel_loop3A_247, 0 {pack_format = #tpu.pack_format<interleaved>} : vector<32xbf16> -> vector<16xf32>
          %parallel_loop3A_249 = tpu.unpack_subelements %parallel_loop3A_247, 1 {pack_format = #tpu.pack_format<interleaved>} : vector<32xbf16> -> vector<16xf32>
          %parallel_loop3A_250 = arith.mulf %parallel_loop3A_243, %parallel_loop3A_239 : vector<16xf32>
          %parallel_loop3A_251 = arith.index_cast %parallel_loop3A_214 : i32 to index
          %parallel_loop3A_252 = arith.constant 0 : index
          %parallel_loop3A_253 = tpu.vector_load %arg25[%parallel_loop3A_251, %parallel_loop3A_252] {strides = array<i32>} : memref<80x64xf32, #tpu.memory_space<vmem>>, vector<16xf32>,
          tpu.vector_store %arg25[%parallel_loop3A_251, %parallel_loop3A_252], %parallel_loop3A_250 {strides = array<i32>} : memref<80x64xf32, #tpu.memory_space<vmem>>, vector<16xf32>,
          %parallel_loop3A_254 = arith.mulf %parallel_loop3A_244, %parallel_loop3A_239 : vector<16xf32>
          %parallel_loop3A_255 = arith.index_cast %parallel_loop3A_214 : i32 to index
          %parallel_loop3A_256 = arith.constant 16 : index
          %parallel_loop3A_257 = tpu.vector_load %arg25[%parallel_loop3A_255, %parallel_loop3A_256] {strides = array<i32>} : memref<80x64xf32, #tpu.memory_space<vmem>>, vector<16xf32>,
          tpu.vector_store %arg25[%parallel_loop3A_255, %parallel_loop3A_256], %parallel_loop3A_254 {strides = array<i32>} : memref<80x64xf32, #tpu.memory_space<vmem>>, vector<16xf32>,
          %parallel_loop3A_258 = arith.mulf %parallel_loop3A_248, %parallel_loop3A_239 : vector<16xf32>
          %parallel_loop3A_259 = arith.index_cast %parallel_loop3A_214 : i32 to index
          %parallel_loop3A_260 = arith.constant 32 : index
          %parallel_loop3A_261 = tpu.vector_load %arg25[%parallel_loop3A_259, %parallel_loop3A_260] {strides = array<i32>} : memref<80x64xf32, #tpu.memory_space<vmem>>, vector<16xf32>,
          tpu.vector_store %arg25[%parallel_loop3A_259, %parallel_loop3A_260], %parallel_loop3A_258 {strides = array<i32>} : memref<80x64xf32, #tpu.memory_space<vmem>>, vector<16xf32>,
          %parallel_loop3A_262 = arith.mulf %parallel_loop3A_217, %parallel_loop3A_239 : vector<16xf32>
          %parallel_loop3A_263 = arith.index_cast %parallel_loop3A_214 : i32 to index
          %parallel_loop3A_264 = arith.constant 48 : index
          %parallel_loop3A_265 = tpu.vector_load %arg25[%parallel_loop3A_263, %parallel_loop3A_264] {strides = array<i32>} : memref<80x64xf32, #tpu.memory_space<vmem>>, vector<16xf32>,
          tpu.vector_store %arg25[%parallel_loop3A_263, %parallel_loop3A_264], %parallel_loop3A_262 {strides = array<i32>} : memref<80x64xf32, #tpu.memory_space<vmem>>, vector<16xf32>,
        } {sc.loop_unroll_factor = 4 : i64, sc.parallel_access}
        %dma_start3A_208 = arith.constant 0 : i32
        %dma_start3A_209 = tpu.memref_slice %arg9[%add3A_171, %dma_start3A_208] : memref<125x80xi32, #tpu.memory_space<vmem>> -> memref<1x80xi32, #tpu.memory_space<vmem>>
        %dma_start3A_210 = tpu.memref_squeeze %dma_start3A_209 : memref<1x80xi32, #tpu.memory_space<vmem>> -> memref<80xi32, #tpu.memory_space<vmem>>
        %dma_start3A_211 = arith.constant 0 : i32
        %dma_start3A_212 = arith.constant 0 : i32
        %dma_start3A_213 = tpu.memref_slice %arg27[%dma_start3A_211, %dma_start3A_212] : memref<10000x64xf32, #tpu.memory_space<vmem_shared>> -> memref<10000x64xf32, #tpu.memory_space<vmem_shared>>
        tpu.enqueue_indirect_dma source(%arg25 : memref<80x64xf32, #tpu.memory_space<vmem>>) target(%dma_start3A_213 : memref<10000x64xf32, #tpu.memory_space<vmem_shared>>) offsets(%dma_start3A_210 : memref<80xi32, #tpu.memory_space<vmem>>) semaphore(%arg43 : memref<!tpu.dma_semaphore, #tpu.memory_space<semaphore_mem>>) {add = true}
      } else {
      }
    }
    %scan3A_94 = arith.constant 32 : i32
    %dma_wait3A = arith.constant 124 : i32
    %dma_wait3A_95 = arith.constant 0 : i32
    %dma_wait3A_96 = tpu.memref_slice %arg9[%dma_wait3A, %dma_wait3A_95] : memref<125x80xi32, #tpu.memory_space<vmem>> -> memref<1x80xi32, #tpu.memory_space<vmem>>
    %dma_wait3A_97 = tpu.memref_squeeze %dma_wait3A_96 : memref<1x80xi32, #tpu.memory_space<vmem>> -> memref<80xi32, #tpu.memory_space<vmem>>
    %dma_wait3A_98 = arith.constant 0 : i32
    %dma_wait3A_99 = arith.constant 0 : i32
    %dma_wait3A_100 = tpu.memref_slice %arg27[%dma_wait3A_98, %dma_wait3A_99] : memref<10000x64xf32, #tpu.memory_space<vmem_shared>> -> memref<10000x64xf32, #tpu.memory_space<vmem_shared>>
    tpu.wait_indirect_dma semaphore(%arg40 : memref<!tpu.dma_semaphore, #tpu.memory_space<semaphore_mem>>) src(%arg22 : memref<80x64xf32, #tpu.memory_space<vmem>>) dst(%dma_wait3A_100 : memref<10000x64xf32, #tpu.memory_space<vmem_shared>>)
    %dma_wait3A_101 = arith.constant 123 : i32
    %dma_wait3A_102 = arith.constant 0 : i32
    %dma_wait3A_103 = tpu.memref_slice %arg9[%dma_wait3A_101, %dma_wait3A_102] : memref<125x80xi32, #tpu.memory_space<vmem>> -> memref<1x80xi32, #tpu.memory_space<vmem>>
    %dma_wait3A_104 = tpu.memref_squeeze %dma_wait3A_103 : memref<1x80xi32, #tpu.memory_space<vmem>> -> memref<80xi32, #tpu.memory_space<vmem>>
    %dma_wait3A_105 = arith.constant 0 : i32
    %dma_wait3A_106 = arith.constant 0 : i32
    %dma_wait3A_107 = tpu.memref_slice %arg27[%dma_wait3A_105, %dma_wait3A_106] : memref<10000x64xf32, #tpu.memory_space<vmem_shared>> -> memref<10000x64xf32, #tpu.memory_space<vmem_shared>>
    tpu.wait_indirect_dma semaphore(%arg43 : memref<!tpu.dma_semaphore, #tpu.memory_space<semaphore_mem>>) src(%arg25 : memref<80x64xf32, #tpu.memory_space<vmem>>) dst(%dma_wait3A_107 : memref<10000x64xf32, #tpu.memory_space<vmem_shared>>)
    %dma_wait3A_108 = arith.constant 122 : i32
    %dma_wait3A_109 = arith.constant 0 : i32
    %dma_wait3A_110 = tpu.memref_slice %arg9[%dma_wait3A_108, %dma_wait3A_109] : memref<125x80xi32, #tpu.memory_space<vmem>> -> memref<1x80xi32, #tpu.memory_space<vmem>>
    %dma_wait3A_111 = tpu.memref_squeeze %dma_wait3A_110 : memref<1x80xi32, #tpu.memory_space<vmem>> -> memref<80xi32, #tpu.memory_space<vmem>>
    %dma_wait3A_112 = arith.constant 0 : i32
    %dma_wait3A_113 = arith.constant 0 : i32
    %dma_wait3A_114 = tpu.memref_slice %arg27[%dma_wait3A_112, %dma_wait3A_113] : memref<10000x64xf32, #tpu.memory_space<vmem_shared>> -> memref<10000x64xf32, #tpu.memory_space<vmem_shared>>
    tpu.wait_indirect_dma semaphore(%arg42 : memref<!tpu.dma_semaphore, #tpu.memory_space<semaphore_mem>>) src(%arg24 : memref<80x64xf32, #tpu.memory_space<vmem>>) dst(%dma_wait3A_114 : memref<10000x64xf32, #tpu.memory_space<vmem_shared>>)
    %dma_wait3A_115 = arith.constant 121 : i32
    %dma_wait3A_116 = arith.constant 0 : i32
    %dma_wait3A_117 = tpu.memref_slice %arg9[%dma_wait3A_115, %dma_wait3A_116] : memref<125x80xi32, #tpu.memory_space<vmem>> -> memref<1x80xi32, #tpu.memory_space<vmem>>
    %dma_wait3A_118 = tpu.memref_squeeze %dma_wait3A_117 : memref<1x80xi32, #tpu.memory_space<vmem>> -> memref<80xi32, #tpu.memory_space<vmem>>
    %dma_wait3A_119 = arith.constant 0 : i32
    %dma_wait3A_120 = arith.constant 0 : i32
    %dma_wait3A_121 = tpu.memref_slice %arg27[%dma_wait3A_119, %dma_wait3A_120] : memref<10000x64xf32, #tpu.memory_space<vmem_shared>> -> memref<10000x64xf32, #tpu.memory_space<vmem_shared>>
    tpu.wait_indirect_dma semaphore(%arg41 : memref<!tpu.dma_semaphore, #tpu.memory_space<semaphore_mem>>) src(%arg23 : memref<80x64xf32, #tpu.memory_space<vmem>>) dst(%dma_wait3A_121 : memref<10000x64xf32, #tpu.memory_space<vmem_shared>>)
    %barrier3A_122 = arith.constant 0 : index
    tpu.barrier barrier_id(%barrier3A_122)
    %add3A_123 = arith.constant 0 : i32
    %add3A_124 = arith.addi %mul3A_2, %add3A_123 : i32
    %add3A_125 = arith.constant 0 : i32
    %add3A_126 = arith.addi %mul3A_2, %add3A_125 : i32
    "tpu.region"() ({
      %run_scoped3A = tpu.sem_alloc : memref<!tpu.dma_semaphore, #tpu.memory_space<semaphore_mem>>
      %dma_start3A_143 = arith.constant 0 : i32
      %dma_start3A_144 = tpu.memref_slice %arg7[%arg0, %add3A_126, %dma_start3A_143] : memref<2x10000x64xf32, #tpu.memory_space<hbm>> -> memref<1x125x64xf32, #tpu.memory_space<hbm>>
      %dma_start3A_145 = tpu.memref_squeeze %dma_start3A_144 : memref<1x125x64xf32, #tpu.memory_space<hbm>> -> memref<125x64xf32, #tpu.memory_space<hbm>>
      %dma_start3A_146 = arith.constant 0 : i32
      %dma_start3A_147 = tpu.memref_slice %arg27[%add3A_124, %dma_start3A_146] : memref<10000x64xf32, #tpu.memory_space<vmem_shared>> -> memref<125x64xf32, #tpu.memory_space<vmem_shared>>
      tpu.enqueue_dma source(%dma_start3A_147 : memref<125x64xf32, #tpu.memory_space<vmem_shared>>) target(%dma_start3A_145 : memref<125x64xf32, #tpu.memory_space<hbm>>) target_semaphore(%run_scoped3A : memref<!tpu.dma_semaphore, #tpu.memory_space<semaphore_mem>>)
      %dma_wait3A_148 = arith.constant 0 : i32
      %dma_wait3A_149 = tpu.memref_slice %arg7[%arg0, %add3A_126, %dma_wait3A_148] : memref<2x10000x64xf32, #tpu.memory_space<hbm>> -> memref<1x125x64xf32, #tpu.memory_space<hbm>>
      %dma_wait3A_150 = tpu.memref_squeeze %dma_wait3A_149 : memref<1x125x64xf32, #tpu.memory_space<hbm>> -> memref<125x64xf32, #tpu.memory_space<hbm>>
      %dma_wait3A_151 = arith.constant 0 : i32
      %dma_wait3A_152 = tpu.memref_slice %arg27[%add3A_124, %dma_wait3A_151] : memref<10000x64xf32, #tpu.memory_space<vmem_shared>> -> memref<125x64xf32, #tpu.memory_space<vmem_shared>>
      tpu.wait_dma2 semaphore(%run_scoped3A : memref<!tpu.dma_semaphore, #tpu.memory_space<semaphore_mem>>) src(%dma_wait3A_152 : memref<125x64xf32, #tpu.memory_space<vmem_shared>>) dst(%dma_wait3A_150 : memref<125x64xf32, #tpu.memory_space<hbm>>)
      tpu.yield
    }) : () -> ()
    %add3A_127 = arith.constant 125 : i32
    %add3A_128 = arith.addi %mul3A_2, %add3A_127 : i32
    %add3A_129 = arith.constant 125 : i32
    %add3A_130 = arith.addi %mul3A_2, %add3A_129 : i32
    "tpu.region"() ({
      %run_scoped3A = tpu.sem_alloc : memref<!tpu.dma_semaphore, #tpu.memory_space<semaphore_mem>>
      %dma_start3A_143 = arith.constant 0 : i32
      %dma_start3A_144 = tpu.memref_slice %arg7[%arg0, %add3A_130, %dma_start3A_143] : memref<2x10000x64xf32, #tpu.memory_space<hbm>> -> memref<1x125x64xf32, #tpu.memory_space<hbm>>
      %dma_start3A_145 = tpu.memref_squeeze %dma_start3A_144 : memref<1x125x64xf32, #tpu.memory_space<hbm>> -> memref<125x64xf32, #tpu.memory_space<hbm>>
      %dma_start3A_146 = arith.constant 0 : i32
      %dma_start3A_147 = tpu.memref_slice %arg27[%add3A_128, %dma_start3A_146] : memref<10000x64xf32, #tpu.memory_space<vmem_shared>> -> memref<125x64xf32, #tpu.memory_space<vmem_shared>>
      tpu.enqueue_dma source(%dma_start3A_147 : memref<125x64xf32, #tpu.memory_space<vmem_shared>>) target(%dma_start3A_145 : memref<125x64xf32, #tpu.memory_space<hbm>>) target_semaphore(%run_scoped3A : memref<!tpu.dma_semaphore, #tpu.memory_space<semaphore_mem>>)
      %dma_wait3A_148 = arith.constant 0 : i32
      %dma_wait3A_149 = tpu.memref_slice %arg7[%arg0, %add3A_130, %dma_wait3A_148] : memref<2x10000x64xf32, #tpu.memory_space<hbm>> -> memref<1x125x64xf32, #tpu.memory_space<hbm>>
      %dma_wait3A_150 = tpu.memref_squeeze %dma_wait3A_149 : memref<1x125x64xf32, #tpu.memory_space<hbm>> -> memref<125x64xf32, #tpu.memory_space<hbm>>
      %dma_wait3A_151 = arith.constant 0 : i32
      %dma_wait3A_152 = tpu.memref_slice %arg27[%add3A_128, %dma_wait3A_151] : memref<10000x64xf32, #tpu.memory_space<vmem_shared>> -> memref<125x64xf32, #tpu.memory_space<vmem_shared>>
      tpu.wait_dma2 semaphore(%run_scoped3A : memref<!tpu.dma_semaphore, #tpu.memory_space<semaphore_mem>>) src(%dma_wait3A_152 : memref<125x64xf32, #tpu.memory_space<vmem_shared>>) dst(%dma_wait3A_150 : memref<125x64xf32, #tpu.memory_space<hbm>>)
      tpu.yield
    }) : () -> ()
    %add3A_131 = arith.constant 250 : i32
    %add3A_132 = arith.addi %mul3A_2, %add3A_131 : i32
    %add3A_133 = arith.constant 250 : i32
    %add3A_134 = arith.addi %mul3A_2, %add3A_133 : i32
    "tpu.region"() ({
      %run_scoped3A = tpu.sem_alloc : memref<!tpu.dma_semaphore, #tpu.memory_space<semaphore_mem>>
      %dma_start3A_143 = arith.constant 0 : i32
      %dma_start3A_144 = tpu.memref_slice %arg7[%arg0, %add3A_134, %dma_start3A_143] : memref<2x10000x64xf32, #tpu.memory_space<hbm>> -> memref<1x125x64xf32, #tpu.memory_space<hbm>>
      %dma_start3A_145 = tpu.memref_squeeze %dma_start3A_144 : memref<1x125x64xf32, #tpu.memory_space<hbm>> -> memref<125x64xf32, #tpu.memory_space<hbm>>
      %dma_start3A_146 = arith.constant 0 : i32
      %dma_start3A_147 = tpu.memref_slice %arg27[%add3A_132, %dma_start3A_146] : memref<10000x64xf32, #tpu.memory_space<vmem_shared>> -> memref<125x64xf32, #tpu.memory_space<vmem_shared>>
      tpu.enqueue_dma source(%dma_start3A_147 : memref<125x64xf32, #tpu.memory_space<vmem_shared>>) target(%dma_start3A_145 : memref<125x64xf32, #tpu.memory_space<hbm>>) target_semaphore(%run_scoped3A : memref<!tpu.dma_semaphore, #tpu.memory_space<semaphore_mem>>)
      %dma_wait3A_148 = arith.constant 0 : i32
      %dma_wait3A_149 = tpu.memref_slice %arg7[%arg0, %add3A_134, %dma_wait3A_148] : memref<2x10000x64xf32, #tpu.memory_space<hbm>> -> memref<1x125x64xf32, #tpu.memory_space<hbm>>
      %dma_wait3A_150 = tpu.memref_squeeze %dma_wait3A_149 : memref<1x125x64xf32, #tpu.memory_space<hbm>> -> memref<125x64xf32, #tpu.memory_space<hbm>>
      %dma_wait3A_151 = arith.constant 0 : i32
      %dma_wait3A_152 = tpu.memref_slice %arg27[%add3A_132, %dma_wait3A_151] : memref<10000x64xf32, #tpu.memory_space<vmem_shared>> -> memref<125x64xf32, #tpu.memory_space<vmem_shared>>
      tpu.wait_dma2 semaphore(%run_scoped3A : memref<!tpu.dma_semaphore, #tpu.memory_space<semaphore_mem>>) src(%dma_wait3A_152 : memref<125x64xf32, #tpu.memory_space<vmem_shared>>) dst(%dma_wait3A_150 : memref<125x64xf32, #tpu.memory_space<hbm>>)
      tpu.yield
    }) : () -> ()
    %add3A_135 = arith.constant 375 : i32
    %add3A_136 = arith.addi %mul3A_2, %add3A_135 : i32
    %add3A_137 = arith.constant 375 : i32
    %add3A_138 = arith.addi %mul3A_2, %add3A_137 : i32
    "tpu.region"() ({
      %run_scoped3A = tpu.sem_alloc : memref<!tpu.dma_semaphore, #tpu.memory_space<semaphore_mem>>
      %dma_start3A_143 = arith.constant 0 : i32
      %dma_start3A_144 = tpu.memref_slice %arg7[%arg0, %add3A_138, %dma_start3A_143] : memref<2x10000x64xf32, #tpu.memory_space<hbm>> -> memref<1x125x64xf32, #tpu.memory_space<hbm>>
      %dma_start3A_145 = tpu.memref_squeeze %dma_start3A_144 : memref<1x125x64xf32, #tpu.memory_space<hbm>> -> memref<125x64xf32, #tpu.memory_space<hbm>>
      %dma_start3A_146 = arith.constant 0 : i32
      %dma_start3A_147 = tpu.memref_slice %arg27[%add3A_136, %dma_start3A_146] : memref<10000x64xf32, #tpu.memory_space<vmem_shared>> -> memref<125x64xf32, #tpu.memory_space<vmem_shared>>
      tpu.enqueue_dma source(%dma_start3A_147 : memref<125x64xf32, #tpu.memory_space<vmem_shared>>) target(%dma_start3A_145 : memref<125x64xf32, #tpu.memory_space<hbm>>) target_semaphore(%run_scoped3A : memref<!tpu.dma_semaphore, #tpu.memory_space<semaphore_mem>>)
      %dma_wait3A_148 = arith.constant 0 : i32
      %dma_wait3A_149 = tpu.memref_slice %arg7[%arg0, %add3A_138, %dma_wait3A_148] : memref<2x10000x64xf32, #tpu.memory_space<hbm>> -> memref<1x125x64xf32, #tpu.memory_space<hbm>>
      %dma_wait3A_150 = tpu.memref_squeeze %dma_wait3A_149 : memref<1x125x64xf32, #tpu.memory_space<hbm>> -> memref<125x64xf32, #tpu.memory_space<hbm>>
      %dma_wait3A_151 = arith.constant 0 : i32
      %dma_wait3A_152 = tpu.memref_slice %arg27[%add3A_136, %dma_wait3A_151] : memref<10000x64xf32, #tpu.memory_space<vmem_shared>> -> memref<125x64xf32, #tpu.memory_space<vmem_shared>>
      tpu.wait_dma2 semaphore(%run_scoped3A : memref<!tpu.dma_semaphore, #tpu.memory_space<semaphore_mem>>) src(%dma_wait3A_152 : memref<125x64xf32, #tpu.memory_space<vmem_shared>>) dst(%dma_wait3A_150 : memref<125x64xf32, #tpu.memory_space<hbm>>)
      tpu.yield
    }) : () -> ()
    %add3A_139 = arith.constant 500 : i32
    %add3A_140 = arith.addi %mul3A_2, %add3A_139 : i32
    %add3A_141 = arith.constant 500 : i32
    %add3A_142 = arith.addi %mul3A_2, %add3A_141 : i32
    "tpu.region"() ({
      %run_scoped3A = tpu.sem_alloc : memref<!tpu.dma_semaphore, #tpu.memory_space<semaphore_mem>>
      %dma_start3A_143 = arith.constant 0 : i32
      %dma_start3A_144 = tpu.memref_slice %arg7[%arg0, %add3A_142, %dma_start3A_143] : memref<2x10000x64xf32, #tpu.memory_space<hbm>> -> memref<1x125x64xf32, #tpu.memory_space<hbm>>
      %dma_start3A_145 = tpu.memref_squeeze %dma_start3A_144 : memref<1x125x64xf32, #tpu.memory_space<hbm>> -> memref<125x64xf32, #tpu.memory_space<hbm>>
      %dma_start3A_146 = arith.constant 0 : i32
      %dma_start3A_147 = tpu.memref_slice %arg27[%add3A_140, %dma_start3A_146] : memref<10000x64xf32, #tpu.memory_space<vmem_shared>> -> memref<125x64xf32, #tpu.memory_space<vmem_shared>>
      tpu.enqueue_dma source(%dma_start3A_147 : memref<125x64xf32, #tpu.memory_space<vmem_shared>>) target(%dma_start3A_145 : memref<125x64xf32, #tpu.memory_space<hbm>>) target_semaphore(%run_scoped3A : memref<!tpu.dma_semaphore, #tpu.memory_space<semaphore_mem>>)
      %dma_wait3A_148 = arith.constant 0 : i32
      %dma_wait3A_149 = tpu.memref_slice %arg7[%arg0, %add3A_142, %dma_wait3A_148] : memref<2x10000x64xf32, #tpu.memory_space<hbm>> -> memref<1x125x64xf32, #tpu.memory_space<hbm>>
      %dma_wait3A_150 = tpu.memref_squeeze %dma_wait3A_149 : memref<1x125x64xf32, #tpu.memory_space<hbm>> -> memref<125x64xf32, #tpu.memory_space<hbm>>
      %dma_wait3A_151 = arith.constant 0 : i32
      %dma_wait3A_152 = tpu.memref_slice %arg27[%add3A_140, %dma_wait3A_151] : memref<10000x64xf32, #tpu.memory_space<vmem_shared>> -> memref<125x64xf32, #tpu.memory_space<vmem_shared>>
      tpu.wait_dma2 semaphore(%run_scoped3A : memref<!tpu.dma_semaphore, #tpu.memory_space<semaphore_mem>>) src(%dma_wait3A_152 : memref<125x64xf32, #tpu.memory_space<vmem_shared>>) dst(%dma_wait3A_150 : memref<125x64xf32, #tpu.memory_space<hbm>>)
      tpu.yield
    }) : () -> ()
    return
  }
}

module attributes {stable_mosaic.version = 14 : i64} {
  func.func @_tc1_body(%arg0: memref<10000x128xf32, #tpu.memory_space<vmem>>, %arg1: memref<128x64xf32, #tpu.memory_space<vmem>>, %arg2: memref<64x8xf32, #tpu.memory_space<vmem>>, %arg3: memref<64x8xf32, #tpu.memory_space<vmem>>, %arg4: memref<10000x64xbf16, #tpu.memory_space<vmem>>, %arg5: memref<10000x16xf32, #tpu.memory_space<vmem>>, %arg6: memref<10000x16xf32, #tpu.memory_space<vmem>>) attributes {dimension_semantics = [], scalar_prefetch = 0 : i64, scratch_operands = 0 : i64, tpu.core_type = #tpu.core_type<tc>} {
    %get3A = arith.constant 0 : index
    %get3A_0 = arith.constant 0 : index
    %get3A_1 = vector.load %arg0[%get3A, %get3A_0] : memref<10000x128xf32, #tpu.memory_space<vmem>>, vector<10000x128xf32>
    %get3A_2 = arith.constant 0 : index
    %get3A_3 = arith.constant 0 : index
    %get3A_4 = vector.load %arg1[%get3A_2, %get3A_3] : memref<128x64xf32, #tpu.memory_space<vmem>>, vector<128x64xf32>
    %dot_general3A = arith.constant dense<0.000000e+00> : vector<10000x64xf32>
    %dot_general3A_5 = tpu.matmul %get3A_1, %get3A_4, %dot_general3A {dimension_numbers = #tpu.dot_dimension_numbers<[1], [0], [0], [1], [0, 0, 1, 1], [], []>, transpose_lhs_hint = false} : vector<10000x128xf32>, vector<128x64xf32>, vector<10000x64xf32> -> vector<10000x64xf32>
    %get3A_6 = arith.constant 0 : index
    %get3A_7 = arith.constant 0 : index
    %get3A_8 = vector.load %arg2[%get3A_6, %get3A_7] : memref<64x8xf32, #tpu.memory_space<vmem>>, vector<64x8xf32>
    %dot_general3A_9 = arith.constant dense<0.000000e+00> : vector<10000x8xf32>
    %dot_general3A_10 = tpu.matmul %dot_general3A_5, %get3A_8, %dot_general3A_9 {dimension_numbers = #tpu.dot_dimension_numbers<[1], [0], [0], [1], [0, 0, 1, 1], [], []>, transpose_lhs_hint = false} : vector<10000x64xf32>, vector<64x8xf32>, vector<10000x8xf32> -> vector<10000x8xf32>
    %get3A_11 = arith.constant 0 : index
    %get3A_12 = arith.constant 0 : index
    %get3A_13 = vector.load %arg3[%get3A_11, %get3A_12] : memref<64x8xf32, #tpu.memory_space<vmem>>, vector<64x8xf32>
    %dot_general3A_14 = arith.constant dense<0.000000e+00> : vector<10000x8xf32>
    %dot_general3A_15 = tpu.matmul %dot_general3A_5, %get3A_13, %dot_general3A_14 {dimension_numbers = #tpu.dot_dimension_numbers<[1], [0], [0], [1], [0, 0, 1, 1], [], []>, transpose_lhs_hint = false} : vector<10000x64xf32>, vector<64x8xf32>, vector<10000x8xf32> -> vector<10000x8xf32>
    %reduce_max3A = arith.constant dense<0xFF800000> : vector<8xf32>
    %reduce_max3A_16 = vector.multi_reduction <maximumf>, %dot_general3A_10, %reduce_max3A [0] : vector<10000x8xf32> to vector<8xf32>
    %broadcast_in_dim3A = vector.shape_cast %reduce_max3A_16 : vector<8xf32> to vector<1x8xf32>
    %add3A = vector.broadcast %broadcast_in_dim3A : vector<1x8xf32> to vector<10000x8xf32>
    %add3A_17 = arith.addf %dot_general3A_15, %add3A : vector<10000x8xf32>
    %ge3A = arith.constant 0.000000e+00 : f32
    %ge3A_18 = vector.broadcast %ge3A : f32 to vector<10000x8xf32>
    %ge3A_19 = arith.cmpf oge, %add3A_17, %ge3A_18 : vector<10000x8xf32>
    %mul3A = arith.constant 2.000000e-01 : f32
    %mul3A_20 = vector.broadcast %mul3A : f32 to vector<10000x8xf32>
    %mul3A_21 = arith.mulf %mul3A_20, %add3A_17 : vector<10000x8xf32>
    %select_n3A = arith.select %ge3A_19, %add3A_17, %mul3A_21 : vector<10000x8xi1>, vector<10000x8xf32>
    %convert_element_type3A = arith.truncf %dot_general3A_5 : vector<10000x64xf32> to vector<10000x64xbf16>
    %swap3A = arith.constant 0 : index
    %swap3A_22 = arith.constant 0 : index
    %swap3A_23 = vector.load %arg4[%swap3A, %swap3A_22] : memref<10000x64xbf16, #tpu.memory_space<vmem>>, vector<10000x64xbf16>
    tpu.vector_store %arg4[%swap3A, %swap3A_22], %convert_element_type3A {strides = array<i32>} : memref<10000x64xbf16, #tpu.memory_space<vmem>>, vector<10000x64xbf16>,
    %jit3A = arith.constant 0 : i32
    %convert_element_type3A_24 = arith.sitofp %jit3A : i32 to f32
    %pad3A = vector.broadcast %convert_element_type3A_24 : f32 to vector<10000x8xf32>
    %pad3A_25 = tpu.concatenate %dot_general3A_10, %pad3A in 1 : vector<10000x8xf32>, vector<10000x8xf32> -> vector<10000x16xf32>
    %swap3A_26 = arith.constant 0 : index
    %swap3A_27 = arith.constant 0 : index
    %swap3A_28 = vector.load %arg5[%swap3A_26, %swap3A_27] : memref<10000x16xf32, #tpu.memory_space<vmem>>, vector<10000x16xf32>
    tpu.vector_store %arg5[%swap3A_26, %swap3A_27], %pad3A_25 {strides = array<i32>} : memref<10000x16xf32, #tpu.memory_space<vmem>>, vector<10000x16xf32>,
    %jit3A_29 = arith.constant 0 : i32
    %convert_element_type3A_30 = arith.sitofp %jit3A_29 : i32 to f32
    %pad3A_31 = vector.broadcast %convert_element_type3A_30 : f32 to vector<10000x8xf32>
    %pad3A_32 = tpu.concatenate %dot_general3A_15, %pad3A_31 in 1 : vector<10000x8xf32>, vector<10000x8xf32> -> vector<10000x16xf32>
    %jit3A_33 = arith.constant 0 : i32
    %convert_element_type3A_34 = arith.sitofp %jit3A_33 : i32 to f32
    %pad3A_35 = vector.broadcast %convert_element_type3A_34 : f32 to vector<10000x8xf32>
    %pad3A_36 = tpu.concatenate %pad3A_35, %select_n3A in 1 : vector<10000x8xf32>, vector<10000x8xf32> -> vector<10000x16xf32>
    %add3A_37 = arith.addf %pad3A_32, %pad3A_36 : vector<10000x16xf32>
    %swap3A_38 = arith.constant 0 : index
    %swap3A_39 = arith.constant 0 : index
    %swap3A_40 = vector.load %arg6[%swap3A_38, %swap3A_39] : memref<10000x16xf32, #tpu.memory_space<vmem>>, vector<10000x16xf32>
    tpu.vector_store %arg6[%swap3A_38, %swap3A_39], %add3A_37 {strides = array<i32>} : memref<10000x16xf32, #tpu.memory_space<vmem>>, vector<10000x16xf32>,
    return
  }
}

module attributes {stable_mosaic.version = 14 : i64} {
  func.func @_tc2_body(%arg0: memref<2x10000x80xf32, #tpu.memory_space<vmem>>, %arg1: memref<10000x64xbf16, #tpu.memory_space<vmem>>, %arg2: memref<10000x16xf32, #tpu.memory_space<vmem>>, %arg3: memref<10000x16xf32, #tpu.memory_space<vmem>>, %arg4: memref<1x64xf32, #tpu.memory_space<vmem>>, %arg5: memref<64x64xf32, #tpu.memory_space<vmem>>, %arg6: memref<1x64xf32, #tpu.memory_space<vmem>>, %arg7: memref<1x64xf32, #tpu.memory_space<vmem>>, %arg8: memref<8x64xf32, #tpu.memory_space<vmem>>, %arg9: memref<64x64xf32, #tpu.memory_space<vmem>>, %arg10: memref<10000x64xbf16, #tpu.memory_space<vmem>>, %arg11: memref<10000x16xf32, #tpu.memory_space<vmem>>, %arg12: memref<10000x16xf32, #tpu.memory_space<vmem>>) attributes {dimension_semantics = [], scalar_prefetch = 0 : i64, scratch_operands = 0 : i64, tpu.core_type = #tpu.core_type<tc>} {
    %get3A = arith.constant 0 : index
    %get3A_0 = arith.constant 0 : index
    %get3A_1 = arith.constant 0 : index
    %get3A_2 = vector.load %arg0[%get3A, %get3A_0, %get3A_1] : memref<2x10000x80xf32, #tpu.memory_space<vmem>>, vector<1x10000x80xf32>
    %get3A_3 = vector.shape_cast %get3A_2 : vector<1x10000x80xf32> to vector<10000x80xf32>
    %get3A_4 = arith.constant 1 : index
    %get3A_5 = arith.constant 0 : index
    %get3A_6 = arith.constant 0 : index
    %get3A_7 = vector.load %arg0[%get3A_4, %get3A_5, %get3A_6] : memref<2x10000x80xf32, #tpu.memory_space<vmem>>, vector<1x10000x80xf32>
    %get3A_8 = vector.shape_cast %get3A_7 : vector<1x10000x80xf32> to vector<10000x80xf32>
    %add3A = arith.addf %get3A_3, %get3A_8 : vector<10000x80xf32>
    %get3A_9 = arith.constant 0 : index
    %get3A_10 = arith.constant 0 : index
    %get3A_11 = vector.load %arg1[%get3A_9, %get3A_10] : memref<10000x64xbf16, #tpu.memory_space<vmem>>, vector<10000x64xbf16>
    %convert_element_type3A = arith.extf %get3A_11 : vector<10000x64xbf16> to vector<10000x64xf32>
    %get3A_12 = arith.constant 0 : index
    %get3A_13 = arith.constant 0 : index
    %get3A_14 = vector.load %arg9[%get3A_12, %get3A_13] : memref<64x64xf32, #tpu.memory_space<vmem>>, vector<64x64xf32>
    %dot_general3A = arith.constant dense<0.000000e+00> : vector<10000x64xf32>
    %dot_general3A_15 = tpu.matmul %convert_element_type3A, %get3A_14, %dot_general3A {dimension_numbers = #tpu.dot_dimension_numbers<[1], [0], [0], [1], [0, 0, 1, 1], [], []>, transpose_lhs_hint = false} : vector<10000x64xf32>, vector<64x64xf32>, vector<10000x64xf32> -> vector<10000x64xf32>
    %get3A_16 = arith.constant 0 : index
    %get3A_17 = arith.constant 0 : index
    %get3A_18 = vector.load %arg2[%get3A_16, %get3A_17] : memref<10000x16xf32, #tpu.memory_space<vmem>>, vector<10000x8xf32>
    %get3A_19 = arith.constant 0 : index
    %get3A_20 = arith.constant 0 : index
    %get3A_21 = vector.load %arg3[%get3A_19, %get3A_20] : memref<10000x16xf32, #tpu.memory_space<vmem>>, vector<10000x8xf32>
    %get3A_22 = arith.constant 0 : index
    %get3A_23 = arith.constant 8 : index
    %get3A_24 = vector.load %arg3[%get3A_22, %get3A_23] : memref<10000x16xf32, #tpu.memory_space<vmem>>, vector<10000x8xf32>
    %add3A_25 = arith.addf %get3A_18, %get3A_21 : vector<10000x8xf32>
    %ge3A = arith.constant 0.000000e+00 : f32
    %ge3A_26 = vector.broadcast %ge3A : f32 to vector<10000x8xf32>
    %ge3A_27 = arith.cmpf oge, %add3A_25, %ge3A_26 : vector<10000x8xf32>
    %mul3A = arith.constant 2.000000e-01 : f32
    %mul3A_28 = vector.broadcast %mul3A : f32 to vector<10000x8xf32>
    %mul3A_29 = arith.mulf %mul3A_28, %add3A_25 : vector<10000x8xf32>
    %select_n3A = arith.select %ge3A_27, %add3A_25, %mul3A_29 : vector<10000x8xi1>, vector<10000x8xf32>
    %sub3A = arith.subf %select_n3A, %get3A_24 : vector<10000x8xf32>
    %exp3A = math.exp %sub3A : vector<10000x8xf32>
    %slice3A = vector.extract_strided_slice %add3A {offsets = [0, 64], sizes = [10000, 8], strides = [1, 1]} : vector<10000x80xf32> to vector<10000x8xf32>
    %add3A_30 = arith.addf %slice3A, %exp3A : vector<10000x8xf32>
    %add3A_31 = arith.constant 1.000000e-16 : f32
    %add3A_32 = vector.broadcast %add3A_31 : f32 to vector<10000x8xf32>
    %add3A_33 = arith.addf %add3A_30, %add3A_32 : vector<10000x8xf32>
    %div3A = arith.constant 1.000000e+00 : f32
    %div3A_34 = vector.broadcast %div3A : f32 to vector<10000x8xf32>
    %div3A_35 = arith.divf %div3A_34, %add3A_33 : vector<10000x8xf32>
    %get3A_36 = arith.constant 0 : index
    %get3A_37 = arith.constant 0 : index
    %get3A_38 = vector.load %arg8[%get3A_36, %get3A_37] : memref<8x64xf32, #tpu.memory_space<vmem>>, vector<8x64xf32>
    %slice3A_39 = vector.extract_strided_slice %add3A {offsets = [0, 0], sizes = [10000, 64], strides = [1, 1]} : vector<10000x80xf32> to vector<10000x64xf32>
    %dot_general3A_40 = arith.constant dense<0.000000e+00> : vector<10000x64xf32>
    %dot_general3A_41 = tpu.matmul %exp3A, %get3A_38, %dot_general3A_40 {dimension_numbers = #tpu.dot_dimension_numbers<[1], [0], [0], [1], [0, 0, 1, 1], [], []>, transpose_lhs_hint = false} : vector<10000x8xf32>, vector<8x64xf32>, vector<10000x64xf32> -> vector<10000x64xf32>
    %mul3A_42 = arith.mulf %dot_general3A_15, %dot_general3A_41 : vector<10000x64xf32>
    %add3A_43 = arith.addf %slice3A_39, %mul3A_42 : vector<10000x64xf32>
    %dot_general3A_44 = arith.constant dense<0.000000e+00> : vector<10000x64xf32>
    %dot_general3A_45 = tpu.matmul %div3A_35, %get3A_38, %dot_general3A_44 {dimension_numbers = #tpu.dot_dimension_numbers<[1], [0], [0], [1], [0, 0, 1, 1], [], []>, transpose_lhs_hint = false} : vector<10000x8xf32>, vector<8x64xf32>, vector<10000x64xf32> -> vector<10000x64xf32>
    %mul3A_46 = arith.mulf %add3A_43, %dot_general3A_45 : vector<10000x64xf32>
    %get3A_47 = arith.constant 0 : index
    %get3A_48 = arith.constant 0 : index
    %get3A_49 = vector.load %arg4[%get3A_47, %get3A_48] : memref<1x64xf32, #tpu.memory_space<vmem>>, vector<1x64xf32>
    %add3A_50 = vector.broadcast %get3A_49 : vector<1x64xf32> to vector<10000x64xf32>
    %add3A_51 = arith.addf %mul3A_46, %add3A_50 : vector<10000x64xf32>
    %gt3A = arith.constant 0.000000e+00 : f32
    %gt3A_52 = vector.broadcast %gt3A : f32 to vector<10000x64xf32>
    %gt3A_53 = arith.cmpf ogt, %add3A_51, %gt3A_52 : vector<10000x64xf32>
    %min3A = arith.constant 0.000000e+00 : f32
    %min3A_54 = vector.broadcast %min3A : f32 to vector<10000x64xf32>
    %min3A_55 = arith.minimumf %add3A_51, %min3A_54 : vector<10000x64xf32>
    %exp3A_56 = math.exp %min3A_55 : vector<10000x64xf32>
    %sub3A_57 = arith.constant 1.000000e+00 : f32
    %sub3A_58 = vector.broadcast %sub3A_57 : f32 to vector<10000x64xf32>
    %sub3A_59 = arith.subf %exp3A_56, %sub3A_58 : vector<10000x64xf32>
    %select_n3A_60 = arith.select %gt3A_53, %add3A_51, %sub3A_59 : vector<10000x64xi1>, vector<10000x64xf32>
    %get3A_61 = arith.constant 0 : index
    %get3A_62 = arith.constant 0 : index
    %get3A_63 = vector.load %arg5[%get3A_61, %get3A_62] : memref<64x64xf32, #tpu.memory_space<vmem>>, vector<64x64xf32>
    %dot_general3A_64 = arith.constant dense<0.000000e+00> : vector<10000x64xf32>
    %dot_general3A_65 = tpu.matmul %select_n3A_60, %get3A_63, %dot_general3A_64 {dimension_numbers = #tpu.dot_dimension_numbers<[1], [0], [0], [1], [0, 0, 1, 1], [], []>, transpose_lhs_hint = false} : vector<10000x64xf32>, vector<64x64xf32>, vector<10000x64xf32> -> vector<10000x64xf32>
    %get3A_66 = arith.constant 0 : index
    %get3A_67 = arith.constant 0 : index
    %get3A_68 = vector.load %arg6[%get3A_66, %get3A_67] : memref<1x64xf32, #tpu.memory_space<vmem>>, vector<1x64xf32>
    %mul3A_69 = vector.broadcast %get3A_68 : vector<1x64xf32> to vector<10000x64xf32>
    %mul3A_70 = arith.mulf %dot_general3A_65, %mul3A_69 : vector<10000x64xf32>
    %reduce_sum3A = arith.constant dense<0.000000e+00> : vector<10000xf32>
    %reduce_sum3A_71 = vector.multi_reduction <add>, %mul3A_70, %reduce_sum3A [1] : vector<10000x64xf32> to vector<10000xf32>
    %broadcast_in_dim3A = vector.shape_cast %reduce_sum3A_71 : vector<10000xf32> to vector<10000x1xf32>
    %get3A_72 = arith.constant 0 : index
    %get3A_73 = arith.constant 0 : index
    %get3A_74 = vector.load %arg7[%get3A_72, %get3A_73] : memref<1x64xf32, #tpu.memory_space<vmem>>, vector<1x64xf32>
    %mul3A_75 = vector.broadcast %get3A_74 : vector<1x64xf32> to vector<10000x64xf32>
    %mul3A_76 = arith.mulf %dot_general3A_65, %mul3A_75 : vector<10000x64xf32>
    %reduce_sum3A_77 = arith.constant dense<0.000000e+00> : vector<10000xf32>
    %reduce_sum3A_78 = vector.multi_reduction <add>, %mul3A_76, %reduce_sum3A_77 [1] : vector<10000x64xf32> to vector<10000xf32>
    %broadcast_in_dim3A_79 = vector.shape_cast %reduce_sum3A_78 : vector<10000xf32> to vector<10000x1xf32>
    %reduce_max3A = vector.shape_cast %broadcast_in_dim3A : vector<10000x1xf32> to vector<1x10000x1xf32>
    %reduce_max3A_80 = arith.constant dense<0xFF800000> : vector<1xf32>
    %reduce_max3A_81 = vector.multi_reduction <maximumf>, %reduce_max3A, %reduce_max3A_80 [1, 2] : vector<1x10000x1xf32> to vector<1xf32>
    %reduce_max3A_82 = vector.shape_cast %reduce_max3A_81 : vector<1xf32> to vector<1x1x1xf32>
    %reduce_max3A_83 = vector.extract %reduce_max3A_82[0, 0, 0] : f32 from vector<1x1x1xf32>
    %add3A_84 = vector.broadcast %reduce_max3A_83 : f32 to vector<10000x1xf32>
    %add3A_85 = arith.addf %broadcast_in_dim3A_79, %add3A_84 : vector<10000x1xf32>
    %ge3A_86 = arith.constant 0.000000e+00 : f32
    %ge3A_87 = vector.broadcast %ge3A_86 : f32 to vector<10000x1xf32>
    %ge3A_88 = arith.cmpf oge, %add3A_85, %ge3A_87 : vector<10000x1xf32>
    %mul3A_89 = arith.constant 2.000000e-01 : f32
    %mul3A_90 = vector.broadcast %mul3A_89 : f32 to vector<10000x1xf32>
    %mul3A_91 = arith.mulf %mul3A_90, %add3A_85 : vector<10000x1xf32>
    %select_n3A_92 = arith.select %ge3A_88, %add3A_85, %mul3A_91 : vector<10000x1xi1>, vector<10000x1xf32>
    %convert_element_type3A_93 = arith.truncf %dot_general3A_65 : vector<10000x64xf32> to vector<10000x64xbf16>
    %swap3A = arith.constant 0 : index
    %swap3A_94 = arith.constant 0 : index
    %swap3A_95 = vector.load %arg10[%swap3A, %swap3A_94] : memref<10000x64xbf16, #tpu.memory_space<vmem>>, vector<10000x64xbf16>
    tpu.vector_store %arg10[%swap3A, %swap3A_94], %convert_element_type3A_93 {strides = array<i32>} : memref<10000x64xbf16, #tpu.memory_space<vmem>>, vector<10000x64xbf16>,
    %iota3A = tpu.iota {dimensions = array<i32: 1>} : vector<10000x16xi32>
    %eq3A = arith.constant 0 : i32
    %eq3A_96 = vector.broadcast %eq3A : i32 to vector<10000x16xi32>
    %eq3A_97 = arith.cmpi eq, %iota3A, %eq3A_96 : vector<10000x16xi32>
    %jit3A = arith.constant 1.000000e+00 : f32
    %jit3A_98 = arith.constant 0.000000e+00 : f32
    %broadcast_in_dim3A_99 = vector.broadcast %jit3A : f32 to vector<10000x16xf32>
    %broadcast_in_dim3A_100 = vector.broadcast %jit3A_98 : f32 to vector<10000x16xf32>
    %select_n3A_101 = arith.select %eq3A_97, %broadcast_in_dim3A_99, %broadcast_in_dim3A_100 : vector<10000x16xi1>, vector<10000x16xf32>
    %eq3A_102 = arith.constant 1 : i32
    %eq3A_103 = vector.broadcast %eq3A_102 : i32 to vector<10000x16xi32>
    %eq3A_104 = arith.cmpi eq, %iota3A, %eq3A_103 : vector<10000x16xi32>
    %jit3A_105 = arith.constant 0.000000e+00 : f32
    %broadcast_in_dim3A_106 = vector.shape_cast %broadcast_in_dim3A : vector<10000x1xf32> to vector<10000x1xf32>
    %broadcast_in_dim3A_107 = vector.broadcast %broadcast_in_dim3A_106 : vector<10000x1xf32> to vector<10000x16xf32>
    %broadcast_in_dim3A_108 = vector.broadcast %jit3A_105 : f32 to vector<10000x16xf32>
    %select_n3A_109 = arith.select %eq3A_104, %broadcast_in_dim3A_107, %broadcast_in_dim3A_108 : vector<10000x16xi1>, vector<10000x16xf32>
    %add3A_110 = arith.addf %select_n3A_101, %select_n3A_109 : vector<10000x16xf32>
    %swap3A_111 = arith.constant 0 : index
    %swap3A_112 = arith.constant 0 : index
    %swap3A_113 = vector.load %arg11[%swap3A_111, %swap3A_112] : memref<10000x16xf32, #tpu.memory_space<vmem>>, vector<10000x16xf32>
    tpu.vector_store %arg11[%swap3A_111, %swap3A_112], %add3A_110 {strides = array<i32>} : memref<10000x16xf32, #tpu.memory_space<vmem>>, vector<10000x16xf32>,
    %eq3A_114 = arith.constant 0 : i32
    %eq3A_115 = vector.broadcast %eq3A_114 : i32 to vector<10000x16xi32>
    %eq3A_116 = arith.cmpi eq, %iota3A, %eq3A_115 : vector<10000x16xi32>
    %jit3A_117 = arith.constant 0.000000e+00 : f32
    %broadcast_in_dim3A_118 = vector.shape_cast %broadcast_in_dim3A_79 : vector<10000x1xf32> to vector<10000x1xf32>
    %broadcast_in_dim3A_119 = vector.broadcast %broadcast_in_dim3A_118 : vector<10000x1xf32> to vector<10000x16xf32>
    %broadcast_in_dim3A_120 = vector.broadcast %jit3A_117 : f32 to vector<10000x16xf32>
    %select_n3A_121 = arith.select %eq3A_116, %broadcast_in_dim3A_119, %broadcast_in_dim3A_120 : vector<10000x16xi1>, vector<10000x16xf32>
    %eq3A_122 = arith.constant 1 : i32
    %eq3A_123 = vector.broadcast %eq3A_122 : i32 to vector<10000x16xi32>
    %eq3A_124 = arith.cmpi eq, %iota3A, %eq3A_123 : vector<10000x16xi32>
    %jit3A_125 = arith.constant 0.000000e+00 : f32
    %broadcast_in_dim3A_126 = vector.shape_cast %select_n3A_92 : vector<10000x1xf32> to vector<10000x1xf32>
    %broadcast_in_dim3A_127 = vector.broadcast %broadcast_in_dim3A_126 : vector<10000x1xf32> to vector<10000x16xf32>
    %broadcast_in_dim3A_128 = vector.broadcast %jit3A_125 : f32 to vector<10000x16xf32>
    %select_n3A_129 = arith.select %eq3A_124, %broadcast_in_dim3A_127, %broadcast_in_dim3A_128 : vector<10000x16xi1>, vector<10000x16xf32>
    %add3A_130 = arith.addf %select_n3A_121, %select_n3A_129 : vector<10000x16xf32>
    %swap3A_131 = arith.constant 0 : index
    %swap3A_132 = arith.constant 0 : index
    %swap3A_133 = vector.load %arg12[%swap3A_131, %swap3A_132] : memref<10000x16xf32, #tpu.memory_space<vmem>>, vector<10000x16xf32>
    tpu.vector_store %arg12[%swap3A_131, %swap3A_132], %add3A_130 {strides = array<i32>} : memref<10000x16xf32, #tpu.memory_space<vmem>>, vector<10000x16xf32>,
    return
  }
}

module attributes {stable_mosaic.version = 14 : i64} {
  func.func @_tc3_body(%arg0: memref<2x10000x64xf32, #tpu.memory_space<vmem>>, %arg1: memref<10000x64xbf16, #tpu.memory_space<vmem>>, %arg2: memref<10000x16xf32, #tpu.memory_space<vmem>>, %arg3: memref<10000x16xf32, #tpu.memory_space<vmem>>, %arg4: memref<1x40xf32, #tpu.memory_space<vmem>>, %arg5: memref<64x48xf32, #tpu.memory_space<vmem>>, %arg6: memref<10000x40xf32, #tpu.memory_space<vmem>>) attributes {dimension_semantics = [], scalar_prefetch = 0 : i64, scratch_operands = 0 : i64, tpu.core_type = #tpu.core_type<tc>} {
    %get3A = arith.constant 0 : index
    %get3A_0 = arith.constant 0 : index
    %get3A_1 = arith.constant 0 : index
    %get3A_2 = vector.load %arg0[%get3A, %get3A_0, %get3A_1] : memref<2x10000x64xf32, #tpu.memory_space<vmem>>, vector<1x10000x64xf32>
    %get3A_3 = vector.shape_cast %get3A_2 : vector<1x10000x64xf32> to vector<10000x64xf32>
    %get3A_4 = arith.constant 1 : index
    %get3A_5 = arith.constant 0 : index
    %get3A_6 = arith.constant 0 : index
    %get3A_7 = vector.load %arg0[%get3A_4, %get3A_5, %get3A_6] : memref<2x10000x64xf32, #tpu.memory_space<vmem>>, vector<1x10000x64xf32>
    %get3A_8 = vector.shape_cast %get3A_7 : vector<1x10000x64xf32> to vector<10000x64xf32>
    %add3A = arith.addf %get3A_3, %get3A_8 : vector<10000x64xf32>
    %get3A_9 = arith.constant 0 : index
    %get3A_10 = arith.constant 0 : index
    %get3A_11 = vector.load %arg1[%get3A_9, %get3A_10] : memref<10000x64xbf16, #tpu.memory_space<vmem>>, vector<10000x64xbf16>
    %convert_element_type3A = arith.extf %get3A_11 : vector<10000x64xbf16> to vector<10000x64xf32>
    %get3A_12 = arith.constant 0 : index
    %get3A_13 = arith.constant 0 : index
    %get3A_14 = vector.load %arg5[%get3A_12, %get3A_13] : memref<64x48xf32, #tpu.memory_space<vmem>>, vector<64x48xf32>
    %dot_general3A = arith.constant dense<0.000000e+00> : vector<10000x48xf32>
    %dot_general3A_15 = tpu.matmul %convert_element_type3A, %get3A_14, %dot_general3A {dimension_numbers = #tpu.dot_dimension_numbers<[1], [0], [0], [1], [0, 0, 1, 1], [], []>, transpose_lhs_hint = false} : vector<10000x64xf32>, vector<64x48xf32>, vector<10000x48xf32> -> vector<10000x48xf32>
    %iota3A = tpu.iota {dimensions = array<i32: 1>} : vector<10000x16xi32>
    %get3A_16 = arith.constant 0 : index
    %get3A_17 = arith.constant 0 : index
    %get3A_18 = vector.load %arg2[%get3A_16, %get3A_17] : memref<10000x16xf32, #tpu.memory_space<vmem>>, vector<10000x16xf32>
    %get3A_19 = arith.constant 0 : index
    %get3A_20 = arith.constant 0 : index
    %get3A_21 = vector.load %arg3[%get3A_19, %get3A_20] : memref<10000x16xf32, #tpu.memory_space<vmem>>, vector<10000x16xf32>
    %eq3A = arith.constant 1 : i32
    %eq3A_22 = vector.broadcast %eq3A : i32 to vector<10000x16xi32>
    %eq3A_23 = arith.cmpi eq, %iota3A, %eq3A_22 : vector<10000x16xi32>
    %jit3A = arith.constant 0.000000e+00 : f32
    %broadcast_in_dim3A = vector.broadcast %jit3A : f32 to vector<10000x16xf32>
    %select_n3A = arith.select %eq3A_23, %get3A_18, %broadcast_in_dim3A : vector<10000x16xi1>, vector<10000x16xf32>
    %reduce_sum3A = arith.constant dense<0.000000e+00> : vector<10000xf32>
    %reduce_sum3A_24 = vector.multi_reduction <add>, %select_n3A, %reduce_sum3A [1] : vector<10000x16xf32> to vector<10000xf32>
    %broadcast_in_dim3A_25 = vector.shape_cast %reduce_sum3A_24 : vector<10000xf32> to vector<10000x1xf32>
    %eq3A_26 = arith.constant 0 : i32
    %eq3A_27 = vector.broadcast %eq3A_26 : i32 to vector<10000x16xi32>
    %eq3A_28 = arith.cmpi eq, %iota3A, %eq3A_27 : vector<10000x16xi32>
    %jit3A_29 = arith.constant 0.000000e+00 : f32
    %broadcast_in_dim3A_30 = vector.broadcast %jit3A_29 : f32 to vector<10000x16xf32>
    %select_n3A_31 = arith.select %eq3A_28, %get3A_21, %broadcast_in_dim3A_30 : vector<10000x16xi1>, vector<10000x16xf32>
    %reduce_sum3A_32 = arith.constant dense<0.000000e+00> : vector<10000xf32>
    %reduce_sum3A_33 = vector.multi_reduction <add>, %select_n3A_31, %reduce_sum3A_32 [1] : vector<10000x16xf32> to vector<10000xf32>
    %broadcast_in_dim3A_34 = vector.shape_cast %reduce_sum3A_33 : vector<10000xf32> to vector<10000x1xf32>
    %eq3A_35 = arith.constant 1 : i32
    %eq3A_36 = vector.broadcast %eq3A_35 : i32 to vector<10000x16xi32>
    %eq3A_37 = arith.cmpi eq, %iota3A, %eq3A_36 : vector<10000x16xi32>
    %jit3A_38 = arith.constant 0.000000e+00 : f32
    %broadcast_in_dim3A_39 = vector.broadcast %jit3A_38 : f32 to vector<10000x16xf32>
    %select_n3A_40 = arith.select %eq3A_37, %get3A_21, %broadcast_in_dim3A_39 : vector<10000x16xi1>, vector<10000x16xf32>
    %reduce_sum3A_41 = arith.constant dense<0.000000e+00> : vector<10000xf32>
    %reduce_sum3A_42 = vector.multi_reduction <add>, %select_n3A_40, %reduce_sum3A_41 [1] : vector<10000x16xf32> to vector<10000xf32>
    %broadcast_in_dim3A_43 = vector.shape_cast %reduce_sum3A_42 : vector<10000xf32> to vector<10000x1xf32>
    %add3A_44 = arith.addf %broadcast_in_dim3A_25, %broadcast_in_dim3A_34 : vector<10000x1xf32>
    %ge3A = arith.constant 0.000000e+00 : f32
    %ge3A_45 = vector.broadcast %ge3A : f32 to vector<10000x1xf32>
    %ge3A_46 = arith.cmpf oge, %add3A_44, %ge3A_45 : vector<10000x1xf32>
    %mul3A = arith.constant 2.000000e-01 : f32
    %mul3A_47 = vector.broadcast %mul3A : f32 to vector<10000x1xf32>
    %mul3A_48 = arith.mulf %mul3A_47, %add3A_44 : vector<10000x1xf32>
    %select_n3A_49 = arith.select %ge3A_46, %add3A_44, %mul3A_48 : vector<10000x1xi1>, vector<10000x1xf32>
    %sub3A = arith.subf %select_n3A_49, %broadcast_in_dim3A_43 : vector<10000x1xf32>
    %exp3A = math.exp %sub3A : vector<10000x1xf32>
    %iota3A_50 = tpu.iota {dimensions = array<i32: 1>} : vector<10000x64xi32>
    %eq3A_51 = arith.constant 48 : i32
    %eq3A_52 = vector.broadcast %eq3A_51 : i32 to vector<10000x64xi32>
    %eq3A_53 = arith.cmpi eq, %iota3A_50, %eq3A_52 : vector<10000x64xi32>
    %jit3A_54 = arith.constant 0.000000e+00 : f32
    %broadcast_in_dim3A_55 = vector.broadcast %jit3A_54 : f32 to vector<10000x64xf32>
    %select_n3A_56 = arith.select %eq3A_53, %add3A, %broadcast_in_dim3A_55 : vector<10000x64xi1>, vector<10000x64xf32>
    %reduce_sum3A_57 = arith.constant dense<0.000000e+00> : vector<10000xf32>
    %reduce_sum3A_58 = vector.multi_reduction <add>, %select_n3A_56, %reduce_sum3A_57 [1] : vector<10000x64xf32> to vector<10000xf32>
    %broadcast_in_dim3A_59 = vector.shape_cast %reduce_sum3A_58 : vector<10000xf32> to vector<10000x1xf32>
    %add3A_60 = arith.addf %broadcast_in_dim3A_59, %exp3A : vector<10000x1xf32>
    %slice3A = vector.extract_strided_slice %add3A {offsets = [0, 0], sizes = [10000, 40], strides = [1, 1]} : vector<10000x64xf32> to vector<10000x40xf32>
    %slice3A_61 = vector.extract_strided_slice %dot_general3A_15 {offsets = [0, 0], sizes = [10000, 40], strides = [1, 1]} : vector<10000x48xf32> to vector<10000x40xf32>
    %mul3A_62 = vector.broadcast %exp3A : vector<10000x1xf32> to vector<10000x40xf32>
    %mul3A_63 = arith.mulf %slice3A_61, %mul3A_62 : vector<10000x40xf32>
    %add3A_64 = arith.addf %slice3A, %mul3A_63 : vector<10000x40xf32>
    %add3A_65 = arith.constant 1.000000e-16 : f32
    %add3A_66 = vector.broadcast %add3A_65 : f32 to vector<10000x1xf32>
    %add3A_67 = arith.addf %add3A_60, %add3A_66 : vector<10000x1xf32>
    %div3A = vector.broadcast %add3A_67 : vector<10000x1xf32> to vector<10000x40xf32>
    %div3A_68 = arith.divf %add3A_64, %div3A : vector<10000x40xf32>
    %get3A_69 = arith.constant 0 : index
    %get3A_70 = arith.constant 0 : index
    %get3A_71 = vector.load %arg4[%get3A_69, %get3A_70] : memref<1x40xf32, #tpu.memory_space<vmem>>, vector<1x40xf32>
    %add3A_72 = vector.broadcast %get3A_71 : vector<1x40xf32> to vector<10000x40xf32>
    %add3A_73 = arith.addf %div3A_68, %add3A_72 : vector<10000x40xf32>
    %reduce_max3A = arith.constant dense<0xFF800000> : vector<10000xf32>
    %reduce_max3A_74 = vector.multi_reduction <maximumf>, %add3A_73, %reduce_max3A [1] : vector<10000x40xf32> to vector<10000xf32>
    %broadcast_in_dim3A_75 = vector.shape_cast %reduce_max3A_74 : vector<10000xf32> to vector<10000x1xf32>
    %sub3A_76 = vector.broadcast %broadcast_in_dim3A_75 : vector<10000x1xf32> to vector<10000x40xf32>
    %sub3A_77 = arith.subf %add3A_73, %sub3A_76 : vector<10000x40xf32>
    %exp3A_78 = math.exp %sub3A_77 : vector<10000x40xf32>
    %reduce_sum3A_79 = arith.constant dense<0.000000e+00> : vector<10000xf32>
    %reduce_sum3A_80 = vector.multi_reduction <add>, %exp3A_78, %reduce_sum3A_79 [1] : vector<10000x40xf32> to vector<10000xf32>
    %broadcast_in_dim3A_81 = vector.shape_cast %reduce_sum3A_80 : vector<10000xf32> to vector<10000x1xf32>
    %log3A = math.log %broadcast_in_dim3A_81 : vector<10000x1xf32>
    %sub3A_82 = vector.broadcast %log3A : vector<10000x1xf32> to vector<10000x40xf32>
    %sub3A_83 = arith.subf %sub3A_77, %sub3A_82 : vector<10000x40xf32>
    %swap3A = arith.constant 0 : index
    %swap3A_84 = arith.constant 0 : index
    %swap3A_85 = vector.load %arg6[%swap3A, %swap3A_84] : memref<10000x40xf32, #tpu.memory_space<vmem>>, vector<10000x40xf32>
    tpu.vector_store %arg6[%swap3A, %swap3A_84], %sub3A_83 {strides = array<i32>} : memref<10000x40xf32, #tpu.memory_space<vmem>>, vector<10000x40xf32>,
    return
  }
}

</mosaic_0001>

<sc_bundles>
// kernel: kernel.10.cloned.1.call-start
scs
__scs_entry_jumppad:
0x0: {  	(pc) =	sbr.rel $0x88, $3  }
0x1: {  	(tag) =	ssettag $0x0;
	lr =	simm.s32 $0x1  }
0x2: {  	[smem:$0x3F97] =	sst lr;
	_ =	strace $0xD0000000  }
0x3: {  	_ = 	snop  }
0x4: {  	_ = 	snop  }
0x5: {  	_ = 	snop  }
0x6: {  	_ = 	snop  }
0x7: {  	_ = 	snop  }
__scs_overlays_trampoline_lowered:
0x8: {  	[smem:$0x3FA6] =	sst s0  }
0x9: {  	[smem:$0x3FA7] =	sst s1  }
0xa: {  	[smem:$0x3FA8] =	sst s2  }
0xb: {  	[smem:$0x3FA9] =	sst s3  }
0xc: {  	[smem:$0x3FAA] =	sst s4  }
0xd: {  	[smem:$0x3FAB] =	sst s5  }
0xe: {  	[smem:$0x3FAC] =	sst s6  }
0xf: {  	[smem:$0x3FAD] =	sst s7  }
0x10: {  	[smem:$0x3FAE] =	sst s8  }
0x11: {  	[smem:$0x3FAF] =	sst s9;
	s0 =	simm.s32 @!p0 $0x0  }
0x12: {  	s1 =	sld [smem:$0x3F95];
	s0 =	simm.s32 @p0 $0x1  }
0x13: {  	[smem:$0x3FB0] =	sst s0;
	s0 =	simm.s32 @!p1 $0x0  }
0x14: {  	s2 =	sld [smem:$0x3F94];
	s0 =	simm.s32 @p1 $0x1  }
0x15: {  	[smem:$0x3FB1] =	sst s0;
	s0 =	simm.s32 @!p2 $0x0  }
0x16: {  	s3 =	sld [smem:$0x3FDB];
	s0 =	simm.s32 @p2 $0x1  }
0x17: {  	s4 =	simm.s32 $0x1BF5;
	[smem:$0x3FB3] =	sst s0  }
0x18: {  	s0 =	sld [smem:$0x3F96];
	_ =	swait.ge [sflag:s4], $0x0  }
0x19: {  	s7 =	sld [smem:$0x3F97]  }
0x1a: {  	s8 =	sadd.s32 $0xFFFFE003, lr  }
0x1b: {  	s9 =	sadd.s32 $0xFFFFFEF7, lr;
	s5 =	simm.s32 $0xFFFFFFFF;
	p2 =	slt.u32 s8, $0xFFFFF086  }
0x1c: {  	p1 =	slt.u32 s9, $0xF7A;
	s5 =	simm.s32 @!p2 $0x0  }
0x1d: {  	s5 =	simm.s32 @p1 $0x1;
	p0 =	seq.s32 s7, s2  }
0x1e: {  	s7 =	smul.u32 @!p0 $0xF7A, s2;
	p2 =	seq.s32 @!p0 s5, $0x0  }
0x1f: {  	s9 =	smul.u32 $0xF7A, s1;
	s8 =	simm.s32 @!p0 $0x1BF5;
	p2 =	por !p2, p0  }
0x20: {  	[sflag:s8] =	ssyncset.s32 @!p0 $0xFFFFF086;
	s6 =	sadd.s32 @!p0 s3, s7;
	s7 =	simm.s32 @!p0 $0x108  }
0x21: {  	s3 =	sadd.s32 s3, s9;
	s6 =	sadd.s32 @!p0 $0x88, s6;
	s7 =	simm.s32 @p2 $0x1082  }
0x22: {  	[simem:s7], [sflag:s8] =	dma.local @!p0 [hbm:s6], $0xF7A  }
0x23: {  	s9 =	sor.u32 $0xD0000000, s2;
	s6 =	simm.s32 $0x108;
	_ =	swait.ge @!p0 [sflag:s8], $0x0  }
0x24: {  	s3 =	sadd.s32 $0x88, s3;
	s6 =	simm.s32 @!p1 $0x1082;
	[sflag:s4] =	ssyncset.s32 $0xFFFFF086  }
0x25: {  	[simem:s6], [sflag:s4] =	dma.local [hbm:s3], $0xF7A  }
0x26: {  	[smem:$0x3F97] =	sst s1;
	(tag) =	ssettag s2;
	_ =	strace s9  }
0x27: {  	s1 =	sld [smem:$0x3FA7]  }
0x28: {  	s2 =	sld [smem:$0x3FA8]  }
0x29: {  	s4 =	sld [smem:$0x3FAA]  }
0x2a: {  	p0 =	seq.s32 s5, $0x0;
	s5 =	sld [smem:$0x3FAB]  }
0x2b: {  	s6 =	sld [smem:$0x3FAC]  }
0x2c: {  	s7 =	sld [smem:$0x3FAD]  }
0x2d: {  	s3 =	simm.s32 $0x108;
	s8 =	sld [smem:$0x3FAE]  }
0x2e: {  	s3 =	simm.s32 @!p0 $0x1082;
	s9 =	sld [smem:$0x3FAF]  }
0x2f: {  	lr =	sadd.s32 s0, s3;
	s0 =	sld [smem:$0x3FA6]  }
0x30: {  	s3 =	sld [smem:$0x3FA9]  }
0x31: {  	[smem:$0x3FB2] =	sst s10  }
0x32: {  	s10 =	sld [smem:$0x3FB0];
	_ =	sdelay $0x3  }
0x33: {  	p0 =	seq.s32 s10, $0x1;
	s10 =	sld [smem:$0x3FB2];
	_ =	sdelay $0x3  }
0x34: {  	[smem:$0x3FB2] =	sst s10  }
0x35: {  	s10 =	sld [smem:$0x3FB1];
	_ =	sdelay $0x3  }
0x36: {  	p1 =	seq.s32 s10, $0x1;
	s10 =	sld [smem:$0x3FB2];
	_ =	sdelay $0x3  }
0x37: {  	[smem:$0x3FB2] =	sst s10  }
0x38: {  	s10 =	sld [smem:$0x3FB3]  }
0x39: {  	_ = 	snop;
	(pc) =	sbr.ind lr, $3  }
0x3a: {  	_ = 	snop  }
0x3b: {  	_ = 	snop  }
0x3c: {  	p2 =	seq.s32 s10, $0x1;
	s10 =	sld [smem:$0x3FB2]  }
0x3d: {  	_ =	shalt  }
0x3e: {  	_ =	shalt  }
0x3f: {  	_ =	shalt  }
0x40: {  	_ =	shalt  }
0x41: {  	_ =	shalt  }
0x42: {  	_ =	shalt  }
0x43: {  	_ =	shalt  }
0x44: {  	_ =	shalt  }
0x45: {  	_ =	shalt  }
0x46: {  	_ =	shalt  }
0x47: {  	_ =	shalt  }
0x48: {  	_ =	shalt  }
0x49: {  	_ =	shalt  }
0x4a: {  	_ =	shalt  }
0x4b: {  	_ =	shalt  }
0x4c: {  	_ =	shalt  }
0x4d: {  	_ =	shalt  }
0x4e: {  	_ =	shalt  }
0x4f: {  	_ =	shalt  }
0x50: {  	_ =	shalt  }
0x51: {  	_ =	shalt  }
0x52: {  	_ =	shalt  }
0x53: {  	_ =	shalt  }
0x54: {  	_ =	shalt  }
0x55: {  	_ =	shalt  }
0x56: {  	_ =	shalt  }
0x57: {  	_ =	shalt  }
0x58: {  	_ =	shalt  }
0x59: {  	_ =	shalt  }
0x5a: {  	_ =	shalt  }
0x5b: {  	_ =	shalt  }
0x5c: {  	_ =	shalt  }
0x5d: {  	_ =	shalt  }
0x5e: {  	_ =	shalt  }
0x5f: {  	_ =	shalt  }
0x60: {  	_ =	shalt  }
0x61: {  	_ =	shalt  }
0x62: {  	_ =	shalt  }
0x63: {  	_ =	shalt  }
0x64: {  	_ =	shalt  }
0x65: {  	_ =	shalt  }
0x66: {  	_ =	shalt  }
0x67: {  	_ =	shalt  }
0x68: {  	_ =	shalt  }
0x69: {  	_ =	shalt  }
0x6a: {  	_ =	shalt  }
0x6b: {  	_ =	shalt  }
0x6c: {  	_ =	shalt  }
0x6d: {  	_ =	shalt  }
0x6e: {  	_ =	shalt  }
0x6f: {  	_ =	shalt  }
0x70: {  	_ =	shalt  }
0x71: {  	_ =	shalt  }
0x72: {  	_ =	shalt  }
0x73: {  	_ =	shalt  }
0x74: {  	_ =	shalt  }
0x75: {  	_ =	shalt  }
0x76: {  	_ =	shalt  }
0x77: {  	_ =	shalt  }
0x78: {  	_ =	shalt  }
0x79: {  	_ =	shalt  }
0x7a: {  	_ =	shalt  }
0x7b: {  	_ =	shalt  }
0x7c: {  	_ =	shalt  }
0x7d: {  	_ =	shalt  }
0x7e: {  	_ =	shalt  }
0x7f: {  	_ =	shalt  }
0x80: {  	_ =	shalt  }
0x81: {  	_ =	shalt  }
0x82: {  	_ =	shalt  }
0x83: {  	_ =	shalt  }
0x84: {  	_ =	shalt  }
0x85: {  	_ =	shalt  }
0x86: {  	_ =	shalt  }
0x87: {  	_ =	shalt  }
.Lfunc_end0:
.L_simem_size_0:
called_computation.1_lowered:
.L_overlay_start_0:
0x88: {  	s2 =	sld [smem:$0x3FD9]  }
0x89: {  	s3 =	sld [smem:$0x3FFE];
	_ =	sdelay $0x1  }
0x8a: {  	s1 =	srdreg.scid  }
0x8b: {  	s0 =	sand.u32 $0x1, s1  }
0x8c: {  	s17 =	sshll.u32 s0, $0xA;
	s2 =	sadd.s32 s3, s2  }
0x8d: {  	s2 =	sadd.s32 s2, s17  }
0x8e: {  	[smem:$0x3FBE] =	sst s2  }
0x8f: {  	_ = 	snop  }
0x90: {  	s2 =	sld [smem:$0x3FD0];
	(tm) =	ssettm $0x1  }
0x91: {  	s18 =	sld [smem:$0x3FFB];
	_ =	sdelay $0x3  }
0x92: {  	_ =	strace s18  }
0x93: {  	s3 =	sld [smem:$0x3FFC];
	_ =	sdelay $0x3  }
0x94: {  	_ =	strace s3  }
0x95: {  	s3 =	sld [smem:$0x3FFD];
	_ =	sdelay $0x3  }
0x96: {  	_ =	strace s3  }
0x97: {  	_ =	strace $0x8FFFFFFF  }
0x98: {  	s19 =	sld [smem:$0x3FDB];
	_ =	sdelay $0x1  }
0x99: {  	s4 =	simm.s32 $_scs_section_size  }
0x9a: {  	s5 =	simm.s32 $_size__tile_overlayer_lowered;
	s6 =	simm.s32 $_tile_overlayer_lowered  }
0x9b: {  	s22 =	simm.s32 $0x1BFF;
	s21 =	sshll.u32 s6, $0x1;
	s3 =	sadd.s32 s4, s19  }
0x9c: {  	s7 =	simm.s32 $0x0;
	s20 =	sshll.u32 s5, $0x1;
	s5 =	sadd.s32 s21, s3  }
0x9d: {  	[timem:s7], [sflag:s22] =	dma.local [hbm:s5], s20  }
0x9e: {  	_ =	swait.ge [sflag:s22], s20  }
0x9f: {  	s4 =	ssub.s32 $0x0, s20;
	[sflag:s22] =	ssyncset.done $0x0  }
0xa0: {  	[sflag:s22] =	ssyncadd.s32 s4;
	_ =	sdelay $0x1  }
0xa1: {  	s23 =	simm.s32 $0x1B8B  }
0xa2: {  	_ =	swait.ge [sflag:s23], $0x1  }
0xa3: {  	[sflag:s23] =	ssyncset.done $0x0  }
0xa4: {  	s25 =	simm.s32 $0x1B8E;
	s24 =	sld [smem:$0x3FFE];
	[sflag:s23] =	ssyncadd.s32 $0xFFFFFFFF  }
0xa5: {  	s26 =	simm.s32 $execute0_lowered;
	[smem:$0x3FD2] =	sst s25  }
0xa6: {  	s5 =	sshll.u32 s26, $0x1;
	_ =	strace $0x80000049;
	[dreg:$0x1] =	wrdreg $0xFFFFFFFF  }
0xa7: {  	s28 =	simm.s32 $_size_execute0_lowered;
	s3 =	sadd.s32 s3, s5;
	[dreg:$0x0] =	wrdreg $0x0  }
0xa8: {  	s5 =	sshll.u32 s28, $0x1;
	[dreg:$0x2] =	wrdreg s3  }
0xa9: {  	[dreg:$0x3] =	wrdreg s5  }
0xaa: {  	[dreg:$0x4] =	wrdreg $0xC0  }
0xab: {  	_ =	task [dreg:s7], $0x5FFFF  }
0xac: {  	[dreg:$0x1] =	wrdreg $0xFFFFFFFF  }
0xad: {  	[dreg:$0x0] =	wrdreg $0x60  }
0xae: {  	[dreg:$0x2] =	wrdreg s24  }
0xaf: {  	[dreg:$0x3] =	wrdreg s2  }
0xb0: {  	[dreg:$0x4] =	wrdreg $0x10D600  }
0xb1: {  	[dreg:$0x5] =	wrdreg $0x9  }
0xb2: {  	_ =	task.clear_ibuf [dreg:s7], $0x6FFFF;
	_ =	strace $0x90000049  }
0xb3: {  	s29 =	simm.s32 $0x9;
	_ =	strace $0x8000004B  }
0xb4: {  	_ =	swait.ge [sflag:s29], $0x1  }
0xb5: {  	[sflag:s29] =	ssyncadd.s32 $0xFFFFFFFF  }
0xb6: {  	_ =	strace $0x9000004B  }
0xb7: {  	_ =	sfence  }
0xb8: {  	s30 =	sld [smem:$0x0];
	_ =	sdelay $0x2  }
0xb9: {  	s31 =	sshll.u32 s1, $0xD;
	s1 =	sshrl.u32 s1, $0x2  }
0xba: {  	s3 =	sand.u32 $0x4000, s31;
	s1 =	sadd.s32 s1, s30  }
0xbb: {  	s0 =	sor.u32 s3, s0;
	s1 =	sshll.u32 s1, $0x11  }
0xbc: {  	s0 =	sor.u32 s1, s0  }
0xbd: {  	s0 =	sadd.s32 $0x8F2B, s0  }
0xbe: {  	[sflag:s0] =	ssyncadd.remote.s32 $0x1  }
0xbf: {  	_ =	sfence.sel $0xFFFF  }
0xc0: {  	[dreg:$0x0] =	wrdreg $0xFFFFFFFF;
	(pc) =	sbr.abs _section_cstart, $3  }
0xc1: {  	[dreg:$0x1] =	wrdreg $0xFFFFFFFF  }
0xc2: {  	_ =	task.clear_ibuf [dreg:s7], $0x2FFFF;
	_ =	strace $0x9FFFFFFF  }
0xc3: {  	(tm) =	ssettm $0x7FFFFFFF  }
tec
execute0_lowered:
.L_overlay_start_1:
0x0: {  	(tag) =	ssettag $0x1  }
0x1: {  	s0 =	rddreg [dreg:$0x0]  }
0x2: {  	s1 =	rddreg [dreg:$0x1]  }
0x3: {  	s2 =	rddreg [dreg:$0x2]  }
0x4: {  	s3 =	srdreg.scid;
	s6 =	stileid.u32  }
0x5: {  	s16 =	simm.s32 $0x0;
	s28 =	simm.s32 $0x1;
	s29 =	simm.s32 $0x5  }
0x6: {  	s30 =	simm.s32 $0x9;
	s31 =	simm.s32 $0x9E20;
	s3 =	sand.u32 $0x1, s3  }
0x7: {  	s4 =	sshll.u32 s6, $0x1;
	[smem:$0x7FF] =	sst s16;
	s9 =	smul.u32 $0x9C40, s6  }
0x8: {  	s6 =	sadd.s32 $0x10A00, s0;
	s5 =	sor.u32 s3, s4;
	_ =	strace $0x8000004A  }
0x9: {  	s4 =	sadd.s32 $0x15A00, s0;
	s8 =	ssub.s32 $0x2, s3;
	s3 =	smul.u32 $0x9C400, s3  }
0xa: {  	s7 =	smul.u32 $0x4E2, s5;
	s5 =	sadd.s32 $0xBA00, s0;
	s11 =	sshrl.u32 s8, $0x1  }
0xb: {  	s24 =	sadd.s32 $0x1F40, s9;
	s12 =	sadd.s32 s9, s2;
	s26 =	sadd.s32 $0x3E80, s9  }
0xc: {  	s13 =	sadd.s32 $0x5DC0, s9;
	s14 =	sadd.s32 $0x7D00, s9;
	s8 =	ssub.s32 s8, s11  }
0xd: {  	[dreg:$0x5] =	wrdreg s12;
	s25 =	sadd.s32 s24, s2;
	s15 =	sadd.s32 s26, s2  }
0xe: {  	s17 =	sadd.s32 s13, s2;
	s18 =	sadd.s32 s14, s2;
	s9 =	sadd.s32 s9, s3  }
0xf: {  	s19 =	sadd.s32 s3, s24;
	s23 =	sadd.s32 s3, s26;
	s24 =	sadd.s32 s3, s13  }
0x10: {  	s3 =	sadd.s32 s3, s14;
	s12 =	simm.s32 $0xA;
	[dreg:$0x6] =	wrdreg s25  }
0x11: {  	s13 =	simm.s32 $0x3;
	s14 =	simm.s32 $0x7;
	[dreg:$0x7] =	wrdreg s15  }
0x12: {  	s10 =	sadd.s32 s7, s0;
	s0 =	sadd.s32 $0x1F800, s0;
	[dreg:$0x8] =	wrdreg s17  }
0x13: {  	[dreg:$0x9] =	wrdreg s18;
	s1 =	sadd.s32 s1, s7;
	s20 =	sshrl.u32 s9, $0x3  }
0x14: {  	s21 =	sshrl.u32 s19, $0x3;
	s25 =	sshrl.u32 s24, $0x3;
	s3 =	sshrl.u32 s3, $0x3  }
0x15: {  	s26 =	smax.u32 s8, $0x1;
	s15 =	simm.s32 $0xB;
	s17 =	simm.s32 $0x4  }
0x16: {  	s18 =	simm.s32 $0x8;
	s19 =	simm.s32 $0xC;
	[dreg:$0xb] =	wrdreg s1  }
0x17: {  	s10 =	sadd.s32 $0x1C00, s10;
	s1 =	sadd.s32 s0, s20;
	[dreg:$0x11] =	wrdreg s26  }
0x18: {  	s22 =	sadd.s32 s0, s21;
	s21 =	simm.s32 $0x11;
	[dreg:$0xa] =	wrdreg s10  }
.Ltmp0:
0x19: {  	[dreg:$0xc] =	wrdreg s1;
	s1 =	sshrl.u32 s23, $0x3;
	(pc) =	sbr.rel .LBB2_1-.Ltmp0, $4  }
0x1a: {  	s26 =	simm.s32 $0x8A20;
	[dreg:$0xd] =	wrdreg s22;
	s1 =	sadd.s32 s0, s1  }
0x1b: {  	s23 =	simm.s32 $0x50;
	[dreg:$0xe] =	wrdreg s1;
	s1 =	sadd.s32 s0, s25  }
0x1c: {  	s22 =	simm.s32 $0x6;
	s0 =	sadd.s32 s0, s3;
	[dreg:$0xf] =	wrdreg s1  }
0x1d: {  	v0 =	vimm.f32 $0.0e+00;
	v1 =	vimm.s32 $0x1;
	v2 =	vimm.s32 $0x0;
	s25 =	simm.s32 $0x7620;
	[dreg:$0x10] =	wrdreg s0;
	s1 =	simm.s32 $0x2  }
.LBB2_19:
0x1e: {  	s0 =	simm.s32 $0xD  }
0x1f: {  	_ =	swait.ge [sflag:s0], $0x1400  }
0x20: {  	[sflag:s0] =	ssyncset.done $0x0  }
0x21: {  	s9 =	simm.s32 $0x10;
	[sflag:s0] =	ssyncadd.s32 $0xFFFFEC00  }
0x22: {  	_ =	swait.ge [sflag:s9], $0x1400  }
0x23: {  	[sflag:s9] =	ssyncset.done $0x0  }
0x24: {  	s10 =	simm.s32 $0xF;
	[sflag:s9] =	ssyncadd.s32 $0xFFFFEC00  }
0x25: {  	_ =	swait.ge [sflag:s10], $0x1400  }
0x26: {  	[sflag:s10] =	ssyncset.done $0x0  }
0x27: {  	s11 =	simm.s32 $0xE;
	[sflag:s10] =	ssyncadd.s32 $0xFFFFEC00  }
0x28: {  	_ =	swait.ge [sflag:s11], $0x1400  }
0x29: {  	[sflag:s11] =	ssyncset.done $0x0  }
0x2a: {  	[sflag:s11] =	ssyncadd.s32 $0xFFFFEC00  }
0x2b: {  	s16 =	stileid.u32;
	[bflag:$0x0] =	sbarrier.arrive $0xFFFF  }
0x2c: {  	s0 =	sshll.u32 s16, $0x6;
	s3 =	rddreg [dreg:$0x5]  }
0x2d: {  	s0 =	sor.u32 $0x1C11, s0;
	s7 =	rddreg [dreg:$0xc];
	s3 =	sshrl.u32 s3, $0x3  }
0x2e: {  	[hbm:s7], [sflag:s0] =	dma.local [spmem:s3], $0x3E8  }
0x2f: {  	_ =	swait.ge [sflag:s21], $0x3E8  }
0x30: {  	[sflag:s21] =	ssyncset.done $0x0;
	s20 =	rddreg [dreg:$0x6]  }
0x31: {  	s24 =	rddreg [dreg:$0xd];
	[sflag:s21] =	ssyncadd.s32 $0xFFFFFC18;
	s3 =	sshrl.u32 s20, $0x3  }
0x32: {  	[hbm:s24], [sflag:s0] =	dma.local [spmem:s3], $0x3E8  }
0x33: {  	_ =	swait.ge [sflag:s21], $0x3E8  }
0x34: {  	[sflag:s21] =	ssyncset.done $0x0;
	s8 =	rddreg [dreg:$0x7]  }
0x35: {  	s9 =	rddreg [dreg:$0xe];
	[sflag:s21] =	ssyncadd.s32 $0xFFFFFC18;
	s3 =	sshrl.u32 s8, $0x3  }
0x36: {  	[hbm:s9], [sflag:s0] =	dma.local [spmem:s3], $0x3E8  }
0x37: {  	_ =	swait.ge [sflag:s21], $0x3E8  }
0x38: {  	[sflag:s21] =	ssyncset.done $0x0;
	s10 =	rddreg [dreg:$0x8]  }
0x39: {  	s11 =	rddreg [dreg:$0xf];
	[sflag:s21] =	ssyncadd.s32 $0xFFFFFC18;
	s3 =	sshrl.u32 s10, $0x3  }
0x3a: {  	[hbm:s11], [sflag:s0] =	dma.local [spmem:s3], $0x3E8  }
0x3b: {  	_ =	swait.ge [sflag:s21], $0x3E8  }
0x3c: {  	[sflag:s21] =	ssyncset.done $0x0;
	s16 =	rddreg [dreg:$0x9]  }
0x3d: {  	s20 =	rddreg [dreg:$0x10];
	[sflag:s21] =	ssyncadd.s32 $0xFFFFFC18;
	s3 =	sshrl.u32 s16, $0x3  }
0x3e: {  	[hbm:s20], [sflag:s0] =	dma.local [spmem:s3], $0x3E8  }
0x3f: {  	_ =	swait.ge [sflag:s21], $0x3E8  }
0x40: {  	s16 =	rddreg [dreg:$0x4]  }
0x41: {  	s24 =	rddreg [dreg:$0x11];
	s16 =	sadd.s32 $0x1, s16  }
0x42: {  	p0 =	sne.s32 s16, s24  }
.Ltmp1:
0x43: {  	_ = 	snop;
	(pc) =	sbr.rel @!p0 .LBB2_20-.Ltmp1, $3  }
0x44: {  	_ =	sdelay $0x1  }
0x45: {  	[sflag:s21] =	ssyncset.done $0x0  }
0x46: {  	[sflag:s21] =	ssyncadd.s32 $0xFFFFFC18  }
.LBB2_1:
0x47: {  	[dreg:$0x4] =	wrdreg s16;
	s3 =	simm.s32 $0x100;
	s0 =	simm.s32 $0x0  }
.LBB2_2:
0x48: {  	p0 =	sne.s32 s3, $0x7C00;
	[tilespmem:s0+$0xEE50] =	vst v0;
	s7 =	smov.u32 s3;
	s3 =	sadd.s32 $0x100, s3  }
.Ltmp2:
0x49: {  	[tilespmem:s0+$0xEE40] =	vst v0;
	(pc) =	sbr.rel @p0 .LBB2_2-.Ltmp2, $3  }
0x4a: {  	[tilespmem:s0+$0xEE20] =	vst v0  }
0x4b: {  	[tilespmem:s0+$0xEE30] =	vst v0;
	_ =	sdelay $0x1  }
0x4c: {  	s0 =	sshra.s32 s7, $0x2  }
0x4d: {  	[tilespmem:s0+$0xEE50] =	vst v0  }
0x4e: {  	[tilespmem:s0+$0xEE40] =	vst v0  }
0x4f: {  	[tilespmem:s0+$0xEE20] =	vst v0  }
0x50: {  	[tilespmem:s0+$0xEE30] =	vst v0;
	s20 =	rddreg [dreg:$0x5];
	s3 =	simm.s32 $0xEE20  }
0x51: {  	[spmem:s20] =	stream.linear.scatter [tilespmem:s3], [sflag:$0x11], $0x1F40, $0x38;
	[tilespmem:$0x1A9A0] =	vst v63  }
0x52: {  	_ =	swait.ge [sflag:s21], $0x1F40  }
0x53: {  	[sflag:s21] =	ssyncset.done $0x0  }
0x54: {  	s24 =	rddreg [dreg:$0x6];
	[sflag:s21] =	ssyncadd.s32 $0xFFFFE0C0  }
0x55: {  	[spmem:s24] =	stream.linear.scatter [tilespmem:s3], [sflag:$0x11], $0x1F40, $0x38;
	[tilespmem:$0x1A9A0] =	vst v63  }
0x56: {  	_ =	swait.ge [sflag:s21], $0x1F40  }
0x57: {  	[sflag:s21] =	ssyncset.done $0x0  }
0x58: {  	s7 =	rddreg [dreg:$0x7];
	[sflag:s21] =	ssyncadd.s32 $0xFFFFE0C0  }
0x59: {  	[spmem:s7] =	stream.linear.scatter [tilespmem:s3], [sflag:$0x11], $0x1F40, $0x38;
	[tilespmem:$0x1A9A0] =	vst v63  }
0x5a: {  	_ =	swait.ge [sflag:s21], $0x1F40  }
0x5b: {  	[sflag:s21] =	ssyncset.done $0x0  }
0x5c: {  	s8 =	rddreg [dreg:$0x8];
	[sflag:s21] =	ssyncadd.s32 $0xFFFFE0C0  }
0x5d: {  	[spmem:s8] =	stream.linear.scatter [tilespmem:s3], [sflag:$0x11], $0x1F40, $0x38;
	[tilespmem:$0x1A9A0] =	vst v63  }
0x5e: {  	_ =	swait.ge [sflag:s21], $0x1F40  }
0x5f: {  	[sflag:s21] =	ssyncset.done $0x0  }
0x60: {  	s9 =	rddreg [dreg:$0x9];
	[sflag:s21] =	ssyncadd.s32 $0xFFFFE0C0  }
0x61: {  	[spmem:s9] =	stream.linear.scatter [tilespmem:s3], [sflag:$0x11], $0x1F40, $0x38;
	[tilespmem:$0x1A9A0] =	vst v63  }
0x62: {  	_ =	swait.ge [sflag:s21], $0x1F40  }
0x63: {  	[sflag:s21] =	ssyncset.done $0x0  }
0x64: {  	s8 =	simm.s32 $0x0;
	s10 =	rddreg [dreg:$0xa];
	[sflag:s21] =	ssyncadd.s32 $0xFFFFE0C0  }
0x65: {  	[tilespmem:s8], [sflag:$0x11] =	stream.linear.gather [hbm4b:s10+s8], $0x2710, $0x38;
	[tilespmem:$0x1A9A0] =	vst v63  }
0x66: {  	_ =	swait.ge [sflag:s21], $0x2710  }
0x67: {  	[sflag:s21] =	ssyncset.done $0x0  }
0x68: {  	s16 =	simm.s32 $0x2710;
	s11 =	rddreg [dreg:$0xb];
	[sflag:s21] =	ssyncadd.s32 $0xFFFFD8F0  }
0x69: {  	[tilespmem:s16], [sflag:$0x11] =	stream.linear.gather [hbm4b:s11+s8], $0x2710, $0x38;
	[tilespmem:$0x1A9A0] =	vst v63  }
0x6a: {  	_ =	swait.ge [sflag:s21], $0x2710  }
0x6b: {  	[sflag:s21] =	ssyncset.done $0x0  }
0x6c: {  	[sflag:s21] =	ssyncadd.s32 $0xFFFFD8F0  }
0x6d: {  	s20 =	simm.s32 $0x4E20;
	[bflag:$0x0] =	sbarrier.arrive $0xFFFF  }
0x6e: {  	[tilespmem:s20], [sflag:$0x1] =	stream.indirect.gather [hbm4b:s4+s23], $0x20, s8, s23, $0xb8;
	[tilespmem:$0x1A9A0] =	vst v63  }
0x6f: {  	_ = 	snop  }
0x70: {  	[tilespmem:s25], [sflag:$0x5] =	stream.indirect.gather [hbm4b:s5+s23], $0x10, s8, s23, $0xb8;
	[tilespmem:$0x1A9A0] =	vst v63  }
0x71: {  	_ = 	snop  }
0x72: {  	[tilespmem:s26], [sflag:$0x9] =	stream.indirect.gather [hbm4b:s6+s23], $0x10, s16, s23, $0xb8;
	[tilespmem:$0x1A9A0] =	vst v63  }
0x73: {  	s24 =	simm.s32 $0x5820  }
0x74: {  	[tilespmem:s24], [sflag:$0x2] =	stream.indirect.gather [hbm4b:s4+s23], $0x20, s23, s23, $0xb8;
	[tilespmem:$0x1A9A0] =	vst v63  }
0x75: {  	s3 =	simm.s32 $0x7B20  }
0x76: {  	[tilespmem:s3], [sflag:$0x6] =	stream.indirect.gather [hbm4b:s5+s23], $0x10, s23, s23, $0xb8;
	[tilespmem:$0x1A9A0] =	vst v63  }
0x77: {  	s7 =	simm.s32 $0x2760;
	s9 =	simm.s32 $0x8F20  }
0x78: {  	[tilespmem:s9], [sflag:$0xA] =	stream.indirect.gather [hbm4b:s6+s23], $0x10, s7, s23, $0xb8;
	[tilespmem:$0x1A9A0] =	vst v63  }
0x79: {  	s10 =	simm.s32 $0xA0;
	s11 =	simm.s32 $0x6220  }
0x7a: {  	[tilespmem:s11], [sflag:$0x3] =	stream.indirect.gather [hbm4b:s4+s23], $0x20, s10, s23, $0xb8;
	[tilespmem:$0x1A9A0] =	vst v63  }
.Ltmp3:
0x7b: {  	_ = 	snop;
	(pc) =	sbr.rel .LBB2_4-.Ltmp3, $4  }
0x7c: {  	s16 =	simm.s32 $0x8020  }
0x7d: {  	[tilespmem:s16], [sflag:$0x7] =	stream.indirect.gather [hbm4b:s5+s23], $0x10, s10, s23, $0xb8;
	[tilespmem:$0x1A9A0] =	vst v63  }
0x7e: {  	s20 =	simm.s32 $0x27B0;
	s24 =	simm.s32 $0x9420  }
0x7f: {  	[tilespmem:s24], [sflag:$0xB] =	stream.indirect.gather [hbm4b:s6+s23], $0x10, s20, s23, $0xb8;
	[tilespmem:$0x1A9A0] =	vst v63  }
.LBB2_18:
0x80: {  	s8 =	sadd.s32 $0x1, s8  }
0x81: {  	p0 =	sne.s32 s8, $0x20  }
.Ltmp4:
0x82: {  	_ = 	snop;
	(pc) =	sbr.rel @!p0 .LBB2_19-.Ltmp4, $1  }
0x83: {  	_ =	sdelay $0x3  }
.LBB2_4:
0x84: {  	s9 =	sshllo.u32 s8, $0x2  }
0x85: {  	p1 =	sgt.u32 s9, $0x7C  }
0x86: {  	s0 =	smul.u32 @!p1 $0x50, s9  }
0x87: {  	s3 =	simm.s32 @!p1 $0x50;
	s7 =	simm.s32 @!p1 $0x6C20  }
0x88: {  	[tilespmem:s7], [sflag:$0x4] =	stream.indirect.gather @!p1 [hbm4b:s4+s3], $0x20, s0, s3, $0xb8;
	[tilespmem:$0x1A9A0] =	vst v63  }
0x89: {  	s7 =	simm.s32 @!p1 $0x8520  }
0x8a: {  	[tilespmem:s7], [sflag:$0x8] =	stream.indirect.gather @!p1 [hbm4b:s5+s3], $0x10, s0, s3, $0xb8;
	[tilespmem:$0x1A9A0] =	vst v63  }
0x8b: {  	s0 =	sadd.s32 @!p1 $0x2710, s0;
	s7 =	simm.s32 @!p1 $0x9920  }
0x8c: {  	[tilespmem:s7], [sflag:$0xC] =	stream.indirect.gather @!p1 [hbm4b:s6+s3], $0x10, s0, s3, $0xb8;
	[tilespmem:$0x1A9A0] =	vst v63  }
0x8d: {  	_ =	swait.ge [sflag:s28], $0xA00  }
0x8e: {  	[sflag:s28] =	ssyncset.done $0x0  }
0x8f: {  	[sflag:s28] =	ssyncadd.s32 $0xFFFFF600  }
0x90: {  	_ =	swait.ge [sflag:s29], $0x500  }
0x91: {  	[sflag:s29] =	ssyncset.done $0x0  }
0x92: {  	[sflag:s29] =	ssyncadd.s32 $0xFFFFFB00  }
0x93: {  	_ =	swait.ge [sflag:s30], $0x500  }
0x94: {  	p0 =	seq.s32 s8, $0x0;
	[sflag:s30] =	ssyncset.done $0x0  }
0x95: {  	s0 =	simm.s32 @!p0 $0xD;
	[sflag:s30] =	ssyncadd.s32 $0xFFFFFB00  }
0x96: {  	_ =	swait.ge @!p0 [sflag:s0], $0x1400  }
0x97: {  	[sflag:s0] =	ssyncset.done @!p0 $0x0  }
0x98: {  	s10 =	simm.s32 $0x7640;
	[sflag:s0] =	ssyncadd.s32 @!p0 $0xFFFFEC00  }
0x99: {  	s11 =	simm.s32 $0x8A40;
	v12 =	vld [tilespmem:s10+$0x10]  }
0x9a: {  	v3 =	vld [tilespmem:s11+$0x10]  }
0x9b: {  	v5 =	vld [tilespmem:s11+$0x0]  }
0x9c: {  	v7 =	vld [tilespmem:s10+$0x0];
	_ =	sdelay $0x1  }
0x9d: {  	v4 =	vld [tilespmem:s10+$0xFFFFFFF0]  }
0x9e: {  	v6 =	vld [tilespmem:s11+$0xFFFFFFF0];
	v8 =	vperm.xlane v3, v2;
	v9 =	vperm.xlane v12, v1  }
0x9f: {  	s20 =	simm.s32 $0x8A80  }
0xa0: {  	v18 =	vld [tilespmem:s20+$0x10];
	v10 =	vperm.xlane v5, v2;
	v11 =	vperm.xlane v7, v1;
	v8 =	vadd.f32 v8, v9  }
0xa1: {  	v20 =	vld [tilespmem:s20+$0x0]  }
0xa2: {  	v15 =	vperm.xlane v4, v1;
	v10 =	vadd.f32 v10, v11;
	v13 =	vmul.f32 $2.000000030e-01, v8  }
0xa3: {  	v9 =	vperm.xlane v3, v1;
	v11 =	vperm.xlane v6, v2;
	vm0 =	vge.f32 v8, $0.0e+00  }
0xa4: {  	v14 =	vld [tilespmem:s11+$0xFFFFFFE0];
	v5 =	vperm.xlane v5, v1;
	v16 =	vmul.f32 $2.000000030e-01, v10;
	v8 =	vsel vm0, v8, v13  }
0xa5: {  	v3 =	vld [tilespmem:s10+$0xFFFFFFE0];
	vm1 =	vge.f32 v10, $0.0e+00;
	v11 =	vadd.f32 v11, v15;
	v8 =	vsub.f32 v8, v9  }
0xa6: {  	s16 =	simm.s32 $0x4E60;
	v24 =	vld [tilespmem:s20+$0xFFFFFFF0];
	v26 =	vperm.xlane v18, v2;
	v28 =	vperm.xlane v20, v2;
	v9 =	vsel vm1, v10, v16  }
0xa7: {  	v15 =	vld [tilespmem:s16+$0xFFFFFFE0];
	v5 =	vsub.f32 v9, v5;
	v9 =	vmul.f32 $2.000000030e-01, v11;
	v8 =	vmul.f32 $1.442695020e+00, v8  }
0xa8: {  	v17 =	vld [tilespmem:s20+$0xFFFFFFE0];
	v30 =	vperm.xlane v18, v1;
	v6 =	vperm.xlane v6, v1;
	vm11 =	vge.f32 v11, $0.0e+00  }
0xa9: {  	v13 =	vld [tilespmem:s16+$0x10];
	v5 =	vmul.f32 $1.442695020e+00, v5;
	v9 =	vsel vm11, v11, v9;
	(erf) = vpow2.f32 v8  }
0xaa: {  	v16 =	vld [tilespmem:s16+$0x20];
	v19 =	vperm.xlane v3, v1;
	v6 =	vsub.f32 v9, v6;
	v9 =	vperm.xlane v14, v2  }
0xab: {  	s24 =	simm.s32 $0x7680;
	v60 =	vperm.xlane v24, v1;
	v11 =	vld [tilespmem:s16+$0x0];
	(erf) = vpow2.f32 v5  }
0xac: {  	v25 =	vunpack.i.u.bf16.f32 v15;
	v21 =	vunpack.i.l.bf16.f32 v15;
	v5 =	vld [tilespmem:s24+$0x10];
	v15 =	vadd.f32 v9, v19  }
0xad: {  	v20 =	vperm.xlane v20, v1;
	v14 =	vperm.xlane v14, v1;
	v8 =	vld [tilespmem:s24+$0x0]  }
0xae: {  	v6 =	vmul.f32 $1.442695020e+00, v6;
	v27 =	vmul.f32 $2.000000030e-01, v15  }
0xaf: {  	v13 =	vunpack.i.l.bf16.f32 v13;
	v23 =	vunpack.i.u.bf16.f32 v16;
	v16 =	vunpack.i.l.bf16.f32 v16;
	v19 =	vld [tilespmem:s16+$0x30]  }
0xb0: {  	v9 =	vperm.xlane v17, v2;
	(erf) = vpow2.f32 v6;
	v22 =	vunpack.i.u.bf16.f32 v11  }
0xb1: {  	v10 =	vld [tilespmem:s16+$0xFFFFFFF0];
	vm12 =	vge.f32 v15, $0.0e+00;
	v32 =	vunpack.i.l.bf16.f32 v11;
	v18 =	vperm.xlane v5, v1  }
0xb2: {  	v6 =	vld [tilespmem:s24+$0xFFFFFFF0];
	v11 =	vperm.xlane v17, v1;
	v29 =	vperm.xlane v8, v1;
	v15 =	vsel vm12, v15, v27;
	v27 =	vpop (erf)  }
0xb3: {  	v14 =	vsub.f32 v15, v14;
	v17 =	vadd.f32 v26, v18;
	v15 =	vmul.f32 v27, v16  }
0xb4: {  	v31 =	vpop (erf);
	v16 =	vunpack.i.l.bf16.f32 v19;
	v23 =	vmul.f32 v27, v23;
	v19 =	vperm.xlane v24, v2  }
0xb5: {  	s20 =	simm.s32 $0x9EA0;
	v61 =	vmul.f32 $2.000000030e-01, v17;
	v13 =	vmul.f32 v13, v31  }
0xb6: {  	v10 =	vunpack.i.l.bf16.f32 v10;
	v18 =	vld [tilespmem:s16+$0xFFFFFFD0];
	v33 =	vmul.f32 v31, v7;
	v26 =	vmul.f32 v31, v32;
	[tilespmem:s20+$0x40] =	vst v15  }
0xb7: {  	s11 =	simm.s32 $0x4EE0;
	v24 =	vadd.f32 v28, v29;
	v7 =	vld [tilespmem:s24+$0xFFFFFFE0];
	v62 =	vmul.f32 v16, v27;
	[tilespmem:s20+$0x20] =	vst v13;
	v13 =	vperm.xlane v6, v1  }
0xb8: {  	vm13 =	vge.f32 v17, $0.0e+00;
	v27 =	vmul.f32 v27, v12;
	v12 =	vld [tilespmem:s11+$0x30];
	[tilespmem:s20+$0x50] =	vst v23;
	v23 =	vmul.f32 $1.442695020e+00, v14  }
0xb9: {  	v63 =	vmul.f32 $2.000000030e-01, v24;
	v17 =	vsel vm13, v17, v61;
	v15 =	vld [tilespmem:s11+$0x10];
	[tilespmem:s20+$0x30] =	vst v33;
	v13 =	vadd.f32 v19, v13  }
0xba: {  	vm14 =	vge.f32 v24, $0.0e+00;
	v14 =	vld [tilespmem:s11+$0xFFFFFFE0];
	v16 =	vpop (erf);
	v28 =	vsub.f32 v17, v30;
	[tilespmem:s20+$0x60] =	vst v62;
	(erf) = vpow2.f32 v23  }
0xbb: {  	[tilespmem:s20+$0x0] =	vst v26;
	v26 =	vmul.f32 v31, v22;
	v17 =	vsel vm14, v24, v63;
	v19 =	vld [tilespmem:s16+$0xFFFFFFC0];
	v24 =	vmul.f32 $2.000000030e-01, v13  }
0xbc: {  	[tilespmem:s20+$0x70] =	vst v27;
	v21 =	vmul.f32 v16, v21;
	v27 =	vsub.f32 v17, v20;
	v17 =	vld [tilespmem:s11+$0x20];
	vm15 =	vge.f32 v13, $0.0e+00  }
0xbd: {  	s7 =	simm.s32 $0x76C0;
	s3 =	simm.s32 $0x9EA0;
	v25 =	vmul.f32 v16, v25;
	v20 =	vld [tilespmem:s11+$0xFFFFFFF0];
	[tilespmem:s20+$0x10] =	vst v26;
	v13 =	vsel vm15, v13, v24;
	v24 =	vmul.f32 $1.442695020e+00, v28  }
0xbe: {  	s0 =	simm.s32 $0x4;
	s10 =	sshll.u32 s8, $0x2;
	s16 =	simm.s32 $0x8AC0;
	[tilespmem:s20+$0xFFFFFFC0] =	vst v21;
	v21 =	vperm.xlane v7, v1;
	v23 =	vmul.f32 $1.442695020e+00, v27;
	v22 =	vsub.f32 v13, v60;
	v13 =	vld [tilespmem:s11+$0x0]  }
.LBB2_5:
0xbf: {  	v26 =	vld [tilespmem:s16+$0xFFFFFFE0];
	s0 =	sadd.s32 $0x4, s0;
	(erf) = vpow2.f32 v24;
	v10 =	vmul.f32 v10, v16;
	s20 =	sadd.s32 $0x100, s20  }
0xc0: {  	v24 =	vld [tilespmem:s7+$0x10];
	p2 =	slt.u32 s0, $0x4C;
	v22 =	vmul.f32 $1.442695020e+00, v22;
	(erf) = vpow2.f32 v23;
	v23 =	vunpack.i.l.bf16.f32 v19;
	[tilespmem:s3+$0xFFFFFFD0] =	vst v25  }
0xc1: {  	v18 =	vunpack.i.l.bf16.f32 v18;
	v30 =	vmul.f32 v16, v4;
	v4 =	vmovc v6;
	v19 =	vunpack.i.u.bf16.f32 v19;
	v25 =	vld [tilespmem:s16+$0x10];
	[tilespmem:s3+$0xFFFFFFE0] =	vst v10  }
0xc2: {  	v28 =	vunpack.i.u.bf16.f32 v14;
	v27 =	vld [tilespmem:s16+$0x0];
	v10 =	vunpack.i.l.bf16.f32 v20;
	(erf) = vpow2.f32 v22  }
0xc3: {  	v22 =	vunpack.i.l.bf16.f32 v14;
	v14 =	vunpack.i.u.bf16.f32 v17;
	v20 =	vld [tilespmem:s7+$0x0];
	v29 =	vunpack.i.u.bf16.f32 v13;
	[tilespmem:s3+$0xFFFFFFF0] =	vst v30;
	v16 =	vpop (erf)  }
0xc4: {  	v21 =	vadd.f32 v9, v21;
	v30 =	vld [tilespmem:s7+$0xFFFFFFE0];
	v9 =	vperm.xlane v26, v2;
	v18 =	vmul.f32 v18, v16  }
0xc5: {  	v15 =	vunpack.i.l.bf16.f32 v15;
	v23 =	vmul.f32 v16, v23;
	v19 =	vmul.f32 v16, v19;
	v6 =	vld [tilespmem:s7+$0xFFFFFFF0]  }
0xc6: {  	vm0 =	vge.f32 v21, $0.0e+00;
	v33 =	vmul.f32 $2.000000030e-01, v21;
	v31 =	vld [tilespmem:s16+$0xFFFFFFF0];
	v32 =	vperm.xlane v25, v2;
	[tilespmem:s3+$0xFFFFFFA0] =	vst v18  }
0xc7: {  	v17 =	vunpack.i.l.bf16.f32 v17;
	v16 =	vmul.f32 v16, v3;
	v3 =	vmovc v7;
	v18 =	vperm.xlane v27, v2;
	[tilespmem:s3+$0xFFFFFF80] =	vst v23  }
0xc8: {  	v35 =	vsel vm0, v21, v33;
	v25 =	vperm.xlane v25, v1;
	v23 =	vperm.xlane v20, v1;
	v21 =	vpop (erf);
	[tilespmem:s3+$0xFFFFFF90] =	vst v19  }
0xc9: {  	v33 =	vsub.f32 v35, v11;
	v19 =	vperm.xlane v24, v1;
	v17 =	vmul.f32 v21, v17;
	v34 =	vpop (erf);
	[tilespmem:s3+$0xFFFFFFB0] =	vst v16;
	s3 =	smov.u32 s20  }
0xca: {  	v12 =	vunpack.i.l.bf16.f32 v12;
	v14 =	vmul.f32 v21, v14;
	v7 =	vmovc v30;
	v15 =	vmul.f32 v15, v34  }
0xcb: {  	v13 =	vunpack.i.l.bf16.f32 v13;
	v35 =	vmul.f32 v34, v8;
	v30 =	vperm.xlane v31, v2;
	v16 =	vpop (erf)  }
0xcc: {  	v11 =	vperm.xlane v26, v1;
	v26 =	vadd.f32 v32, v19;
	v13 =	vmul.f32 v34, v13;
	[tilespmem:s20+$0x20] =	vst v15  }
0xcd: {  	v23 =	vadd.f32 v18, v23;
	v8 =	vmovc v20;
	v31 =	vperm.xlane v31, v1;
	v15 =	vperm.xlane v6, v1  }
0xce: {  	v32 =	vmul.f32 $1.442695020e+00, v33;
	vm0 =	vge.f32 v26, $0.0e+00;
	v20 =	vmul.f32 $2.000000030e-01, v26;
	v18 =	vld [tilespmem:s11+$0xFFFFFFD0];
	[tilespmem:s20+$0x30] =	vst v35  }
0xcf: {  	v30 =	vadd.f32 v30, v15;
	v19 =	vld [tilespmem:s11+$0xFFFFFFC0];
	[tilespmem:s20+$0x40] =	vst v17;
	v17 =	vmul.f32 v12, v21;
	v21 =	vmul.f32 v21, v5;
	s11 =	sadd.s32 $0x80, s11  }
0xd0: {  	vm1 =	vge.f32 v23, $0.0e+00;
	v33 =	vmul.f32 $2.000000030e-01, v23;
	v20 =	vsel vm0, v26, v20;
	v5 =	vmovc v24;
	v12 =	vld [tilespmem:s11+$0x30];
	[tilespmem:s20+$0x50] =	vst v14  }
.Ltmp5:
0xd1: {  	v24 =	vperm.xlane v27, v1;
	v25 =	vsub.f32 v20, v25;
	v15 =	vld [tilespmem:s11+$0x10];
	[tilespmem:s20+$0x60] =	vst v17;
	(erf) = vpow2.f32 v32;
	(pc) =	sbr.rel @p2 .LBB2_5-.Ltmp5, $4  }
0xd2: {  	v22 =	vmul.f32 v16, v22;
	v20 =	vmul.f32 $2.000000030e-01, v30;
	v17 =	vsel vm1, v23, v33;
	v14 =	vld [tilespmem:s11+$0xFFFFFFE0];
	[tilespmem:s20+$0x70] =	vst v21  }
0xd3: {  	v26 =	vmul.f32 v34, v29;
	vm0 =	vge.f32 v30, $0.0e+00;
	v23 =	vsub.f32 v17, v24;
	v17 =	vld [tilespmem:s11+$0x20];
	[tilespmem:s20+$0x0] =	vst v13  }
0xd4: {  	v21 =	vperm.xlane v7, v1;
	v24 =	vmul.f32 $1.442695020e+00, v25;
	v13 =	vsel vm0, v30, v20;
	v20 =	vld [tilespmem:s11+$0xFFFFFFF0];
	[tilespmem:s20+$0xFFFFFFC0] =	vst v22  }
0xd5: {  	s7 =	sadd.s32 $0x40, s7;
	s16 =	sadd.s32 $0x40, s16;
	v25 =	vmul.f32 v16, v28;
	v22 =	vsub.f32 v13, v31;
	v23 =	vmul.f32 $1.442695020e+00, v23;
	v13 =	vld [tilespmem:s11+$0x0];
	[tilespmem:s20+$0x10] =	vst v26  }
0xd6: {  	(erf) = vpow2.f32 v24;
	_ =	sdelay $0x1  }
0xd7: {  	(erf) = vpow2.f32 v23  }
0xd8: {  	v9 =	vadd.f32 v9, v21  }
0xd9: {  	v10 =	vmul.f32 v10, v16;
	v38 =	vunpack.i.l.bf16.f32 v19;
	v4 =	vmul.f32 v16, v4  }
0xda: {  	v18 =	vunpack.i.l.bf16.f32 v18;
	v37 =	vmul.f32 $1.442695020e+00, v22;
	[tilespmem:s3+$0xFFFFFFD0] =	vst v25;
	v40 =	vmul.f32 $2.000000030e-01, v9;
	v39 =	vpop (erf)  }
0xdb: {  	v41 =	vunpack.i.u.bf16.f32 v19;
	[tilespmem:s3+$0xFFFFFFE0] =	vst v10;
	vm0 =	vge.f32 v9, $0.0e+00;
	v42 =	vmul.f32 v18, v39  }
0xdc: {  	[tilespmem:s3+$0xFFFFFFF0] =	vst v4;
	(erf) = vpow2.f32 v37;
	v9 =	vsel vm0, v9, v40;
	v43 =	vmul.f32 v39, v38  }
0xdd: {  	v44 =	vmul.f32 v39, v41;
	v9 =	vsub.f32 v9, v11;
	[tilespmem:s3+$0xFFFFFFA0] =	vst v42  }
0xde: {  	v48 =	vunpack.i.l.bf16.f32 v17;
	v3 =	vmul.f32 v39, v3;
	[tilespmem:s3+$0xFFFFFF80] =	vst v43;
	v45 =	vpop (erf)  }
0xdf: {  	v46 =	vunpack.i.l.bf16.f32 v15;
	[tilespmem:s3+$0xFFFFFF90] =	vst v44;
	v9 =	vmul.f32 $1.442695020e+00, v9;
	v15 =	vmul.f32 v45, v48  }
0xe0: {  	s0 =	sadd.s32 $0x100, s20;
	[tilespmem:s3+$0xFFFFFFB0] =	vst v3;
	v47 =	vpop (erf);
	v5 =	vmul.f32 v45, v5  }
0xe1: {  	(erf) = vpow2.f32 v9;
	v11 =	vmul.f32 v46, v47;
	[tilespmem:s0+$0x40] =	vst v15  }
0xe2: {  	v49 =	vunpack.i.u.bf16.f32 v17;
	v3 =	vmul.f32 v47, v8;
	[tilespmem:s0+$0x70] =	vst v5  }
0xe3: {  	v51 =	vunpack.i.l.bf16.f32 v13;
	v8 =	vmul.f32 v45, v49;
	[tilespmem:s0+$0x20] =	vst v11  }
0xe4: {  	v50 =	vunpack.i.l.bf16.f32 v12;
	v9 =	vmul.f32 v47, v51;
	[tilespmem:s0+$0x30] =	vst v3  }
0xe5: {  	v55 =	vld [tilespmem:s11+$0xFFFFFFC0];
	v52 =	vunpack.i.l.bf16.f32 v14;
	v3 =	vmul.f32 v50, v45;
	[tilespmem:s0+$0x50] =	vst v8;
	v53 =	vpop (erf)  }
0xe6: {  	v54 =	vld [tilespmem:s11+$0xFFFFFFD0];
	v56 =	vunpack.i.u.bf16.f32 v14;
	[tilespmem:s0+$0x0] =	vst v9;
	v8 =	vmul.f32 v53, v52  }
0xe7: {  	v5 =	vmul.f32 v53, v56;
	[tilespmem:s0+$0x60] =	vst v3;
	v3 =	vunpack.i.u.bf16.f32 v13  }
0xe8: {  	v3 =	vmul.f32 v47, v3;
	[tilespmem:s0+$0xFFFFFFC0] =	vst v8  }
0xe9: {  	v57 =	vunpack.i.l.bf16.f32 v20;
	v59 =	vmul.f32 v53, v6;
	[tilespmem:s0+$0xFFFFFFD0] =	vst v5  }
0xea: {  	v61 =	vunpack.i.l.bf16.f32 v55;
	[tilespmem:s0+$0x10] =	vst v3;
	v3 =	vmul.f32 v57, v53;
	v60 =	vpop (erf)  }
0xeb: {  	s11 =	sor.u32 $0x1, s10;
	v58 =	vunpack.i.l.bf16.f32 v54;
	[tilespmem:s0+$0xFFFFFFF0] =	vst v59;
	v63 =	vmul.f32 v60, v61  }
0xec: {  	s20 =	smul.u32 $0x500, s8;
	p2 =	sgt.u32 s11, $0x7C;
	v62 =	vunpack.i.u.bf16.f32 v55;
	[tilespmem:s0+$0xFFFFFFE0] =	vst v3;
	v3 =	vmul.f32 v58, v60  }
.Ltmp6:
0xed: {  	v4 =	vmul.f32 v60, v62;
	[tilespmem:s0+$0xFFFFFF80] =	vst v63;
	(pc) =	sbr.rel @p2 .LBB2_10-.Ltmp6, $4  }
0xee: {  	[tilespmem:s0+$0xFFFFFFA0] =	vst v3;
	v3 =	vmul.f32 v60, v7  }
0xef: {  	s3 =	sshra.s32 s20, $0x2;
	[tilespmem:s0+$0xFFFFFF90] =	vst v4  }
0xf0: {  	s24 =	sadd.s32 $0x2710, s3;
	[tilespmem:s0+$0xFFFFFFB0] =	vst v3  }
0xf1: {  	[spmem:s2] =	stream.indirect.scatter.add.f32 [tilespmem:s31], [sflag:$0xD], $0x40, s24, s23, $0xb8;
	[tilespmem:$0x1A9A0] =	vst v63  }
0xf2: {  	s0 =	smul.u32 $0x140, s8;
	_ =	sdelay $0x1  }
0xf3: {  	s7 =	simm.s32 $0x4E20;
	s3 =	sadd.s32 $0x140, s0  }
0xf4: {  	[tilespmem:s7], [sflag:$0x1] =	stream.indirect.gather [hbm4b:s4+s23], $0x20, s3, s23, $0xb8;
	[tilespmem:$0x1A9A0] =	vst v63  }
0xf5: {  	_ = 	snop  }
0xf6: {  	[tilespmem:s25], [sflag:$0x5] =	stream.indirect.gather [hbm4b:s5+s23], $0x10, s3, s23, $0xb8;
	[tilespmem:$0x1A9A0] =	vst v63  }
0xf7: {  	s0 =	sadd.s32 $0x2850, s0  }
0xf8: {  	[tilespmem:s26], [sflag:$0x9] =	stream.indirect.gather [hbm4b:s6+s23], $0x10, s0, s23, $0xb8;
	[tilespmem:$0x1A9A0] =	vst v63  }
0xf9: {  	_ =	swait.ge [sflag:s1], $0xA00  }
0xfa: {  	[sflag:s1] =	ssyncset.done $0x0  }
0xfb: {  	[sflag:s1] =	ssyncadd.s32 $0xFFFFF600  }
0xfc: {  	_ =	swait.ge [sflag:s22], $0x500  }
0xfd: {  	[sflag:s22] =	ssyncset.done $0x0  }
0xfe: {  	[sflag:s22] =	ssyncadd.s32 $0xFFFFFB00  }
0xff: {  	_ =	swait.ge [sflag:s12], $0x500  }
0x100: {  	[sflag:s12] =	ssyncset.done $0x0  }
0x101: {  	s0 =	simm.s32 @!p0 $0xE;
	[sflag:s12] =	ssyncadd.s32 $0xFFFFFB00  }
0x102: {  	_ =	swait.ge @!p0 [sflag:s0], $0x1400  }
0x103: {  	[sflag:s0] =	ssyncset.done @!p0 $0x0  }
0x104: {  	s24 =	simm.s32 $0x7B40;
	[sflag:s0] =	ssyncadd.s32 @!p0 $0xFFFFEC00  }
0x105: {  	s7 =	simm.s32 $0x8F40;
	v12 =	vld [tilespmem:s24+$0x10]  }
0x106: {  	v3 =	vld [tilespmem:s7+$0x10]  }
0x107: {  	v5 =	vld [tilespmem:s7+$0x0]  }
0x108: {  	v7 =	vld [tilespmem:s24+$0x0];
	_ =	sdelay $0x1  }
0x109: {  	v4 =	vld [tilespmem:s24+$0xFFFFFFF0]  }
0x10a: {  	v6 =	vld [tilespmem:s7+$0xFFFFFFF0];
	v8 =	vperm.xlane v3, v2;
	v9 =	vperm.xlane v12, v1  }
0x10b: {  	s20 =	simm.s32 $0x8F80  }
0x10c: {  	v18 =	vld [tilespmem:s20+$0x10];
	v10 =	vperm.xlane v5, v2;
	v11 =	vperm.xlane v7, v1;
	v8 =	vadd.f32 v8, v9  }
0x10d: {  	v20 =	vld [tilespmem:s20+$0x0]  }
0x10e: {  	v15 =	vperm.xlane v4, v1;
	v10 =	vadd.f32 v10, v11;
	v13 =	vmul.f32 $2.000000030e-01, v8  }
0x10f: {  	v9 =	vperm.xlane v3, v1;
	v11 =	vperm.xlane v6, v2;
	vm0 =	vge.f32 v8, $0.0e+00  }
0x110: {  	v14 =	vld [tilespmem:s7+$0xFFFFFFE0];
	v5 =	vperm.xlane v5, v1;
	v16 =	vmul.f32 $2.000000030e-01, v10;
	v8 =	vsel vm0, v8, v13  }
0x111: {  	v3 =	vld [tilespmem:s24+$0xFFFFFFE0];
	vm1 =	vge.f32 v10, $0.0e+00;
	v11 =	vadd.f32 v11, v15;
	v8 =	vsub.f32 v8, v9  }
0x112: {  	s16 =	simm.s32 $0x5860;
	v24 =	vld [tilespmem:s20+$0xFFFFFFF0];
	v26 =	vperm.xlane v18, v2;
	v28 =	vperm.xlane v20, v2;
	v9 =	vsel vm1, v10, v16  }
0x113: {  	v15 =	vld [tilespmem:s16+$0xFFFFFFE0];
	v5 =	vsub.f32 v9, v5;
	v9 =	vmul.f32 $2.000000030e-01, v11;
	v8 =	vmul.f32 $1.442695020e+00, v8  }
0x114: {  	v17 =	vld [tilespmem:s20+$0xFFFFFFE0];
	v30 =	vperm.xlane v18, v1;
	v6 =	vperm.xlane v6, v1;
	vm11 =	vge.f32 v11, $0.0e+00  }
0x115: {  	v13 =	vld [tilespmem:s16+$0x10];
	v5 =	vmul.f32 $1.442695020e+00, v5;
	v9 =	vsel vm11, v11, v9;
	(erf) = vpow2.f32 v8  }
0x116: {  	v16 =	vld [tilespmem:s16+$0x20];
	v19 =	vperm.xlane v3, v1;
	v6 =	vsub.f32 v9, v6;
	v9 =	vperm.xlane v14, v2  }
0x117: {  	v60 =	vperm.xlane v24, v1;
	s24 =	simm.s32 $0x7B80;
	v11 =	vld [tilespmem:s16+$0x0];
	(erf) = vpow2.f32 v5  }
0x118: {  	v25 =	vunpack.i.u.bf16.f32 v15;
	v21 =	vunpack.i.l.bf16.f32 v15;
	v5 =	vld [tilespmem:s24+$0x10];
	v15 =	vadd.f32 v9, v19  }
0x119: {  	v20 =	vperm.xlane v20, v1;
	v14 =	vperm.xlane v14, v1;
	v8 =	vld [tilespmem:s24+$0x0]  }
0x11a: {  	v6 =	vmul.f32 $1.442695020e+00, v6;
	v27 =	vmul.f32 $2.000000030e-01, v15  }
0x11b: {  	v13 =	vunpack.i.l.bf16.f32 v13;
	v23 =	vunpack.i.u.bf16.f32 v16;
	v16 =	vunpack.i.l.bf16.f32 v16;
	v19 =	vld [tilespmem:s16+$0x30]  }
0x11c: {  	v9 =	vperm.xlane v17, v2;
	(erf) = vpow2.f32 v6;
	v22 =	vunpack.i.u.bf16.f32 v11  }
0x11d: {  	v10 =	vld [tilespmem:s16+$0xFFFFFFF0];
	vm12 =	vge.f32 v15, $0.0e+00;
	v32 =	vunpack.i.l.bf16.f32 v11;
	v18 =	vperm.xlane v5, v1  }
0x11e: {  	v6 =	vld [tilespmem:s24+$0xFFFFFFF0];
	v11 =	vperm.xlane v17, v1;
	v29 =	vperm.xlane v8, v1;
	v15 =	vsel vm12, v15, v27;
	v27 =	vpop (erf)  }
0x11f: {  	v14 =	vsub.f32 v15, v14;
	v17 =	vadd.f32 v26, v18;
	v15 =	vmul.f32 v27, v16  }
0x120: {  	v31 =	vpop (erf);
	v16 =	vunpack.i.l.bf16.f32 v19;
	v23 =	vmul.f32 v27, v23;
	v19 =	vperm.xlane v24, v2  }
0x121: {  	s3 =	simm.s32 $0xB2A0;
	v61 =	vmul.f32 $2.000000030e-01, v17;
	v13 =	vmul.f32 v13, v31  }
0x122: {  	v10 =	vunpack.i.l.bf16.f32 v10;
	v18 =	vld [tilespmem:s16+$0xFFFFFFD0];
	v33 =	vmul.f32 v31, v7;
	v26 =	vmul.f32 v31, v32;
	[tilespmem:s3+$0x40] =	vst v15  }
0x123: {  	s20 =	simm.s32 $0x58E0;
	v24 =	vadd.f32 v28, v29;
	v7 =	vld [tilespmem:s24+$0xFFFFFFE0];
	v62 =	vmul.f32 v16, v27;
	[tilespmem:s3+$0x20] =	vst v13;
	v13 =	vperm.xlane v6, v1  }
0x124: {  	vm13 =	vge.f32 v17, $0.0e+00;
	v27 =	vmul.f32 v27, v12;
	v12 =	vld [tilespmem:s20+$0x30];
	[tilespmem:s3+$0x50] =	vst v23;
	v23 =	vmul.f32 $1.442695020e+00, v14  }
0x125: {  	v63 =	vmul.f32 $2.000000030e-01, v24;
	v17 =	vsel vm13, v17, v61;
	v15 =	vld [tilespmem:s20+$0x10];
	[tilespmem:s3+$0x30] =	vst v33;
	v13 =	vadd.f32 v19, v13  }
0x126: {  	vm14 =	vge.f32 v24, $0.0e+00;
	v14 =	vld [tilespmem:s20+$0xFFFFFFE0];
	v16 =	vpop (erf);
	v28 =	vsub.f32 v17, v30;
	[tilespmem:s3+$0x60] =	vst v62;
	(erf) = vpow2.f32 v23  }
0x127: {  	[tilespmem:s3+$0x0] =	vst v26;
	v26 =	vmul.f32 v31, v22;
	v17 =	vsel vm14, v24, v63;
	v19 =	vld [tilespmem:s16+$0xFFFFFFC0];
	v24 =	vmul.f32 $2.000000030e-01, v13  }
0x128: {  	[tilespmem:s3+$0x70] =	vst v27;
	v21 =	vmul.f32 v16, v21;
	v27 =	vsub.f32 v17, v20;
	v17 =	vld [tilespmem:s20+$0x20];
	vm15 =	vge.f32 v13, $0.0e+00  }
0x129: {  	s0 =	simm.s32 $0xB2A0;
	v25 =	vmul.f32 v16, v25;
	v20 =	vld [tilespmem:s20+$0xFFFFFFF0];
	[tilespmem:s3+$0x10] =	vst v26;
	v13 =	vsel vm15, v13, v24;
	v24 =	vmul.f32 $1.442695020e+00, v28  }
0x12a: {  	s7 =	simm.s32 $0x8FC0;
	s24 =	simm.s32 $0x7BC0;
	s16 =	simm.s32 $0x4;
	[tilespmem:s3+$0xFFFFFFC0] =	vst v21;
	v21 =	vperm.xlane v7, v1;
	v23 =	vmul.f32 $1.442695020e+00, v27;
	v22 =	vsub.f32 v13, v60;
	v13 =	vld [tilespmem:s20+$0x0]  }
.LBB2_8:
0x12b: {  	v26 =	vld [tilespmem:s7+$0xFFFFFFE0];
	s16 =	sadd.s32 $0x4, s16;
	(erf) = vpow2.f32 v24;
	v10 =	vmul.f32 v10, v16;
	s3 =	sadd.s32 $0x100, s3  }
0x12c: {  	v24 =	vld [tilespmem:s24+$0x10];
	p2 =	slt.u32 s16, $0x4C;
	v22 =	vmul.f32 $1.442695020e+00, v22;
	(erf) = vpow2.f32 v23;
	v23 =	vunpack.i.l.bf16.f32 v19;
	[tilespmem:s0+$0xFFFFFFD0] =	vst v25  }
0x12d: {  	v18 =	vunpack.i.l.bf16.f32 v18;
	v30 =	vmul.f32 v16, v4;
	v4 =	vmovc v6;
	v19 =	vunpack.i.u.bf16.f32 v19;
	v25 =	vld [tilespmem:s7+$0x10];
	[tilespmem:s0+$0xFFFFFFE0] =	vst v10  }
0x12e: {  	v28 =	vunpack.i.u.bf16.f32 v14;
	v27 =	vld [tilespmem:s7+$0x0];
	v10 =	vunpack.i.l.bf16.f32 v20;
	(erf) = vpow2.f32 v22  }
0x12f: {  	v22 =	vunpack.i.l.bf16.f32 v14;
	v14 =	vunpack.i.u.bf16.f32 v17;
	v20 =	vld [tilespmem:s24+$0x0];
	v29 =	vunpack.i.u.bf16.f32 v13;
	[tilespmem:s0+$0xFFFFFFF0] =	vst v30;
	v16 =	vpop (erf)  }
0x130: {  	v21 =	vadd.f32 v9, v21;
	v30 =	vld [tilespmem:s24+$0xFFFFFFE0];
	v9 =	vperm.xlane v26, v2;
	v18 =	vmul.f32 v18, v16  }
0x131: {  	v15 =	vunpack.i.l.bf16.f32 v15;
	v23 =	vmul.f32 v16, v23;
	v19 =	vmul.f32 v16, v19;
	v6 =	vld [tilespmem:s24+$0xFFFFFFF0]  }
0x132: {  	vm0 =	vge.f32 v21, $0.0e+00;
	v33 =	vmul.f32 $2.000000030e-01, v21;
	v31 =	vld [tilespmem:s7+$0xFFFFFFF0];
	v32 =	vperm.xlane v25, v2;
	[tilespmem:s0+$0xFFFFFFA0] =	vst v18  }
0x133: {  	v17 =	vunpack.i.l.bf16.f32 v17;
	v16 =	vmul.f32 v16, v3;
	v3 =	vmovc v7;
	v18 =	vperm.xlane v27, v2;
	[tilespmem:s0+$0xFFFFFF80] =	vst v23  }
0x134: {  	v35 =	vsel vm0, v21, v33;
	v25 =	vperm.xlane v25, v1;
	v23 =	vperm.xlane v20, v1;
	v21 =	vpop (erf);
	[tilespmem:s0+$0xFFFFFF90] =	vst v19  }
0x135: {  	v33 =	vsub.f32 v35, v11;
	v19 =	vperm.xlane v24, v1;
	v17 =	vmul.f32 v21, v17;
	v34 =	vpop (erf);
	[tilespmem:s0+$0xFFFFFFB0] =	vst v16;
	s0 =	smov.u32 s3  }
0x136: {  	v12 =	vunpack.i.l.bf16.f32 v12;
	v14 =	vmul.f32 v21, v14;
	v7 =	vmovc v30;
	v15 =	vmul.f32 v15, v34  }
0x137: {  	v13 =	vunpack.i.l.bf16.f32 v13;
	v35 =	vmul.f32 v34, v8;
	v30 =	vperm.xlane v31, v2;
	v16 =	vpop (erf)  }
0x138: {  	v11 =	vperm.xlane v26, v1;
	v26 =	vadd.f32 v32, v19;
	v13 =	vmul.f32 v34, v13;
	[tilespmem:s3+$0x20] =	vst v15  }
0x139: {  	v23 =	vadd.f32 v18, v23;
	v8 =	vmovc v20;
	v31 =	vperm.xlane v31, v1;
	v15 =	vperm.xlane v6, v1  }
0x13a: {  	v32 =	vmul.f32 $1.442695020e+00, v33;
	vm0 =	vge.f32 v26, $0.0e+00;
	v20 =	vmul.f32 $2.000000030e-01, v26;
	v18 =	vld [tilespmem:s20+$0xFFFFFFD0];
	[tilespmem:s3+$0x30] =	vst v35  }
0x13b: {  	v30 =	vadd.f32 v30, v15;
	v19 =	vld [tilespmem:s20+$0xFFFFFFC0];
	[tilespmem:s3+$0x40] =	vst v17;
	v17 =	vmul.f32 v12, v21;
	v21 =	vmul.f32 v21, v5;
	s20 =	sadd.s32 $0x80, s20  }
0x13c: {  	vm1 =	vge.f32 v23, $0.0e+00;
	v33 =	vmul.f32 $2.000000030e-01, v23;
	v20 =	vsel vm0, v26, v20;
	v5 =	vmovc v24;
	v12 =	vld [tilespmem:s20+$0x30];
	[tilespmem:s3+$0x50] =	vst v14  }
.Ltmp7:
0x13d: {  	v24 =	vperm.xlane v27, v1;
	v25 =	vsub.f32 v20, v25;
	v15 =	vld [tilespmem:s20+$0x10];
	[tilespmem:s3+$0x60] =	vst v17;
	(erf) = vpow2.f32 v32;
	(pc) =	sbr.rel @p2 .LBB2_8-.Ltmp7, $4  }
0x13e: {  	v22 =	vmul.f32 v16, v22;
	v20 =	vmul.f32 $2.000000030e-01, v30;
	v17 =	vsel vm1, v23, v33;
	v14 =	vld [tilespmem:s20+$0xFFFFFFE0];
	[tilespmem:s3+$0x70] =	vst v21  }
0x13f: {  	v26 =	vmul.f32 v34, v29;
	vm0 =	vge.f32 v30, $0.0e+00;
	v23 =	vsub.f32 v17, v24;
	v17 =	vld [tilespmem:s20+$0x20];
	[tilespmem:s3+$0x0] =	vst v13  }
0x140: {  	v21 =	vperm.xlane v7, v1;
	v24 =	vmul.f32 $1.442695020e+00, v25;
	v13 =	vsel vm0, v30, v20;
	v20 =	vld [tilespmem:s20+$0xFFFFFFF0];
	[tilespmem:s3+$0xFFFFFFC0] =	vst v22  }
0x141: {  	s24 =	sadd.s32 $0x40, s24;
	s7 =	sadd.s32 $0x40, s7;
	v25 =	vmul.f32 v16, v28;
	v22 =	vsub.f32 v13, v31;
	v23 =	vmul.f32 $1.442695020e+00, v23;
	v13 =	vld [tilespmem:s20+$0x0];
	[tilespmem:s3+$0x10] =	vst v26  }
0x142: {  	(erf) = vpow2.f32 v24;
	_ =	sdelay $0x1  }
0x143: {  	(erf) = vpow2.f32 v23  }
0x144: {  	v9 =	vadd.f32 v9, v21  }
0x145: {  	v10 =	vmul.f32 v10, v16;
	v38 =	vunpack.i.l.bf16.f32 v19;
	v4 =	vmul.f32 v16, v4  }
0x146: {  	v18 =	vunpack.i.l.bf16.f32 v18;
	v37 =	vmul.f32 $1.442695020e+00, v22;
	[tilespmem:s0+$0xFFFFFFD0] =	vst v25;
	v40 =	vmul.f32 $2.000000030e-01, v9;
	v39 =	vpop (erf)  }
0x147: {  	v41 =	vunpack.i.u.bf16.f32 v19;
	[tilespmem:s0+$0xFFFFFFE0] =	vst v10;
	vm0 =	vge.f32 v9, $0.0e+00;
	v42 =	vmul.f32 v18, v39  }
0x148: {  	[tilespmem:s0+$0xFFFFFFF0] =	vst v4;
	(erf) = vpow2.f32 v37;
	v9 =	vsel vm0, v9, v40;
	v43 =	vmul.f32 v39, v38  }
0x149: {  	v44 =	vmul.f32 v39, v41;
	v9 =	vsub.f32 v9, v11;
	[tilespmem:s0+$0xFFFFFFA0] =	vst v42  }
0x14a: {  	v48 =	vunpack.i.l.bf16.f32 v17;
	v3 =	vmul.f32 v39, v3;
	[tilespmem:s0+$0xFFFFFF80] =	vst v43;
	v45 =	vpop (erf)  }
0x14b: {  	v46 =	vunpack.i.l.bf16.f32 v15;
	[tilespmem:s0+$0xFFFFFF90] =	vst v44;
	v9 =	vmul.f32 $1.442695020e+00, v9;
	v15 =	vmul.f32 v45, v48  }
0x14c: {  	s3 =	sadd.s32 $0x100, s3;
	[tilespmem:s0+$0xFFFFFFB0] =	vst v3;
	v47 =	vpop (erf);
	v5 =	vmul.f32 v45, v5  }
0x14d: {  	(erf) = vpow2.f32 v9;
	v11 =	vmul.f32 v46, v47;
	[tilespmem:s3+$0x40] =	vst v15  }
0x14e: {  	v49 =	vunpack.i.u.bf16.f32 v17;
	v3 =	vmul.f32 v47, v8;
	[tilespmem:s3+$0x70] =	vst v5  }
0x14f: {  	v51 =	vunpack.i.l.bf16.f32 v13;
	v8 =	vmul.f32 v45, v49;
	[tilespmem:s3+$0x20] =	vst v11  }
0x150: {  	v50 =	vunpack.i.l.bf16.f32 v12;
	v9 =	vmul.f32 v47, v51;
	[tilespmem:s3+$0x30] =	vst v3  }
0x151: {  	v55 =	vld [tilespmem:s20+$0xFFFFFFC0];
	v52 =	vunpack.i.l.bf16.f32 v14;
	v3 =	vmul.f32 v50, v45;
	[tilespmem:s3+$0x50] =	vst v8;
	v53 =	vpop (erf)  }
0x152: {  	v54 =	vld [tilespmem:s20+$0xFFFFFFD0];
	v56 =	vunpack.i.u.bf16.f32 v14;
	[tilespmem:s3+$0x0] =	vst v9;
	v8 =	vmul.f32 v53, v52  }
0x153: {  	v5 =	vmul.f32 v53, v56;
	[tilespmem:s3+$0x60] =	vst v3;
	v3 =	vunpack.i.u.bf16.f32 v13  }
0x154: {  	v3 =	vmul.f32 v47, v3;
	[tilespmem:s3+$0xFFFFFFC0] =	vst v8  }
0x155: {  	v57 =	vunpack.i.l.bf16.f32 v20;
	v59 =	vmul.f32 v53, v6;
	[tilespmem:s3+$0xFFFFFFD0] =	vst v5  }
0x156: {  	v61 =	vunpack.i.l.bf16.f32 v55;
	[tilespmem:s3+$0x10] =	vst v3;
	v3 =	vmul.f32 v57, v53;
	v60 =	vpop (erf)  }
0x157: {  	v58 =	vunpack.i.l.bf16.f32 v54;
	[tilespmem:s3+$0xFFFFFFF0] =	vst v59;
	v63 =	vmul.f32 v60, v61  }
0x158: {  	v62 =	vunpack.i.u.bf16.f32 v55;
	[tilespmem:s3+$0xFFFFFFE0] =	vst v3;
	v3 =	vmul.f32 v58, v60  }
0x159: {  	s20 =	smul.u32 $0x140, s11;
	v4 =	vmul.f32 v60, v62;
	[tilespmem:s3+$0xFFFFFF80] =	vst v63  }
0x15a: {  	[tilespmem:s3+$0xFFFFFFA0] =	vst v3;
	v3 =	vmul.f32 v60, v7  }
0x15b: {  	s0 =	sshra.s32 s20, $0x2;
	[tilespmem:s3+$0xFFFFFF90] =	vst v4  }
0x15c: {  	s24 =	simm.s32 $0xB220;
	s0 =	sadd.s32 $0x2710, s0;
	[tilespmem:s3+$0xFFFFFFB0] =	vst v3  }
0x15d: {  	[spmem:s2] =	stream.indirect.scatter.add.f32 [tilespmem:s24], [sflag:$0xE], $0x40, s0, s23, $0xb8;
	[tilespmem:$0x1A9A0] =	vst v63  }
.LBB2_10:
0x15e: {  	s11 =	sor.u32 $0x2, s10  }
0x15f: {  	p3 =	sgt.u32 s11, $0x7C  }
.Ltmp8:
0x160: {  	_ = 	snop;
	(pc) =	sbr.rel @p3 .LBB2_14-.Ltmp8, $3  }
0x161: {  	_ =	sdelay $0x1  }
0x162: {  	p2 =	sgt.u32 s8, $0x1D  }
0x163: {  	s10 =	smul.u32 @!p2 $0x140, s8  }
0x164: {  	_ = 	snop  }
0x165: {  	s3 =	simm.s32 @!p2 $0x50;
	s7 =	simm.s32 @!p2 $0x5820;
	s0 =	sadd.s32 @!p2 $0x190, s10  }
0x166: {  	[tilespmem:s7], [sflag:$0x2] =	stream.indirect.gather @!p2 [hbm4b:s4+s3], $0x20, s0, s3, $0xb8;
	[tilespmem:$0x1A9A0] =	vst v63  }
0x167: {  	s7 =	simm.s32 @!p2 $0x7B20  }
0x168: {  	[tilespmem:s7], [sflag:$0x6] =	stream.indirect.gather @!p2 [hbm4b:s5+s3], $0x10, s0, s3, $0xb8;
	[tilespmem:$0x1A9A0] =	vst v63  }
0x169: {  	s0 =	sadd.s32 @!p2 $0x28A0, s10;
	s7 =	simm.s32 @!p2 $0x8F20  }
0x16a: {  	[tilespmem:s7], [sflag:$0xA] =	stream.indirect.gather @!p2 [hbm4b:s6+s3], $0x10, s0, s3, $0xb8;
	[tilespmem:$0x1A9A0] =	vst v63  }
0x16b: {  	_ =	swait.ge [sflag:s13], $0xA00  }
0x16c: {  	[sflag:s13] =	ssyncset.done $0x0  }
0x16d: {  	[sflag:s13] =	ssyncadd.s32 $0xFFFFF600  }
0x16e: {  	_ =	swait.ge [sflag:s14], $0x500  }
0x16f: {  	[sflag:s14] =	ssyncset.done $0x0  }
0x170: {  	[sflag:s14] =	ssyncadd.s32 $0xFFFFFB00  }
0x171: {  	_ =	swait.ge [sflag:s15], $0x500  }
0x172: {  	[sflag:s15] =	ssyncset.done $0x0  }
0x173: {  	s0 =	simm.s32 @!p0 $0xF;
	[sflag:s15] =	ssyncadd.s32 $0xFFFFFB00  }
0x174: {  	_ =	swait.ge @!p0 [sflag:s0], $0x1400  }
0x175: {  	[sflag:s0] =	ssyncset.done @!p0 $0x0  }
0x176: {  	s24 =	simm.s32 $0x8040;
	[sflag:s0] =	ssyncadd.s32 @!p0 $0xFFFFEC00  }
0x177: {  	s7 =	simm.s32 $0x9440;
	v12 =	vld [tilespmem:s24+$0x10]  }
0x178: {  	v3 =	vld [tilespmem:s7+$0x10]  }
0x179: {  	v5 =	vld [tilespmem:s7+$0x0]  }
0x17a: {  	v7 =	vld [tilespmem:s24+$0x0];
	_ =	sdelay $0x1  }
0x17b: {  	v4 =	vld [tilespmem:s24+$0xFFFFFFF0]  }
0x17c: {  	v6 =	vld [tilespmem:s7+$0xFFFFFFF0];
	v8 =	vperm.xlane v3, v2;
	v9 =	vperm.xlane v12, v1  }
0x17d: {  	s20 =	simm.s32 $0x9480  }
0x17e: {  	v18 =	vld [tilespmem:s20+$0x10];
	v10 =	vperm.xlane v5, v2;
	v11 =	vperm.xlane v7, v1;
	v8 =	vadd.f32 v8, v9  }
0x17f: {  	v20 =	vld [tilespmem:s20+$0x0]  }
0x180: {  	v15 =	vperm.xlane v4, v1;
	v10 =	vadd.f32 v10, v11;
	v13 =	vmul.f32 $2.000000030e-01, v8  }
0x181: {  	v9 =	vperm.xlane v3, v1;
	v11 =	vperm.xlane v6, v2;
	vm0 =	vge.f32 v8, $0.0e+00  }
0x182: {  	v14 =	vld [tilespmem:s7+$0xFFFFFFE0];
	v5 =	vperm.xlane v5, v1;
	v16 =	vmul.f32 $2.000000030e-01, v10;
	v8 =	vsel vm0, v8, v13  }
0x183: {  	v3 =	vld [tilespmem:s24+$0xFFFFFFE0];
	vm1 =	vge.f32 v10, $0.0e+00;
	v11 =	vadd.f32 v11, v15;
	v8 =	vsub.f32 v8, v9  }
0x184: {  	s16 =	simm.s32 $0x6260;
	v24 =	vld [tilespmem:s20+$0xFFFFFFF0];
	v26 =	vperm.xlane v18, v2;
	v28 =	vperm.xlane v20, v2;
	v9 =	vsel vm1, v10, v16  }
0x185: {  	v15 =	vld [tilespmem:s16+$0xFFFFFFE0];
	v5 =	vsub.f32 v9, v5;
	v9 =	vmul.f32 $2.000000030e-01, v11;
	v8 =	vmul.f32 $1.442695020e+00, v8  }
0x186: {  	v17 =	vld [tilespmem:s20+$0xFFFFFFE0];
	v30 =	vperm.xlane v18, v1;
	v6 =	vperm.xlane v6, v1;
	vm11 =	vge.f32 v11, $0.0e+00  }
0x187: {  	v13 =	vld [tilespmem:s16+$0x10];
	v5 =	vmul.f32 $1.442695020e+00, v5;
	v9 =	vsel vm11, v11, v9;
	(erf) = vpow2.f32 v8  }
0x188: {  	v16 =	vld [tilespmem:s16+$0x20];
	v19 =	vperm.xlane v3, v1;
	v6 =	vsub.f32 v9, v6;
	v9 =	vperm.xlane v14, v2  }
0x189: {  	v60 =	vperm.xlane v24, v1;
	s24 =	simm.s32 $0x8080;
	v11 =	vld [tilespmem:s16+$0x0];
	(erf) = vpow2.f32 v5  }
0x18a: {  	v25 =	vunpack.i.u.bf16.f32 v15;
	v21 =	vunpack.i.l.bf16.f32 v15;
	v5 =	vld [tilespmem:s24+$0x10];
	v15 =	vadd.f32 v9, v19  }
0x18b: {  	v20 =	vperm.xlane v20, v1;
	v14 =	vperm.xlane v14, v1;
	v8 =	vld [tilespmem:s24+$0x0]  }
0x18c: {  	v6 =	vmul.f32 $1.442695020e+00, v6;
	v27 =	vmul.f32 $2.000000030e-01, v15  }
0x18d: {  	v13 =	vunpack.i.l.bf16.f32 v13;
	v23 =	vunpack.i.u.bf16.f32 v16;
	v16 =	vunpack.i.l.bf16.f32 v16;
	v19 =	vld [tilespmem:s16+$0x30]  }
0x18e: {  	v9 =	vperm.xlane v17, v2;
	(erf) = vpow2.f32 v6;
	v22 =	vunpack.i.u.bf16.f32 v11  }
0x18f: {  	v10 =	vld [tilespmem:s16+$0xFFFFFFF0];
	vm12 =	vge.f32 v15, $0.0e+00;
	v32 =	vunpack.i.l.bf16.f32 v11;
	v18 =	vperm.xlane v5, v1  }
0x190: {  	v6 =	vld [tilespmem:s24+$0xFFFFFFF0];
	v11 =	vperm.xlane v17, v1;
	v29 =	vperm.xlane v8, v1;
	v15 =	vsel vm12, v15, v27;
	v27 =	vpop (erf)  }
0x191: {  	v14 =	vsub.f32 v15, v14;
	v17 =	vadd.f32 v26, v18;
	v15 =	vmul.f32 v27, v16  }
0x192: {  	v31 =	vpop (erf);
	v16 =	vunpack.i.l.bf16.f32 v19;
	v23 =	vmul.f32 v27, v23;
	v19 =	vperm.xlane v24, v2  }
0x193: {  	s3 =	simm.s32 $0xC6A0;
	v61 =	vmul.f32 $2.000000030e-01, v17;
	v13 =	vmul.f32 v13, v31  }
0x194: {  	v10 =	vunpack.i.l.bf16.f32 v10;
	v18 =	vld [tilespmem:s16+$0xFFFFFFD0];
	v33 =	vmul.f32 v31, v7;
	v26 =	vmul.f32 v31, v32;
	[tilespmem:s3+$0x40] =	vst v15  }
0x195: {  	s20 =	simm.s32 $0x62E0;
	v24 =	vadd.f32 v28, v29;
	v7 =	vld [tilespmem:s24+$0xFFFFFFE0];
	v62 =	vmul.f32 v16, v27;
	[tilespmem:s3+$0x20] =	vst v13;
	v13 =	vperm.xlane v6, v1  }
0x196: {  	vm13 =	vge.f32 v17, $0.0e+00;
	v27 =	vmul.f32 v27, v12;
	v12 =	vld [tilespmem:s20+$0x30];
	[tilespmem:s3+$0x50] =	vst v23;
	v23 =	vmul.f32 $1.442695020e+00, v14  }
0x197: {  	v63 =	vmul.f32 $2.000000030e-01, v24;
	v17 =	vsel vm13, v17, v61;
	v15 =	vld [tilespmem:s20+$0x10];
	[tilespmem:s3+$0x30] =	vst v33;
	v13 =	vadd.f32 v19, v13  }
0x198: {  	vm14 =	vge.f32 v24, $0.0e+00;
	v14 =	vld [tilespmem:s20+$0xFFFFFFE0];
	v16 =	vpop (erf);
	v28 =	vsub.f32 v17, v30;
	[tilespmem:s3+$0x60] =	vst v62;
	(erf) = vpow2.f32 v23  }
0x199: {  	[tilespmem:s3+$0x0] =	vst v26;
	v26 =	vmul.f32 v31, v22;
	v17 =	vsel vm14, v24, v63;
	v19 =	vld [tilespmem:s16+$0xFFFFFFC0];
	v24 =	vmul.f32 $2.000000030e-01, v13  }
0x19a: {  	[tilespmem:s3+$0x70] =	vst v27;
	v21 =	vmul.f32 v16, v21;
	v27 =	vsub.f32 v17, v20;
	v17 =	vld [tilespmem:s20+$0x20];
	vm15 =	vge.f32 v13, $0.0e+00  }
0x19b: {  	s0 =	simm.s32 $0xC6A0;
	v25 =	vmul.f32 v16, v25;
	v20 =	vld [tilespmem:s20+$0xFFFFFFF0];
	[tilespmem:s3+$0x10] =	vst v26;
	v13 =	vsel vm15, v13, v24;
	v24 =	vmul.f32 $1.442695020e+00, v28  }
0x19c: {  	s7 =	simm.s32 $0x94C0;
	s24 =	simm.s32 $0x80C0;
	s16 =	simm.s32 $0x4;
	[tilespmem:s3+$0xFFFFFFC0] =	vst v21;
	v21 =	vperm.xlane v7, v1;
	v23 =	vmul.f32 $1.442695020e+00, v27;
	v22 =	vsub.f32 v13, v60;
	v13 =	vld [tilespmem:s20+$0x0]  }
.LBB2_12:
0x19d: {  	v26 =	vld [tilespmem:s7+$0xFFFFFFE0];
	s16 =	sadd.s32 $0x4, s16;
	(erf) = vpow2.f32 v24;
	v10 =	vmul.f32 v10, v16;
	s3 =	sadd.s32 $0x100, s3  }
0x19e: {  	v24 =	vld [tilespmem:s24+$0x10];
	p3 =	slt.u32 s16, $0x4C;
	v22 =	vmul.f32 $1.442695020e+00, v22;
	(erf) = vpow2.f32 v23;
	v23 =	vunpack.i.l.bf16.f32 v19;
	[tilespmem:s0+$0xFFFFFFD0] =	vst v25  }
0x19f: {  	v18 =	vunpack.i.l.bf16.f32 v18;
	v30 =	vmul.f32 v16, v4;
	v4 =	vmovc v6;
	v19 =	vunpack.i.u.bf16.f32 v19;
	v25 =	vld [tilespmem:s7+$0x10];
	[tilespmem:s0+$0xFFFFFFE0] =	vst v10  }
0x1a0: {  	v28 =	vunpack.i.u.bf16.f32 v14;
	v27 =	vld [tilespmem:s7+$0x0];
	v10 =	vunpack.i.l.bf16.f32 v20;
	(erf) = vpow2.f32 v22  }
0x1a1: {  	v22 =	vunpack.i.l.bf16.f32 v14;
	v14 =	vunpack.i.u.bf16.f32 v17;
	v20 =	vld [tilespmem:s24+$0x0];
	v29 =	vunpack.i.u.bf16.f32 v13;
	[tilespmem:s0+$0xFFFFFFF0] =	vst v30;
	v16 =	vpop (erf)  }
0x1a2: {  	v21 =	vadd.f32 v9, v21;
	v30 =	vld [tilespmem:s24+$0xFFFFFFE0];
	v9 =	vperm.xlane v26, v2;
	v18 =	vmul.f32 v18, v16  }
0x1a3: {  	v15 =	vunpack.i.l.bf16.f32 v15;
	v23 =	vmul.f32 v16, v23;
	v19 =	vmul.f32 v16, v19;
	v6 =	vld [tilespmem:s24+$0xFFFFFFF0]  }
0x1a4: {  	vm0 =	vge.f32 v21, $0.0e+00;
	v33 =	vmul.f32 $2.000000030e-01, v21;
	v31 =	vld [tilespmem:s7+$0xFFFFFFF0];
	v32 =	vperm.xlane v25, v2;
	[tilespmem:s0+$0xFFFFFFA0] =	vst v18  }
0x1a5: {  	v17 =	vunpack.i.l.bf16.f32 v17;
	v16 =	vmul.f32 v16, v3;
	v3 =	vmovc v7;
	v18 =	vperm.xlane v27, v2;
	[tilespmem:s0+$0xFFFFFF80] =	vst v23  }
0x1a6: {  	v35 =	vsel vm0, v21, v33;
	v25 =	vperm.xlane v25, v1;
	v23 =	vperm.xlane v20, v1;
	v21 =	vpop (erf);
	[tilespmem:s0+$0xFFFFFF90] =	vst v19  }
0x1a7: {  	v33 =	vsub.f32 v35, v11;
	v19 =	vperm.xlane v24, v1;
	v17 =	vmul.f32 v21, v17;
	v34 =	vpop (erf);
	[tilespmem:s0+$0xFFFFFFB0] =	vst v16;
	s0 =	smov.u32 s3  }
0x1a8: {  	v12 =	vunpack.i.l.bf16.f32 v12;
	v14 =	vmul.f32 v21, v14;
	v7 =	vmovc v30;
	v15 =	vmul.f32 v15, v34  }
0x1a9: {  	v13 =	vunpack.i.l.bf16.f32 v13;
	v35 =	vmul.f32 v34, v8;
	v30 =	vperm.xlane v31, v2;
	v16 =	vpop (erf)  }
0x1aa: {  	v11 =	vperm.xlane v26, v1;
	v26 =	vadd.f32 v32, v19;
	v13 =	vmul.f32 v34, v13;
	[tilespmem:s3+$0x20] =	vst v15  }
0x1ab: {  	v23 =	vadd.f32 v18, v23;
	v8 =	vmovc v20;
	v31 =	vperm.xlane v31, v1;
	v15 =	vperm.xlane v6, v1  }
0x1ac: {  	v32 =	vmul.f32 $1.442695020e+00, v33;
	vm0 =	vge.f32 v26, $0.0e+00;
	v20 =	vmul.f32 $2.000000030e-01, v26;
	v18 =	vld [tilespmem:s20+$0xFFFFFFD0];
	[tilespmem:s3+$0x30] =	vst v35  }
0x1ad: {  	v30 =	vadd.f32 v30, v15;
	v19 =	vld [tilespmem:s20+$0xFFFFFFC0];
	[tilespmem:s3+$0x40] =	vst v17;
	v17 =	vmul.f32 v12, v21;
	v21 =	vmul.f32 v21, v5;
	s20 =	sadd.s32 $0x80, s20  }
0x1ae: {  	vm1 =	vge.f32 v23, $0.0e+00;
	v33 =	vmul.f32 $2.000000030e-01, v23;
	v20 =	vsel vm0, v26, v20;
	v5 =	vmovc v24;
	v12 =	vld [tilespmem:s20+$0x30];
	[tilespmem:s3+$0x50] =	vst v14  }
.Ltmp9:
0x1af: {  	v24 =	vperm.xlane v27, v1;
	v25 =	vsub.f32 v20, v25;
	v15 =	vld [tilespmem:s20+$0x10];
	[tilespmem:s3+$0x60] =	vst v17;
	(erf) = vpow2.f32 v32;
	(pc) =	sbr.rel @p3 .LBB2_12-.Ltmp9, $4  }
0x1b0: {  	v22 =	vmul.f32 v16, v22;
	v20 =	vmul.f32 $2.000000030e-01, v30;
	v17 =	vsel vm1, v23, v33;
	v14 =	vld [tilespmem:s20+$0xFFFFFFE0];
	[tilespmem:s3+$0x70] =	vst v21  }
0x1b1: {  	v26 =	vmul.f32 v34, v29;
	vm0 =	vge.f32 v30, $0.0e+00;
	v23 =	vsub.f32 v17, v24;
	v17 =	vld [tilespmem:s20+$0x20];
	[tilespmem:s3+$0x0] =	vst v13  }
0x1b2: {  	v21 =	vperm.xlane v7, v1;
	v24 =	vmul.f32 $1.442695020e+00, v25;
	v13 =	vsel vm0, v30, v20;
	v20 =	vld [tilespmem:s20+$0xFFFFFFF0];
	[tilespmem:s3+$0xFFFFFFC0] =	vst v22  }
0x1b3: {  	s24 =	sadd.s32 $0x40, s24;
	s7 =	sadd.s32 $0x40, s7;
	v25 =	vmul.f32 v16, v28;
	v22 =	vsub.f32 v13, v31;
	v23 =	vmul.f32 $1.442695020e+00, v23;
	v13 =	vld [tilespmem:s20+$0x0];
	[tilespmem:s3+$0x10] =	vst v26  }
0x1b4: {  	(erf) = vpow2.f32 v24;
	_ =	sdelay $0x1  }
0x1b5: {  	(erf) = vpow2.f32 v23  }
0x1b6: {  	v9 =	vadd.f32 v9, v21  }
0x1b7: {  	v10 =	vmul.f32 v10, v16;
	v38 =	vunpack.i.l.bf16.f32 v19;
	v4 =	vmul.f32 v16, v4  }
0x1b8: {  	v18 =	vunpack.i.l.bf16.f32 v18;
	v37 =	vmul.f32 $1.442695020e+00, v22;
	[tilespmem:s0+$0xFFFFFFD0] =	vst v25;
	v40 =	vmul.f32 $2.000000030e-01, v9;
	v39 =	vpop (erf)  }
0x1b9: {  	v41 =	vunpack.i.u.bf16.f32 v19;
	[tilespmem:s0+$0xFFFFFFE0] =	vst v10;
	vm0 =	vge.f32 v9, $0.0e+00;
	v42 =	vmul.f32 v18, v39  }
0x1ba: {  	[tilespmem:s0+$0xFFFFFFF0] =	vst v4;
	(erf) = vpow2.f32 v37;
	v9 =	vsel vm0, v9, v40;
	v43 =	vmul.f32 v39, v38  }
0x1bb: {  	v44 =	vmul.f32 v39, v41;
	v9 =	vsub.f32 v9, v11;
	[tilespmem:s0+$0xFFFFFFA0] =	vst v42  }
0x1bc: {  	v48 =	vunpack.i.l.bf16.f32 v17;
	v3 =	vmul.f32 v39, v3;
	[tilespmem:s0+$0xFFFFFF80] =	vst v43;
	v45 =	vpop (erf)  }
0x1bd: {  	v46 =	vunpack.i.l.bf16.f32 v15;
	[tilespmem:s0+$0xFFFFFF90] =	vst v44;
	v9 =	vmul.f32 $1.442695020e+00, v9;
	v15 =	vmul.f32 v45, v48  }
0x1be: {  	s3 =	sadd.s32 $0x100, s3;
	[tilespmem:s0+$0xFFFFFFB0] =	vst v3;
	v47 =	vpop (erf);
	v5 =	vmul.f32 v45, v5  }
0x1bf: {  	(erf) = vpow2.f32 v9;
	v11 =	vmul.f32 v46, v47;
	[tilespmem:s3+$0x40] =	vst v15  }
0x1c0: {  	v49 =	vunpack.i.u.bf16.f32 v17;
	v3 =	vmul.f32 v47, v8;
	[tilespmem:s3+$0x70] =	vst v5  }
0x1c1: {  	v51 =	vunpack.i.l.bf16.f32 v13;
	v8 =	vmul.f32 v45, v49;
	[tilespmem:s3+$0x20] =	vst v11  }
0x1c2: {  	v50 =	vunpack.i.l.bf16.f32 v12;
	v9 =	vmul.f32 v47, v51;
	[tilespmem:s3+$0x30] =	vst v3  }
0x1c3: {  	v55 =	vld [tilespmem:s20+$0xFFFFFFC0];
	v52 =	vunpack.i.l.bf16.f32 v14;
	v3 =	vmul.f32 v50, v45;
	[tilespmem:s3+$0x50] =	vst v8;
	v53 =	vpop (erf)  }
0x1c4: {  	v54 =	vld [tilespmem:s20+$0xFFFFFFD0];
	v56 =	vunpack.i.u.bf16.f32 v14;
	[tilespmem:s3+$0x0] =	vst v9;
	v8 =	vmul.f32 v53, v52  }
0x1c5: {  	v5 =	vmul.f32 v53, v56;
	[tilespmem:s3+$0x60] =	vst v3;
	v3 =	vunpack.i.u.bf16.f32 v13  }
0x1c6: {  	v3 =	vmul.f32 v47, v3;
	[tilespmem:s3+$0xFFFFFFC0] =	vst v8  }
0x1c7: {  	v57 =	vunpack.i.l.bf16.f32 v20;
	v59 =	vmul.f32 v53, v6;
	[tilespmem:s3+$0xFFFFFFD0] =	vst v5  }
0x1c8: {  	v61 =	vunpack.i.l.bf16.f32 v55;
	[tilespmem:s3+$0x10] =	vst v3;
	v3 =	vmul.f32 v57, v53;
	v60 =	vpop (erf)  }
0x1c9: {  	v58 =	vunpack.i.l.bf16.f32 v54;
	[tilespmem:s3+$0xFFFFFFF0] =	vst v59;
	v63 =	vmul.f32 v60, v61  }
0x1ca: {  	v62 =	vunpack.i.u.bf16.f32 v55;
	[tilespmem:s3+$0xFFFFFFE0] =	vst v3;
	v3 =	vmul.f32 v58, v60  }
0x1cb: {  	s20 =	smul.u32 $0x140, s11;
	v4 =	vmul.f32 v60, v62;
	[tilespmem:s3+$0xFFFFFF80] =	vst v63  }
0x1cc: {  	[tilespmem:s3+$0xFFFFFFA0] =	vst v3;
	v3 =	vmul.f32 v60, v7  }
0x1cd: {  	s0 =	sshra.s32 s20, $0x2;
	[tilespmem:s3+$0xFFFFFF90] =	vst v4  }
0x1ce: {  	s24 =	simm.s32 $0xC620;
	s0 =	sadd.s32 $0x2710, s0;
	[tilespmem:s3+$0xFFFFFFB0] =	vst v3  }
0x1cf: {  	[spmem:s2] =	stream.indirect.scatter.add.f32 [tilespmem:s24], [sflag:$0xF], $0x40, s0, s23, $0xb8;
	[tilespmem:$0x1A9A0] =	vst v63  }
.LBB2_14:
.Ltmp10:
0x1d0: {  	(pc) =	sbr.rel @p1 .LBB2_18-.Ltmp10, $1  }
0x1d1: {  	_ =	sdelay $0x3  }
0x1d2: {  	s0 =	sadd.s32 @!p2 $0x1E0, s10;
	s3 =	simm.s32 @!p2 $0x50;
	s7 =	simm.s32 @!p2 $0x6220  }
0x1d3: {  	[tilespmem:s7], [sflag:$0x3] =	stream.indirect.gather @!p2 [hbm4b:s4+s3], $0x20, s0, s3, $0xb8;
	[tilespmem:$0x1A9A0] =	vst v63  }
0x1d4: {  	s7 =	simm.s32 @!p2 $0x8020  }
0x1d5: {  	[tilespmem:s7], [sflag:$0x7] =	stream.indirect.gather @!p2 [hbm4b:s5+s3], $0x10, s0, s3, $0xb8;
	[tilespmem:$0x1A9A0] =	vst v63  }
0x1d6: {  	s0 =	sadd.s32 @!p2 $0x28F0, s10;
	s7 =	simm.s32 @!p2 $0x9420  }
0x1d7: {  	[tilespmem:s7], [sflag:$0xB] =	stream.indirect.gather @!p2 [hbm4b:s6+s3], $0x10, s0, s3, $0xb8;
	[tilespmem:$0x1A9A0] =	vst v63  }
0x1d8: {  	_ =	swait.ge [sflag:s17], $0xA00  }
0x1d9: {  	[sflag:s17] =	ssyncset.done $0x0  }
0x1da: {  	[sflag:s17] =	ssyncadd.s32 $0xFFFFF600  }
0x1db: {  	_ =	swait.ge [sflag:s18], $0x500  }
0x1dc: {  	[sflag:s18] =	ssyncset.done $0x0  }
0x1dd: {  	[sflag:s18] =	ssyncadd.s32 $0xFFFFFB00  }
0x1de: {  	_ =	swait.ge [sflag:s19], $0x500  }
0x1df: {  	[sflag:s19] =	ssyncset.done $0x0  }
0x1e0: {  	s0 =	simm.s32 @!p0 $0x10;
	[sflag:s19] =	ssyncadd.s32 $0xFFFFFB00  }
0x1e1: {  	_ =	swait.ge @!p0 [sflag:s0], $0x1400  }
0x1e2: {  	[sflag:s0] =	ssyncset.done @!p0 $0x0  }
0x1e3: {  	s10 =	simm.s32 $0x8540;
	[sflag:s0] =	ssyncadd.s32 @!p0 $0xFFFFEC00  }
0x1e4: {  	s11 =	simm.s32 $0x9940;
	v12 =	vld [tilespmem:s10+$0x10]  }
0x1e5: {  	v3 =	vld [tilespmem:s11+$0x10]  }
0x1e6: {  	v5 =	vld [tilespmem:s11+$0x0]  }
0x1e7: {  	v7 =	vld [tilespmem:s10+$0x0];
	_ =	sdelay $0x1  }
0x1e8: {  	v4 =	vld [tilespmem:s10+$0xFFFFFFF0]  }
0x1e9: {  	v6 =	vld [tilespmem:s11+$0xFFFFFFF0];
	v8 =	vperm.xlane v3, v2;
	v9 =	vperm.xlane v12, v1  }
0x1ea: {  	s20 =	simm.s32 $0x9980  }
0x1eb: {  	v18 =	vld [tilespmem:s20+$0x10];
	v10 =	vperm.xlane v5, v2;
	v11 =	vperm.xlane v7, v1;
	v8 =	vadd.f32 v8, v9  }
0x1ec: {  	v20 =	vld [tilespmem:s20+$0x0]  }
0x1ed: {  	v15 =	vperm.xlane v4, v1;
	v10 =	vadd.f32 v10, v11;
	v13 =	vmul.f32 $2.000000030e-01, v8  }
0x1ee: {  	v9 =	vperm.xlane v3, v1;
	v11 =	vperm.xlane v6, v2;
	vm0 =	vge.f32 v8, $0.0e+00  }
0x1ef: {  	v14 =	vld [tilespmem:s11+$0xFFFFFFE0];
	v5 =	vperm.xlane v5, v1;
	v16 =	vmul.f32 $2.000000030e-01, v10;
	v8 =	vsel vm0, v8, v13  }
0x1f0: {  	v3 =	vld [tilespmem:s10+$0xFFFFFFE0];
	vm1 =	vge.f32 v10, $0.0e+00;
	v11 =	vadd.f32 v11, v15;
	v8 =	vsub.f32 v8, v9  }
0x1f1: {  	s16 =	simm.s32 $0x6C60;
	v24 =	vld [tilespmem:s20+$0xFFFFFFF0];
	v26 =	vperm.xlane v18, v2;
	v28 =	vperm.xlane v20, v2;
	v9 =	vsel vm1, v10, v16  }
0x1f2: {  	v15 =	vld [tilespmem:s16+$0xFFFFFFE0];
	v5 =	vsub.f32 v9, v5;
	v9 =	vmul.f32 $2.000000030e-01, v11;
	v8 =	vmul.f32 $1.442695020e+00, v8  }
0x1f3: {  	v17 =	vld [tilespmem:s20+$0xFFFFFFE0];
	v30 =	vperm.xlane v18, v1;
	v6 =	vperm.xlane v6, v1;
	vm11 =	vge.f32 v11, $0.0e+00  }
0x1f4: {  	v13 =	vld [tilespmem:s16+$0x10];
	v5 =	vmul.f32 $1.442695020e+00, v5;
	v9 =	vsel vm11, v11, v9;
	(erf) = vpow2.f32 v8  }
0x1f5: {  	v16 =	vld [tilespmem:s16+$0x20];
	v19 =	vperm.xlane v3, v1;
	v6 =	vsub.f32 v9, v6;
	v9 =	vperm.xlane v14, v2  }
0x1f6: {  	s24 =	simm.s32 $0x8580;
	v60 =	vperm.xlane v24, v1;
	v11 =	vld [tilespmem:s16+$0x0];
	(erf) = vpow2.f32 v5  }
0x1f7: {  	v25 =	vunpack.i.u.bf16.f32 v15;
	v21 =	vunpack.i.l.bf16.f32 v15;
	v5 =	vld [tilespmem:s24+$0x10];
	v15 =	vadd.f32 v9, v19  }
0x1f8: {  	v20 =	vperm.xlane v20, v1;
	v14 =	vperm.xlane v14, v1;
	v8 =	vld [tilespmem:s24+$0x0]  }
0x1f9: {  	v6 =	vmul.f32 $1.442695020e+00, v6;
	v27 =	vmul.f32 $2.000000030e-01, v15  }
0x1fa: {  	v13 =	vunpack.i.l.bf16.f32 v13;
	v23 =	vunpack.i.u.bf16.f32 v16;
	v16 =	vunpack.i.l.bf16.f32 v16;
	v19 =	vld [tilespmem:s16+$0x30]  }
0x1fb: {  	v9 =	vperm.xlane v17, v2;
	(erf) = vpow2.f32 v6;
	v22 =	vunpack.i.u.bf16.f32 v11  }
0x1fc: {  	v10 =	vld [tilespmem:s16+$0xFFFFFFF0];
	vm12 =	vge.f32 v15, $0.0e+00;
	v32 =	vunpack.i.l.bf16.f32 v11;
	v18 =	vperm.xlane v5, v1  }
0x1fd: {  	v6 =	vld [tilespmem:s24+$0xFFFFFFF0];
	v11 =	vperm.xlane v17, v1;
	v29 =	vperm.xlane v8, v1;
	v15 =	vsel vm12, v15, v27;
	v27 =	vpop (erf)  }
0x1fe: {  	v14 =	vsub.f32 v15, v14;
	v17 =	vadd.f32 v26, v18;
	v15 =	vmul.f32 v27, v16  }
0x1ff: {  	v31 =	vpop (erf);
	v16 =	vunpack.i.l.bf16.f32 v19;
	v23 =	vmul.f32 v27, v23;
	v19 =	vperm.xlane v24, v2  }
0x200: {  	s3 =	simm.s32 $0xDAA0;
	v61 =	vmul.f32 $2.000000030e-01, v17;
	v13 =	vmul.f32 v13, v31  }
0x201: {  	v10 =	vunpack.i.l.bf16.f32 v10;
	v18 =	vld [tilespmem:s16+$0xFFFFFFD0];
	v33 =	vmul.f32 v31, v7;
	v26 =	vmul.f32 v31, v32;
	[tilespmem:s3+$0x40] =	vst v15  }
0x202: {  	s10 =	simm.s32 $0x6CE0;
	v24 =	vadd.f32 v28, v29;
	v7 =	vld [tilespmem:s24+$0xFFFFFFE0];
	v62 =	vmul.f32 v16, v27;
	[tilespmem:s3+$0x20] =	vst v13;
	v13 =	vperm.xlane v6, v1  }
0x203: {  	vm13 =	vge.f32 v17, $0.0e+00;
	v27 =	vmul.f32 v27, v12;
	v12 =	vld [tilespmem:s10+$0x30];
	[tilespmem:s3+$0x50] =	vst v23;
	v23 =	vmul.f32 $1.442695020e+00, v14  }
0x204: {  	v63 =	vmul.f32 $2.000000030e-01, v24;
	v17 =	vsel vm13, v17, v61;
	v15 =	vld [tilespmem:s10+$0x10];
	[tilespmem:s3+$0x30] =	vst v33;
	v13 =	vadd.f32 v19, v13  }
0x205: {  	vm14 =	vge.f32 v24, $0.0e+00;
	v14 =	vld [tilespmem:s10+$0xFFFFFFE0];
	v16 =	vpop (erf);
	v28 =	vsub.f32 v17, v30;
	[tilespmem:s3+$0x60] =	vst v62;
	(erf) = vpow2.f32 v23  }
0x206: {  	[tilespmem:s3+$0x0] =	vst v26;
	v26 =	vmul.f32 v31, v22;
	v17 =	vsel vm14, v24, v63;
	v19 =	vld [tilespmem:s16+$0xFFFFFFC0];
	v24 =	vmul.f32 $2.000000030e-01, v13  }
0x207: {  	[tilespmem:s3+$0x70] =	vst v27;
	v21 =	vmul.f32 v16, v21;
	v27 =	vsub.f32 v17, v20;
	v17 =	vld [tilespmem:s10+$0x20];
	vm15 =	vge.f32 v13, $0.0e+00  }
0x208: {  	s7 =	simm.s32 $0x99C0;
	v25 =	vmul.f32 v16, v25;
	v20 =	vld [tilespmem:s10+$0xFFFFFFF0];
	[tilespmem:s3+$0x10] =	vst v26;
	v13 =	vsel vm15, v13, v24;
	v24 =	vmul.f32 $1.442695020e+00, v28  }
0x209: {  	s0 =	simm.s32 $0xDAA0;
	s11 =	simm.s32 $0x4;
	s16 =	simm.s32 $0x85C0;
	[tilespmem:s3+$0xFFFFFFC0] =	vst v21;
	v21 =	vperm.xlane v7, v1;
	v23 =	vmul.f32 $1.442695020e+00, v27;
	v22 =	vsub.f32 v13, v60;
	v13 =	vld [tilespmem:s10+$0x0]  }
.LBB2_16:
0x20a: {  	v26 =	vld [tilespmem:s7+$0xFFFFFFE0];
	s11 =	sadd.s32 $0x4, s11;
	(erf) = vpow2.f32 v24;
	v10 =	vmul.f32 v10, v16;
	s3 =	sadd.s32 $0x100, s3  }
0x20b: {  	v24 =	vld [tilespmem:s16+$0x10];
	p0 =	slt.u32 s11, $0x4C;
	v22 =	vmul.f32 $1.442695020e+00, v22;
	(erf) = vpow2.f32 v23;
	v23 =	vunpack.i.l.bf16.f32 v19;
	[tilespmem:s0+$0xFFFFFFD0] =	vst v25  }
0x20c: {  	v18 =	vunpack.i.l.bf16.f32 v18;
	v30 =	vmul.f32 v16, v4;
	v4 =	vmovc v6;
	v19 =	vunpack.i.u.bf16.f32 v19;
	v25 =	vld [tilespmem:s7+$0x10];
	[tilespmem:s0+$0xFFFFFFE0] =	vst v10  }
0x20d: {  	v28 =	vunpack.i.u.bf16.f32 v14;
	v27 =	vld [tilespmem:s7+$0x0];
	v10 =	vunpack.i.l.bf16.f32 v20;
	(erf) = vpow2.f32 v22  }
0x20e: {  	v22 =	vunpack.i.l.bf16.f32 v14;
	v14 =	vunpack.i.u.bf16.f32 v17;
	v20 =	vld [tilespmem:s16+$0x0];
	v29 =	vunpack.i.u.bf16.f32 v13;
	[tilespmem:s0+$0xFFFFFFF0] =	vst v30;
	v16 =	vpop (erf)  }
0x20f: {  	v21 =	vadd.f32 v9, v21;
	v30 =	vld [tilespmem:s16+$0xFFFFFFE0];
	v9 =	vperm.xlane v26, v2;
	v18 =	vmul.f32 v18, v16  }
0x210: {  	v15 =	vunpack.i.l.bf16.f32 v15;
	v23 =	vmul.f32 v16, v23;
	v19 =	vmul.f32 v16, v19;
	v6 =	vld [tilespmem:s16+$0xFFFFFFF0]  }
0x211: {  	vm0 =	vge.f32 v21, $0.0e+00;
	v33 =	vmul.f32 $2.000000030e-01, v21;
	v31 =	vld [tilespmem:s7+$0xFFFFFFF0];
	v32 =	vperm.xlane v25, v2;
	[tilespmem:s0+$0xFFFFFFA0] =	vst v18  }
0x212: {  	v17 =	vunpack.i.l.bf16.f32 v17;
	v16 =	vmul.f32 v16, v3;
	v3 =	vmovc v7;
	v18 =	vperm.xlane v27, v2;
	[tilespmem:s0+$0xFFFFFF80] =	vst v23  }
0x213: {  	v35 =	vsel vm0, v21, v33;
	v25 =	vperm.xlane v25, v1;
	v23 =	vperm.xlane v20, v1;
	v21 =	vpop (erf);
	[tilespmem:s0+$0xFFFFFF90] =	vst v19  }
0x214: {  	v33 =	vsub.f32 v35, v11;
	v19 =	vperm.xlane v24, v1;
	v17 =	vmul.f32 v21, v17;
	v34 =	vpop (erf);
	[tilespmem:s0+$0xFFFFFFB0] =	vst v16;
	s0 =	smov.u32 s3  }
0x215: {  	v12 =	vunpack.i.l.bf16.f32 v12;
	v14 =	vmul.f32 v21, v14;
	v7 =	vmovc v30;
	v15 =	vmul.f32 v15, v34  }
0x216: {  	v13 =	vunpack.i.l.bf16.f32 v13;
	v35 =	vmul.f32 v34, v8;
	v30 =	vperm.xlane v31, v2;
	v16 =	vpop (erf)  }
0x217: {  	v11 =	vperm.xlane v26, v1;
	v26 =	vadd.f32 v32, v19;
	v13 =	vmul.f32 v34, v13;
	[tilespmem:s3+$0x20] =	vst v15  }
0x218: {  	v23 =	vadd.f32 v18, v23;
	v8 =	vmovc v20;
	v31 =	vperm.xlane v31, v1;
	v15 =	vperm.xlane v6, v1  }
0x219: {  	v32 =	vmul.f32 $1.442695020e+00, v33;
	vm0 =	vge.f32 v26, $0.0e+00;
	v20 =	vmul.f32 $2.000000030e-01, v26;
	v18 =	vld [tilespmem:s10+$0xFFFFFFD0];
	[tilespmem:s3+$0x30] =	vst v35  }
0x21a: {  	v30 =	vadd.f32 v30, v15;
	v19 =	vld [tilespmem:s10+$0xFFFFFFC0];
	[tilespmem:s3+$0x40] =	vst v17;
	v17 =	vmul.f32 v12, v21;
	v21 =	vmul.f32 v21, v5;
	s10 =	sadd.s32 $0x80, s10  }
0x21b: {  	vm1 =	vge.f32 v23, $0.0e+00;
	v33 =	vmul.f32 $2.000000030e-01, v23;
	v20 =	vsel vm0, v26, v20;
	v5 =	vmovc v24;
	v12 =	vld [tilespmem:s10+$0x30];
	[tilespmem:s3+$0x50] =	vst v14  }
.Ltmp11:
0x21c: {  	v24 =	vperm.xlane v27, v1;
	v25 =	vsub.f32 v20, v25;
	v15 =	vld [tilespmem:s10+$0x10];
	[tilespmem:s3+$0x60] =	vst v17;
	(erf) = vpow2.f32 v32;
	(pc) =	sbr.rel @p0 .LBB2_16-.Ltmp11, $4  }
0x21d: {  	v22 =	vmul.f32 v16, v22;
	v20 =	vmul.f32 $2.000000030e-01, v30;
	v17 =	vsel vm1, v23, v33;
	v14 =	vld [tilespmem:s10+$0xFFFFFFE0];
	[tilespmem:s3+$0x70] =	vst v21  }
0x21e: {  	v26 =	vmul.f32 v34, v29;
	vm0 =	vge.f32 v30, $0.0e+00;
	v23 =	vsub.f32 v17, v24;
	v17 =	vld [tilespmem:s10+$0x20];
	[tilespmem:s3+$0x0] =	vst v13  }
0x21f: {  	v21 =	vperm.xlane v7, v1;
	v24 =	vmul.f32 $1.442695020e+00, v25;
	v13 =	vsel vm0, v30, v20;
	v20 =	vld [tilespmem:s10+$0xFFFFFFF0];
	[tilespmem:s3+$0xFFFFFFC0] =	vst v22  }
0x220: {  	s16 =	sadd.s32 $0x40, s16;
	s7 =	sadd.s32 $0x40, s7;
	v25 =	vmul.f32 v16, v28;
	v22 =	vsub.f32 v13, v31;
	v23 =	vmul.f32 $1.442695020e+00, v23;
	v13 =	vld [tilespmem:s10+$0x0];
	[tilespmem:s3+$0x10] =	vst v26  }
0x221: {  	(erf) = vpow2.f32 v24;
	_ =	sdelay $0x1  }
0x222: {  	(erf) = vpow2.f32 v23  }
0x223: {  	v9 =	vadd.f32 v9, v21  }
0x224: {  	v10 =	vmul.f32 v10, v16;
	v38 =	vunpack.i.l.bf16.f32 v19;
	v4 =	vmul.f32 v16, v4  }
0x225: {  	v18 =	vunpack.i.l.bf16.f32 v18;
	v37 =	vmul.f32 $1.442695020e+00, v22;
	[tilespmem:s0+$0xFFFFFFD0] =	vst v25;
	v40 =	vmul.f32 $2.000000030e-01, v9;
	v39 =	vpop (erf)  }
0x226: {  	v41 =	vunpack.i.u.bf16.f32 v19;
	[tilespmem:s0+$0xFFFFFFE0] =	vst v10;
	vm0 =	vge.f32 v9, $0.0e+00;
	v42 =	vmul.f32 v18, v39  }
0x227: {  	[tilespmem:s0+$0xFFFFFFF0] =	vst v4;
	(erf) = vpow2.f32 v37;
	v9 =	vsel vm0, v9, v40;
	v43 =	vmul.f32 v39, v38  }
0x228: {  	v44 =	vmul.f32 v39, v41;
	v9 =	vsub.f32 v9, v11;
	[tilespmem:s0+$0xFFFFFFA0] =	vst v42  }
0x229: {  	v48 =	vunpack.i.l.bf16.f32 v17;
	v3 =	vmul.f32 v39, v3;
	[tilespmem:s0+$0xFFFFFF80] =	vst v43;
	v45 =	vpop (erf)  }
0x22a: {  	v46 =	vunpack.i.l.bf16.f32 v15;
	[tilespmem:s0+$0xFFFFFF90] =	vst v44;
	v9 =	vmul.f32 $1.442695020e+00, v9;
	v15 =	vmul.f32 v45, v48  }
0x22b: {  	s3 =	sadd.s32 $0x100, s3;
	[tilespmem:s0+$0xFFFFFFB0] =	vst v3;
	v47 =	vpop (erf);
	v5 =	vmul.f32 v45, v5  }
0x22c: {  	(erf) = vpow2.f32 v9;
	v11 =	vmul.f32 v46, v47;
	[tilespmem:s3+$0x40] =	vst v15  }
0x22d: {  	v49 =	vunpack.i.u.bf16.f32 v17;
	v3 =	vmul.f32 v47, v8;
	[tilespmem:s3+$0x70] =	vst v5  }
0x22e: {  	v51 =	vunpack.i.l.bf16.f32 v13;
	v8 =	vmul.f32 v45, v49;
	[tilespmem:s3+$0x20] =	vst v11  }
0x22f: {  	v50 =	vunpack.i.l.bf16.f32 v12;
	v9 =	vmul.f32 v47, v51;
	[tilespmem:s3+$0x30] =	vst v3  }
0x230: {  	v55 =	vld [tilespmem:s10+$0xFFFFFFC0];
	v52 =	vunpack.i.l.bf16.f32 v14;
	v3 =	vmul.f32 v50, v45;
	[tilespmem:s3+$0x50] =	vst v8;
	v53 =	vpop (erf)  }
0x231: {  	v54 =	vld [tilespmem:s10+$0xFFFFFFD0];
	v56 =	vunpack.i.u.bf16.f32 v14;
	[tilespmem:s3+$0x0] =	vst v9;
	v8 =	vmul.f32 v53, v52  }
0x232: {  	v5 =	vmul.f32 v53, v56;
	[tilespmem:s3+$0x60] =	vst v3;
	v3 =	vunpack.i.u.bf16.f32 v13  }
0x233: {  	v3 =	vmul.f32 v47, v3;
	[tilespmem:s3+$0xFFFFFFC0] =	vst v8  }
0x234: {  	v57 =	vunpack.i.l.bf16.f32 v20;
	v59 =	vmul.f32 v53, v6;
	[tilespmem:s3+$0xFFFFFFD0] =	vst v5  }
0x235: {  	v61 =	vunpack.i.l.bf16.f32 v55;
	[tilespmem:s3+$0x10] =	vst v3;
	v3 =	vmul.f32 v57, v53;
	v60 =	vpop (erf)  }
0x236: {  	v58 =	vunpack.i.l.bf16.f32 v54;
	[tilespmem:s3+$0xFFFFFFF0] =	vst v59;
	v63 =	vmul.f32 v60, v61  }
0x237: {  	s20 =	smul.u32 $0x140, s9;
	v62 =	vunpack.i.u.bf16.f32 v55;
	[tilespmem:s3+$0xFFFFFFE0] =	vst v3;
	v3 =	vmul.f32 v58, v60  }
.Ltmp12:
0x238: {  	v4 =	vmul.f32 v60, v62;
	[tilespmem:s3+$0xFFFFFF80] =	vst v63;
	(pc) =	sbr.rel .LBB2_18-.Ltmp12, $4  }
0x239: {  	[tilespmem:s3+$0xFFFFFFA0] =	vst v3;
	v3 =	vmul.f32 v60, v7  }
0x23a: {  	s0 =	sshra.s32 s20, $0x2;
	[tilespmem:s3+$0xFFFFFF90] =	vst v4  }
0x23b: {  	s24 =	simm.s32 $0xDA20;
	s0 =	sadd.s32 $0x2710, s0;
	[tilespmem:s3+$0xFFFFFFB0] =	vst v3  }
0x23c: {  	[spmem:s2] =	stream.indirect.scatter.add.f32 [tilespmem:s24], [sflag:$0x10], $0x40, s0, s23, $0xb8;
	[tilespmem:$0x1A9A0] =	vst v63  }
.LBB2_20:
0x23d: {  	_ =	sfence.sel $0x180000  }
0x23e: {  	[bflag:$0x0] =	sbarrier.arrive $0xFFFF  }
0x23f: {  	_ =	strace $0x9000004A  }
0x240: {  	s0 =	stileid.u32;
	[bflag:$0x2] =	sbarrier.arrive $0xFFFF  }
0x241: {  	p0 =	sne.s32 s0, $0x0;
	s0 =	rddreg [dreg:$0x3]  }
0x242: {  	s0 =	sadd.s32 @!p0 $0x100000, s0  }
0x243: {  	[sflag:s0] =	ssyncadd.tile.s32 @!p0 $0x1;
	_ =	shalt  }
.Lfunc_end2:
_tile_overlayer_lowered:
.L_overlay_start_2:
0x244: {  	(tag) =	ssettag $0x2  }
0x245: {  	s0 =	rddreg [dreg:$0x0];
	s2 =	stileid.u32  }
0x246: {  	s1 =	rddreg [dreg:$0x1];
	p0 =	sne.s32 s2, $0x0  }
0x247: {  	s3 =	rddreg [dreg:$0x2];
	[bflag:$0x3] =	sbarrier.arrive $0xFFFF;
	s2 =	simm.s32 @!p0 $0x1C11  }
0x248: {  	[timem:s3], [sflag:s2] =	dma.local @!p0 [hbm:s0], s1  }
0x249: {  	s0 =	simm.s32 @!p0 $0x11  }
0x24a: {  	_ =	swait.ge @!p0 [sflag:s0], s1  }
0x24b: {  	s1 =	ssub.s32 @!p0 $0x0, s1;
	[sflag:s0] =	ssyncset.done @!p0 $0x0  }
0x24c: {  	[sflag:s0] =	ssyncadd.s32 @!p0 s1  }
0x24d: {  	[bflag:$0x3] =	sbarrier.arrive $0xFFFF  }
0x24e: {  	_ =	shalt  }

// kernel: kernel.7.cloned.1.call-start
scs
__scs_entry_jumppad:
0x0: {  	(pc) =	sbr.rel $0x88, $3  }
0x1: {  	(tag) =	ssettag $0x0;
	lr =	simm.s32 $0x1  }
0x2: {  	[smem:$0x3F97] =	sst lr;
	_ =	strace $0xD0000000  }
0x3: {  	_ = 	snop  }
0x4: {  	_ = 	snop  }
0x5: {  	_ = 	snop  }
0x6: {  	_ = 	snop  }
0x7: {  	_ = 	snop  }
__scs_overlays_trampoline_lowered:
0x8: {  	[smem:$0x3FA6] =	sst s0  }
0x9: {  	[smem:$0x3FA7] =	sst s1  }
0xa: {  	[smem:$0x3FA8] =	sst s2  }
0xb: {  	[smem:$0x3FA9] =	sst s3  }
0xc: {  	[smem:$0x3FAA] =	sst s4  }
0xd: {  	[smem:$0x3FAB] =	sst s5  }
0xe: {  	[smem:$0x3FAC] =	sst s6  }
0xf: {  	[smem:$0x3FAD] =	sst s7  }
0x10: {  	[smem:$0x3FAE] =	sst s8  }
0x11: {  	[smem:$0x3FAF] =	sst s9;
	s0 =	simm.s32 @!p0 $0x0  }
0x12: {  	s1 =	sld [smem:$0x3F95];
	s0 =	simm.s32 @p0 $0x1  }
0x13: {  	[smem:$0x3FB0] =	sst s0;
	s0 =	simm.s32 @!p1 $0x0  }
0x14: {  	s2 =	sld [smem:$0x3F94];
	s0 =	simm.s32 @p1 $0x1  }
0x15: {  	[smem:$0x3FB1] =	sst s0;
	s0 =	simm.s32 @!p2 $0x0  }
0x16: {  	s3 =	sld [smem:$0x3FDB];
	s0 =	simm.s32 @p2 $0x1  }
0x17: {  	s4 =	simm.s32 $0x1BF5;
	[smem:$0x3FB3] =	sst s0  }
0x18: {  	s0 =	sld [smem:$0x3F96];
	_ =	swait.ge [sflag:s4], $0x0  }
0x19: {  	s7 =	sld [smem:$0x3F97]  }
0x1a: {  	s8 =	sadd.s32 $0xFFFFE003, lr  }
0x1b: {  	s9 =	sadd.s32 $0xFFFFFEF7, lr;
	s5 =	simm.s32 $0xFFFFFFFF;
	p2 =	slt.u32 s8, $0xFFFFF086  }
0x1c: {  	p1 =	slt.u32 s9, $0xF7A;
	s5 =	simm.s32 @!p2 $0x0  }
0x1d: {  	s5 =	simm.s32 @p1 $0x1;
	p0 =	seq.s32 s7, s2  }
0x1e: {  	s7 =	smul.u32 @!p0 $0xF7A, s2;
	p2 =	seq.s32 @!p0 s5, $0x0  }
0x1f: {  	s9 =	smul.u32 $0xF7A, s1;
	s8 =	simm.s32 @!p0 $0x1BF5;
	p2 =	por !p2, p0  }
0x20: {  	[sflag:s8] =	ssyncset.s32 @!p0 $0xFFFFF086;
	s6 =	sadd.s32 @!p0 s3, s7;
	s7 =	simm.s32 @!p0 $0x108  }
0x21: {  	s3 =	sadd.s32 s3, s9;
	s6 =	sadd.s32 @!p0 $0x88, s6;
	s7 =	simm.s32 @p2 $0x1082  }
0x22: {  	[simem:s7], [sflag:s8] =	dma.local @!p0 [hbm:s6], $0xF7A  }
0x23: {  	s9 =	sor.u32 $0xD0000000, s2;
	s6 =	simm.s32 $0x108;
	_ =	swait.ge @!p0 [sflag:s8], $0x0  }
0x24: {  	s3 =	sadd.s32 $0x88, s3;
	s6 =	simm.s32 @!p1 $0x1082;
	[sflag:s4] =	ssyncset.s32 $0xFFFFF086  }
0x25: {  	[simem:s6], [sflag:s4] =	dma.local [hbm:s3], $0xF7A  }
0x26: {  	[smem:$0x3F97] =	sst s1;
	(tag) =	ssettag s2;
	_ =	strace s9  }
0x27: {  	s1 =	sld [smem:$0x3FA7]  }
0x28: {  	s2 =	sld [smem:$0x3FA8]  }
0x29: {  	s4 =	sld [smem:$0x3FAA]  }
0x2a: {  	p0 =	seq.s32 s5, $0x0;
	s5 =	sld [smem:$0x3FAB]  }
0x2b: {  	s6 =	sld [smem:$0x3FAC]  }
0x2c: {  	s7 =	sld [smem:$0x3FAD]  }
0x2d: {  	s3 =	simm.s32 $0x108;
	s8 =	sld [smem:$0x3FAE]  }
0x2e: {  	s3 =	simm.s32 @!p0 $0x1082;
	s9 =	sld [smem:$0x3FAF]  }
0x2f: {  	lr =	sadd.s32 s0, s3;
	s0 =	sld [smem:$0x3FA6]  }
0x30: {  	s3 =	sld [smem:$0x3FA9]  }
0x31: {  	[smem:$0x3FB2] =	sst s10  }
0x32: {  	s10 =	sld [smem:$0x3FB0];
	_ =	sdelay $0x3  }
0x33: {  	p0 =	seq.s32 s10, $0x1;
	s10 =	sld [smem:$0x3FB2];
	_ =	sdelay $0x3  }
0x34: {  	[smem:$0x3FB2] =	sst s10  }
0x35: {  	s10 =	sld [smem:$0x3FB1];
	_ =	sdelay $0x3  }
0x36: {  	p1 =	seq.s32 s10, $0x1;
	s10 =	sld [smem:$0x3FB2];
	_ =	sdelay $0x3  }
0x37: {  	[smem:$0x3FB2] =	sst s10  }
0x38: {  	s10 =	sld [smem:$0x3FB3]  }
0x39: {  	_ = 	snop;
	(pc) =	sbr.ind lr, $3  }
0x3a: {  	_ = 	snop  }
0x3b: {  	_ = 	snop  }
0x3c: {  	p2 =	seq.s32 s10, $0x1;
	s10 =	sld [smem:$0x3FB2]  }
0x3d: {  	_ =	shalt  }
0x3e: {  	_ =	shalt  }
0x3f: {  	_ =	shalt  }
0x40: {  	_ =	shalt  }
0x41: {  	_ =	shalt  }
0x42: {  	_ =	shalt  }
0x43: {  	_ =	shalt  }
0x44: {  	_ =	shalt  }
0x45: {  	_ =	shalt  }
0x46: {  	_ =	shalt  }
0x47: {  	_ =	shalt  }
0x48: {  	_ =	shalt  }
0x49: {  	_ =	shalt  }
0x4a: {  	_ =	shalt  }
0x4b: {  	_ =	shalt  }
0x4c: {  	_ =	shalt  }
0x4d: {  	_ =	shalt  }
0x4e: {  	_ =	shalt  }
0x4f: {  	_ =	shalt  }
0x50: {  	_ =	shalt  }
0x51: {  	_ =	shalt  }
0x52: {  	_ =	shalt  }
0x53: {  	_ =	shalt  }
0x54: {  	_ =	shalt  }
0x55: {  	_ =	shalt  }
0x56: {  	_ =	shalt  }
0x57: {  	_ =	shalt  }
0x58: {  	_ =	shalt  }
0x59: {  	_ =	shalt  }
0x5a: {  	_ =	shalt  }
0x5b: {  	_ =	shalt  }
0x5c: {  	_ =	shalt  }
0x5d: {  	_ =	shalt  }
0x5e: {  	_ =	shalt  }
0x5f: {  	_ =	shalt  }
0x60: {  	_ =	shalt  }
0x61: {  	_ =	shalt  }
0x62: {  	_ =	shalt  }
0x63: {  	_ =	shalt  }
0x64: {  	_ =	shalt  }
0x65: {  	_ =	shalt  }
0x66: {  	_ =	shalt  }
0x67: {  	_ =	shalt  }
0x68: {  	_ =	shalt  }
0x69: {  	_ =	shalt  }
0x6a: {  	_ =	shalt  }
0x6b: {  	_ =	shalt  }
0x6c: {  	_ =	shalt  }
0x6d: {  	_ =	shalt  }
0x6e: {  	_ =	shalt  }
0x6f: {  	_ =	shalt  }
0x70: {  	_ =	shalt  }
0x71: {  	_ =	shalt  }
0x72: {  	_ =	shalt  }
0x73: {  	_ =	shalt  }
0x74: {  	_ =	shalt  }
0x75: {  	_ =	shalt  }
0x76: {  	_ =	shalt  }
0x77: {  	_ =	shalt  }
0x78: {  	_ =	shalt  }
0x79: {  	_ =	shalt  }
0x7a: {  	_ =	shalt  }
0x7b: {  	_ =	shalt  }
0x7c: {  	_ =	shalt  }
0x7d: {  	_ =	shalt  }
0x7e: {  	_ =	shalt  }
0x7f: {  	_ =	shalt  }
0x80: {  	_ =	shalt  }
0x81: {  	_ =	shalt  }
0x82: {  	_ =	shalt  }
0x83: {  	_ =	shalt  }
0x84: {  	_ =	shalt  }
0x85: {  	_ =	shalt  }
0x86: {  	_ =	shalt  }
0x87: {  	_ =	shalt  }
.Lfunc_end0:
.L_simem_size_0:
called_computation_lowered:
.L_overlay_start_0:
0x88: {  	s2 =	sld [smem:$0x3FD9]  }
0x89: {  	s3 =	sld [smem:$0x3FFE];
	_ =	sdelay $0x1  }
0x8a: {  	s1 =	srdreg.scid  }
0x8b: {  	s0 =	sand.u32 $0x1, s1  }
0x8c: {  	s17 =	sshll.u32 s0, $0xA;
	s2 =	sadd.s32 s3, s2  }
0x8d: {  	s2 =	sadd.s32 s2, s17  }
0x8e: {  	[smem:$0x3FBE] =	sst s2  }
0x8f: {  	_ = 	snop  }
0x90: {  	s2 =	sld [smem:$0x3FD0];
	(tm) =	ssettm $0x1  }
0x91: {  	s18 =	sld [smem:$0x3FFB];
	_ =	sdelay $0x3  }
0x92: {  	_ =	strace s18  }
0x93: {  	s3 =	sld [smem:$0x3FFC];
	_ =	sdelay $0x3  }
0x94: {  	_ =	strace s3  }
0x95: {  	s3 =	sld [smem:$0x3FFD];
	_ =	sdelay $0x3  }
0x96: {  	_ =	strace s3  }
0x97: {  	_ =	strace $0x8FFFFFFF  }
0x98: {  	s19 =	sld [smem:$0x3FDB];
	_ =	sdelay $0x1  }
0x99: {  	s4 =	simm.s32 $_scs_section_size  }
0x9a: {  	s5 =	simm.s32 $_size__tile_overlayer_lowered;
	s6 =	simm.s32 $_tile_overlayer_lowered  }
0x9b: {  	s22 =	simm.s32 $0x1BFF;
	s21 =	sshll.u32 s6, $0x1;
	s3 =	sadd.s32 s4, s19  }
0x9c: {  	s7 =	simm.s32 $0x0;
	s20 =	sshll.u32 s5, $0x1;
	s5 =	sadd.s32 s21, s3  }
0x9d: {  	[timem:s7], [sflag:s22] =	dma.local [hbm:s5], s20  }
0x9e: {  	_ =	swait.ge [sflag:s22], s20  }
0x9f: {  	s4 =	ssub.s32 $0x0, s20;
	[sflag:s22] =	ssyncset.done $0x0  }
0xa0: {  	[sflag:s22] =	ssyncadd.s32 s4;
	_ =	sdelay $0x1  }
0xa1: {  	s23 =	simm.s32 $0x1B8B  }
0xa2: {  	_ =	swait.ge [sflag:s23], $0x1  }
0xa3: {  	[sflag:s23] =	ssyncset.done $0x0  }
0xa4: {  	s25 =	simm.s32 $0x1B8E;
	s24 =	sld [smem:$0x3FFE];
	[sflag:s23] =	ssyncadd.s32 $0xFFFFFFFF  }
0xa5: {  	s26 =	simm.s32 $execute0_lowered;
	[smem:$0x3FD2] =	sst s25  }
0xa6: {  	s5 =	sshll.u32 s26, $0x1;
	_ =	strace $0x80000046;
	[dreg:$0x1] =	wrdreg $0xFFFFFFFF  }
0xa7: {  	s28 =	simm.s32 $_size_execute0_lowered;
	s3 =	sadd.s32 s3, s5;
	[dreg:$0x0] =	wrdreg $0x0  }
0xa8: {  	s5 =	sshll.u32 s28, $0x1;
	[dreg:$0x2] =	wrdreg s3  }
0xa9: {  	[dreg:$0x3] =	wrdreg s5  }
0xaa: {  	[dreg:$0x4] =	wrdreg $0xC0  }
0xab: {  	_ =	task [dreg:s7], $0x5FFFF  }
0xac: {  	[dreg:$0x1] =	wrdreg $0xFFFFFFFF  }
0xad: {  	[dreg:$0x0] =	wrdreg $0x60  }
0xae: {  	[dreg:$0x2] =	wrdreg s24  }
0xaf: {  	[dreg:$0x3] =	wrdreg s2  }
0xb0: {  	[dreg:$0x4] =	wrdreg $0x129300  }
0xb1: {  	[dreg:$0x5] =	wrdreg $0x9  }
0xb2: {  	_ =	task.clear_ibuf [dreg:s7], $0x6FFFF;
	_ =	strace $0x90000046  }
0xb3: {  	s29 =	simm.s32 $0x9;
	_ =	strace $0x80000048  }
0xb4: {  	_ =	swait.ge [sflag:s29], $0x1  }
0xb5: {  	[sflag:s29] =	ssyncadd.s32 $0xFFFFFFFF  }
0xb6: {  	_ =	strace $0x90000048  }
0xb7: {  	_ =	sfence  }
0xb8: {  	s30 =	sld [smem:$0x0];
	_ =	sdelay $0x2  }
0xb9: {  	s31 =	sshll.u32 s1, $0xD;
	s1 =	sshrl.u32 s1, $0x2  }
0xba: {  	s3 =	sand.u32 $0x4000, s31;
	s1 =	sadd.s32 s1, s30  }
0xbb: {  	s0 =	sor.u32 s3, s0;
	s1 =	sshll.u32 s1, $0x11  }
0xbc: {  	s0 =	sor.u32 s1, s0  }
0xbd: {  	s0 =	sadd.s32 $0x8F2B, s0  }
0xbe: {  	[sflag:s0] =	ssyncadd.remote.s32 $0x1  }
0xbf: {  	_ =	sfence.sel $0xFFFF  }
0xc0: {  	[dreg:$0x0] =	wrdreg $0xFFFFFFFF;
	(pc) =	sbr.abs _section_cstart, $3  }
0xc1: {  	[dreg:$0x1] =	wrdreg $0xFFFFFFFF  }
0xc2: {  	_ =	task.clear_ibuf [dreg:s7], $0x2FFFF;
	_ =	strace $0x9FFFFFFF  }
0xc3: {  	(tm) =	ssettm $0x7FFFFFFF  }
tec
execute0_lowered:
.L_overlay_start_1:
0x0: {  	(tag) =	ssettag $0x1  }
0x1: {  	s0 =	rddreg [dreg:$0x0]  }
0x2: {  	s1 =	rddreg [dreg:$0x1]  }
0x3: {  	s2 =	rddreg [dreg:$0x2];
	s3 =	srdreg.scid  }
0x4: {  	s6 =	stileid.u32;
	s16 =	simm.s32 $0x0;
	s28 =	simm.s32 $0x1  }
0x5: {  	s29 =	simm.s32 $0x5;
	s30 =	simm.s32 $0x9;
	s31 =	simm.s32 $0x9E20  }
0x6: {  	s3 =	sand.u32 $0x1, s3;
	s4 =	sshll.u32 s6, $0x1;
	[smem:$0x7FF] =	sst s16  }
0x7: {  	s9 =	smul.u32 $0xC350, s6;
	s6 =	sadd.s32 $0x37C00, s0;
	s5 =	sor.u32 s3, s4  }
0x8: {  	_ =	strace $0x80000047;
	s8 =	ssub.s32 $0x2, s3;
	s3 =	smul.u32 $0xC3500, s3  }
0x9: {  	s4 =	sadd.s32 $0x3CC00, s0;
	s7 =	smul.u32 $0x4E2, s5;
	s5 =	sadd.s32 $0x32C00, s0  }
0xa: {  	s11 =	sshrl.u32 s8, $0x1;
	s24 =	sadd.s32 $0x2710, s9;
	s20 =	sadd.s32 s9, s2  }
0xb: {  	s25 =	sadd.s32 $0x4E20, s9;
	s13 =	sadd.s32 $0x7530, s9;
	s14 =	sadd.s32 $0x9C40, s9  }
0xc: {  	s8 =	ssub.s32 s8, s11;
	s12 =	sadd.s32 s24, s2;
	s15 =	sadd.s32 s25, s2  }
0xd: {  	s26 =	sadd.s32 s13, s2;
	s17 =	sadd.s32 s14, s2;
	s9 =	sadd.s32 s9, s3  }
0xe: {  	s18 =	sadd.s32 s3, s24;
	s23 =	sadd.s32 s3, s25;
	[dreg:$0x5] =	wrdreg s20  }
0xf: {  	s24 =	sadd.s32 s3, s13;
	s3 =	sadd.s32 s3, s14;
	[dreg:$0x6] =	wrdreg s12  }
0x10: {  	s13 =	simm.s32 $0x3;
	s14 =	simm.s32 $0x7;
	[dreg:$0x7] =	wrdreg s15  }
0x11: {  	s10 =	sadd.s32 s7, s0;
	s0 =	sadd.s32 $0x46A00, s0;
	[dreg:$0x8] =	wrdreg s26  }
0x12: {  	[dreg:$0x9] =	wrdreg s17;
	s1 =	sadd.s32 s1, s7;
	s19 =	sshrl.u32 s9, $0x3  }
0x13: {  	s21 =	sshrl.u32 s18, $0x3;
	s25 =	sshrl.u32 s24, $0x3;
	s3 =	sshrl.u32 s3, $0x3  }
0x14: {  	s26 =	smax.u32 s8, $0x1;
	s15 =	simm.s32 $0xB;
	s17 =	simm.s32 $0x4  }
0x15: {  	s18 =	simm.s32 $0x8;
	s10 =	sadd.s32 $0x1C00, s10;
	[dreg:$0xb] =	wrdreg s1  }
0x16: {  	s1 =	sadd.s32 s0, s19;
	s22 =	sadd.s32 s0, s21;
	[dreg:$0x11] =	wrdreg s26  }
0x17: {  	s21 =	simm.s32 $0x11;
	s26 =	simm.s32 $0x8A20;
	[dreg:$0xa] =	wrdreg s10  }
.Ltmp0:
0x18: {  	[dreg:$0xc] =	wrdreg s1;
	s1 =	sshrl.u32 s23, $0x3;
	(pc) =	sbr.rel .LBB2_1-.Ltmp0, $4  }
0x19: {  	s19 =	simm.s32 $0xC;
	[dreg:$0xd] =	wrdreg s22;
	s1 =	sadd.s32 s0, s1  }
0x1a: {  	v2 =	vlaneseq.u32;
	s23 =	simm.s32 $0x50;
	[dreg:$0xe] =	wrdreg s1;
	s1 =	sadd.s32 s0, s25  }
0x1b: {  	v0 =	vimm.f32 $0.0e+00;
	v1 =	vor.u32 $0x8, v2;
	v2 =	vshrl.u32 v2, $0x3;
	s22 =	simm.s32 $0x6;
	s0 =	sadd.s32 s0, s3;
	[dreg:$0xf] =	wrdreg s1  }
0x1c: {  	v3 =	vor.u32 $0x2, v2;
	v4 =	vor.u32 $0x4, v2;
	v5 =	vor.u32 $0x6, v2;
	[dreg:$0x10] =	wrdreg s0;
	s1 =	simm.s32 $0x2;
	s0 =	simm.s32 $0xA  }
.LBB2_19:
0x1d: {  	s3 =	simm.s32 $0xD  }
0x1e: {  	_ =	swait.ge [sflag:s3], $0x1900  }
0x1f: {  	[sflag:s3] =	ssyncset.done $0x0  }
0x20: {  	s11 =	simm.s32 $0x10;
	[sflag:s3] =	ssyncadd.s32 $0xFFFFE700  }
0x21: {  	_ =	swait.ge [sflag:s11], $0x1900  }
0x22: {  	[sflag:s11] =	ssyncset.done $0x0  }
0x23: {  	s12 =	simm.s32 $0xF;
	[sflag:s11] =	ssyncadd.s32 $0xFFFFE700  }
0x24: {  	_ =	swait.ge [sflag:s12], $0x1900  }
0x25: {  	[sflag:s12] =	ssyncset.done $0x0  }
0x26: {  	s16 =	simm.s32 $0xE;
	[sflag:s12] =	ssyncadd.s32 $0xFFFFE700  }
0x27: {  	_ =	swait.ge [sflag:s16], $0x1900  }
0x28: {  	[sflag:s16] =	ssyncset.done $0x0  }
0x29: {  	[sflag:s16] =	ssyncadd.s32 $0xFFFFE700  }
0x2a: {  	s20 =	stileid.u32;
	[bflag:$0x0] =	sbarrier.arrive $0xFFFF  }
0x2b: {  	s3 =	sshll.u32 s20, $0x6;
	s20 =	rddreg [dreg:$0x5]  }
0x2c: {  	s3 =	sor.u32 $0x1C11, s3;
	s8 =	rddreg [dreg:$0xc];
	s7 =	sshrl.u32 s20, $0x3  }
0x2d: {  	[hbm:s8], [sflag:s3] =	dma.local [spmem:s7], $0x4E2  }
0x2e: {  	_ =	swait.ge [sflag:s21], $0x4E2  }
0x2f: {  	[sflag:s21] =	ssyncset.done $0x0;
	s24 =	rddreg [dreg:$0x6]  }
0x30: {  	s25 =	rddreg [dreg:$0xd];
	[sflag:s21] =	ssyncadd.s32 $0xFFFFFB1E;
	s7 =	sshrl.u32 s24, $0x3  }
0x31: {  	[hbm:s25], [sflag:s3] =	dma.local [spmem:s7], $0x4E2  }
0x32: {  	_ =	swait.ge [sflag:s21], $0x4E2  }
0x33: {  	[sflag:s21] =	ssyncset.done $0x0;
	s9 =	rddreg [dreg:$0x7]  }
0x34: {  	s10 =	rddreg [dreg:$0xe];
	[sflag:s21] =	ssyncadd.s32 $0xFFFFFB1E;
	s7 =	sshrl.u32 s9, $0x3  }
0x35: {  	[hbm:s10], [sflag:s3] =	dma.local [spmem:s7], $0x4E2  }
0x36: {  	_ =	swait.ge [sflag:s21], $0x4E2  }
0x37: {  	[sflag:s21] =	ssyncset.done $0x0;
	s11 =	rddreg [dreg:$0x8]  }
0x38: {  	s12 =	rddreg [dreg:$0xf];
	[sflag:s21] =	ssyncadd.s32 $0xFFFFFB1E;
	s7 =	sshrl.u32 s11, $0x3  }
0x39: {  	[hbm:s12], [sflag:s3] =	dma.local [spmem:s7], $0x4E2  }
0x3a: {  	_ =	swait.ge [sflag:s21], $0x4E2  }
0x3b: {  	[sflag:s21] =	ssyncset.done $0x0;
	s16 =	rddreg [dreg:$0x9]  }
0x3c: {  	s24 =	rddreg [dreg:$0x10];
	[sflag:s21] =	ssyncadd.s32 $0xFFFFFB1E;
	s7 =	sshrl.u32 s16, $0x3  }
0x3d: {  	[hbm:s24], [sflag:s3] =	dma.local [spmem:s7], $0x4E2  }
0x3e: {  	_ =	swait.ge [sflag:s21], $0x4E2  }
0x3f: {  	s16 =	rddreg [dreg:$0x4]  }
0x40: {  	s25 =	rddreg [dreg:$0x11];
	s16 =	sadd.s32 $0x1, s16  }
0x41: {  	p0 =	sne.s32 s16, s25  }
.Ltmp1:
0x42: {  	_ = 	snop;
	(pc) =	sbr.rel @!p0 .LBB2_20-.Ltmp1, $3  }
0x43: {  	_ =	sdelay $0x1  }
0x44: {  	[sflag:s21] =	ssyncset.done $0x0  }
0x45: {  	[sflag:s21] =	ssyncadd.s32 $0xFFFFFB1E  }
.LBB2_1:
0x46: {  	[dreg:$0x4] =	wrdreg s16;
	s7 =	simm.s32 $0x140;
	s3 =	simm.s32 $0x0  }
.LBB2_2:
0x47: {  	p0 =	sne.s32 s7, $0x9B00;
	[tilespmem:s3+$0x10260] =	vst v0;
	s8 =	smov.u32 s7;
	s7 =	sadd.s32 $0x140, s7  }
.Ltmp2:
0x48: {  	[tilespmem:s3+$0x10250] =	vst v0;
	(pc) =	sbr.rel @p0 .LBB2_2-.Ltmp2, $4  }
0x49: {  	[tilespmem:s3+$0x10240] =	vst v0  }
0x4a: {  	[tilespmem:s3+$0x10220] =	vst v0  }
0x4b: {  	[tilespmem:s3+$0x10230] =	vst v0  }
0x4c: {  	s3 =	sshra.s32 s8, $0x2  }
0x4d: {  	[tilespmem:s3+$0x10260] =	vst v0  }
0x4e: {  	[tilespmem:s3+$0x10250] =	vst v0  }
0x4f: {  	[tilespmem:s3+$0x10240] =	vst v0  }
0x50: {  	[tilespmem:s3+$0x10220] =	vst v0  }
0x51: {  	[tilespmem:s3+$0x10230] =	vst v0;
	s7 =	simm.s32 $0x10220  }
0x52: {  	[spmem:s20] =	stream.linear.scatter [tilespmem:s7], [sflag:$0x11], $0x2710, $0x38;
	[tilespmem:$0x1EC80] =	vst v63  }
0x53: {  	_ =	swait.ge [sflag:s21], $0x2710  }
0x54: {  	[sflag:s21] =	ssyncset.done $0x0  }
0x55: {  	s8 =	rddreg [dreg:$0x6];
	[sflag:s21] =	ssyncadd.s32 $0xFFFFD8F0  }
0x56: {  	[spmem:s8] =	stream.linear.scatter [tilespmem:s7], [sflag:$0x11], $0x2710, $0x38;
	[tilespmem:$0x1EC80] =	vst v63  }
0x57: {  	_ =	swait.ge [sflag:s21], $0x2710  }
0x58: {  	[sflag:s21] =	ssyncset.done $0x0  }
0x59: {  	s9 =	rddreg [dreg:$0x7];
	[sflag:s21] =	ssyncadd.s32 $0xFFFFD8F0  }
0x5a: {  	[spmem:s9] =	stream.linear.scatter [tilespmem:s7], [sflag:$0x11], $0x2710, $0x38;
	[tilespmem:$0x1EC80] =	vst v63  }
0x5b: {  	_ =	swait.ge [sflag:s21], $0x2710  }
0x5c: {  	[sflag:s21] =	ssyncset.done $0x0  }
0x5d: {  	s10 =	rddreg [dreg:$0x8];
	[sflag:s21] =	ssyncadd.s32 $0xFFFFD8F0  }
0x5e: {  	[spmem:s10] =	stream.linear.scatter [tilespmem:s7], [sflag:$0x11], $0x2710, $0x38;
	[tilespmem:$0x1EC80] =	vst v63  }
0x5f: {  	_ =	swait.ge [sflag:s21], $0x2710  }
0x60: {  	[sflag:s21] =	ssyncset.done $0x0  }
0x61: {  	s11 =	rddreg [dreg:$0x9];
	[sflag:s21] =	ssyncadd.s32 $0xFFFFD8F0  }
0x62: {  	[spmem:s11] =	stream.linear.scatter [tilespmem:s7], [sflag:$0x11], $0x2710, $0x38;
	[tilespmem:$0x1EC80] =	vst v63  }
0x63: {  	_ =	swait.ge [sflag:s21], $0x2710  }
0x64: {  	[sflag:s21] =	ssyncset.done $0x0  }
0x65: {  	s8 =	simm.s32 $0x0;
	s12 =	rddreg [dreg:$0xa];
	[sflag:s21] =	ssyncadd.s32 $0xFFFFD8F0  }
0x66: {  	[tilespmem:s8], [sflag:$0x11] =	stream.linear.gather [hbm4b:s12+s8], $0x2710, $0x38;
	[tilespmem:$0x1EC80] =	vst v63  }
0x67: {  	_ =	swait.ge [sflag:s21], $0x2710  }
0x68: {  	[sflag:s21] =	ssyncset.done $0x0  }
0x69: {  	s20 =	simm.s32 $0x2710;
	s16 =	rddreg [dreg:$0xb];
	[sflag:s21] =	ssyncadd.s32 $0xFFFFD8F0  }
0x6a: {  	[tilespmem:s20], [sflag:$0x11] =	stream.linear.gather [hbm4b:s16+s8], $0x2710, $0x38;
	[tilespmem:$0x1EC80] =	vst v63  }
0x6b: {  	_ =	swait.ge [sflag:s21], $0x2710  }
0x6c: {  	[sflag:s21] =	ssyncset.done $0x0  }
0x6d: {  	[sflag:s21] =	ssyncadd.s32 $0xFFFFD8F0  }
0x6e: {  	s24 =	simm.s32 $0x4E20;
	[bflag:$0x0] =	sbarrier.arrive $0xFFFF  }
0x6f: {  	[tilespmem:s24], [sflag:$0x1] =	stream.indirect.gather [hbm4b:s4+s23], $0x20, s8, s23, $0xb8;
	[tilespmem:$0x1EC80] =	vst v63  }
0x70: {  	s25 =	simm.s32 $0x7620  }
0x71: {  	[tilespmem:s25], [sflag:$0x5] =	stream.indirect.gather [hbm4b:s5+s23], $0x10, s8, s23, $0xb8;
	[tilespmem:$0x1EC80] =	vst v63  }
0x72: {  	_ = 	snop  }
0x73: {  	[tilespmem:s26], [sflag:$0x9] =	stream.indirect.gather [hbm4b:s6+s23], $0x10, s20, s23, $0xb8;
	[tilespmem:$0x1EC80] =	vst v63  }
0x74: {  	s7 =	simm.s32 $0x5820  }
0x75: {  	[tilespmem:s7], [sflag:$0x2] =	stream.indirect.gather [hbm4b:s4+s23], $0x20, s23, s23, $0xb8;
	[tilespmem:$0x1EC80] =	vst v63  }
0x76: {  	s9 =	simm.s32 $0x7B20  }
0x77: {  	[tilespmem:s9], [sflag:$0x6] =	stream.indirect.gather [hbm4b:s5+s23], $0x10, s23, s23, $0xb8;
	[tilespmem:$0x1EC80] =	vst v63  }
0x78: {  	s10 =	simm.s32 $0x2760;
	s11 =	simm.s32 $0x8F20  }
0x79: {  	[tilespmem:s11], [sflag:$0xA] =	stream.indirect.gather [hbm4b:s6+s23], $0x10, s10, s23, $0xb8;
	[tilespmem:$0x1EC80] =	vst v63  }
0x7a: {  	s12 =	simm.s32 $0xA0;
	s16 =	simm.s32 $0x6220  }
0x7b: {  	[tilespmem:s16], [sflag:$0x3] =	stream.indirect.gather [hbm4b:s4+s23], $0x20, s12, s23, $0xb8;
	[tilespmem:$0x1EC80] =	vst v63  }
.Ltmp3:
0x7c: {  	_ = 	snop;
	(pc) =	sbr.rel .LBB2_4-.Ltmp3, $4  }
0x7d: {  	s20 =	simm.s32 $0x8020  }
0x7e: {  	[tilespmem:s20], [sflag:$0x7] =	stream.indirect.gather [hbm4b:s5+s23], $0x10, s12, s23, $0xb8;
	[tilespmem:$0x1EC80] =	vst v63  }
0x7f: {  	s24 =	simm.s32 $0x27B0;
	s25 =	simm.s32 $0x9420  }
0x80: {  	[tilespmem:s25], [sflag:$0xB] =	stream.indirect.gather [hbm4b:s6+s23], $0x10, s24, s23, $0xb8;
	[tilespmem:$0x1EC80] =	vst v63  }
.LBB2_18:
0x81: {  	s8 =	sadd.s32 $0x1, s8  }
0x82: {  	p0 =	sne.s32 s8, $0x20  }
.Ltmp4:
0x83: {  	_ = 	snop;
	(pc) =	sbr.rel @!p0 .LBB2_19-.Ltmp4, $1  }
0x84: {  	_ =	sdelay $0x3  }
.LBB2_4:
0x85: {  	s9 =	sshllo.u32 s8, $0x2  }
0x86: {  	p1 =	sgt.u32 s9, $0x7C  }
0x87: {  	s3 =	smul.u32 @!p1 $0x50, s9  }
0x88: {  	s7 =	simm.s32 @!p1 $0x50;
	s10 =	simm.s32 @!p1 $0x6C20  }
0x89: {  	[tilespmem:s10], [sflag:$0x4] =	stream.indirect.gather @!p1 [hbm4b:s4+s7], $0x20, s3, s7, $0xb8;
	[tilespmem:$0x1EC80] =	vst v63  }
0x8a: {  	s10 =	simm.s32 @!p1 $0x8520  }
0x8b: {  	[tilespmem:s10], [sflag:$0x8] =	stream.indirect.gather @!p1 [hbm4b:s5+s7], $0x10, s3, s7, $0xb8;
	[tilespmem:$0x1EC80] =	vst v63  }
0x8c: {  	s3 =	sadd.s32 @!p1 $0x2710, s3;
	s10 =	simm.s32 @!p1 $0x9920  }
0x8d: {  	[tilespmem:s10], [sflag:$0xC] =	stream.indirect.gather @!p1 [hbm4b:s6+s7], $0x10, s3, s7, $0xb8;
	[tilespmem:$0x1EC80] =	vst v63  }
0x8e: {  	_ =	swait.ge [sflag:s28], $0xA00  }
0x8f: {  	[sflag:s28] =	ssyncset.done $0x0  }
0x90: {  	[sflag:s28] =	ssyncadd.s32 $0xFFFFF600  }
0x91: {  	_ =	swait.ge [sflag:s29], $0x500  }
0x92: {  	[sflag:s29] =	ssyncset.done $0x0  }
0x93: {  	[sflag:s29] =	ssyncadd.s32 $0xFFFFFB00  }
0x94: {  	_ =	swait.ge [sflag:s30], $0x500  }
0x95: {  	p0 =	seq.s32 s8, $0x0;
	[sflag:s30] =	ssyncset.done $0x0  }
0x96: {  	s3 =	simm.s32 @!p0 $0xD;
	[sflag:s30] =	ssyncadd.s32 $0xFFFFFB00  }
0x97: {  	_ =	swait.ge @!p0 [sflag:s3], $0x1900  }
0x98: {  	[sflag:s3] =	ssyncset.done @!p0 $0x0  }
0x99: {  	s11 =	simm.s32 $0x7640;
	[sflag:s3] =	ssyncadd.s32 @!p0 $0xFFFFE700  }
0x9a: {  	s12 =	simm.s32 $0x8A40;
	v6 =	vld [tilespmem:s11+$0xFFFFFFE0]  }
0x9b: {  	v7 =	vld [tilespmem:s12+$0x10]  }
0x9c: {  	v8 =	vld [tilespmem:s12+$0xFFFFFFF0]  }
0x9d: {  	v9 =	vld [tilespmem:s11+$0xFFFFFFF0]  }
0x9e: {  	v10 =	vld [tilespmem:s12+$0xFFFFFFE0]  }
0x9f: {  	v11 =	vld [tilespmem:s11+$0x10];
	_ =	sdelay $0x2  }
0xa0: {  	v9 =	vadd.f32 v8, v9  }
0xa1: {  	v8 =	vperm.xlane v8, v1;
	v6 =	vadd.f32 v10, v6  }
0xa2: {  	v12 =	vperm.xlane v7, v1;
	v7 =	vadd.f32 v7, v11;
	v13 =	vmul.f32 $2.000000030e-01, v9  }
0xa3: {  	v10 =	vperm.xlane v10, v1;
	v11 =	vmul.f32 $2.000000030e-01, v6;
	vm0 =	vge.f32 v9, $0.0e+00  }
0xa4: {  	vm1 =	vge.f32 v6, $0.0e+00;
	v9 =	vsel vm0, v9, v13;
	v13 =	vmul.f32 $2.000000030e-01, v7  }
0xa5: {  	s16 =	simm.s32 $0x4E60;
	v14 =	vld [tilespmem:s12+$0x0];
	vm10 =	vge.f32 v7, $0.0e+00;
	v6 =	vsel vm1, v6, v11;
	v8 =	vsub.f32 v9, v8  }
0xa6: {  	s24 =	simm.s32 $0x8A80;
	v18 =	vld [tilespmem:s16+$0xFFFFFFC0];
	v6 =	vsub.f32 v6, v10;
	v7 =	vsel vm10, v7, v13  }
0xa7: {  	v20 =	vld [tilespmem:s24+$0x0];
	v8 =	vmul.f32 $1.442695020e+00, v8;
	v7 =	vsub.f32 v7, v12  }
0xa8: {  	s25 =	simm.s32 $0x7680;
	v9 =	vld [tilespmem:s11+$0x0];
	v6 =	vmul.f32 $1.442695020e+00, v6  }
0xa9: {  	v30 =	vld [tilespmem:s25+$0xFFFFFFE0];
	v7 =	vmul.f32 $1.442695020e+00, v7;
	(erf) = vpow2.f32 v8  }
0xaa: {  	v36 =	vld [tilespmem:s24+$0xFFFFFFE0];
	(erf) = vpow2.f32 v6  }
0xab: {  	v26 =	vld [tilespmem:s16+$0xFFFFFFD0];
	(erf) = vpow2.f32 v7;
	_ =	sdelay $0x1  }
0xac: {  	v33 =	vld [tilespmem:s24+$0x10];
	v6 =	vadd.f32 v14, v9  }
0xad: {  	v35 =	vunpack.i.l.bf16.f32 v18;
	v10 =	vld [tilespmem:s16+$0x30]  }
0xae: {  	v38 =	vperm.xlane v20, v1;
	v30 =	vadd.f32 v36, v30;
	v7 =	vld [tilespmem:s16+$0x20];
	v9 =	vmul.f32 $2.000000030e-01, v6  }
0xaf: {  	v16 =	vld [tilespmem:s25+$0xFFFFFFF0];
	v52 =	vunpack.i.l.bf16.f32 v26;
	v11 =	vperm.xlane v14, v1;
	vm11 =	vge.f32 v6, $0.0e+00  }
0xb0: {  	v26 =	vunpack.i.u.bf16.f32 v26;
	v56 =	vmul.f32 $2.000000030e-01, v30;
	v6 =	vsel vm11, v6, v9;
	v9 =	vld [tilespmem:s24+$0xFFFFFFF0]  }
0xb1: {  	v54 =	vperm.xlane v33, v1;
	vm13 =	vge.f32 v30, $0.0e+00;
	v6 =	vsub.f32 v6, v11;
	v19 =	vpop (erf)  }
0xb2: {  	v36 =	vperm.xlane v36, v1;
	v30 =	vsel vm13, v30, v56;
	v13 =	vld [tilespmem:s16+$0xFFFFFFF0];
	v17 =	vunpack.i.u.bf16.f32 v10;
	v25 =	vpop (erf)  }
0xb3: {  	v8 =	vld [tilespmem:s16+$0xFFFFFFE0];
	v15 =	vunpack.i.u.bf16.f32 v7;
	v6 =	vmul.f32 $1.442695020e+00, v6;
	v23 =	vperm.xlane v19, v3;
	v29 =	vpop (erf)  }
0xb4: {  	v7 =	vunpack.i.l.bf16.f32 v7;
	v24 =	vperm.xlane v19, v4;
	v31 =	vperm.xlane v29, v2  }
0xb5: {  	v28 =	vperm.xlane v19, v2;
	v16 =	vadd.f32 v9, v16;
	v9 =	vperm.xlane v9, v1  }
0xb6: {  	v10 =	vunpack.i.l.bf16.f32 v10;
	v27 =	vperm.xlane v25, v2;
	v31 =	vmul.f32 v31, v7;
	v7 =	vld [tilespmem:s25+$0x10]  }
0xb7: {  	v22 =	vunpack.i.l.bf16.f32 v13;
	(erf) = vpow2.f32 v6;
	v39 =	vperm.xlane v25, v3  }
0xb8: {  	v12 =	vld [tilespmem:s16+$0x10];
	v14 =	vunpack.i.u.bf16.f32 v8;
	v53 =	vperm.xlane v25, v4;
	v32 =	vperm.xlane v29, v5  }
0xb9: {  	v37 =	vunpack.i.l.bf16.f32 v8;
	v34 =	vperm.xlane v29, v3;
	v11 =	vperm.xlane v29, v4  }
0xba: {  	v55 =	vld [tilespmem:s25+$0x0];
	v8 =	vmul.f32 $2.000000030e-01, v16;
	vm12 =	vge.f32 v16, $0.0e+00;
	v14 =	vmul.f32 v23, v14  }
0xbb: {  	s20 =	simm.s32 $0x9EC0;
	v57 =	vmul.f32 v27, v35;
	v15 =	vmul.f32 v34, v15;
	v33 =	vadd.f32 v33, v7  }
0xbc: {  	[tilespmem:s20+$0xFFFFFFF0] =	vst v19;
	v8 =	vsel vm12, v16, v8;
	v16 =	vperm.xlane v25, v5;
	v17 =	vmul.f32 v32, v17  }
0xbd: {  	v59 =	vld [tilespmem:s16+$0x0];
	v21 =	vunpack.i.l.bf16.f32 v12;
	[tilespmem:s20+$0xFFFFFFA0] =	vst v25;
	v32 =	vmul.f32 v53, v52;
	v58 =	vmul.f32 $2.000000030e-01, v33  }
0xbe: {  	v8 =	vsub.f32 v8, v9;
	v9 =	vsub.f32 v30, v36;
	[tilespmem:s20+$0x60] =	vst v15;
	vm14 =	vge.f32 v33, $0.0e+00  }
0xbf: {  	s11 =	simm.s32 $0x4EE0;
	[tilespmem:s20+$0x80] =	vst v17;
	v17 =	vperm.xlane v19, v5;
	v19 =	vadd.f32 v20, v55;
	v15 =	vsel vm14, v33, v58  }
0xc0: {  	v6 =	vld [tilespmem:s11+$0xFFFFFFE0];
	[tilespmem:s20+$0x90] =	vst v29;
	v16 =	vmul.f32 v16, v26;
	v8 =	vmul.f32 $1.442695020e+00, v8;
	v15 =	vsub.f32 v15, v54  }
0xc1: {  	v12 =	vunpack.i.u.bf16.f32 v12;
	[tilespmem:s20+$0xFFFFFFC0] =	vst v14;
	v9 =	vmul.f32 $1.442695020e+00, v9;
	v20 =	vmul.f32 $2.000000030e-01, v19  }
0xc2: {  	[tilespmem:s20+$0xFFFFFF90] =	vst v16;
	v16 =	vunpack.i.u.bf16.f32 v59;
	v60 =	vpop (erf);
	(erf) = vpow2.f32 v8;
	v15 =	vmul.f32 $1.442695020e+00, v15  }
0xc3: {  	[tilespmem:s20+$0xFFFFFF60] =	vst v57;
	v8 =	vunpack.i.u.bf16.f32 v13;
	v61 =	vperm.xlane v60, v5;
	(erf) = vpow2.f32 v9  }
0xc4: {  	[tilespmem:s20+$0x50] =	vst v31;
	vm15 =	vge.f32 v19, $0.0e+00;
	v13 =	vmul.f32 v17, v8;
	v8 =	vld [tilespmem:s11+$0x10];
	(erf) = vpow2.f32 v15  }
0xc5: {  	[tilespmem:s20+$0xFFFFFF80] =	vst v32;
	v7 =	vunpack.i.u.bf16.f32 v6;
	v23 =	vperm.xlane v60, v2;
	v17 =	vld [tilespmem:s11+$0x20];
	v14 =	vperm.xlane v60, v3  }
0xc6: {  	v62 =	vperm.xlane v60, v4;
	[tilespmem:s20+$0xFFFFFFE0] =	vst v13;
	v13 =	vld [tilespmem:s11+$0x30];
	v15 =	vmul.f32 v24, v22;
	v22 =	vunpack.i.l.bf16.f32 v59  }
0xc7: {  	v63 =	vsel vm15, v19, v20;
	[tilespmem:s20+$0x40] =	vst v60;
	v20 =	vmul.f32 v61, v12;
	v12 =	vld [tilespmem:s11+$0xFFFFFFF0];
	v22 =	vmul.f32 v23, v22  }
0xc8: {  	s10 =	sshll.u32 s8, $0x2;
	s7 =	simm.s32 $0x76C0;
	s3 =	simm.s32 $0x4;
	v9 =	vld [tilespmem:s11+$0xFFFFFFC0];
	v19 =	vmul.f32 v14, v16;
	[tilespmem:s20+$0xFFFFFFD0] =	vst v15;
	v15 =	vunpack.i.u.bf16.f32 v18;
	v18 =	vmul.f32 v62, v21  }
0xc9: {  	s12 =	simm.s32 $0x9EC0;
	s16 =	simm.s32 $0x8AC0;
	s24 =	simm.s32 $0x4F60;
	v16 =	vld [tilespmem:s11+$0xFFFFFFD0];
	v14 =	vsub.f32 v63, v38;
	v21 =	vmul.f32 v39, v15;
	v15 =	vmul.f32 v28, v37;
	[tilespmem:s20+$0x0] =	vst v22  }
.LBB2_5:
0xca: {  	v22 =	vld [tilespmem:s7+$0xFFFFFFE0];
	s3 =	sadd.s32 $0x4, s3;
	v23 =	vunpack.i.u.bf16.f32 v17;
	[tilespmem:s20+$0x30] =	vst v20;
	v20 =	vmul.f32 v11, v10;
	s12 =	sadd.s32 $0x140, s12  }
0xcb: {  	v24 =	vld [tilespmem:s24+$0xFFFFFFE0];
	p2 =	slt.u32 s3, $0x4C;
	v25 =	vmul.f32 $1.442695020e+00, v14;
	v14 =	vunpack.i.l.bf16.f32 v8;
	v26 =	vunpack.i.u.bf16.f32 v13;
	v27 =	vpop (erf);
	[tilespmem:s20+$0xFFFFFFB0] =	vst v15  }
0xcc: {  	v28 =	vld [tilespmem:s16+$0x0];
	v29 =	vunpack.i.l.bf16.f32 v12;
	v30 =	vperm.xlane v27, v3;
	v31 =	vperm.xlane v27, v4;
	v32 =	vpop (erf);
	[tilespmem:s20+$0xFFFFFF70] =	vst v21  }
0xcd: {  	v17 =	vunpack.i.l.bf16.f32 v17;
	v15 =	vperm.xlane v27, v2;
	v21 =	vld [tilespmem:s16+$0x10];
	v33 =	vperm.xlane v32, v2;
	v34 =	vpop (erf);
	[tilespmem:s20+$0x10] =	vst v19  }
0xce: {  	v10 =	vunpack.i.l.bf16.f32 v13;
	v19 =	vld [tilespmem:s16+$0xFFFFFFF0];
	v13 =	vperm.xlane v34, v2;
	v35 =	vperm.xlane v34, v5;
	[tilespmem:s20+$0x20] =	vst v18  }
0xcf: {  	v36 =	vunpack.i.l.bf16.f32 v9;
	v37 =	vperm.xlane v34, v3;
	v11 =	vperm.xlane v34, v4;
	v18 =	vld [tilespmem:s7+$0xFFFFFFF0];
	[tilespmem:s20+$0x70] =	vst v20;
	s20 =	smov.u32 s12  }
0xd0: {  	v38 =	vunpack.i.l.bf16.f32 v6;
	v20 =	vld [tilespmem:s16+$0xFFFFFFE0];
	v13 =	vmul.f32 v13, v17;
	[tilespmem:s12+$0x90] =	vst v34;
	(erf) = vpow2.f32 v25;
	v6 =	vmovc v24  }
0xd1: {  	v23 =	vmul.f32 v37, v23;
	v17 =	vunpack.i.u.bf16.f32 v6;
	v24 =	vperm.xlane v28, v1;
	v25 =	vld [tilespmem:s7+$0x10];
	[tilespmem:s12+$0xFFFFFFA0] =	vst v32  }
0xd2: {  	v39 =	vperm.xlane v32, v3;
	v37 =	vunpack.i.l.bf16.f32 v16;
	v34 =	vld [tilespmem:s7+$0x0];
	[tilespmem:s12+$0x50] =	vst v13;
	v13 =	vmul.f32 v35, v26  }
0xd3: {  	v16 =	vunpack.i.u.bf16.f32 v16;
	v35 =	vperm.xlane v32, v4;
	v32 =	vperm.xlane v32, v5;
	v26 =	vld [tilespmem:s24+$0xFFFFFFC0];
	[tilespmem:s12+$0x60] =	vst v23  }
0xd4: {  	v23 =	vperm.xlane v19, v1;
	v18 =	vadd.f32 v19, v18;
	v19 =	vperm.xlane v21, v1;
	[tilespmem:s12+$0x80] =	vst v13  }
0xd5: {  	v16 =	vmul.f32 v32, v16;
	v13 =	vperm.xlane v20, v1;
	v20 =	vadd.f32 v20, v22;
	[tilespmem:s12+$0xFFFFFFF0] =	vst v27  }
0xd6: {  	v35 =	vmul.f32 v35, v37;
	v22 =	vmul.f32 $2.000000030e-01, v18;
	v21 =	vadd.f32 v21, v25  }
0xd7: {  	vm1 =	vge.f32 v18, $0.0e+00;
	vm0 =	vge.f32 v20, $0.0e+00;
	v32 =	vmul.f32 $2.000000030e-01, v20;
	[tilespmem:s12+$0xFFFFFF90] =	vst v16  }
0xd8: {  	v16 =	vsel vm1, v18, v22;
	v18 =	vmul.f32 $2.000000030e-01, v21;
	v22 =	vmul.f32 v33, v36;
	[tilespmem:s12+$0xFFFFFF80] =	vst v35  }
0xd9: {  	v20 =	vsel vm0, v20, v32;
	v16 =	vsub.f32 v16, v23;
	vm0 =	vge.f32 v21, $0.0e+00;
	v23 =	vld [tilespmem:s11+$0x0];
	v25 =	vpop (erf);
	s11 =	smov.u32 s24  }
0xda: {  	v13 =	vsub.f32 v20, v13;
	v18 =	vsel vm0, v21, v18;
	[tilespmem:s12+$0xFFFFFF60] =	vst v22;
	v20 =	vperm.xlane v25, v5  }
0xdb: {  	v16 =	vmul.f32 $1.442695020e+00, v16;
	v18 =	vsub.f32 v18, v19;
	v19 =	vperm.xlane v27, v5;
	[tilespmem:s12+$0x40] =	vst v25  }
0xdc: {  	v21 =	vadd.f32 v28, v34;
	v22 =	vmul.f32 v30, v7;
	v7 =	vmovc v17;
	v13 =	vmul.f32 $1.442695020e+00, v13  }
0xdd: {  	v12 =	vunpack.i.u.bf16.f32 v12;
	v17 =	vmul.f32 $1.442695020e+00, v18;
	(erf) = vpow2.f32 v16  }
0xde: {  	v12 =	vmul.f32 v19, v12;
	(erf) = vpow2.f32 v13;
	[tilespmem:s12+$0xFFFFFFC0] =	vst v22;
	v16 =	vunpack.i.u.bf16.f32 v23  }
0xdf: {  	v18 =	vmul.f32 v31, v29;
	v19 =	vunpack.i.u.bf16.f32 v8;
	(erf) = vpow2.f32 v17;
	v8 =	vld [tilespmem:s24+$0x10]  }
.Ltmp5:
0xe0: {  	v27 =	vperm.xlane v25, v2;
	v22 =	vmul.f32 $2.000000030e-01, v21;
	v23 =	vunpack.i.l.bf16.f32 v23;
	v17 =	vld [tilespmem:s24+$0x20];
	[tilespmem:s12+$0xFFFFFFE0] =	vst v12;
	(pc) =	sbr.rel @p2 .LBB2_5-.Ltmp5, $4  }
0xe1: {  	vm0 =	vge.f32 v21, $0.0e+00;
	v13 =	vld [tilespmem:s24+$0x30];
	[tilespmem:s12+$0xFFFFFFD0] =	vst v18;
	v18 =	vperm.xlane v25, v3;
	v25 =	vperm.xlane v25, v4  }
0xe2: {  	v20 =	vmul.f32 v20, v19;
	v21 =	vsel vm0, v21, v22;
	v22 =	vmul.f32 v27, v23;
	v12 =	vld [tilespmem:s24+$0xFFFFFFF0]  }
0xe3: {  	v23 =	vunpack.i.u.bf16.f32 v9;
	v9 =	vmovc v26;
	v19 =	vmul.f32 v18, v16;
	v18 =	vmul.f32 v25, v14  }
0xe4: {  	v15 =	vmul.f32 v15, v38;
	s16 =	sadd.s32 $0x40, s16;
	s7 =	sadd.s32 $0x40, s7;
	s24 =	sadd.s32 $0x80, s24;
	v14 =	vsub.f32 v21, v24;
	v21 =	vmul.f32 v39, v23;
	v16 =	vld [tilespmem:s11+$0xFFFFFFD0];
	[tilespmem:s12+$0x0] =	vst v22  }
0xe5: {  	[tilespmem:s20+$0x30] =	vst v20  }
0xe6: {  	[tilespmem:s20+$0x10] =	vst v19  }
0xe7: {  	[tilespmem:s20+$0x20] =	vst v18  }
0xe8: {  	v10 =	vmul.f32 v11, v10;
	[tilespmem:s20+$0xFFFFFFB0] =	vst v15  }
0xe9: {  	v27 =	vpop (erf);
	[tilespmem:s20+$0xFFFFFF70] =	vst v21;
	v29 =	vmul.f32 $1.442695020e+00, v14  }
0xea: {  	s3 =	sadd.s32 $0x140, s12;
	v28 =	vpop (erf);
	[tilespmem:s20+$0x70] =	vst v10;
	v46 =	vperm.xlane v27, v3  }
0xeb: {  	v32 =	vunpack.i.l.bf16.f32 v17;
	[tilespmem:s3+$0xFFFFFFF0] =	vst v27;
	v55 =	vperm.xlane v27, v2;
	v30 =	vpop (erf);
	(erf) = vpow2.f32 v29  }
0xec: {  	v6 =	vunpack.i.l.bf16.f32 v6;
	[tilespmem:s3+$0xFFFFFFA0] =	vst v28;
	v38 =	vperm.xlane v28, v5;
	v7 =	vmul.f32 v46, v7  }
0xed: {  	v40 =	vperm.xlane v28, v4;
	[tilespmem:s3+$0x90] =	vst v30;
	v39 =	vunpack.i.u.bf16.f32 v16;
	v6 =	vmul.f32 v55, v6  }
0xee: {  	v58 =	vperm.xlane v28, v3;
	v42 =	vunpack.i.l.bf16.f32 v16;
	v43 =	vmul.f32 v38, v39;
	[tilespmem:s3+$0xFFFFFFC0] =	vst v7  }
0xef: {  	v60 =	vunpack.i.u.bf16.f32 v9;
	v31 =	vperm.xlane v30, v2;
	v16 =	vmul.f32 v40, v42;
	[tilespmem:s3+$0xFFFFFFB0] =	vst v6  }
0xf0: {  	v44 =	vunpack.i.l.bf16.f32 v9;
	v33 =	vperm.xlane v30, v3;
	v9 =	vmul.f32 v58, v60;
	[tilespmem:s3+$0xFFFFFF90] =	vst v43  }
0xf1: {  	v34 =	vunpack.i.u.bf16.f32 v17;
	v35 =	vperm.xlane v30, v5;
	v36 =	vmul.f32 v31, v32;
	[tilespmem:s3+$0xFFFFFF80] =	vst v16  }
0xf2: {  	v37 =	vunpack.i.u.bf16.f32 v13;
	v48 =	vperm.xlane v27, v4;
	v10 =	vmul.f32 v33, v34;
	[tilespmem:s3+$0xFFFFFF70] =	vst v9  }
0xf3: {  	v51 =	vunpack.i.l.bf16.f32 v12;
	v41 =	vperm.xlane v28, v2;
	v11 =	vmul.f32 v35, v37;
	[tilespmem:s3+$0x50] =	vst v36  }
0xf4: {  	v45 =	vld [tilespmem:s11+$0x0];
	v63 =	vperm.xlane v30, v4;
	v7 =	vmul.f32 v48, v51;
	[tilespmem:s3+$0x60] =	vst v10  }
0xf5: {  	v47 =	vperm.xlane v27, v5;
	v6 =	vunpack.i.l.bf16.f32 v13;
	[tilespmem:s3+$0x80] =	vst v11;
	v10 =	vmul.f32 v41, v44  }
0xf6: {  	v50 =	vunpack.i.u.bf16.f32 v12;
	v6 =	vmul.f32 v63, v6;
	[tilespmem:s3+$0xFFFFFFD0] =	vst v7;
	v49 =	vpop (erf)  }
0xf7: {  	[tilespmem:s3+$0xFFFFFF60] =	vst v10;
	v10 =	vmul.f32 v47, v50;
	v53 =	vperm.xlane v49, v5  }
0xf8: {  	v56 =	vunpack.i.u.bf16.f32 v8;
	[tilespmem:s3+$0x70] =	vst v6;
	v52 =	vperm.xlane v49, v2  }
0xf9: {  	s11 =	sor.u32 $0x1, s10;
	v54 =	vunpack.i.l.bf16.f32 v45;
	[tilespmem:s3+$0xFFFFFFE0] =	vst v10;
	v59 =	vperm.xlane v49, v3;
	v7 =	vmul.f32 v53, v56  }
0xfa: {  	s7 =	smul.u32 $0x500, s8;
	p2 =	sgt.u32 s11, $0x7C;
	v61 =	vunpack.i.u.bf16.f32 v45;
	[tilespmem:s3+$0x40] =	vst v49;
	v62 =	vperm.xlane v49, v4;
	v57 =	vmul.f32 v52, v54  }
.Ltmp6:
0xfb: {  	v10 =	vmul.f32 v59, v61;
	[tilespmem:s3+$0x30] =	vst v7;
	v7 =	vunpack.i.l.bf16.f32 v8;
	(pc) =	sbr.rel @p2 .LBB2_10-.Ltmp6, $4  }
0xfc: {  	[tilespmem:s3+$0x0] =	vst v57;
	v7 =	vmul.f32 v62, v7  }
0xfd: {  	s7 =	sshra.s32 s7, $0x2;
	[tilespmem:s3+$0x10] =	vst v10  }
0xfe: {  	s25 =	sadd.s32 $0x2710, s7;
	[tilespmem:s3+$0x20] =	vst v7  }
0xff: {  	[spmem:s2] =	stream.indirect.scatter.add.f32 [tilespmem:s31], [sflag:$0xD], $0x50, s25, s23, $0xb8;
	[tilespmem:$0x1EC80] =	vst v63  }
0x100: {  	s3 =	smul.u32 $0x140, s8;
	_ =	sdelay $0x1  }
0x101: {  	s12 =	simm.s32 $0x4E20;
	s7 =	sadd.s32 $0x140, s3  }
0x102: {  	[tilespmem:s12], [sflag:$0x1] =	stream.indirect.gather [hbm4b:s4+s23], $0x20, s7, s23, $0xb8;
	[tilespmem:$0x1EC80] =	vst v63  }
0x103: {  	s24 =	simm.s32 $0x7620  }
0x104: {  	[tilespmem:s24], [sflag:$0x5] =	stream.indirect.gather [hbm4b:s5+s23], $0x10, s7, s23, $0xb8;
	[tilespmem:$0x1EC80] =	vst v63  }
0x105: {  	s3 =	sadd.s32 $0x2850, s3  }
0x106: {  	[tilespmem:s26], [sflag:$0x9] =	stream.indirect.gather [hbm4b:s6+s23], $0x10, s3, s23, $0xb8;
	[tilespmem:$0x1EC80] =	vst v63  }
0x107: {  	_ =	swait.ge [sflag:s1], $0xA00  }
0x108: {  	[sflag:s1] =	ssyncset.done $0x0  }
0x109: {  	[sflag:s1] =	ssyncadd.s32 $0xFFFFF600  }
0x10a: {  	_ =	swait.ge [sflag:s22], $0x500  }
0x10b: {  	[sflag:s22] =	ssyncset.done $0x0  }
0x10c: {  	[sflag:s22] =	ssyncadd.s32 $0xFFFFFB00  }
0x10d: {  	_ =	swait.ge [sflag:s0], $0x500  }
0x10e: {  	[sflag:s0] =	ssyncset.done $0x0  }
0x10f: {  	s3 =	simm.s32 @!p0 $0xE;
	[sflag:s0] =	ssyncadd.s32 $0xFFFFFB00  }
0x110: {  	_ =	swait.ge @!p0 [sflag:s3], $0x1900  }
0x111: {  	[sflag:s3] =	ssyncset.done @!p0 $0x0  }
0x112: {  	s25 =	simm.s32 $0x7B40;
	[sflag:s3] =	ssyncadd.s32 @!p0 $0xFFFFE700  }
0x113: {  	s12 =	simm.s32 $0x8F40;
	v6 =	vld [tilespmem:s25+$0xFFFFFFE0]  }
0x114: {  	v7 =	vld [tilespmem:s12+$0x10]  }
0x115: {  	v8 =	vld [tilespmem:s12+$0xFFFFFFF0]  }
0x116: {  	v9 =	vld [tilespmem:s25+$0xFFFFFFF0]  }
0x117: {  	v10 =	vld [tilespmem:s12+$0xFFFFFFE0]  }
0x118: {  	v11 =	vld [tilespmem:s25+$0x10];
	_ =	sdelay $0x2  }
0x119: {  	v9 =	vadd.f32 v8, v9  }
0x11a: {  	v8 =	vperm.xlane v8, v1;
	v6 =	vadd.f32 v10, v6  }
0x11b: {  	v12 =	vperm.xlane v7, v1;
	v7 =	vadd.f32 v7, v11;
	v13 =	vmul.f32 $2.000000030e-01, v9  }
0x11c: {  	v10 =	vperm.xlane v10, v1;
	v11 =	vmul.f32 $2.000000030e-01, v6;
	vm0 =	vge.f32 v9, $0.0e+00  }
0x11d: {  	vm1 =	vge.f32 v6, $0.0e+00;
	v9 =	vsel vm0, v9, v13;
	v13 =	vmul.f32 $2.000000030e-01, v7  }
0x11e: {  	s16 =	simm.s32 $0x5860;
	v14 =	vld [tilespmem:s12+$0x0];
	vm10 =	vge.f32 v7, $0.0e+00;
	v6 =	vsel vm1, v6, v11;
	v8 =	vsub.f32 v9, v8  }
0x11f: {  	s24 =	simm.s32 $0x8F80;
	v18 =	vld [tilespmem:s16+$0xFFFFFFC0];
	v6 =	vsub.f32 v6, v10;
	v7 =	vsel vm10, v7, v13  }
0x120: {  	v20 =	vld [tilespmem:s24+$0x0];
	v8 =	vmul.f32 $1.442695020e+00, v8;
	v7 =	vsub.f32 v7, v12  }
0x121: {  	v9 =	vld [tilespmem:s25+$0x0];
	v6 =	vmul.f32 $1.442695020e+00, v6  }
0x122: {  	v26 =	vld [tilespmem:s16+$0xFFFFFFD0];
	v7 =	vmul.f32 $1.442695020e+00, v7;
	(erf) = vpow2.f32 v8  }
0x123: {  	v33 =	vld [tilespmem:s24+$0x10];
	(erf) = vpow2.f32 v6  }
0x124: {  	v36 =	vld [tilespmem:s24+$0xFFFFFFE0];
	s25 =	simm.s32 $0x7B80;
	(erf) = vpow2.f32 v7  }
0x125: {  	v30 =	vld [tilespmem:s25+$0xFFFFFFE0]  }
0x126: {  	v10 =	vld [tilespmem:s16+$0x30];
	v6 =	vadd.f32 v14, v9  }
0x127: {  	v35 =	vunpack.i.l.bf16.f32 v18;
	v13 =	vld [tilespmem:s16+$0xFFFFFFF0]  }
0x128: {  	v38 =	vperm.xlane v20, v1;
	v52 =	vunpack.i.l.bf16.f32 v26;
	v7 =	vld [tilespmem:s16+$0x20];
	v9 =	vmul.f32 $2.000000030e-01, v6  }
0x129: {  	v26 =	vunpack.i.u.bf16.f32 v26;
	v11 =	vperm.xlane v14, v1;
	v16 =	vld [tilespmem:s25+$0xFFFFFFF0];
	vm11 =	vge.f32 v6, $0.0e+00  }
0x12a: {  	v54 =	vperm.xlane v33, v1;
	v30 =	vadd.f32 v36, v30;
	v6 =	vsel vm11, v6, v9;
	v9 =	vld [tilespmem:s24+$0xFFFFFFF0]  }
0x12b: {  	v12 =	vld [tilespmem:s16+$0x10];
	v17 =	vunpack.i.u.bf16.f32 v10;
	v10 =	vunpack.i.l.bf16.f32 v10;
	v6 =	vsub.f32 v6, v11;
	v19 =	vpop (erf)  }
0x12c: {  	v22 =	vunpack.i.l.bf16.f32 v13;
	v36 =	vperm.xlane v36, v1;
	v56 =	vmul.f32 $2.000000030e-01, v30;
	v25 =	vpop (erf)  }
0x12d: {  	v8 =	vld [tilespmem:s16+$0xFFFFFFE0];
	v15 =	vunpack.i.u.bf16.f32 v7;
	v6 =	vmul.f32 $1.442695020e+00, v6;
	v23 =	vperm.xlane v19, v3;
	v29 =	vpop (erf)  }
0x12e: {  	v7 =	vunpack.i.l.bf16.f32 v7;
	v24 =	vperm.xlane v19, v4;
	v31 =	vperm.xlane v29, v2  }
0x12f: {  	v28 =	vperm.xlane v19, v2;
	v16 =	vadd.f32 v9, v16;
	v9 =	vperm.xlane v9, v1  }
0x130: {  	v21 =	vunpack.i.l.bf16.f32 v12;
	v27 =	vperm.xlane v25, v2;
	v31 =	vmul.f32 v31, v7;
	v7 =	vld [tilespmem:s25+$0x10]  }
0x131: {  	vm13 =	vge.f32 v30, $0.0e+00;
	(erf) = vpow2.f32 v6;
	v39 =	vperm.xlane v25, v3  }
0x132: {  	v14 =	vunpack.i.u.bf16.f32 v8;
	v53 =	vperm.xlane v25, v4;
	v32 =	vperm.xlane v29, v5  }
0x133: {  	v37 =	vunpack.i.l.bf16.f32 v8;
	v34 =	vperm.xlane v29, v3;
	v11 =	vperm.xlane v29, v4  }
0x134: {  	v55 =	vld [tilespmem:s25+$0x0];
	v8 =	vmul.f32 $2.000000030e-01, v16;
	vm12 =	vge.f32 v16, $0.0e+00;
	v14 =	vmul.f32 v23, v14  }
0x135: {  	s3 =	simm.s32 $0xB7C0;
	v57 =	vmul.f32 v27, v35;
	v15 =	vmul.f32 v34, v15;
	v33 =	vadd.f32 v33, v7  }
0x136: {  	[tilespmem:s3+$0xFFFFFFF0] =	vst v19;
	v8 =	vsel vm12, v16, v8;
	v16 =	vperm.xlane v25, v5;
	v17 =	vmul.f32 v32, v17  }
0x137: {  	v59 =	vld [tilespmem:s16+$0x0];
	v30 =	vsel vm13, v30, v56;
	[tilespmem:s3+$0xFFFFFFA0] =	vst v25;
	v32 =	vmul.f32 v53, v52;
	v58 =	vmul.f32 $2.000000030e-01, v33  }
0x138: {  	v8 =	vsub.f32 v8, v9;
	v9 =	vsub.f32 v30, v36;
	[tilespmem:s3+$0x60] =	vst v15;
	vm14 =	vge.f32 v33, $0.0e+00  }
0x139: {  	s20 =	simm.s32 $0x58E0;
	[tilespmem:s3+$0x80] =	vst v17;
	v17 =	vperm.xlane v19, v5;
	v19 =	vadd.f32 v20, v55;
	v15 =	vsel vm14, v33, v58  }
0x13a: {  	v6 =	vld [tilespmem:s20+$0xFFFFFFE0];
	[tilespmem:s3+$0x90] =	vst v29;
	v16 =	vmul.f32 v16, v26;
	v8 =	vmul.f32 $1.442695020e+00, v8;
	v15 =	vsub.f32 v15, v54  }
0x13b: {  	v12 =	vunpack.i.u.bf16.f32 v12;
	[tilespmem:s3+$0xFFFFFFC0] =	vst v14;
	v9 =	vmul.f32 $1.442695020e+00, v9;
	v20 =	vmul.f32 $2.000000030e-01, v19  }
0x13c: {  	[tilespmem:s3+$0xFFFFFF90] =	vst v16;
	v16 =	vunpack.i.u.bf16.f32 v59;
	v60 =	vpop (erf);
	(erf) = vpow2.f32 v8;
	v15 =	vmul.f32 $1.442695020e+00, v15  }
0x13d: {  	[tilespmem:s3+$0xFFFFFF60] =	vst v57;
	v8 =	vunpack.i.u.bf16.f32 v13;
	v61 =	vperm.xlane v60, v5;
	(erf) = vpow2.f32 v9  }
0x13e: {  	[tilespmem:s3+$0x50] =	vst v31;
	vm15 =	vge.f32 v19, $0.0e+00;
	v13 =	vmul.f32 v17, v8;
	v8 =	vld [tilespmem:s20+$0x10];
	(erf) = vpow2.f32 v15  }
0x13f: {  	[tilespmem:s3+$0xFFFFFF80] =	vst v32;
	v7 =	vunpack.i.u.bf16.f32 v6;
	v23 =	vperm.xlane v60, v2;
	v17 =	vld [tilespmem:s20+$0x20];
	v14 =	vperm.xlane v60, v3  }
0x140: {  	v62 =	vperm.xlane v60, v4;
	[tilespmem:s3+$0xFFFFFFE0] =	vst v13;
	v13 =	vld [tilespmem:s20+$0x30];
	v15 =	vmul.f32 v24, v22;
	v22 =	vunpack.i.l.bf16.f32 v59  }
0x141: {  	v63 =	vsel vm15, v19, v20;
	[tilespmem:s3+$0x40] =	vst v60;
	v20 =	vmul.f32 v61, v12;
	v12 =	vld [tilespmem:s20+$0xFFFFFFF0];
	v22 =	vmul.f32 v23, v22  }
0x142: {  	s7 =	simm.s32 $0x8FC0;
	s12 =	simm.s32 $0x4;
	v9 =	vld [tilespmem:s20+$0xFFFFFFC0];
	v19 =	vmul.f32 v14, v16;
	[tilespmem:s3+$0xFFFFFFD0] =	vst v15;
	v15 =	vunpack.i.u.bf16.f32 v18;
	v18 =	vmul.f32 v62, v21  }
0x143: {  	s16 =	simm.s32 $0xB7C0;
	s24 =	simm.s32 $0x7BC0;
	s25 =	simm.s32 $0x5960;
	v16 =	vld [tilespmem:s20+$0xFFFFFFD0];
	v14 =	vsub.f32 v63, v38;
	v21 =	vmul.f32 v39, v15;
	v15 =	vmul.f32 v28, v37;
	[tilespmem:s3+$0x0] =	vst v22  }
.LBB2_8:
0x144: {  	v22 =	vld [tilespmem:s24+$0xFFFFFFE0];
	s12 =	sadd.s32 $0x4, s12;
	v23 =	vunpack.i.u.bf16.f32 v17;
	[tilespmem:s3+$0x30] =	vst v20;
	v20 =	vmul.f32 v11, v10;
	s16 =	sadd.s32 $0x140, s16  }
0x145: {  	v24 =	vld [tilespmem:s25+$0xFFFFFFE0];
	p2 =	slt.u32 s12, $0x4C;
	v25 =	vmul.f32 $1.442695020e+00, v14;
	v14 =	vunpack.i.l.bf16.f32 v8;
	v26 =	vunpack.i.u.bf16.f32 v13;
	v27 =	vpop (erf);
	[tilespmem:s3+$0xFFFFFFB0] =	vst v15  }
0x146: {  	v28 =	vld [tilespmem:s7+$0x0];
	v29 =	vunpack.i.l.bf16.f32 v12;
	v30 =	vperm.xlane v27, v3;
	v31 =	vperm.xlane v27, v4;
	v32 =	vpop (erf);
	[tilespmem:s3+$0xFFFFFF70] =	vst v21  }
0x147: {  	v17 =	vunpack.i.l.bf16.f32 v17;
	v15 =	vperm.xlane v27, v2;
	v21 =	vld [tilespmem:s7+$0x10];
	v33 =	vperm.xlane v32, v2;
	v34 =	vpop (erf);
	[tilespmem:s3+$0x10] =	vst v19  }
0x148: {  	v10 =	vunpack.i.l.bf16.f32 v13;
	v19 =	vld [tilespmem:s7+$0xFFFFFFF0];
	v13 =	vperm.xlane v34, v2;
	v35 =	vperm.xlane v34, v5;
	[tilespmem:s3+$0x20] =	vst v18  }
0x149: {  	v36 =	vunpack.i.l.bf16.f32 v9;
	v37 =	vperm.xlane v34, v3;
	v11 =	vperm.xlane v34, v4;
	v18 =	vld [tilespmem:s24+$0xFFFFFFF0];
	[tilespmem:s3+$0x70] =	vst v20;
	s3 =	smov.u32 s16  }
0x14a: {  	v38 =	vunpack.i.l.bf16.f32 v6;
	v20 =	vld [tilespmem:s7+$0xFFFFFFE0];
	v13 =	vmul.f32 v13, v17;
	[tilespmem:s16+$0x90] =	vst v34;
	(erf) = vpow2.f32 v25;
	v6 =	vmovc v24  }
0x14b: {  	v23 =	vmul.f32 v37, v23;
	v17 =	vunpack.i.u.bf16.f32 v6;
	v24 =	vperm.xlane v28, v1;
	v25 =	vld [tilespmem:s24+$0x10];
	[tilespmem:s16+$0xFFFFFFA0] =	vst v32  }
0x14c: {  	v39 =	vperm.xlane v32, v3;
	v37 =	vunpack.i.l.bf16.f32 v16;
	v34 =	vld [tilespmem:s24+$0x0];
	[tilespmem:s16+$0x50] =	vst v13;
	v13 =	vmul.f32 v35, v26  }
0x14d: {  	v16 =	vunpack.i.u.bf16.f32 v16;
	v35 =	vperm.xlane v32, v4;
	v32 =	vperm.xlane v32, v5;
	v26 =	vld [tilespmem:s25+$0xFFFFFFC0];
	[tilespmem:s16+$0x60] =	vst v23  }
0x14e: {  	v23 =	vperm.xlane v19, v1;
	v18 =	vadd.f32 v19, v18;
	v19 =	vperm.xlane v21, v1;
	[tilespmem:s16+$0x80] =	vst v13  }
0x14f: {  	v16 =	vmul.f32 v32, v16;
	v13 =	vperm.xlane v20, v1;
	v20 =	vadd.f32 v20, v22;
	[tilespmem:s16+$0xFFFFFFF0] =	vst v27  }
0x150: {  	v35 =	vmul.f32 v35, v37;
	v22 =	vmul.f32 $2.000000030e-01, v18;
	v21 =	vadd.f32 v21, v25  }
0x151: {  	vm1 =	vge.f32 v18, $0.0e+00;
	vm0 =	vge.f32 v20, $0.0e+00;
	v32 =	vmul.f32 $2.000000030e-01, v20;
	[tilespmem:s16+$0xFFFFFF90] =	vst v16  }
0x152: {  	v16 =	vsel vm1, v18, v22;
	v18 =	vmul.f32 $2.000000030e-01, v21;
	v22 =	vmul.f32 v33, v36;
	[tilespmem:s16+$0xFFFFFF80] =	vst v35  }
0x153: {  	v20 =	vsel vm0, v20, v32;
	v16 =	vsub.f32 v16, v23;
	vm0 =	vge.f32 v21, $0.0e+00;
	v23 =	vld [tilespmem:s20+$0x0];
	v25 =	vpop (erf);
	s20 =	smov.u32 s25  }
0x154: {  	v13 =	vsub.f32 v20, v13;
	v18 =	vsel vm0, v21, v18;
	[tilespmem:s16+$0xFFFFFF60] =	vst v22;
	v20 =	vperm.xlane v25, v5  }
0x155: {  	v16 =	vmul.f32 $1.442695020e+00, v16;
	v18 =	vsub.f32 v18, v19;
	v19 =	vperm.xlane v27, v5;
	[tilespmem:s16+$0x40] =	vst v25  }
0x156: {  	v21 =	vadd.f32 v28, v34;
	v22 =	vmul.f32 v30, v7;
	v7 =	vmovc v17;
	v13 =	vmul.f32 $1.442695020e+00, v13  }
0x157: {  	v12 =	vunpack.i.u.bf16.f32 v12;
	v17 =	vmul.f32 $1.442695020e+00, v18;
	(erf) = vpow2.f32 v16  }
0x158: {  	v12 =	vmul.f32 v19, v12;
	(erf) = vpow2.f32 v13;
	[tilespmem:s16+$0xFFFFFFC0] =	vst v22;
	v16 =	vunpack.i.u.bf16.f32 v23  }
0x159: {  	v18 =	vmul.f32 v31, v29;
	v19 =	vunpack.i.u.bf16.f32 v8;
	(erf) = vpow2.f32 v17;
	v8 =	vld [tilespmem:s25+$0x10]  }
.Ltmp7:
0x15a: {  	v27 =	vperm.xlane v25, v2;
	v22 =	vmul.f32 $2.000000030e-01, v21;
	v23 =	vunpack.i.l.bf16.f32 v23;
	v17 =	vld [tilespmem:s25+$0x20];
	[tilespmem:s16+$0xFFFFFFE0] =	vst v12;
	(pc) =	sbr.rel @p2 .LBB2_8-.Ltmp7, $4  }
0x15b: {  	vm0 =	vge.f32 v21, $0.0e+00;
	v13 =	vld [tilespmem:s25+$0x30];
	[tilespmem:s16+$0xFFFFFFD0] =	vst v18;
	v18 =	vperm.xlane v25, v3;
	v25 =	vperm.xlane v25, v4  }
0x15c: {  	v20 =	vmul.f32 v20, v19;
	v21 =	vsel vm0, v21, v22;
	v22 =	vmul.f32 v27, v23;
	v12 =	vld [tilespmem:s25+$0xFFFFFFF0]  }
0x15d: {  	v23 =	vunpack.i.u.bf16.f32 v9;
	v9 =	vmovc v26;
	v19 =	vmul.f32 v18, v16;
	v18 =	vmul.f32 v25, v14  }
0x15e: {  	v15 =	vmul.f32 v15, v38;
	s7 =	sadd.s32 $0x40, s7;
	s24 =	sadd.s32 $0x40, s24;
	s25 =	sadd.s32 $0x80, s25;
	v14 =	vsub.f32 v21, v24;
	v21 =	vmul.f32 v39, v23;
	v16 =	vld [tilespmem:s20+$0xFFFFFFD0];
	[tilespmem:s16+$0x0] =	vst v22  }
0x15f: {  	[tilespmem:s3+$0x30] =	vst v20  }
0x160: {  	[tilespmem:s3+$0x10] =	vst v19  }
0x161: {  	[tilespmem:s3+$0x20] =	vst v18  }
0x162: {  	v10 =	vmul.f32 v11, v10;
	[tilespmem:s3+$0xFFFFFFB0] =	vst v15  }
0x163: {  	v27 =	vpop (erf);
	[tilespmem:s3+$0xFFFFFF70] =	vst v21;
	v29 =	vmul.f32 $1.442695020e+00, v14  }
0x164: {  	s7 =	sadd.s32 $0x140, s16;
	v28 =	vpop (erf);
	[tilespmem:s3+$0x70] =	vst v10;
	v46 =	vperm.xlane v27, v3  }
0x165: {  	v32 =	vunpack.i.l.bf16.f32 v17;
	[tilespmem:s7+$0xFFFFFFF0] =	vst v27;
	v55 =	vperm.xlane v27, v2;
	v30 =	vpop (erf);
	(erf) = vpow2.f32 v29  }
0x166: {  	v6 =	vunpack.i.l.bf16.f32 v6;
	[tilespmem:s7+$0xFFFFFFA0] =	vst v28;
	v38 =	vperm.xlane v28, v5;
	v7 =	vmul.f32 v46, v7  }
0x167: {  	v40 =	vperm.xlane v28, v4;
	[tilespmem:s7+$0x90] =	vst v30;
	v39 =	vunpack.i.u.bf16.f32 v16;
	v6 =	vmul.f32 v55, v6  }
0x168: {  	v58 =	vperm.xlane v28, v3;
	v42 =	vunpack.i.l.bf16.f32 v16;
	v43 =	vmul.f32 v38, v39;
	[tilespmem:s7+$0xFFFFFFC0] =	vst v7  }
0x169: {  	v60 =	vunpack.i.u.bf16.f32 v9;
	v31 =	vperm.xlane v30, v2;
	v16 =	vmul.f32 v40, v42;
	[tilespmem:s7+$0xFFFFFFB0] =	vst v6  }
0x16a: {  	v44 =	vunpack.i.l.bf16.f32 v9;
	v33 =	vperm.xlane v30, v3;
	v9 =	vmul.f32 v58, v60;
	[tilespmem:s7+$0xFFFFFF90] =	vst v43  }
0x16b: {  	v34 =	vunpack.i.u.bf16.f32 v17;
	v35 =	vperm.xlane v30, v5;
	v36 =	vmul.f32 v31, v32;
	[tilespmem:s7+$0xFFFFFF80] =	vst v16  }
0x16c: {  	v37 =	vunpack.i.u.bf16.f32 v13;
	v48 =	vperm.xlane v27, v4;
	v10 =	vmul.f32 v33, v34;
	[tilespmem:s7+$0xFFFFFF70] =	vst v9  }
0x16d: {  	v51 =	vunpack.i.l.bf16.f32 v12;
	v41 =	vperm.xlane v28, v2;
	v11 =	vmul.f32 v35, v37;
	[tilespmem:s7+$0x50] =	vst v36  }
0x16e: {  	v45 =	vld [tilespmem:s20+$0x0];
	v63 =	vperm.xlane v30, v4;
	v7 =	vmul.f32 v48, v51;
	[tilespmem:s7+$0x60] =	vst v10  }
0x16f: {  	v47 =	vperm.xlane v27, v5;
	v6 =	vunpack.i.l.bf16.f32 v13;
	[tilespmem:s7+$0x80] =	vst v11;
	v10 =	vmul.f32 v41, v44  }
0x170: {  	v50 =	vunpack.i.u.bf16.f32 v12;
	v6 =	vmul.f32 v63, v6;
	[tilespmem:s7+$0xFFFFFFD0] =	vst v7;
	v49 =	vpop (erf)  }
0x171: {  	[tilespmem:s7+$0xFFFFFF60] =	vst v10;
	v10 =	vmul.f32 v47, v50;
	v53 =	vperm.xlane v49, v5  }
0x172: {  	v56 =	vunpack.i.u.bf16.f32 v8;
	[tilespmem:s7+$0x70] =	vst v6;
	v52 =	vperm.xlane v49, v2  }
0x173: {  	v54 =	vunpack.i.l.bf16.f32 v45;
	[tilespmem:s7+$0xFFFFFFE0] =	vst v10;
	v59 =	vperm.xlane v49, v3;
	v7 =	vmul.f32 v53, v56  }
0x174: {  	v61 =	vunpack.i.u.bf16.f32 v45;
	[tilespmem:s7+$0x40] =	vst v49;
	v62 =	vperm.xlane v49, v4;
	v57 =	vmul.f32 v52, v54  }
0x175: {  	s24 =	smul.u32 $0x140, s11;
	v10 =	vmul.f32 v59, v61;
	[tilespmem:s7+$0x30] =	vst v7;
	v7 =	vunpack.i.l.bf16.f32 v8  }
0x176: {  	[tilespmem:s7+$0x0] =	vst v57;
	v7 =	vmul.f32 v62, v7  }
0x177: {  	s3 =	sshra.s32 s24, $0x2;
	[tilespmem:s7+$0x10] =	vst v10  }
0x178: {  	s25 =	simm.s32 $0xB720;
	s3 =	sadd.s32 $0x2710, s3;
	[tilespmem:s7+$0x20] =	vst v7  }
0x179: {  	[spmem:s2] =	stream.indirect.scatter.add.f32 [tilespmem:s25], [sflag:$0xE], $0x50, s3, s23, $0xb8;
	[tilespmem:$0x1EC80] =	vst v63  }
.LBB2_10:
0x17a: {  	s11 =	sor.u32 $0x2, s10  }
0x17b: {  	p3 =	sgt.u32 s11, $0x7C  }
.Ltmp8:
0x17c: {  	_ = 	snop;
	(pc) =	sbr.rel @p3 .LBB2_14-.Ltmp8, $3  }
0x17d: {  	_ =	sdelay $0x1  }
0x17e: {  	p2 =	sgt.u32 s8, $0x1D  }
0x17f: {  	s10 =	smul.u32 @!p2 $0x140, s8  }
0x180: {  	_ = 	snop  }
0x181: {  	s7 =	simm.s32 @!p2 $0x50;
	s12 =	simm.s32 @!p2 $0x5820;
	s3 =	sadd.s32 @!p2 $0x190, s10  }
0x182: {  	[tilespmem:s12], [sflag:$0x2] =	stream.indirect.gather @!p2 [hbm4b:s4+s7], $0x20, s3, s7, $0xb8;
	[tilespmem:$0x1EC80] =	vst v63  }
0x183: {  	s12 =	simm.s32 @!p2 $0x7B20  }
0x184: {  	[tilespmem:s12], [sflag:$0x6] =	stream.indirect.gather @!p2 [hbm4b:s5+s7], $0x10, s3, s7, $0xb8;
	[tilespmem:$0x1EC80] =	vst v63  }
0x185: {  	s3 =	sadd.s32 @!p2 $0x28A0, s10;
	s12 =	simm.s32 @!p2 $0x8F20  }
0x186: {  	[tilespmem:s12], [sflag:$0xA] =	stream.indirect.gather @!p2 [hbm4b:s6+s7], $0x10, s3, s7, $0xb8;
	[tilespmem:$0x1EC80] =	vst v63  }
0x187: {  	_ =	swait.ge [sflag:s13], $0xA00  }
0x188: {  	[sflag:s13] =	ssyncset.done $0x0  }
0x189: {  	[sflag:s13] =	ssyncadd.s32 $0xFFFFF600  }
0x18a: {  	_ =	swait.ge [sflag:s14], $0x500  }
0x18b: {  	[sflag:s14] =	ssyncset.done $0x0  }
0x18c: {  	[sflag:s14] =	ssyncadd.s32 $0xFFFFFB00  }
0x18d: {  	_ =	swait.ge [sflag:s15], $0x500  }
0x18e: {  	[sflag:s15] =	ssyncset.done $0x0  }
0x18f: {  	s3 =	simm.s32 @!p0 $0xF;
	[sflag:s15] =	ssyncadd.s32 $0xFFFFFB00  }
0x190: {  	_ =	swait.ge @!p0 [sflag:s3], $0x1900  }
0x191: {  	[sflag:s3] =	ssyncset.done @!p0 $0x0  }
0x192: {  	s25 =	simm.s32 $0x8040;
	[sflag:s3] =	ssyncadd.s32 @!p0 $0xFFFFE700  }
0x193: {  	s12 =	simm.s32 $0x9440;
	v6 =	vld [tilespmem:s25+$0xFFFFFFE0]  }
0x194: {  	v7 =	vld [tilespmem:s12+$0x10]  }
0x195: {  	v8 =	vld [tilespmem:s12+$0xFFFFFFF0]  }
0x196: {  	v9 =	vld [tilespmem:s25+$0xFFFFFFF0]  }
0x197: {  	v10 =	vld [tilespmem:s12+$0xFFFFFFE0]  }
0x198: {  	v11 =	vld [tilespmem:s25+$0x10];
	_ =	sdelay $0x2  }
0x199: {  	v9 =	vadd.f32 v8, v9  }
0x19a: {  	v8 =	vperm.xlane v8, v1;
	v6 =	vadd.f32 v10, v6  }
0x19b: {  	v12 =	vperm.xlane v7, v1;
	v7 =	vadd.f32 v7, v11;
	v13 =	vmul.f32 $2.000000030e-01, v9  }
0x19c: {  	v10 =	vperm.xlane v10, v1;
	v11 =	vmul.f32 $2.000000030e-01, v6;
	vm0 =	vge.f32 v9, $0.0e+00  }
0x19d: {  	vm1 =	vge.f32 v6, $0.0e+00;
	v9 =	vsel vm0, v9, v13;
	v13 =	vmul.f32 $2.000000030e-01, v7  }
0x19e: {  	s16 =	simm.s32 $0x6260;
	v14 =	vld [tilespmem:s12+$0x0];
	vm10 =	vge.f32 v7, $0.0e+00;
	v6 =	vsel vm1, v6, v11;
	v8 =	vsub.f32 v9, v8  }
0x19f: {  	s24 =	simm.s32 $0x9480;
	v18 =	vld [tilespmem:s16+$0xFFFFFFC0];
	v6 =	vsub.f32 v6, v10;
	v7 =	vsel vm10, v7, v13  }
0x1a0: {  	v20 =	vld [tilespmem:s24+$0x0];
	v8 =	vmul.f32 $1.442695020e+00, v8;
	v7 =	vsub.f32 v7, v12  }
0x1a1: {  	v9 =	vld [tilespmem:s25+$0x0];
	v6 =	vmul.f32 $1.442695020e+00, v6  }
0x1a2: {  	v26 =	vld [tilespmem:s16+$0xFFFFFFD0];
	v7 =	vmul.f32 $1.442695020e+00, v7;
	(erf) = vpow2.f32 v8  }
0x1a3: {  	v33 =	vld [tilespmem:s24+$0x10];
	(erf) = vpow2.f32 v6  }
0x1a4: {  	v36 =	vld [tilespmem:s24+$0xFFFFFFE0];
	s25 =	simm.s32 $0x8080;
	(erf) = vpow2.f32 v7  }
0x1a5: {  	v30 =	vld [tilespmem:s25+$0xFFFFFFE0]  }
0x1a6: {  	v10 =	vld [tilespmem:s16+$0x30];
	v6 =	vadd.f32 v14, v9  }
0x1a7: {  	v35 =	vunpack.i.l.bf16.f32 v18;
	v13 =	vld [tilespmem:s16+$0xFFFFFFF0]  }
0x1a8: {  	v38 =	vperm.xlane v20, v1;
	v52 =	vunpack.i.l.bf16.f32 v26;
	v7 =	vld [tilespmem:s16+$0x20];
	v9 =	vmul.f32 $2.000000030e-01, v6  }
0x1a9: {  	v26 =	vunpack.i.u.bf16.f32 v26;
	v11 =	vperm.xlane v14, v1;
	v16 =	vld [tilespmem:s25+$0xFFFFFFF0];
	vm11 =	vge.f32 v6, $0.0e+00  }
0x1aa: {  	v54 =	vperm.xlane v33, v1;
	v30 =	vadd.f32 v36, v30;
	v6 =	vsel vm11, v6, v9;
	v9 =	vld [tilespmem:s24+$0xFFFFFFF0]  }
0x1ab: {  	v12 =	vld [tilespmem:s16+$0x10];
	v17 =	vunpack.i.u.bf16.f32 v10;
	v10 =	vunpack.i.l.bf16.f32 v10;
	v6 =	vsub.f32 v6, v11;
	v19 =	vpop (erf)  }
0x1ac: {  	v22 =	vunpack.i.l.bf16.f32 v13;
	v36 =	vperm.xlane v36, v1;
	v56 =	vmul.f32 $2.000000030e-01, v30;
	v25 =	vpop (erf)  }
0x1ad: {  	v8 =	vld [tilespmem:s16+$0xFFFFFFE0];
	v15 =	vunpack.i.u.bf16.f32 v7;
	v6 =	vmul.f32 $1.442695020e+00, v6;
	v23 =	vperm.xlane v19, v3;
	v29 =	vpop (erf)  }
0x1ae: {  	v7 =	vunpack.i.l.bf16.f32 v7;
	v24 =	vperm.xlane v19, v4;
	v31 =	vperm.xlane v29, v2  }
0x1af: {  	v28 =	vperm.xlane v19, v2;
	v16 =	vadd.f32 v9, v16;
	v9 =	vperm.xlane v9, v1  }
0x1b0: {  	v21 =	vunpack.i.l.bf16.f32 v12;
	v27 =	vperm.xlane v25, v2;
	v31 =	vmul.f32 v31, v7;
	v7 =	vld [tilespmem:s25+$0x10]  }
0x1b1: {  	vm13 =	vge.f32 v30, $0.0e+00;
	(erf) = vpow2.f32 v6;
	v39 =	vperm.xlane v25, v3  }
0x1b2: {  	v14 =	vunpack.i.u.bf16.f32 v8;
	v53 =	vperm.xlane v25, v4;
	v32 =	vperm.xlane v29, v5  }
0x1b3: {  	v37 =	vunpack.i.l.bf16.f32 v8;
	v34 =	vperm.xlane v29, v3;
	v11 =	vperm.xlane v29, v4  }
0x1b4: {  	v55 =	vld [tilespmem:s25+$0x0];
	v8 =	vmul.f32 $2.000000030e-01, v16;
	vm12 =	vge.f32 v16, $0.0e+00;
	v14 =	vmul.f32 v23, v14  }
0x1b5: {  	s3 =	simm.s32 $0xD0C0;
	v57 =	vmul.f32 v27, v35;
	v15 =	vmul.f32 v34, v15;
	v33 =	vadd.f32 v33, v7  }
0x1b6: {  	[tilespmem:s3+$0xFFFFFFF0] =	vst v19;
	v8 =	vsel vm12, v16, v8;
	v16 =	vperm.xlane v25, v5;
	v17 =	vmul.f32 v32, v17  }
0x1b7: {  	v59 =	vld [tilespmem:s16+$0x0];
	v30 =	vsel vm13, v30, v56;
	[tilespmem:s3+$0xFFFFFFA0] =	vst v25;
	v32 =	vmul.f32 v53, v52;
	v58 =	vmul.f32 $2.000000030e-01, v33  }
0x1b8: {  	v8 =	vsub.f32 v8, v9;
	v9 =	vsub.f32 v30, v36;
	[tilespmem:s3+$0x60] =	vst v15;
	vm14 =	vge.f32 v33, $0.0e+00  }
0x1b9: {  	s20 =	simm.s32 $0x62E0;
	[tilespmem:s3+$0x80] =	vst v17;
	v17 =	vperm.xlane v19, v5;
	v19 =	vadd.f32 v20, v55;
	v15 =	vsel vm14, v33, v58  }
0x1ba: {  	v6 =	vld [tilespmem:s20+$0xFFFFFFE0];
	[tilespmem:s3+$0x90] =	vst v29;
	v16 =	vmul.f32 v16, v26;
	v8 =	vmul.f32 $1.442695020e+00, v8;
	v15 =	vsub.f32 v15, v54  }
0x1bb: {  	v12 =	vunpack.i.u.bf16.f32 v12;
	[tilespmem:s3+$0xFFFFFFC0] =	vst v14;
	v9 =	vmul.f32 $1.442695020e+00, v9;
	v20 =	vmul.f32 $2.000000030e-01, v19  }
0x1bc: {  	[tilespmem:s3+$0xFFFFFF90] =	vst v16;
	v16 =	vunpack.i.u.bf16.f32 v59;
	v60 =	vpop (erf);
	(erf) = vpow2.f32 v8;
	v15 =	vmul.f32 $1.442695020e+00, v15  }
0x1bd: {  	[tilespmem:s3+$0xFFFFFF60] =	vst v57;
	v8 =	vunpack.i.u.bf16.f32 v13;
	v61 =	vperm.xlane v60, v5;
	(erf) = vpow2.f32 v9  }
0x1be: {  	[tilespmem:s3+$0x50] =	vst v31;
	vm15 =	vge.f32 v19, $0.0e+00;
	v13 =	vmul.f32 v17, v8;
	v8 =	vld [tilespmem:s20+$0x10];
	(erf) = vpow2.f32 v15  }
0x1bf: {  	[tilespmem:s3+$0xFFFFFF80] =	vst v32;
	v7 =	vunpack.i.u.bf16.f32 v6;
	v23 =	vperm.xlane v60, v2;
	v17 =	vld [tilespmem:s20+$0x20];
	v14 =	vperm.xlane v60, v3  }
0x1c0: {  	v62 =	vperm.xlane v60, v4;
	[tilespmem:s3+$0xFFFFFFE0] =	vst v13;
	v13 =	vld [tilespmem:s20+$0x30];
	v15 =	vmul.f32 v24, v22;
	v22 =	vunpack.i.l.bf16.f32 v59  }
0x1c1: {  	v63 =	vsel vm15, v19, v20;
	[tilespmem:s3+$0x40] =	vst v60;
	v20 =	vmul.f32 v61, v12;
	v12 =	vld [tilespmem:s20+$0xFFFFFFF0];
	v22 =	vmul.f32 v23, v22  }
0x1c2: {  	s7 =	simm.s32 $0x94C0;
	s12 =	simm.s32 $0x4;
	v9 =	vld [tilespmem:s20+$0xFFFFFFC0];
	v19 =	vmul.f32 v14, v16;
	[tilespmem:s3+$0xFFFFFFD0] =	vst v15;
	v15 =	vunpack.i.u.bf16.f32 v18;
	v18 =	vmul.f32 v62, v21  }
0x1c3: {  	s16 =	simm.s32 $0xD0C0;
	s24 =	simm.s32 $0x80C0;
	s25 =	simm.s32 $0x6360;
	v16 =	vld [tilespmem:s20+$0xFFFFFFD0];
	v14 =	vsub.f32 v63, v38;
	v21 =	vmul.f32 v39, v15;
	v15 =	vmul.f32 v28, v37;
	[tilespmem:s3+$0x0] =	vst v22  }
.LBB2_12:
0x1c4: {  	v22 =	vld [tilespmem:s24+$0xFFFFFFE0];
	s12 =	sadd.s32 $0x4, s12;
	v23 =	vunpack.i.u.bf16.f32 v17;
	[tilespmem:s3+$0x30] =	vst v20;
	v20 =	vmul.f32 v11, v10;
	s16 =	sadd.s32 $0x140, s16  }
0x1c5: {  	v24 =	vld [tilespmem:s25+$0xFFFFFFE0];
	p3 =	slt.u32 s12, $0x4C;
	v25 =	vmul.f32 $1.442695020e+00, v14;
	v14 =	vunpack.i.l.bf16.f32 v8;
	v26 =	vunpack.i.u.bf16.f32 v13;
	v27 =	vpop (erf);
	[tilespmem:s3+$0xFFFFFFB0] =	vst v15  }
0x1c6: {  	v28 =	vld [tilespmem:s7+$0x0];
	v29 =	vunpack.i.l.bf16.f32 v12;
	v30 =	vperm.xlane v27, v3;
	v31 =	vperm.xlane v27, v4;
	v32 =	vpop (erf);
	[tilespmem:s3+$0xFFFFFF70] =	vst v21  }
0x1c7: {  	v17 =	vunpack.i.l.bf16.f32 v17;
	v15 =	vperm.xlane v27, v2;
	v21 =	vld [tilespmem:s7+$0x10];
	v33 =	vperm.xlane v32, v2;
	v34 =	vpop (erf);
	[tilespmem:s3+$0x10] =	vst v19  }
0x1c8: {  	v10 =	vunpack.i.l.bf16.f32 v13;
	v19 =	vld [tilespmem:s7+$0xFFFFFFF0];
	v13 =	vperm.xlane v34, v2;
	v35 =	vperm.xlane v34, v5;
	[tilespmem:s3+$0x20] =	vst v18  }
0x1c9: {  	v36 =	vunpack.i.l.bf16.f32 v9;
	v37 =	vperm.xlane v34, v3;
	v11 =	vperm.xlane v34, v4;
	v18 =	vld [tilespmem:s24+$0xFFFFFFF0];
	[tilespmem:s3+$0x70] =	vst v20;
	s3 =	smov.u32 s16  }
0x1ca: {  	v38 =	vunpack.i.l.bf16.f32 v6;
	v20 =	vld [tilespmem:s7+$0xFFFFFFE0];
	v13 =	vmul.f32 v13, v17;
	[tilespmem:s16+$0x90] =	vst v34;
	(erf) = vpow2.f32 v25;
	v6 =	vmovc v24  }
0x1cb: {  	v23 =	vmul.f32 v37, v23;
	v17 =	vunpack.i.u.bf16.f32 v6;
	v24 =	vperm.xlane v28, v1;
	v25 =	vld [tilespmem:s24+$0x10];
	[tilespmem:s16+$0xFFFFFFA0] =	vst v32  }
0x1cc: {  	v39 =	vperm.xlane v32, v3;
	v37 =	vunpack.i.l.bf16.f32 v16;
	v34 =	vld [tilespmem:s24+$0x0];
	[tilespmem:s16+$0x50] =	vst v13;
	v13 =	vmul.f32 v35, v26  }
0x1cd: {  	v16 =	vunpack.i.u.bf16.f32 v16;
	v35 =	vperm.xlane v32, v4;
	v32 =	vperm.xlane v32, v5;
	v26 =	vld [tilespmem:s25+$0xFFFFFFC0];
	[tilespmem:s16+$0x60] =	vst v23  }
0x1ce: {  	v23 =	vperm.xlane v19, v1;
	v18 =	vadd.f32 v19, v18;
	v19 =	vperm.xlane v21, v1;
	[tilespmem:s16+$0x80] =	vst v13  }
0x1cf: {  	v16 =	vmul.f32 v32, v16;
	v13 =	vperm.xlane v20, v1;
	v20 =	vadd.f32 v20, v22;
	[tilespmem:s16+$0xFFFFFFF0] =	vst v27  }
0x1d0: {  	v35 =	vmul.f32 v35, v37;
	v22 =	vmul.f32 $2.000000030e-01, v18;
	v21 =	vadd.f32 v21, v25  }
0x1d1: {  	vm1 =	vge.f32 v18, $0.0e+00;
	vm0 =	vge.f32 v20, $0.0e+00;
	v32 =	vmul.f32 $2.000000030e-01, v20;
	[tilespmem:s16+$0xFFFFFF90] =	vst v16  }
0x1d2: {  	v16 =	vsel vm1, v18, v22;
	v18 =	vmul.f32 $2.000000030e-01, v21;
	v22 =	vmul.f32 v33, v36;
	[tilespmem:s16+$0xFFFFFF80] =	vst v35  }
0x1d3: {  	v20 =	vsel vm0, v20, v32;
	v16 =	vsub.f32 v16, v23;
	vm0 =	vge.f32 v21, $0.0e+00;
	v23 =	vld [tilespmem:s20+$0x0];
	v25 =	vpop (erf);
	s20 =	smov.u32 s25  }
0x1d4: {  	v13 =	vsub.f32 v20, v13;
	v18 =	vsel vm0, v21, v18;
	[tilespmem:s16+$0xFFFFFF60] =	vst v22;
	v20 =	vperm.xlane v25, v5  }
0x1d5: {  	v16 =	vmul.f32 $1.442695020e+00, v16;
	v18 =	vsub.f32 v18, v19;
	v19 =	vperm.xlane v27, v5;
	[tilespmem:s16+$0x40] =	vst v25  }
0x1d6: {  	v21 =	vadd.f32 v28, v34;
	v22 =	vmul.f32 v30, v7;
	v7 =	vmovc v17;
	v13 =	vmul.f32 $1.442695020e+00, v13  }
0x1d7: {  	v12 =	vunpack.i.u.bf16.f32 v12;
	v17 =	vmul.f32 $1.442695020e+00, v18;
	(erf) = vpow2.f32 v16  }
0x1d8: {  	v12 =	vmul.f32 v19, v12;
	(erf) = vpow2.f32 v13;
	[tilespmem:s16+$0xFFFFFFC0] =	vst v22;
	v16 =	vunpack.i.u.bf16.f32 v23  }
0x1d9: {  	v18 =	vmul.f32 v31, v29;
	v19 =	vunpack.i.u.bf16.f32 v8;
	(erf) = vpow2.f32 v17;
	v8 =	vld [tilespmem:s25+$0x10]  }
.Ltmp9:
0x1da: {  	v27 =	vperm.xlane v25, v2;
	v22 =	vmul.f32 $2.000000030e-01, v21;
	v23 =	vunpack.i.l.bf16.f32 v23;
	v17 =	vld [tilespmem:s25+$0x20];
	[tilespmem:s16+$0xFFFFFFE0] =	vst v12;
	(pc) =	sbr.rel @p3 .LBB2_12-.Ltmp9, $4  }
0x1db: {  	vm0 =	vge.f32 v21, $0.0e+00;
	v13 =	vld [tilespmem:s25+$0x30];
	[tilespmem:s16+$0xFFFFFFD0] =	vst v18;
	v18 =	vperm.xlane v25, v3;
	v25 =	vperm.xlane v25, v4  }
0x1dc: {  	v20 =	vmul.f32 v20, v19;
	v21 =	vsel vm0, v21, v22;
	v22 =	vmul.f32 v27, v23;
	v12 =	vld [tilespmem:s25+$0xFFFFFFF0]  }
0x1dd: {  	v23 =	vunpack.i.u.bf16.f32 v9;
	v9 =	vmovc v26;
	v19 =	vmul.f32 v18, v16;
	v18 =	vmul.f32 v25, v14  }
0x1de: {  	v15 =	vmul.f32 v15, v38;
	s7 =	sadd.s32 $0x40, s7;
	s24 =	sadd.s32 $0x40, s24;
	s25 =	sadd.s32 $0x80, s25;
	v14 =	vsub.f32 v21, v24;
	v21 =	vmul.f32 v39, v23;
	v16 =	vld [tilespmem:s20+$0xFFFFFFD0];
	[tilespmem:s16+$0x0] =	vst v22  }
0x1df: {  	[tilespmem:s3+$0x30] =	vst v20  }
0x1e0: {  	[tilespmem:s3+$0x10] =	vst v19  }
0x1e1: {  	[tilespmem:s3+$0x20] =	vst v18  }
0x1e2: {  	v10 =	vmul.f32 v11, v10;
	[tilespmem:s3+$0xFFFFFFB0] =	vst v15  }
0x1e3: {  	v27 =	vpop (erf);
	[tilespmem:s3+$0xFFFFFF70] =	vst v21;
	v29 =	vmul.f32 $1.442695020e+00, v14  }
0x1e4: {  	s7 =	sadd.s32 $0x140, s16;
	v28 =	vpop (erf);
	[tilespmem:s3+$0x70] =	vst v10;
	v46 =	vperm.xlane v27, v3  }
0x1e5: {  	v32 =	vunpack.i.l.bf16.f32 v17;
	[tilespmem:s7+$0xFFFFFFF0] =	vst v27;
	v55 =	vperm.xlane v27, v2;
	v30 =	vpop (erf);
	(erf) = vpow2.f32 v29  }
0x1e6: {  	v6 =	vunpack.i.l.bf16.f32 v6;
	[tilespmem:s7+$0xFFFFFFA0] =	vst v28;
	v38 =	vperm.xlane v28, v5;
	v7 =	vmul.f32 v46, v7  }
0x1e7: {  	v40 =	vperm.xlane v28, v4;
	[tilespmem:s7+$0x90] =	vst v30;
	v39 =	vunpack.i.u.bf16.f32 v16;
	v6 =	vmul.f32 v55, v6  }
0x1e8: {  	v58 =	vperm.xlane v28, v3;
	v42 =	vunpack.i.l.bf16.f32 v16;
	v43 =	vmul.f32 v38, v39;
	[tilespmem:s7+$0xFFFFFFC0] =	vst v7  }
0x1e9: {  	v60 =	vunpack.i.u.bf16.f32 v9;
	v31 =	vperm.xlane v30, v2;
	v16 =	vmul.f32 v40, v42;
	[tilespmem:s7+$0xFFFFFFB0] =	vst v6  }
0x1ea: {  	v44 =	vunpack.i.l.bf16.f32 v9;
	v33 =	vperm.xlane v30, v3;
	v9 =	vmul.f32 v58, v60;
	[tilespmem:s7+$0xFFFFFF90] =	vst v43  }
0x1eb: {  	v34 =	vunpack.i.u.bf16.f32 v17;
	v35 =	vperm.xlane v30, v5;
	v36 =	vmul.f32 v31, v32;
	[tilespmem:s7+$0xFFFFFF80] =	vst v16  }
0x1ec: {  	v37 =	vunpack.i.u.bf16.f32 v13;
	v48 =	vperm.xlane v27, v4;
	v10 =	vmul.f32 v33, v34;
	[tilespmem:s7+$0xFFFFFF70] =	vst v9  }
0x1ed: {  	v51 =	vunpack.i.l.bf16.f32 v12;
	v41 =	vperm.xlane v28, v2;
	v11 =	vmul.f32 v35, v37;
	[tilespmem:s7+$0x50] =	vst v36  }
0x1ee: {  	v45 =	vld [tilespmem:s20+$0x0];
	v63 =	vperm.xlane v30, v4;
	v7 =	vmul.f32 v48, v51;
	[tilespmem:s7+$0x60] =	vst v10  }
0x1ef: {  	v47 =	vperm.xlane v27, v5;
	v6 =	vunpack.i.l.bf16.f32 v13;
	[tilespmem:s7+$0x80] =	vst v11;
	v10 =	vmul.f32 v41, v44  }
0x1f0: {  	v50 =	vunpack.i.u.bf16.f32 v12;
	v6 =	vmul.f32 v63, v6;
	[tilespmem:s7+$0xFFFFFFD0] =	vst v7;
	v49 =	vpop (erf)  }
0x1f1: {  	[tilespmem:s7+$0xFFFFFF60] =	vst v10;
	v10 =	vmul.f32 v47, v50;
	v53 =	vperm.xlane v49, v5  }
0x1f2: {  	v56 =	vunpack.i.u.bf16.f32 v8;
	[tilespmem:s7+$0x70] =	vst v6;
	v52 =	vperm.xlane v49, v2  }
0x1f3: {  	v54 =	vunpack.i.l.bf16.f32 v45;
	[tilespmem:s7+$0xFFFFFFE0] =	vst v10;
	v59 =	vperm.xlane v49, v3;
	v7 =	vmul.f32 v53, v56  }
0x1f4: {  	v61 =	vunpack.i.u.bf16.f32 v45;
	[tilespmem:s7+$0x40] =	vst v49;
	v62 =	vperm.xlane v49, v4;
	v57 =	vmul.f32 v52, v54  }
0x1f5: {  	s24 =	smul.u32 $0x140, s11;
	v10 =	vmul.f32 v59, v61;
	[tilespmem:s7+$0x30] =	vst v7;
	v7 =	vunpack.i.l.bf16.f32 v8  }
0x1f6: {  	[tilespmem:s7+$0x0] =	vst v57;
	v7 =	vmul.f32 v62, v7  }
0x1f7: {  	s3 =	sshra.s32 s24, $0x2;
	[tilespmem:s7+$0x10] =	vst v10  }
0x1f8: {  	s25 =	simm.s32 $0xD020;
	s3 =	sadd.s32 $0x2710, s3;
	[tilespmem:s7+$0x20] =	vst v7  }
0x1f9: {  	[spmem:s2] =	stream.indirect.scatter.add.f32 [tilespmem:s25], [sflag:$0xF], $0x50, s3, s23, $0xb8;
	[tilespmem:$0x1EC80] =	vst v63  }
.LBB2_14:
.Ltmp10:
0x1fa: {  	(pc) =	sbr.rel @p1 .LBB2_18-.Ltmp10, $1  }
0x1fb: {  	_ =	sdelay $0x3  }
0x1fc: {  	s3 =	sadd.s32 @!p2 $0x1E0, s10;
	s7 =	simm.s32 @!p2 $0x50;
	s11 =	simm.s32 @!p2 $0x6220  }
0x1fd: {  	[tilespmem:s11], [sflag:$0x3] =	stream.indirect.gather @!p2 [hbm4b:s4+s7], $0x20, s3, s7, $0xb8;
	[tilespmem:$0x1EC80] =	vst v63  }
0x1fe: {  	s11 =	simm.s32 @!p2 $0x8020  }
0x1ff: {  	[tilespmem:s11], [sflag:$0x7] =	stream.indirect.gather @!p2 [hbm4b:s5+s7], $0x10, s3, s7, $0xb8;
	[tilespmem:$0x1EC80] =	vst v63  }
0x200: {  	s3 =	sadd.s32 @!p2 $0x28F0, s10;
	s10 =	simm.s32 @!p2 $0x9420  }
0x201: {  	[tilespmem:s10], [sflag:$0xB] =	stream.indirect.gather @!p2 [hbm4b:s6+s7], $0x10, s3, s7, $0xb8;
	[tilespmem:$0x1EC80] =	vst v63  }
0x202: {  	_ =	swait.ge [sflag:s17], $0xA00  }
0x203: {  	[sflag:s17] =	ssyncset.done $0x0  }
0x204: {  	[sflag:s17] =	ssyncadd.s32 $0xFFFFF600  }
0x205: {  	_ =	swait.ge [sflag:s18], $0x500  }
0x206: {  	[sflag:s18] =	ssyncset.done $0x0  }
0x207: {  	[sflag:s18] =	ssyncadd.s32 $0xFFFFFB00  }
0x208: {  	_ =	swait.ge [sflag:s19], $0x500  }
0x209: {  	[sflag:s19] =	ssyncset.done $0x0  }
0x20a: {  	s3 =	simm.s32 @!p0 $0x10;
	[sflag:s19] =	ssyncadd.s32 $0xFFFFFB00  }
0x20b: {  	_ =	swait.ge @!p0 [sflag:s3], $0x1900  }
0x20c: {  	[sflag:s3] =	ssyncset.done @!p0 $0x0  }
0x20d: {  	s12 =	simm.s32 $0x8540;
	[sflag:s3] =	ssyncadd.s32 @!p0 $0xFFFFE700  }
0x20e: {  	s16 =	simm.s32 $0x9940;
	v6 =	vld [tilespmem:s12+$0xFFFFFFE0]  }
0x20f: {  	v7 =	vld [tilespmem:s16+$0x10]  }
0x210: {  	v8 =	vld [tilespmem:s16+$0xFFFFFFF0]  }
0x211: {  	v9 =	vld [tilespmem:s12+$0xFFFFFFF0]  }
0x212: {  	v10 =	vld [tilespmem:s16+$0xFFFFFFE0]  }
0x213: {  	v11 =	vld [tilespmem:s12+$0x10];
	_ =	sdelay $0x2  }
0x214: {  	v9 =	vadd.f32 v8, v9  }
0x215: {  	v8 =	vperm.xlane v8, v1;
	v6 =	vadd.f32 v10, v6  }
0x216: {  	v12 =	vperm.xlane v7, v1;
	v7 =	vadd.f32 v7, v11;
	v13 =	vmul.f32 $2.000000030e-01, v9  }
0x217: {  	v10 =	vperm.xlane v10, v1;
	v11 =	vmul.f32 $2.000000030e-01, v6;
	vm0 =	vge.f32 v9, $0.0e+00  }
0x218: {  	vm1 =	vge.f32 v6, $0.0e+00;
	v9 =	vsel vm0, v9, v13;
	v13 =	vmul.f32 $2.000000030e-01, v7  }
0x219: {  	s20 =	simm.s32 $0x6C60;
	v14 =	vld [tilespmem:s16+$0x0];
	vm10 =	vge.f32 v7, $0.0e+00;
	v6 =	vsel vm1, v6, v11;
	v8 =	vsub.f32 v9, v8  }
0x21a: {  	s24 =	simm.s32 $0x9980;
	v18 =	vld [tilespmem:s20+$0xFFFFFFC0];
	v6 =	vsub.f32 v6, v10;
	v7 =	vsel vm10, v7, v13  }
0x21b: {  	v20 =	vld [tilespmem:s24+$0x0];
	v8 =	vmul.f32 $1.442695020e+00, v8;
	v7 =	vsub.f32 v7, v12  }
0x21c: {  	s25 =	simm.s32 $0x8580;
	v9 =	vld [tilespmem:s12+$0x0];
	v6 =	vmul.f32 $1.442695020e+00, v6  }
0x21d: {  	v30 =	vld [tilespmem:s25+$0xFFFFFFE0];
	v7 =	vmul.f32 $1.442695020e+00, v7;
	(erf) = vpow2.f32 v8  }
0x21e: {  	v36 =	vld [tilespmem:s24+$0xFFFFFFE0];
	(erf) = vpow2.f32 v6  }
0x21f: {  	v26 =	vld [tilespmem:s20+$0xFFFFFFD0];
	(erf) = vpow2.f32 v7;
	_ =	sdelay $0x1  }
0x220: {  	v33 =	vld [tilespmem:s24+$0x10];
	v6 =	vadd.f32 v14, v9  }
0x221: {  	v35 =	vunpack.i.l.bf16.f32 v18;
	v10 =	vld [tilespmem:s20+$0x30]  }
0x222: {  	v38 =	vperm.xlane v20, v1;
	v30 =	vadd.f32 v36, v30;
	v7 =	vld [tilespmem:s20+$0x20];
	v9 =	vmul.f32 $2.000000030e-01, v6  }
0x223: {  	v16 =	vld [tilespmem:s25+$0xFFFFFFF0];
	v52 =	vunpack.i.l.bf16.f32 v26;
	v11 =	vperm.xlane v14, v1;
	vm11 =	vge.f32 v6, $0.0e+00  }
0x224: {  	v26 =	vunpack.i.u.bf16.f32 v26;
	v56 =	vmul.f32 $2.000000030e-01, v30;
	v6 =	vsel vm11, v6, v9;
	v9 =	vld [tilespmem:s24+$0xFFFFFFF0]  }
0x225: {  	v54 =	vperm.xlane v33, v1;
	vm13 =	vge.f32 v30, $0.0e+00;
	v6 =	vsub.f32 v6, v11;
	v19 =	vpop (erf)  }
0x226: {  	v36 =	vperm.xlane v36, v1;
	v30 =	vsel vm13, v30, v56;
	v13 =	vld [tilespmem:s20+$0xFFFFFFF0];
	v17 =	vunpack.i.u.bf16.f32 v10;
	v25 =	vpop (erf)  }
0x227: {  	v8 =	vld [tilespmem:s20+$0xFFFFFFE0];
	v15 =	vunpack.i.u.bf16.f32 v7;
	v6 =	vmul.f32 $1.442695020e+00, v6;
	v23 =	vperm.xlane v19, v3;
	v29 =	vpop (erf)  }
0x228: {  	v7 =	vunpack.i.l.bf16.f32 v7;
	v24 =	vperm.xlane v19, v4;
	v31 =	vperm.xlane v29, v2  }
0x229: {  	v28 =	vperm.xlane v19, v2;
	v16 =	vadd.f32 v9, v16;
	v9 =	vperm.xlane v9, v1  }
0x22a: {  	v10 =	vunpack.i.l.bf16.f32 v10;
	v27 =	vperm.xlane v25, v2;
	v31 =	vmul.f32 v31, v7;
	v7 =	vld [tilespmem:s25+$0x10]  }
0x22b: {  	v22 =	vunpack.i.l.bf16.f32 v13;
	(erf) = vpow2.f32 v6;
	v39 =	vperm.xlane v25, v3  }
0x22c: {  	v12 =	vld [tilespmem:s20+$0x10];
	v14 =	vunpack.i.u.bf16.f32 v8;
	v53 =	vperm.xlane v25, v4;
	v32 =	vperm.xlane v29, v5  }
0x22d: {  	v37 =	vunpack.i.l.bf16.f32 v8;
	v34 =	vperm.xlane v29, v3;
	v11 =	vperm.xlane v29, v4  }
0x22e: {  	v55 =	vld [tilespmem:s25+$0x0];
	v8 =	vmul.f32 $2.000000030e-01, v16;
	vm12 =	vge.f32 v16, $0.0e+00;
	v14 =	vmul.f32 v23, v14  }
0x22f: {  	s3 =	simm.s32 $0xE9C0;
	v57 =	vmul.f32 v27, v35;
	v15 =	vmul.f32 v34, v15;
	v33 =	vadd.f32 v33, v7  }
0x230: {  	[tilespmem:s3+$0xFFFFFFF0] =	vst v19;
	v8 =	vsel vm12, v16, v8;
	v16 =	vperm.xlane v25, v5;
	v17 =	vmul.f32 v32, v17  }
0x231: {  	v59 =	vld [tilespmem:s20+$0x0];
	v21 =	vunpack.i.l.bf16.f32 v12;
	[tilespmem:s3+$0xFFFFFFA0] =	vst v25;
	v32 =	vmul.f32 v53, v52;
	v58 =	vmul.f32 $2.000000030e-01, v33  }
0x232: {  	v8 =	vsub.f32 v8, v9;
	v9 =	vsub.f32 v30, v36;
	[tilespmem:s3+$0x60] =	vst v15;
	vm14 =	vge.f32 v33, $0.0e+00  }
0x233: {  	s10 =	simm.s32 $0x6CE0;
	[tilespmem:s3+$0x80] =	vst v17;
	v17 =	vperm.xlane v19, v5;
	v19 =	vadd.f32 v20, v55;
	v15 =	vsel vm14, v33, v58  }
0x234: {  	v6 =	vld [tilespmem:s10+$0xFFFFFFE0];
	[tilespmem:s3+$0x90] =	vst v29;
	v16 =	vmul.f32 v16, v26;
	v8 =	vmul.f32 $1.442695020e+00, v8;
	v15 =	vsub.f32 v15, v54  }
0x235: {  	v12 =	vunpack.i.u.bf16.f32 v12;
	[tilespmem:s3+$0xFFFFFFC0] =	vst v14;
	v9 =	vmul.f32 $1.442695020e+00, v9;
	v20 =	vmul.f32 $2.000000030e-01, v19  }
0x236: {  	[tilespmem:s3+$0xFFFFFF90] =	vst v16;
	v16 =	vunpack.i.u.bf16.f32 v59;
	v60 =	vpop (erf);
	(erf) = vpow2.f32 v8;
	v15 =	vmul.f32 $1.442695020e+00, v15  }
0x237: {  	[tilespmem:s3+$0xFFFFFF60] =	vst v57;
	v8 =	vunpack.i.u.bf16.f32 v13;
	v61 =	vperm.xlane v60, v5;
	(erf) = vpow2.f32 v9  }
0x238: {  	[tilespmem:s3+$0x50] =	vst v31;
	vm15 =	vge.f32 v19, $0.0e+00;
	v13 =	vmul.f32 v17, v8;
	v8 =	vld [tilespmem:s10+$0x10];
	(erf) = vpow2.f32 v15  }
0x239: {  	[tilespmem:s3+$0xFFFFFF80] =	vst v32;
	v7 =	vunpack.i.u.bf16.f32 v6;
	v23 =	vperm.xlane v60, v2;
	v17 =	vld [tilespmem:s10+$0x20];
	v14 =	vperm.xlane v60, v3  }
0x23a: {  	v62 =	vperm.xlane v60, v4;
	[tilespmem:s3+$0xFFFFFFE0] =	vst v13;
	v13 =	vld [tilespmem:s10+$0x30];
	v15 =	vmul.f32 v24, v22;
	v22 =	vunpack.i.l.bf16.f32 v59  }
0x23b: {  	v63 =	vsel vm15, v19, v20;
	[tilespmem:s3+$0x40] =	vst v60;
	v20 =	vmul.f32 v61, v12;
	v12 =	vld [tilespmem:s10+$0xFFFFFFF0];
	v22 =	vmul.f32 v23, v22  }
0x23c: {  	s11 =	simm.s32 $0x4;
	s7 =	simm.s32 $0x99C0;
	v9 =	vld [tilespmem:s10+$0xFFFFFFC0];
	v19 =	vmul.f32 v14, v16;
	[tilespmem:s3+$0xFFFFFFD0] =	vst v15;
	v15 =	vunpack.i.u.bf16.f32 v18;
	v18 =	vmul.f32 v62, v21  }
0x23d: {  	s16 =	simm.s32 $0x85C0;
	s12 =	simm.s32 $0xE9C0;
	s20 =	simm.s32 $0x6D60;
	v16 =	vld [tilespmem:s10+$0xFFFFFFD0];
	v14 =	vsub.f32 v63, v38;
	v21 =	vmul.f32 v39, v15;
	v15 =	vmul.f32 v28, v37;
	[tilespmem:s3+$0x0] =	vst v22  }
.LBB2_16:
0x23e: {  	v22 =	vld [tilespmem:s16+$0xFFFFFFE0];
	s11 =	sadd.s32 $0x4, s11;
	v23 =	vunpack.i.u.bf16.f32 v17;
	[tilespmem:s3+$0x30] =	vst v20;
	v20 =	vmul.f32 v11, v10;
	s12 =	sadd.s32 $0x140, s12  }
0x23f: {  	v24 =	vld [tilespmem:s20+$0xFFFFFFE0];
	p0 =	slt.u32 s11, $0x4C;
	v25 =	vmul.f32 $1.442695020e+00, v14;
	v14 =	vunpack.i.l.bf16.f32 v8;
	v26 =	vunpack.i.u.bf16.f32 v13;
	v27 =	vpop (erf);
	[tilespmem:s3+$0xFFFFFFB0] =	vst v15  }
0x240: {  	v28 =	vld [tilespmem:s7+$0x0];
	v29 =	vunpack.i.l.bf16.f32 v12;
	v30 =	vperm.xlane v27, v3;
	v31 =	vperm.xlane v27, v4;
	v32 =	vpop (erf);
	[tilespmem:s3+$0xFFFFFF70] =	vst v21  }
0x241: {  	v17 =	vunpack.i.l.bf16.f32 v17;
	v15 =	vperm.xlane v27, v2;
	v21 =	vld [tilespmem:s7+$0x10];
	v33 =	vperm.xlane v32, v2;
	v34 =	vpop (erf);
	[tilespmem:s3+$0x10] =	vst v19  }
0x242: {  	v10 =	vunpack.i.l.bf16.f32 v13;
	v19 =	vld [tilespmem:s7+$0xFFFFFFF0];
	v13 =	vperm.xlane v34, v2;
	v35 =	vperm.xlane v34, v5;
	[tilespmem:s3+$0x20] =	vst v18  }
0x243: {  	v36 =	vunpack.i.l.bf16.f32 v9;
	v37 =	vperm.xlane v34, v3;
	v11 =	vperm.xlane v34, v4;
	v18 =	vld [tilespmem:s16+$0xFFFFFFF0];
	[tilespmem:s3+$0x70] =	vst v20;
	s3 =	smov.u32 s12  }
0x244: {  	v38 =	vunpack.i.l.bf16.f32 v6;
	v20 =	vld [tilespmem:s7+$0xFFFFFFE0];
	v13 =	vmul.f32 v13, v17;
	[tilespmem:s12+$0x90] =	vst v34;
	(erf) = vpow2.f32 v25;
	v6 =	vmovc v24  }
0x245: {  	v23 =	vmul.f32 v37, v23;
	v17 =	vunpack.i.u.bf16.f32 v6;
	v24 =	vperm.xlane v28, v1;
	v25 =	vld [tilespmem:s16+$0x10];
	[tilespmem:s12+$0xFFFFFFA0] =	vst v32  }
0x246: {  	v39 =	vperm.xlane v32, v3;
	v37 =	vunpack.i.l.bf16.f32 v16;
	v34 =	vld [tilespmem:s16+$0x0];
	[tilespmem:s12+$0x50] =	vst v13;
	v13 =	vmul.f32 v35, v26  }
0x247: {  	v16 =	vunpack.i.u.bf16.f32 v16;
	v35 =	vperm.xlane v32, v4;
	v32 =	vperm.xlane v32, v5;
	v26 =	vld [tilespmem:s20+$0xFFFFFFC0];
	[tilespmem:s12+$0x60] =	vst v23  }
0x248: {  	v23 =	vperm.xlane v19, v1;
	v18 =	vadd.f32 v19, v18;
	v19 =	vperm.xlane v21, v1;
	[tilespmem:s12+$0x80] =	vst v13  }
0x249: {  	v16 =	vmul.f32 v32, v16;
	v13 =	vperm.xlane v20, v1;
	v20 =	vadd.f32 v20, v22;
	[tilespmem:s12+$0xFFFFFFF0] =	vst v27  }
0x24a: {  	v35 =	vmul.f32 v35, v37;
	v22 =	vmul.f32 $2.000000030e-01, v18;
	v21 =	vadd.f32 v21, v25  }
0x24b: {  	vm1 =	vge.f32 v18, $0.0e+00;
	vm0 =	vge.f32 v20, $0.0e+00;
	v32 =	vmul.f32 $2.000000030e-01, v20;
	[tilespmem:s12+$0xFFFFFF90] =	vst v16  }
0x24c: {  	v16 =	vsel vm1, v18, v22;
	v18 =	vmul.f32 $2.000000030e-01, v21;
	v22 =	vmul.f32 v33, v36;
	[tilespmem:s12+$0xFFFFFF80] =	vst v35  }
0x24d: {  	v20 =	vsel vm0, v20, v32;
	v16 =	vsub.f32 v16, v23;
	vm0 =	vge.f32 v21, $0.0e+00;
	v23 =	vld [tilespmem:s10+$0x0];
	v25 =	vpop (erf);
	s10 =	smov.u32 s20  }
0x24e: {  	v13 =	vsub.f32 v20, v13;
	v18 =	vsel vm0, v21, v18;
	[tilespmem:s12+$0xFFFFFF60] =	vst v22;
	v20 =	vperm.xlane v25, v5  }
0x24f: {  	v16 =	vmul.f32 $1.442695020e+00, v16;
	v18 =	vsub.f32 v18, v19;
	v19 =	vperm.xlane v27, v5;
	[tilespmem:s12+$0x40] =	vst v25  }
0x250: {  	v21 =	vadd.f32 v28, v34;
	v22 =	vmul.f32 v30, v7;
	v7 =	vmovc v17;
	v13 =	vmul.f32 $1.442695020e+00, v13  }
0x251: {  	v12 =	vunpack.i.u.bf16.f32 v12;
	v17 =	vmul.f32 $1.442695020e+00, v18;
	(erf) = vpow2.f32 v16  }
0x252: {  	v12 =	vmul.f32 v19, v12;
	(erf) = vpow2.f32 v13;
	[tilespmem:s12+$0xFFFFFFC0] =	vst v22;
	v16 =	vunpack.i.u.bf16.f32 v23  }
0x253: {  	v18 =	vmul.f32 v31, v29;
	v19 =	vunpack.i.u.bf16.f32 v8;
	(erf) = vpow2.f32 v17;
	v8 =	vld [tilespmem:s20+$0x10]  }
.Ltmp11:
0x254: {  	v27 =	vperm.xlane v25, v2;
	v22 =	vmul.f32 $2.000000030e-01, v21;
	v23 =	vunpack.i.l.bf16.f32 v23;
	v17 =	vld [tilespmem:s20+$0x20];
	[tilespmem:s12+$0xFFFFFFE0] =	vst v12;
	(pc) =	sbr.rel @p0 .LBB2_16-.Ltmp11, $4  }
0x255: {  	vm0 =	vge.f32 v21, $0.0e+00;
	v13 =	vld [tilespmem:s20+$0x30];
	[tilespmem:s12+$0xFFFFFFD0] =	vst v18;
	v18 =	vperm.xlane v25, v3;
	v25 =	vperm.xlane v25, v4  }
0x256: {  	v20 =	vmul.f32 v20, v19;
	v21 =	vsel vm0, v21, v22;
	v22 =	vmul.f32 v27, v23;
	v12 =	vld [tilespmem:s20+$0xFFFFFFF0]  }
0x257: {  	v23 =	vunpack.i.u.bf16.f32 v9;
	v9 =	vmovc v26;
	v19 =	vmul.f32 v18, v16;
	v18 =	vmul.f32 v25, v14  }
0x258: {  	v15 =	vmul.f32 v15, v38;
	s7 =	sadd.s32 $0x40, s7;
	s16 =	sadd.s32 $0x40, s16;
	s20 =	sadd.s32 $0x80, s20;
	v14 =	vsub.f32 v21, v24;
	v21 =	vmul.f32 v39, v23;
	v16 =	vld [tilespmem:s10+$0xFFFFFFD0];
	[tilespmem:s12+$0x0] =	vst v22  }
0x259: {  	[tilespmem:s3+$0x30] =	vst v20  }
0x25a: {  	[tilespmem:s3+$0x10] =	vst v19  }
0x25b: {  	[tilespmem:s3+$0x20] =	vst v18  }
0x25c: {  	v10 =	vmul.f32 v11, v10;
	[tilespmem:s3+$0xFFFFFFB0] =	vst v15  }
0x25d: {  	v27 =	vpop (erf);
	[tilespmem:s3+$0xFFFFFF70] =	vst v21;
	v29 =	vmul.f32 $1.442695020e+00, v14  }
0x25e: {  	s7 =	sadd.s32 $0x140, s12;
	v28 =	vpop (erf);
	[tilespmem:s3+$0x70] =	vst v10;
	v46 =	vperm.xlane v27, v3  }
0x25f: {  	v32 =	vunpack.i.l.bf16.f32 v17;
	[tilespmem:s7+$0xFFFFFFF0] =	vst v27;
	v55 =	vperm.xlane v27, v2;
	v30 =	vpop (erf);
	(erf) = vpow2.f32 v29  }
0x260: {  	v6 =	vunpack.i.l.bf16.f32 v6;
	[tilespmem:s7+$0xFFFFFFA0] =	vst v28;
	v38 =	vperm.xlane v28, v5;
	v7 =	vmul.f32 v46, v7  }
0x261: {  	v40 =	vperm.xlane v28, v4;
	[tilespmem:s7+$0x90] =	vst v30;
	v39 =	vunpack.i.u.bf16.f32 v16;
	v6 =	vmul.f32 v55, v6  }
0x262: {  	v58 =	vperm.xlane v28, v3;
	v42 =	vunpack.i.l.bf16.f32 v16;
	v43 =	vmul.f32 v38, v39;
	[tilespmem:s7+$0xFFFFFFC0] =	vst v7  }
0x263: {  	v60 =	vunpack.i.u.bf16.f32 v9;
	v31 =	vperm.xlane v30, v2;
	v16 =	vmul.f32 v40, v42;
	[tilespmem:s7+$0xFFFFFFB0] =	vst v6  }
0x264: {  	v44 =	vunpack.i.l.bf16.f32 v9;
	v33 =	vperm.xlane v30, v3;
	v9 =	vmul.f32 v58, v60;
	[tilespmem:s7+$0xFFFFFF90] =	vst v43  }
0x265: {  	v34 =	vunpack.i.u.bf16.f32 v17;
	v35 =	vperm.xlane v30, v5;
	v36 =	vmul.f32 v31, v32;
	[tilespmem:s7+$0xFFFFFF80] =	vst v16  }
0x266: {  	v37 =	vunpack.i.u.bf16.f32 v13;
	v48 =	vperm.xlane v27, v4;
	v10 =	vmul.f32 v33, v34;
	[tilespmem:s7+$0xFFFFFF70] =	vst v9  }
0x267: {  	v51 =	vunpack.i.l.bf16.f32 v12;
	v41 =	vperm.xlane v28, v2;
	v11 =	vmul.f32 v35, v37;
	[tilespmem:s7+$0x50] =	vst v36  }
0x268: {  	v45 =	vld [tilespmem:s10+$0x0];
	v63 =	vperm.xlane v30, v4;
	v7 =	vmul.f32 v48, v51;
	[tilespmem:s7+$0x60] =	vst v10  }
0x269: {  	v47 =	vperm.xlane v27, v5;
	v6 =	vunpack.i.l.bf16.f32 v13;
	[tilespmem:s7+$0x80] =	vst v11;
	v10 =	vmul.f32 v41, v44  }
0x26a: {  	v50 =	vunpack.i.u.bf16.f32 v12;
	v6 =	vmul.f32 v63, v6;
	[tilespmem:s7+$0xFFFFFFD0] =	vst v7;
	v49 =	vpop (erf)  }
0x26b: {  	[tilespmem:s7+$0xFFFFFF60] =	vst v10;
	v10 =	vmul.f32 v47, v50;
	v53 =	vperm.xlane v49, v5  }
0x26c: {  	v56 =	vunpack.i.u.bf16.f32 v8;
	[tilespmem:s7+$0x70] =	vst v6;
	v52 =	vperm.xlane v49, v2  }
0x26d: {  	v54 =	vunpack.i.l.bf16.f32 v45;
	[tilespmem:s7+$0xFFFFFFE0] =	vst v10;
	v59 =	vperm.xlane v49, v3;
	v7 =	vmul.f32 v53, v56  }
0x26e: {  	s24 =	smul.u32 $0x140, s9;
	v61 =	vunpack.i.u.bf16.f32 v45;
	[tilespmem:s7+$0x40] =	vst v49;
	v62 =	vperm.xlane v49, v4;
	v57 =	vmul.f32 v52, v54  }
.Ltmp12:
0x26f: {  	v10 =	vmul.f32 v59, v61;
	[tilespmem:s7+$0x30] =	vst v7;
	v7 =	vunpack.i.l.bf16.f32 v8;
	(pc) =	sbr.rel .LBB2_18-.Ltmp12, $4  }
0x270: {  	[tilespmem:s7+$0x0] =	vst v57;
	v7 =	vmul.f32 v62, v7  }
0x271: {  	s3 =	sshra.s32 s24, $0x2;
	[tilespmem:s7+$0x10] =	vst v10  }
0x272: {  	s25 =	simm.s32 $0xE920;
	s3 =	sadd.s32 $0x2710, s3;
	[tilespmem:s7+$0x20] =	vst v7  }
0x273: {  	[spmem:s2] =	stream.indirect.scatter.add.f32 [tilespmem:s25], [sflag:$0x10], $0x50, s3, s23, $0xb8;
	[tilespmem:$0x1EC80] =	vst v63  }
.LBB2_20:
0x274: {  	_ =	sfence.sel $0x180000  }
0x275: {  	[bflag:$0x0] =	sbarrier.arrive $0xFFFF  }
0x276: {  	_ =	strace $0x90000047  }
0x277: {  	s0 =	stileid.u32;
	[bflag:$0x2] =	sbarrier.arrive $0xFFFF  }
0x278: {  	p0 =	sne.s32 s0, $0x0;
	s0 =	rddreg [dreg:$0x3]  }
0x279: {  	s0 =	sadd.s32 @!p0 $0x100000, s0  }
0x27a: {  	[sflag:s0] =	ssyncadd.tile.s32 @!p0 $0x1;
	_ =	shalt  }
.Lfunc_end2:
_tile_overlayer_lowered:
.L_overlay_start_2:
0x27b: {  	(tag) =	ssettag $0x2  }
0x27c: {  	s0 =	rddreg [dreg:$0x0];
	s2 =	stileid.u32  }
0x27d: {  	s1 =	rddreg [dreg:$0x1];
	p0 =	sne.s32 s2, $0x0  }
0x27e: {  	s3 =	rddreg [dreg:$0x2];
	[bflag:$0x3] =	sbarrier.arrive $0xFFFF;
	s2 =	simm.s32 @!p0 $0x1C11  }
0x27f: {  	[timem:s3], [sflag:s2] =	dma.local @!p0 [hbm:s0], s1  }
0x280: {  	s0 =	simm.s32 @!p0 $0x11  }
0x281: {  	_ =	swait.ge @!p0 [sflag:s0], s1  }
0x282: {  	s1 =	ssub.s32 @!p0 $0x0, s1;
	[sflag:s0] =	ssyncset.done @!p0 $0x0  }
0x283: {  	[sflag:s0] =	ssyncadd.s32 @!p0 s1  }
0x284: {  	[bflag:$0x3] =	sbarrier.arrive $0xFFFF  }
0x285: {  	_ =	shalt  }

</sc_bundles>
